<compile_context>
chip_gen: v7x
topology: tpu7x:2x2x1
jax: 0.10.2.dev20260603
libtpu: 0.0.44.dev20260713+nightly
codegen_flags: <defaults>
</compile_context>

<pallas_src>
import dataclasses
import functools

import jax
import jax.numpy as jnp
from jax import lax
from jax.experimental import pallas as pl
from jax.experimental.pallas import tpu as pltpu
from jax.experimental.pallas import tpu_sc as plsc

N = 10000
E = 160000
D = 128
ALPHA = 0.2

NS = 16
L = 16
K = 112
NBUF = 3
EPTP = 10080
NCHUNK = EPTP // K
NQ = NCHUNK // NBUF
EPAD = NS * EPTP
RPT = 624
RTAIL = N - NS * RPT



def _stage_a_body(x_ref, wh_ref, wl_ref, ch_ref, cl_ref,
                  hh_ref, hl_ref, uvh_ref, uvl_ref):
    x = x_ref[...]
    zh = jnp.dot(x, wh_ref[...], preferred_element_type=jnp.float32)
    zl = jnp.dot(x, wl_ref[...], preferred_element_type=jnp.float32)
    th = jnp.max(jnp.abs(zh))
    tl = jnp.max(jnp.abs(zl))
    hh = jnp.minimum(jnp.where(zh >= 0, zh, 0.01 * zh), th)
    hl = jnp.minimum(jnp.where(zl >= 0, zl, 0.01 * zl), tl)
    hh_ref[...] = hh
    hl_ref[...] = hl
    proj = (jnp.dot(hh, ch_ref[...], preferred_element_type=jnp.float32)
            + jnp.dot(hl, cl_ref[...], preferred_element_type=jnp.float32))
    uvh_ref[...] = jnp.concatenate([proj[:, 0], proj[:, 1]])
    uvl_ref[...] = jnp.concatenate([proj[:, 2], proj[:, 3]])


def _stage_a(x, W_high, W_low, C_h, C_l):
    return pl.pallas_call(
        _stage_a_body,
        out_shape=(
            jax.ShapeDtypeStruct((N, D), jnp.float32),
            jax.ShapeDtypeStruct((N, D), jnp.float32),
            jax.ShapeDtypeStruct((2 * N,), jnp.float32),
            jax.ShapeDtypeStruct((2 * N,), jnp.float32),
        ),
    )(x, W_high, W_low, C_h, C_l)



def _issue_idx(gidx_hbm, iset, off):
    g_buf, dst_v, sem_i = iset
    pltpu.async_copy(gidx_hbm.at[pl.ds(2 * off, 2 * K)], g_buf, sem_i)


def _wait_idx(gidx_hbm, iset, off):
    g_buf, dst_v, sem_i = iset
    pltpu.make_async_copy(gidx_hbm.at[pl.ds(2 * off, 2 * K)], g_buf,
                          sem_i).wait()


def _issue_gathers(h_hbm, uv_hbm, iset, bset):
    g_buf, dst_v, _ = iset
    g_uv, w_v, rows_v, sc_idx, sems = bset

    @plsc.parallel_loop(0, K // L, unroll=7)
    def _(i):
        sl = pl.ds(i * L, L)
        dst_v[sl] = g_buf[pl.ds(K + i * L, L)] - N

    pltpu.async_copy(uv_hbm.at[g_buf], g_uv, sems[0])
    pltpu.async_copy(h_hbm.at[dst_v], rows_v, sems[1])


def _compute(h_hbm, uv_hbm, acc_sh, rsum_sh, iset, bset, off):
    g_buf, dst_v, _ = iset
    g_uv, w_v, rows_v, sc_idx, sems = bset
    pltpu.make_async_copy(uv_hbm.at[g_buf], g_uv, sems[0]).wait()

    @plsc.parallel_loop(0, K // L, unroll=7)
    def _(i):
        sl = pl.ds(i * L, L)
        s = g_uv[sl] + g_uv[pl.ds(K + i * L, L)]
        w = jnp.exp(-jnp.maximum(s, ALPHA * s))
        pos = off + i * L + lax.iota(jnp.int32, L)
        w_v[sl] = jnp.where(pos < E, w, 0.0)
        sc_idx[sl] = g_buf[sl]

    pltpu.async_copy(w_v, rsum_sh.at[sc_idx], sems[3], add=True)

    pltpu.make_async_copy(h_hbm.at[dst_v], rows_v, sems[1]).wait()

    @plsc.parallel_loop(0, K, unroll=4)
    def _(k):
        wb = plsc.load_gather(w_v, [jnp.full((L,), 0, jnp.int32) + k])
        for j in range(D // L):
            sl = pl.ds(j * L, L)
            rows_v[k, sl] = rows_v[k, sl] * wb

    pltpu.async_copy(rows_v, acc_sh.at[sc_idx], sems[2], add=True)


def _drain(acc_sh, rsum_sh, bset):
    g_uv, w_v, rows_v, sc_idx, sems = bset
    pltpu.make_async_copy(rows_v, acc_sh.at[sc_idx], sems[2]).wait()
    pltpu.make_async_copy(w_v, rsum_sh.at[sc_idx], sems[3]).wait()


def _edge_channel(h_hbm, uv_hbm, acc_hbm, rs_hbm, gidx_hbm,
                  isets, bufsets, zeros_v, acc_sh, rsum_sh, sid):
    rows_v0 = bufsets[0][2]

    @pl.loop(0, 640 // L)
    def _(i):
        zeros_v[pl.ds(i * L, L)] = jnp.zeros((L,), jnp.float32)

    @pl.loop(0, K)
    def _(k):
        for j in range(D // L):
            rows_v0[k, pl.ds(j * L, L)] = jnp.zeros((L,), jnp.float32)

    base_row = sid * RPT
    rem = RPT
    while rem > 0:
        seg = min(K, rem)
        pltpu.sync_copy(rows_v0.at[pl.ds(0, seg)],
                        acc_sh.at[pl.ds(base_row + RPT - rem, seg)])
        rem -= seg
    pltpu.sync_copy(zeros_v.at[pl.ds(0, RPT)], rsum_sh.at[pl.ds(base_row, RPT)])

    @pl.when(sid == NS - 1)
    def _():
        pltpu.sync_copy(rows_v0.at[pl.ds(0, RTAIL)],
                        acc_sh.at[pl.ds(NS * RPT, RTAIL)])
        pltpu.sync_copy(zeros_v.at[pl.ds(0, RTAIL)],
                        rsum_sh.at[pl.ds(NS * RPT, RTAIL)])

    plsc.subcore_barrier()

    ebase = sid * EPTP
    b0, b1, b2 = bufsets
    i0, i1, i2 = isets

    _issue_idx(gidx_hbm, i0, ebase)
    _issue_idx(gidx_hbm, i1, ebase + K)
    _wait_idx(gidx_hbm, i0, ebase)
    _issue_gathers(h_hbm, uv_hbm, i0, b0)
    _issue_idx(gidx_hbm, i2, ebase + 2 * K)
    _wait_idx(gidx_hbm, i1, ebase + K)
    _issue_gathers(h_hbm, uv_hbm, i1, b1)

    @pl.loop(0, NQ)
    def _(q):
        a0 = ebase + q * (NBUF * K)
        last = q >= NQ - 1

        _compute(h_hbm, uv_hbm, acc_sh, rsum_sh, i0, b0, a0)

        @pl.when(jnp.logical_not(last))
        def _():
            _issue_idx(gidx_hbm, i0, a0 + 3 * K)

        @pl.when(q > 0)
        def _():
            _drain(acc_sh, rsum_sh, b2)
        _wait_idx(gidx_hbm, i2, a0 + 2 * K)
        _issue_gathers(h_hbm, uv_hbm, i2, b2)

        _compute(h_hbm, uv_hbm, acc_sh, rsum_sh, i1, b1, a0 + K)

        @pl.when(jnp.logical_not(last))
        def _():
            _issue_idx(gidx_hbm, i1, a0 + 4 * K)
        _drain(acc_sh, rsum_sh, b0)

        @pl.when(jnp.logical_not(last))
        def _():
            _wait_idx(gidx_hbm, i0, a0 + 3 * K)
            _issue_gathers(h_hbm, uv_hbm, i0, b0)

        _compute(h_hbm, uv_hbm, acc_sh, rsum_sh, i2, b2, a0 + 2 * K)

        @pl.when(jnp.logical_not(last))
        def _():
            _issue_idx(gidx_hbm, i2, a0 + 5 * K)
        _drain(acc_sh, rsum_sh, b1)

        @pl.when(jnp.logical_not(last))
        def _():
            _wait_idx(gidx_hbm, i1, a0 + 4 * K)
            _issue_gathers(h_hbm, uv_hbm, i1, b1)

    _drain(acc_sh, rsum_sh, b2)

    plsc.subcore_barrier()

    pltpu.sync_copy(rsum_sh.at[pl.ds(base_row, RPT)], zeros_v.at[pl.ds(0, RPT)])
    pltpu.sync_copy(zeros_v.at[pl.ds(0, RPT)], rs_hbm.at[pl.ds(base_row, RPT)])
    rem = RPT
    while rem > 0:
        seg = min(K, rem)
        pltpu.sync_copy(acc_sh.at[pl.ds(base_row + RPT - rem, seg)],
                        acc_hbm.at[pl.ds(base_row + RPT - rem, seg)])
        rem -= seg

    @pl.when(sid == NS - 1)
    def _():
        pltpu.sync_copy(acc_sh.at[pl.ds(NS * RPT, RTAIL)],
                        acc_hbm.at[pl.ds(NS * RPT, RTAIL)])
        pltpu.sync_copy(rsum_sh.at[pl.ds(NS * RPT, RTAIL)],
                        zeros_v.at[pl.ds(RPT, RTAIL)])
        pltpu.sync_copy(zeros_v.at[pl.ds(RPT, RTAIL)],
                        rs_hbm.at[pl.ds(NS * RPT, RTAIL)])


def _edge_stage(h_high, h_low, uv_h, uv_l, gidx):
    mesh = plsc.VectorSubcoreMesh(core_axis_name="c", subcore_axis_name="s",
                                  num_cores=2, num_subcores=NS)
    cp = pltpu.CompilerParams()
    if "needs_layout_passes" in pltpu.CompilerParams.__dataclass_fields__:
        cp = dataclasses.replace(cp, needs_layout_passes=False)

    iset_types = [
        pltpu.VMEM((2 * K,), jnp.int32),
        pltpu.VMEM((K,), jnp.int32),
        pltpu.SemaphoreType.DMA,
    ]
    bset_types = [
        pltpu.VMEM((2 * K,), jnp.float32),
        pltpu.VMEM((K,), jnp.float32),
        pltpu.VMEM((K, D), jnp.float32),
        pltpu.VMEM((K,), jnp.int32),
    ] + [pltpu.SemaphoreType.DMA] * 4

    @functools.partial(
        pl.kernel,
        out_type=(
            jax.ShapeDtypeStruct((N, D), jnp.float32),
            jax.ShapeDtypeStruct((N, D), jnp.float32),
            jax.ShapeDtypeStruct((N,), jnp.float32),
            jax.ShapeDtypeStruct((N,), jnp.float32),
        ),
        mesh=mesh,
        compiler_params=cp,
        scratch_types=(iset_types * NBUF) + (bset_types * NBUF) + [
            pltpu.VMEM((640,), jnp.float32),
            pltpu.VMEM_SHARED((N, D), jnp.float32),
            pltpu.VMEM_SHARED((N,), jnp.float32),
        ],
    )
    def edge_kernel(hh_hbm, hl_hbm, uvh_hbm, uvl_hbm, gidx_hbm,
                    acch_hbm, accl_hbm, rsh_hbm, rsl_hbm,
                    *scratch):
        ni = len(iset_types)
        nb = len(bset_types)
        isets = [tuple(scratch[b * ni:(b + 1) * ni]) for b in range(NBUF)]
        boff = NBUF * ni
        bufsets = []
        for b in range(NBUF):
            part = scratch[boff + b * nb:boff + (b + 1) * nb]
            bufsets.append(tuple(part[:4]) + (tuple(part[4:]),))
        zeros_v, acc_sh, rsum_sh = scratch[boff + NBUF * nb:]

        cid = lax.axis_index("c")
        sid = lax.axis_index("s")

        @pl.when(cid == 0)
        def _():
            _edge_channel(hh_hbm, uvh_hbm, acch_hbm, rsh_hbm, gidx_hbm,
                          isets, bufsets, zeros_v, acc_sh, rsum_sh, sid)

        @pl.when(cid == 1)
        def _():
            _edge_channel(hl_hbm, uvl_hbm, accl_hbm, rsl_hbm, gidx_hbm,
                          isets, bufsets, zeros_v, acc_sh, rsum_sh, sid)

    return edge_kernel(h_high, h_low, uv_h, uv_l, gidx)



def _stage_c_body(acch_ref, accl_ref, rsh_ref, rsl_ref, th_ref, tl_ref, out_ref):
    row_h = rsh_ref[0, :][:, None] + th_ref[0, 0]
    row_l = rsl_ref[0, :][:, None] + tl_ref[0, 0]
    hp = jnp.concatenate([acch_ref[...] / row_h, accl_ref[...] / row_l], axis=1)
    thr = jnp.max(jnp.abs(hp))
    out_ref[...] = jnp.minimum(jnp.where(hp >= 0, hp, 0.01 * hp), thr)


def _stage_c(acc_h, acc_l, rs_h, rs_l, theta_h, theta_l):
    return pl.pallas_call(
        _stage_c_body,
        out_shape=jax.ShapeDtypeStruct((N, 2 * D), jnp.float32),
    )(acc_h, acc_l, rs_h, rs_l, theta_h, theta_l)



def kernel(x, edge, W_high, W_low, a_high, a_low, c_low, c_high):
    aH = a_high[0]
    aL = a_low[0]
    nrmH = jnp.sqrt(jnp.sum(a_high ** 2))
    nrmL = jnp.sqrt(jnp.sum(a_low ** 2))
    uH = (aH[:D] + aH[2 * D:3 * D] + aH[3 * D:]) / nrmH
    vH = (aH[D:2 * D] + aH[2 * D:3 * D] - aH[3 * D:]) / nrmH
    uL_hh = aL[:D] / nrmL
    vL_hh = aL[D:2 * D] / nrmL
    uL_hl = (aL[2 * D:3 * D] + aL[3 * D:]) / nrmL
    vL_hl = (aL[2 * D:3 * D] - aL[3 * D:]) / nrmL
    zcol = jnp.zeros((D,), jnp.float32)
    C_h = jnp.stack([uH, vH, uL_hh, vL_hh, zcol, zcol, zcol, zcol], axis=1)
    C_l = jnp.stack([zcol, zcol, uL_hl, vL_hl, zcol, zcol, zcol, zcol], axis=1)

    theta_h = jnp.clip(c_high + 3.0, 0.0, 6.0) / 6.0 + 5e-7
    theta_l = jnp.clip(c_low + 3.0, 0.0, 6.0) / 6.0 + 5e-7

    h_high, h_low, uv_h, uv_l = _stage_a(x, W_high, W_low, C_h, C_l)

    epad = jnp.zeros((EPAD - E,), jnp.int32)
    srcp = jnp.concatenate([edge[0].astype(jnp.int32), epad])
    dstp = jnp.concatenate([edge[1].astype(jnp.int32), epad]) + N
    gidx = jnp.concatenate([srcp.reshape(NS, NCHUNK, K),
                            dstp.reshape(NS, NCHUNK, K)],
                           axis=2).reshape(2 * EPAD)

    acc_h, acc_l, rs_h, rs_l = _edge_stage(h_high, h_low, uv_h, uv_l, gidx)

    return _stage_c(acc_h, acc_l, rs_h.reshape(1, N), rs_l.reshape(1, N),
                    theta_h, theta_l)

# --- scband reference (transcript-rebuilt; emitter-appended) ---
"""Pipeline reference for scband-graph-attention-layer-75419625717976 (READ-ONLY COPY).

The authoritative reference and input builder live on the scoring server;
editing this copy changes nothing except your own understanding.
"""

import jax, jax.numpy as jnp
import numpy as np

N = 10000
E = 160000
D_IN = 128
D_OUT = 128
ALPHA = 0.2


def gam(x, epsilon=1e-06):
    return jnp.clip(x + 3.0, 0.0, 6.0) / 3.0 + epsilon


def relu_bt(x):
    threshold = jnp.max(jnp.abs(x))
    y = jnp.where(x >= 0, x, 0.01 * x)
    return jnp.minimum(y, threshold)


def lrelu(x):
    return jnp.where(x >= 0, x, ALPHA * x)


def setup_inputs(seed: int = 0) -> dict:
    key = jax.random.key(seed)
    ks = jax.random.split(key, 8)
    std_w = 1.414 * np.sqrt(2.0 / (D_IN + D_OUT))
    std_a = 1.414 * np.sqrt(2.0 / (1 + 4 * D_OUT))
    bound_c = np.sqrt(3.0)
    x = jax.random.normal(ks[0], (N, D_IN), dtype=jnp.float32)
    edge = jax.random.randint(ks[1], (2, E), 0, N)
    W_high = std_w * jax.random.normal(ks[2], (D_IN, D_OUT), dtype=jnp.float32)
    W_low = std_w * jax.random.normal(ks[3], (D_IN, D_OUT), dtype=jnp.float32)
    a_high = std_a * jax.random.normal(ks[4], (1, 4 * D_OUT), dtype=jnp.float32)
    a_low = std_a * jax.random.normal(ks[5], (1, 4 * D_OUT), dtype=jnp.float32)
    c_low = jax.random.uniform(ks[6], (1, 1), minval=-bound_c, maxval=bound_c, dtype=jnp.float32)
    c_high = jax.random.uniform(ks[7], (1, 1), minval=-bound_c, maxval=bound_c, dtype=jnp.float32)
    return {"x": x, "edge": edge, "W_high": W_high, "W_low": W_low,
            "a_high": a_high, "a_low": a_low, "c_low": c_low, "c_high": c_high}


def reference(x, edge, W_high, W_low, a_high, a_low, c_low, c_high):
    theta_low = gam(c_low) / 2.0
    theta_high = gam(c_high) / 2.0
    h_high = relu_bt(x @ W_high)
    h_low = relu_bt(x @ W_low)
    src = edge[0]
    dst = edge[1]
    hh0 = h_high[src]
    hh1 = h_high[dst]
    hl0 = h_low[src]
    hl1 = h_low[dst]
    d = D_OUT
    aH = a_high[0]
    aL = a_low[0]
    # a.mm(cat(p0,p1,agg,diff).t()) == p0@a0 + p1@a1 + agg@a2 + diff@a3
    sH = hh0 @ aH[:d] + hh1 @ aH[d:2 * d] + (hh0 + hh1) @ aH[2 * d:3 * d] + (hh0 - hh1) @ aH[3 * d:]
    # NOTE: original code uses h_high gathers for the first two blocks of edge_h_low (replicated faithfully)
    sL = hh0 @ aL[:d] + hh1 @ aL[d:2 * d] + (hl0 + hl1) @ aL[2 * d:3 * d] + (hl0 - hl1) @ aL[3 * d:]
    nrmH = jnp.sqrt(jnp.sum(a_high ** 2))
    nrmL = jnp.sqrt(jnp.sum(a_low ** 2))
    eH = jnp.exp(-lrelu(sH / nrmH))
    eL = jnp.exp(-lrelu(sL / nrmL))
    # dropout p=0.0 (eval) -> identity
    row_H = jax.ops.segment_sum(eH, src, num_segments=N)[:, None]
    row_L = jax.ops.segment_sum(eL, src, num_segments=N)[:, None]
    hp_H = jax.ops.segment_sum(eH[:, None] * hh1, src, num_segments=N)
    hp_L = jax.ops.segment_sum(eL[:, None] * hl1, src, num_segments=N)
    hp_H = hp_H / (row_H + theta_high)
    hp_L = hp_L / (row_L + theta_low)
    h_prime = jnp.concatenate([hp_H, hp_L], axis=1)
    return relu_bt(h_prime)

if __name__ == "__main__":
    import jax
    _d = setup_inputs()
    print(jax.jit(kernel)(*tuple(_d.values())))

</pallas_src>

<mosaic_0001>
#map = affine_map<(d0, d1) -> (0, 0)>
#map1 = affine_map<(d0, d1) -> (0)>
module attributes {stable_mosaic.version = 14 : i64} {
  func.func @edge_kernel(%arg0: i32, %arg1: i32, %arg2: memref<10000x128xf32, #tpu.memory_space<hbm>>, %arg3: memref<10000x128xf32, #tpu.memory_space<hbm>>, %arg4: memref<20000xf32, #tpu.memory_space<hbm>>, %arg5: memref<20000xf32, #tpu.memory_space<hbm>>, %arg6: memref<322560xi32, #tpu.memory_space<hbm>>, %arg7: memref<10000x128xf32, #tpu.memory_space<hbm>>, %arg8: memref<10000x128xf32, #tpu.memory_space<hbm>>, %arg9: memref<10000xf32, #tpu.memory_space<hbm>>, %arg10: memref<10000xf32, #tpu.memory_space<hbm>>, %arg11: memref<224xi32, #tpu.memory_space<vmem>>, %arg12: memref<112xi32, #tpu.memory_space<vmem>>, %arg13: memref<!tpu.dma_semaphore, #tpu.memory_space<semaphore_mem>>, %arg14: memref<224xi32, #tpu.memory_space<vmem>>, %arg15: memref<112xi32, #tpu.memory_space<vmem>>, %arg16: memref<!tpu.dma_semaphore, #tpu.memory_space<semaphore_mem>>, %arg17: memref<224xi32, #tpu.memory_space<vmem>>, %arg18: memref<112xi32, #tpu.memory_space<vmem>>, %arg19: memref<!tpu.dma_semaphore, #tpu.memory_space<semaphore_mem>>, %arg20: memref<224xf32, #tpu.memory_space<vmem>>, %arg21: memref<112xf32, #tpu.memory_space<vmem>>, %arg22: memref<112x128xf32, #tpu.memory_space<vmem>>, %arg23: memref<112xi32, #tpu.memory_space<vmem>>, %arg24: memref<!tpu.dma_semaphore, #tpu.memory_space<semaphore_mem>>, %arg25: memref<!tpu.dma_semaphore, #tpu.memory_space<semaphore_mem>>, %arg26: memref<!tpu.dma_semaphore, #tpu.memory_space<semaphore_mem>>, %arg27: memref<!tpu.dma_semaphore, #tpu.memory_space<semaphore_mem>>, %arg28: memref<224xf32, #tpu.memory_space<vmem>>, %arg29: memref<112xf32, #tpu.memory_space<vmem>>, %arg30: memref<112x128xf32, #tpu.memory_space<vmem>>, %arg31: memref<112xi32, #tpu.memory_space<vmem>>, %arg32: memref<!tpu.dma_semaphore, #tpu.memory_space<semaphore_mem>>, %arg33: memref<!tpu.dma_semaphore, #tpu.memory_space<semaphore_mem>>, %arg34: memref<!tpu.dma_semaphore, #tpu.memory_space<semaphore_mem>>, %arg35: memref<!tpu.dma_semaphore, #tpu.memory_space<semaphore_mem>>, %arg36: memref<224xf32, #tpu.memory_space<vmem>>, %arg37: memref<112xf32, #tpu.memory_space<vmem>>, %arg38: memref<112x128xf32, #tpu.memory_space<vmem>>, %arg39: memref<112xi32, #tpu.memory_space<vmem>>, %arg40: memref<!tpu.dma_semaphore, #tpu.memory_space<semaphore_mem>>, %arg41: memref<!tpu.dma_semaphore, #tpu.memory_space<semaphore_mem>>, %arg42: memref<!tpu.dma_semaphore, #tpu.memory_space<semaphore_mem>>, %arg43: memref<!tpu.dma_semaphore, #tpu.memory_space<semaphore_mem>>, %arg44: memref<640xf32, #tpu.memory_space<vmem>>, %arg45: memref<10000x128xf32, #tpu.memory_space<vmem_shared>>, %arg46: memref<10000xf32, #tpu.memory_space<vmem_shared>>) attributes {dimension_semantics = [#tpu.dimension_semantics<core_parallel>, #tpu.dimension_semantics<subcore_parallel>], iteration_bounds = array<i64: 2, 16>, scalar_prefetch = 0 : i64, scratch_operands = 36 : i64, tpu.core_type = #tpu.core_type<sc_vector_subcore>, window_params = [{transform_indices = #map}, {transform_indices = #map}, {transform_indices = #map1}, {transform_indices = #map1}, {transform_indices = #map1}, {transform_indices = #map}, {transform_indices = #map}, {transform_indices = #map1}, {transform_indices = #map1}]} {
    %eq3A = arith.constant 0 : i32
    %eq3A_0 = arith.cmpi eq, %arg0, %eq3A : i32
    %convert_element_type3A = arith.extui %eq3A_0 : i1 to i32
    %cond3A = arith.constant 0 : i32
    %cond3A_1 = arith.cmpi ne, %convert_element_type3A, %cond3A : i32
    scf.if %cond3A_1 {
      %scan3A = arith.constant 0 : i32
      %scan3A_7 = arith.constant 40 : i32
      %scan3A_8 = arith.addi %scan3A, %scan3A_7 : i32
      %scan3A_9 = arith.constant 1 : i32
      scf.for %scan3A_149 = %scan3A to %scan3A_8 step %scan3A_9  : i32 {
        %mul3A_150 = arith.constant 1 : i32
        %mul3A_151 = arith.muli %scan3A_149, %mul3A_150 : i32
        %add3A_152 = arith.constant 0 : i32
        %add3A_153 = arith.addi %add3A_152, %mul3A_151 : i32
        %broadcast_in_dim3A = arith.constant 0.000000e+00 : f32
        %broadcast_in_dim3A_154 = vector.broadcast %broadcast_in_dim3A : f32 to vector<16xf32>
        %mul3A_155 = arith.constant 16 : i32
        %mul3A_156 = arith.muli %add3A_153, %mul3A_155 : i32
        %swap3A = arith.index_cast %mul3A_156 : i32 to index
        %swap3A_157 = tpu.vector_load %arg44[%swap3A] {strides = array<i32>} : memref<640xf32, #tpu.memory_space<vmem>>, vector<16xf32>,
        tpu.vector_store %arg44[%swap3A], %broadcast_in_dim3A_154 {strides = array<i32>} : memref<640xf32, #tpu.memory_space<vmem>>, vector<16xf32>,
      }
      %scan3A_10 = arith.constant 40 : i32
      %scan3A_11 = arith.constant 0 : i32
      %scan3A_12 = arith.constant 112 : i32
      %scan3A_13 = arith.addi %scan3A_11, %scan3A_12 : i32
      %scan3A_14 = arith.constant 1 : i32
      scf.for %scan3A_149 = %scan3A_11 to %scan3A_13 step %scan3A_14  : i32 {
        %mul3A_150 = arith.constant 1 : i32
        %mul3A_151 = arith.muli %scan3A_149, %mul3A_150 : i32
        %add3A_152 = arith.constant 0 : i32
        %add3A_153 = arith.addi %add3A_152, %mul3A_151 : i32
        %broadcast_in_dim3A = arith.constant 0.000000e+00 : f32
        %broadcast_in_dim3A_154 = vector.broadcast %broadcast_in_dim3A : f32 to vector<16xf32>
        %swap3A = arith.index_cast %add3A_153 : i32 to index
        %swap3A_155 = arith.constant 0 : index
        %swap3A_156 = tpu.vector_load %arg22[%swap3A, %swap3A_155] {strides = array<i32>} : memref<112x128xf32, #tpu.memory_space<vmem>>, vector<16xf32>,
        tpu.vector_store %arg22[%swap3A, %swap3A_155], %broadcast_in_dim3A_154 {strides = array<i32>} : memref<112x128xf32, #tpu.memory_space<vmem>>, vector<16xf32>,
        %broadcast_in_dim3A_157 = arith.constant 0.000000e+00 : f32
        %broadcast_in_dim3A_158 = vector.broadcast %broadcast_in_dim3A_157 : f32 to vector<16xf32>
        %swap3A_159 = arith.index_cast %add3A_153 : i32 to index
        %swap3A_160 = arith.constant 16 : index
        %swap3A_161 = tpu.vector_load %arg22[%swap3A_159, %swap3A_160] {strides = array<i32>} : memref<112x128xf32, #tpu.memory_space<vmem>>, vector<16xf32>,
        tpu.vector_store %arg22[%swap3A_159, %swap3A_160], %broadcast_in_dim3A_158 {strides = array<i32>} : memref<112x128xf32, #tpu.memory_space<vmem>>, vector<16xf32>,
        %broadcast_in_dim3A_162 = arith.constant 0.000000e+00 : f32
        %broadcast_in_dim3A_163 = vector.broadcast %broadcast_in_dim3A_162 : f32 to vector<16xf32>
        %swap3A_164 = arith.index_cast %add3A_153 : i32 to index
        %swap3A_165 = arith.constant 32 : index
        %swap3A_166 = tpu.vector_load %arg22[%swap3A_164, %swap3A_165] {strides = array<i32>} : memref<112x128xf32, #tpu.memory_space<vmem>>, vector<16xf32>,
        tpu.vector_store %arg22[%swap3A_164, %swap3A_165], %broadcast_in_dim3A_163 {strides = array<i32>} : memref<112x128xf32, #tpu.memory_space<vmem>>, vector<16xf32>,
        %broadcast_in_dim3A_167 = arith.constant 0.000000e+00 : f32
        %broadcast_in_dim3A_168 = vector.broadcast %broadcast_in_dim3A_167 : f32 to vector<16xf32>
        %swap3A_169 = arith.index_cast %add3A_153 : i32 to index
        %swap3A_170 = arith.constant 48 : index
        %swap3A_171 = tpu.vector_load %arg22[%swap3A_169, %swap3A_170] {strides = array<i32>} : memref<112x128xf32, #tpu.memory_space<vmem>>, vector<16xf32>,
        tpu.vector_store %arg22[%swap3A_169, %swap3A_170], %broadcast_in_dim3A_168 {strides = array<i32>} : memref<112x128xf32, #tpu.memory_space<vmem>>, vector<16xf32>,
        %broadcast_in_dim3A_172 = arith.constant 0.000000e+00 : f32
        %broadcast_in_dim3A_173 = vector.broadcast %broadcast_in_dim3A_172 : f32 to vector<16xf32>
        %swap3A_174 = arith.index_cast %add3A_153 : i32 to index
        %swap3A_175 = arith.constant 64 : index
        %swap3A_176 = tpu.vector_load %arg22[%swap3A_174, %swap3A_175] {strides = array<i32>} : memref<112x128xf32, #tpu.memory_space<vmem>>, vector<16xf32>,
        tpu.vector_store %arg22[%swap3A_174, %swap3A_175], %broadcast_in_dim3A_173 {strides = array<i32>} : memref<112x128xf32, #tpu.memory_space<vmem>>, vector<16xf32>,
        %broadcast_in_dim3A_177 = arith.constant 0.000000e+00 : f32
        %broadcast_in_dim3A_178 = vector.broadcast %broadcast_in_dim3A_177 : f32 to vector<16xf32>
        %swap3A_179 = arith.index_cast %add3A_153 : i32 to index
        %swap3A_180 = arith.constant 80 : index
        %swap3A_181 = tpu.vector_load %arg22[%swap3A_179, %swap3A_180] {strides = array<i32>} : memref<112x128xf32, #tpu.memory_space<vmem>>, vector<16xf32>,
        tpu.vector_store %arg22[%swap3A_179, %swap3A_180], %broadcast_in_dim3A_178 {strides = array<i32>} : memref<112x128xf32, #tpu.memory_space<vmem>>, vector<16xf32>,
        %broadcast_in_dim3A_182 = arith.constant 0.000000e+00 : f32
        %broadcast_in_dim3A_183 = vector.broadcast %broadcast_in_dim3A_182 : f32 to vector<16xf32>
        %swap3A_184 = arith.index_cast %add3A_153 : i32 to index
        %swap3A_185 = arith.constant 96 : index
        %swap3A_186 = tpu.vector_load %arg22[%swap3A_184, %swap3A_185] {strides = array<i32>} : memref<112x128xf32, #tpu.memory_space<vmem>>, vector<16xf32>,
        tpu.vector_store %arg22[%swap3A_184, %swap3A_185], %broadcast_in_dim3A_183 {strides = array<i32>} : memref<112x128xf32, #tpu.memory_space<vmem>>, vector<16xf32>,
        %broadcast_in_dim3A_187 = arith.constant 0.000000e+00 : f32
        %broadcast_in_dim3A_188 = vector.broadcast %broadcast_in_dim3A_187 : f32 to vector<16xf32>
        %swap3A_189 = arith.index_cast %add3A_153 : i32 to index
        %swap3A_190 = arith.constant 112 : index
        %swap3A_191 = tpu.vector_load %arg22[%swap3A_189, %swap3A_190] {strides = array<i32>} : memref<112x128xf32, #tpu.memory_space<vmem>>, vector<16xf32>,
        tpu.vector_store %arg22[%swap3A_189, %swap3A_190], %broadcast_in_dim3A_188 {strides = array<i32>} : memref<112x128xf32, #tpu.memory_space<vmem>>, vector<16xf32>,
      }
      %scan3A_15 = arith.constant 112 : i32
      %mul3A = arith.constant 624 : i32
      %mul3A_16 = arith.muli %arg1, %mul3A : i32
      %add3A = arith.constant 624 : i32
      %add3A_17 = arith.addi %mul3A_16, %add3A : i32
      %sub3A = arith.constant 624 : i32
      %sub3A_18 = arith.subi %add3A_17, %sub3A : i32
      "tpu.region"() ({
        %run_scoped3A = tpu.sem_alloc : memref<!tpu.dma_semaphore, #tpu.memory_space<semaphore_mem>>
        %dma_start3A_149 = arith.constant 0 : i32
        %dma_start3A_150 = arith.constant 0 : i32
        %dma_start3A_151 = tpu.memref_slice %arg22[%dma_start3A_149, %dma_start3A_150] : memref<112x128xf32, #tpu.memory_space<vmem>> -> memref<112x128xf32, #tpu.memory_space<vmem>>
        %dma_start3A_152 = arith.constant 0 : i32
        %dma_start3A_153 = tpu.memref_slice %arg45[%sub3A_18, %dma_start3A_152] : memref<10000x128xf32, #tpu.memory_space<vmem_shared>> -> memref<112x128xf32, #tpu.memory_space<vmem_shared>>
        %dma_start3A_154 = arith.constant 0 : i32
        %dma_start3A_155 = tpu.memref_slice %arg45[%sub3A_18, %dma_start3A_154] : memref<10000x128xf32, #tpu.memory_space<vmem_shared>> -> memref<112x128xf32, #tpu.memory_space<vmem_shared>>
        %dma_start3A_156 = arith.constant 0 : i32
        %dma_start3A_157 = arith.constant 0 : i32
        %dma_start3A_158 = tpu.memref_slice %arg22[%dma_start3A_156, %dma_start3A_157] : memref<112x128xf32, #tpu.memory_space<vmem>> -> memref<112x128xf32, #tpu.memory_space<vmem>>
        tpu.enqueue_dma source(%dma_start3A_158 : memref<112x128xf32, #tpu.memory_space<vmem>>) target(%dma_start3A_155 : memref<112x128xf32, #tpu.memory_space<vmem_shared>>) target_semaphore(%run_scoped3A : memref<!tpu.dma_semaphore, #tpu.memory_space<semaphore_mem>>)
        %dma_wait3A_159 = arith.constant 0 : i32
        %dma_wait3A_160 = arith.constant 0 : i32
        %dma_wait3A_161 = tpu.memref_slice %arg22[%dma_wait3A_159, %dma_wait3A_160] : memref<112x128xf32, #tpu.memory_space<vmem>> -> memref<112x128xf32, #tpu.memory_space<vmem>>
        %dma_wait3A_162 = arith.constant 0 : i32
        %dma_wait3A_163 = tpu.memref_slice %arg45[%sub3A_18, %dma_wait3A_162] : memref<10000x128xf32, #tpu.memory_space<vmem_shared>> -> memref<112x128xf32, #tpu.memory_space<vmem_shared>>
        %dma_wait3A_164 = arith.constant 0 : i32
        %dma_wait3A_165 = tpu.memref_slice %arg45[%sub3A_18, %dma_wait3A_164] : memref<10000x128xf32, #tpu.memory_space<vmem_shared>> -> memref<112x128xf32, #tpu.memory_space<vmem_shared>>
        %dma_wait3A_166 = arith.constant 0 : i32
        %dma_wait3A_167 = arith.constant 0 : i32
        %dma_wait3A_168 = tpu.memref_slice %arg22[%dma_wait3A_166, %dma_wait3A_167] : memref<112x128xf32, #tpu.memory_space<vmem>> -> memref<112x128xf32, #tpu.memory_space<vmem>>
        tpu.wait_dma2 semaphore(%run_scoped3A : memref<!tpu.dma_semaphore, #tpu.memory_space<semaphore_mem>>) src(%dma_wait3A_168 : memref<112x128xf32, #tpu.memory_space<vmem>>) dst(%dma_wait3A_165 : memref<112x128xf32, #tpu.memory_space<vmem_shared>>)
        tpu.yield
      }) : () -> ()
      %add3A_19 = arith.constant 624 : i32
      %add3A_20 = arith.addi %mul3A_16, %add3A_19 : i32
      %sub3A_21 = arith.constant 512 : i32
      %sub3A_22 = arith.subi %add3A_20, %sub3A_21 : i32
      "tpu.region"() ({
        %run_scoped3A = tpu.sem_alloc : memref<!tpu.dma_semaphore, #tpu.memory_space<semaphore_mem>>
        %dma_start3A_149 = arith.constant 0 : i32
        %dma_start3A_150 = arith.constant 0 : i32
        %dma_start3A_151 = tpu.memref_slice %arg22[%dma_start3A_149, %dma_start3A_150] : memref<112x128xf32, #tpu.memory_space<vmem>> -> memref<112x128xf32, #tpu.memory_space<vmem>>
        %dma_start3A_152 = arith.constant 0 : i32
        %dma_start3A_153 = tpu.memref_slice %arg45[%sub3A_22, %dma_start3A_152] : memref<10000x128xf32, #tpu.memory_space<vmem_shared>> -> memref<112x128xf32, #tpu.memory_space<vmem_shared>>
        %dma_start3A_154 = arith.constant 0 : i32
        %dma_start3A_155 = tpu.memref_slice %arg45[%sub3A_22, %dma_start3A_154] : memref<10000x128xf32, #tpu.memory_space<vmem_shared>> -> memref<112x128xf32, #tpu.memory_space<vmem_shared>>
        %dma_start3A_156 = arith.constant 0 : i32
        %dma_start3A_157 = arith.constant 0 : i32
        %dma_start3A_158 = tpu.memref_slice %arg22[%dma_start3A_156, %dma_start3A_157] : memref<112x128xf32, #tpu.memory_space<vmem>> -> memref<112x128xf32, #tpu.memory_space<vmem>>
        tpu.enqueue_dma source(%dma_start3A_158 : memref<112x128xf32, #tpu.memory_space<vmem>>) target(%dma_start3A_155 : memref<112x128xf32, #tpu.memory_space<vmem_shared>>) target_semaphore(%run_scoped3A : memref<!tpu.dma_semaphore, #tpu.memory_space<semaphore_mem>>)
        %dma_wait3A_159 = arith.constant 0 : i32
        %dma_wait3A_160 = arith.constant 0 : i32
        %dma_wait3A_161 = tpu.memref_slice %arg22[%dma_wait3A_159, %dma_wait3A_160] : memref<112x128xf32, #tpu.memory_space<vmem>> -> memref<112x128xf32, #tpu.memory_space<vmem>>
        %dma_wait3A_162 = arith.constant 0 : i32
        %dma_wait3A_163 = tpu.memref_slice %arg45[%sub3A_22, %dma_wait3A_162] : memref<10000x128xf32, #tpu.memory_space<vmem_shared>> -> memref<112x128xf32, #tpu.memory_space<vmem_shared>>
        %dma_wait3A_164 = arith.constant 0 : i32
        %dma_wait3A_165 = tpu.memref_slice %arg45[%sub3A_22, %dma_wait3A_164] : memref<10000x128xf32, #tpu.memory_space<vmem_shared>> -> memref<112x128xf32, #tpu.memory_space<vmem_shared>>
        %dma_wait3A_166 = arith.constant 0 : i32
        %dma_wait3A_167 = arith.constant 0 : i32
        %dma_wait3A_168 = tpu.memref_slice %arg22[%dma_wait3A_166, %dma_wait3A_167] : memref<112x128xf32, #tpu.memory_space<vmem>> -> memref<112x128xf32, #tpu.memory_space<vmem>>
        tpu.wait_dma2 semaphore(%run_scoped3A : memref<!tpu.dma_semaphore, #tpu.memory_space<semaphore_mem>>) src(%dma_wait3A_168 : memref<112x128xf32, #tpu.memory_space<vmem>>) dst(%dma_wait3A_165 : memref<112x128xf32, #tpu.memory_space<vmem_shared>>)
        tpu.yield
      }) : () -> ()
      %add3A_23 = arith.constant 624 : i32
      %add3A_24 = arith.addi %mul3A_16, %add3A_23 : i32
      %sub3A_25 = arith.constant 400 : i32
      %sub3A_26 = arith.subi %add3A_24, %sub3A_25 : i32
      "tpu.region"() ({
        %run_scoped3A = tpu.sem_alloc : memref<!tpu.dma_semaphore, #tpu.memory_space<semaphore_mem>>
        %dma_start3A_149 = arith.constant 0 : i32
        %dma_start3A_150 = arith.constant 0 : i32
        %dma_start3A_151 = tpu.memref_slice %arg22[%dma_start3A_149, %dma_start3A_150] : memref<112x128xf32, #tpu.memory_space<vmem>> -> memref<112x128xf32, #tpu.memory_space<vmem>>
        %dma_start3A_152 = arith.constant 0 : i32
        %dma_start3A_153 = tpu.memref_slice %arg45[%sub3A_26, %dma_start3A_152] : memref<10000x128xf32, #tpu.memory_space<vmem_shared>> -> memref<112x128xf32, #tpu.memory_space<vmem_shared>>
        %dma_start3A_154 = arith.constant 0 : i32
        %dma_start3A_155 = tpu.memref_slice %arg45[%sub3A_26, %dma_start3A_154] : memref<10000x128xf32, #tpu.memory_space<vmem_shared>> -> memref<112x128xf32, #tpu.memory_space<vmem_shared>>
        %dma_start3A_156 = arith.constant 0 : i32
        %dma_start3A_157 = arith.constant 0 : i32
        %dma_start3A_158 = tpu.memref_slice %arg22[%dma_start3A_156, %dma_start3A_157] : memref<112x128xf32, #tpu.memory_space<vmem>> -> memref<112x128xf32, #tpu.memory_space<vmem>>
        tpu.enqueue_dma source(%dma_start3A_158 : memref<112x128xf32, #tpu.memory_space<vmem>>) target(%dma_start3A_155 : memref<112x128xf32, #tpu.memory_space<vmem_shared>>) target_semaphore(%run_scoped3A : memref<!tpu.dma_semaphore, #tpu.memory_space<semaphore_mem>>)
        %dma_wait3A_159 = arith.constant 0 : i32
        %dma_wait3A_160 = arith.constant 0 : i32
        %dma_wait3A_161 = tpu.memref_slice %arg22[%dma_wait3A_159, %dma_wait3A_160] : memref<112x128xf32, #tpu.memory_space<vmem>> -> memref<112x128xf32, #tpu.memory_space<vmem>>
        %dma_wait3A_162 = arith.constant 0 : i32
        %dma_wait3A_163 = tpu.memref_slice %arg45[%sub3A_26, %dma_wait3A_162] : memref<10000x128xf32, #tpu.memory_space<vmem_shared>> -> memref<112x128xf32, #tpu.memory_space<vmem_shared>>
        %dma_wait3A_164 = arith.constant 0 : i32
        %dma_wait3A_165 = tpu.memref_slice %arg45[%sub3A_26, %dma_wait3A_164] : memref<10000x128xf32, #tpu.memory_space<vmem_shared>> -> memref<112x128xf32, #tpu.memory_space<vmem_shared>>
        %dma_wait3A_166 = arith.constant 0 : i32
        %dma_wait3A_167 = arith.constant 0 : i32
        %dma_wait3A_168 = tpu.memref_slice %arg22[%dma_wait3A_166, %dma_wait3A_167] : memref<112x128xf32, #tpu.memory_space<vmem>> -> memref<112x128xf32, #tpu.memory_space<vmem>>
        tpu.wait_dma2 semaphore(%run_scoped3A : memref<!tpu.dma_semaphore, #tpu.memory_space<semaphore_mem>>) src(%dma_wait3A_168 : memref<112x128xf32, #tpu.memory_space<vmem>>) dst(%dma_wait3A_165 : memref<112x128xf32, #tpu.memory_space<vmem_shared>>)
        tpu.yield
      }) : () -> ()
      %add3A_27 = arith.constant 624 : i32
      %add3A_28 = arith.addi %mul3A_16, %add3A_27 : i32
      %sub3A_29 = arith.constant 288 : i32
      %sub3A_30 = arith.subi %add3A_28, %sub3A_29 : i32
      "tpu.region"() ({
        %run_scoped3A = tpu.sem_alloc : memref<!tpu.dma_semaphore, #tpu.memory_space<semaphore_mem>>
        %dma_start3A_149 = arith.constant 0 : i32
        %dma_start3A_150 = arith.constant 0 : i32
        %dma_start3A_151 = tpu.memref_slice %arg22[%dma_start3A_149, %dma_start3A_150] : memref<112x128xf32, #tpu.memory_space<vmem>> -> memref<112x128xf32, #tpu.memory_space<vmem>>
        %dma_start3A_152 = arith.constant 0 : i32
        %dma_start3A_153 = tpu.memref_slice %arg45[%sub3A_30, %dma_start3A_152] : memref<10000x128xf32, #tpu.memory_space<vmem_shared>> -> memref<112x128xf32, #tpu.memory_space<vmem_shared>>
        %dma_start3A_154 = arith.constant 0 : i32
        %dma_start3A_155 = tpu.memref_slice %arg45[%sub3A_30, %dma_start3A_154] : memref<10000x128xf32, #tpu.memory_space<vmem_shared>> -> memref<112x128xf32, #tpu.memory_space<vmem_shared>>
        %dma_start3A_156 = arith.constant 0 : i32
        %dma_start3A_157 = arith.constant 0 : i32
        %dma_start3A_158 = tpu.memref_slice %arg22[%dma_start3A_156, %dma_start3A_157] : memref<112x128xf32, #tpu.memory_space<vmem>> -> memref<112x128xf32, #tpu.memory_space<vmem>>
        tpu.enqueue_dma source(%dma_start3A_158 : memref<112x128xf32, #tpu.memory_space<vmem>>) target(%dma_start3A_155 : memref<112x128xf32, #tpu.memory_space<vmem_shared>>) target_semaphore(%run_scoped3A : memref<!tpu.dma_semaphore, #tpu.memory_space<semaphore_mem>>)
        %dma_wait3A_159 = arith.constant 0 : i32
        %dma_wait3A_160 = arith.constant 0 : i32
        %dma_wait3A_161 = tpu.memref_slice %arg22[%dma_wait3A_159, %dma_wait3A_160] : memref<112x128xf32, #tpu.memory_space<vmem>> -> memref<112x128xf32, #tpu.memory_space<vmem>>
        %dma_wait3A_162 = arith.constant 0 : i32
        %dma_wait3A_163 = tpu.memref_slice %arg45[%sub3A_30, %dma_wait3A_162] : memref<10000x128xf32, #tpu.memory_space<vmem_shared>> -> memref<112x128xf32, #tpu.memory_space<vmem_shared>>
        %dma_wait3A_164 = arith.constant 0 : i32
        %dma_wait3A_165 = tpu.memref_slice %arg45[%sub3A_30, %dma_wait3A_164] : memref<10000x128xf32, #tpu.memory_space<vmem_shared>> -> memref<112x128xf32, #tpu.memory_space<vmem_shared>>
        %dma_wait3A_166 = arith.constant 0 : i32
        %dma_wait3A_167 = arith.constant 0 : i32
        %dma_wait3A_168 = tpu.memref_slice %arg22[%dma_wait3A_166, %dma_wait3A_167] : memref<112x128xf32, #tpu.memory_space<vmem>> -> memref<112x128xf32, #tpu.memory_space<vmem>>
        tpu.wait_dma2 semaphore(%run_scoped3A : memref<!tpu.dma_semaphore, #tpu.memory_space<semaphore_mem>>) src(%dma_wait3A_168 : memref<112x128xf32, #tpu.memory_space<vmem>>) dst(%dma_wait3A_165 : memref<112x128xf32, #tpu.memory_space<vmem_shared>>)
        tpu.yield
      }) : () -> ()
      %add3A_31 = arith.constant 624 : i32
      %add3A_32 = arith.addi %mul3A_16, %add3A_31 : i32
      %sub3A_33 = arith.constant 176 : i32
      %sub3A_34 = arith.subi %add3A_32, %sub3A_33 : i32
      "tpu.region"() ({
        %run_scoped3A = tpu.sem_alloc : memref<!tpu.dma_semaphore, #tpu.memory_space<semaphore_mem>>
        %dma_start3A_149 = arith.constant 0 : i32
        %dma_start3A_150 = arith.constant 0 : i32
        %dma_start3A_151 = tpu.memref_slice %arg22[%dma_start3A_149, %dma_start3A_150] : memref<112x128xf32, #tpu.memory_space<vmem>> -> memref<112x128xf32, #tpu.memory_space<vmem>>
        %dma_start3A_152 = arith.constant 0 : i32
        %dma_start3A_153 = tpu.memref_slice %arg45[%sub3A_34, %dma_start3A_152] : memref<10000x128xf32, #tpu.memory_space<vmem_shared>> -> memref<112x128xf32, #tpu.memory_space<vmem_shared>>
        %dma_start3A_154 = arith.constant 0 : i32
        %dma_start3A_155 = tpu.memref_slice %arg45[%sub3A_34, %dma_start3A_154] : memref<10000x128xf32, #tpu.memory_space<vmem_shared>> -> memref<112x128xf32, #tpu.memory_space<vmem_shared>>
        %dma_start3A_156 = arith.constant 0 : i32
        %dma_start3A_157 = arith.constant 0 : i32
        %dma_start3A_158 = tpu.memref_slice %arg22[%dma_start3A_156, %dma_start3A_157] : memref<112x128xf32, #tpu.memory_space<vmem>> -> memref<112x128xf32, #tpu.memory_space<vmem>>
        tpu.enqueue_dma source(%dma_start3A_158 : memref<112x128xf32, #tpu.memory_space<vmem>>) target(%dma_start3A_155 : memref<112x128xf32, #tpu.memory_space<vmem_shared>>) target_semaphore(%run_scoped3A : memref<!tpu.dma_semaphore, #tpu.memory_space<semaphore_mem>>)
        %dma_wait3A_159 = arith.constant 0 : i32
        %dma_wait3A_160 = arith.constant 0 : i32
        %dma_wait3A_161 = tpu.memref_slice %arg22[%dma_wait3A_159, %dma_wait3A_160] : memref<112x128xf32, #tpu.memory_space<vmem>> -> memref<112x128xf32, #tpu.memory_space<vmem>>
        %dma_wait3A_162 = arith.constant 0 : i32
        %dma_wait3A_163 = tpu.memref_slice %arg45[%sub3A_34, %dma_wait3A_162] : memref<10000x128xf32, #tpu.memory_space<vmem_shared>> -> memref<112x128xf32, #tpu.memory_space<vmem_shared>>
        %dma_wait3A_164 = arith.constant 0 : i32
        %dma_wait3A_165 = tpu.memref_slice %arg45[%sub3A_34, %dma_wait3A_164] : memref<10000x128xf32, #tpu.memory_space<vmem_shared>> -> memref<112x128xf32, #tpu.memory_space<vmem_shared>>
        %dma_wait3A_166 = arith.constant 0 : i32
        %dma_wait3A_167 = arith.constant 0 : i32
        %dma_wait3A_168 = tpu.memref_slice %arg22[%dma_wait3A_166, %dma_wait3A_167] : memref<112x128xf32, #tpu.memory_space<vmem>> -> memref<112x128xf32, #tpu.memory_space<vmem>>
        tpu.wait_dma2 semaphore(%run_scoped3A : memref<!tpu.dma_semaphore, #tpu.memory_space<semaphore_mem>>) src(%dma_wait3A_168 : memref<112x128xf32, #tpu.memory_space<vmem>>) dst(%dma_wait3A_165 : memref<112x128xf32, #tpu.memory_space<vmem_shared>>)
        tpu.yield
      }) : () -> ()
      %add3A_35 = arith.constant 624 : i32
      %add3A_36 = arith.addi %mul3A_16, %add3A_35 : i32
      %sub3A_37 = arith.constant 64 : i32
      %sub3A_38 = arith.subi %add3A_36, %sub3A_37 : i32
      "tpu.region"() ({
        %run_scoped3A = tpu.sem_alloc : memref<!tpu.dma_semaphore, #tpu.memory_space<semaphore_mem>>
        %dma_start3A_149 = arith.constant 0 : i32
        %dma_start3A_150 = arith.constant 0 : i32
        %dma_start3A_151 = tpu.memref_slice %arg22[%dma_start3A_149, %dma_start3A_150] : memref<112x128xf32, #tpu.memory_space<vmem>> -> memref<64x128xf32, #tpu.memory_space<vmem>>
        %dma_start3A_152 = arith.constant 0 : i32
        %dma_start3A_153 = tpu.memref_slice %arg45[%sub3A_38, %dma_start3A_152] : memref<10000x128xf32, #tpu.memory_space<vmem_shared>> -> memref<64x128xf32, #tpu.memory_space<vmem_shared>>
        %dma_start3A_154 = arith.constant 0 : i32
        %dma_start3A_155 = tpu.memref_slice %arg45[%sub3A_38, %dma_start3A_154] : memref<10000x128xf32, #tpu.memory_space<vmem_shared>> -> memref<64x128xf32, #tpu.memory_space<vmem_shared>>
        %dma_start3A_156 = arith.constant 0 : i32
        %dma_start3A_157 = arith.constant 0 : i32
        %dma_start3A_158 = tpu.memref_slice %arg22[%dma_start3A_156, %dma_start3A_157] : memref<112x128xf32, #tpu.memory_space<vmem>> -> memref<64x128xf32, #tpu.memory_space<vmem>>
        tpu.enqueue_dma source(%dma_start3A_158 : memref<64x128xf32, #tpu.memory_space<vmem>>) target(%dma_start3A_155 : memref<64x128xf32, #tpu.memory_space<vmem_shared>>) target_semaphore(%run_scoped3A : memref<!tpu.dma_semaphore, #tpu.memory_space<semaphore_mem>>)
        %dma_wait3A_159 = arith.constant 0 : i32
        %dma_wait3A_160 = arith.constant 0 : i32
        %dma_wait3A_161 = tpu.memref_slice %arg22[%dma_wait3A_159, %dma_wait3A_160] : memref<112x128xf32, #tpu.memory_space<vmem>> -> memref<64x128xf32, #tpu.memory_space<vmem>>
        %dma_wait3A_162 = arith.constant 0 : i32
        %dma_wait3A_163 = tpu.memref_slice %arg45[%sub3A_38, %dma_wait3A_162] : memref<10000x128xf32, #tpu.memory_space<vmem_shared>> -> memref<64x128xf32, #tpu.memory_space<vmem_shared>>
        %dma_wait3A_164 = arith.constant 0 : i32
        %dma_wait3A_165 = tpu.memref_slice %arg45[%sub3A_38, %dma_wait3A_164] : memref<10000x128xf32, #tpu.memory_space<vmem_shared>> -> memref<64x128xf32, #tpu.memory_space<vmem_shared>>
        %dma_wait3A_166 = arith.constant 0 : i32
        %dma_wait3A_167 = arith.constant 0 : i32
        %dma_wait3A_168 = tpu.memref_slice %arg22[%dma_wait3A_166, %dma_wait3A_167] : memref<112x128xf32, #tpu.memory_space<vmem>> -> memref<64x128xf32, #tpu.memory_space<vmem>>
        tpu.wait_dma2 semaphore(%run_scoped3A : memref<!tpu.dma_semaphore, #tpu.memory_space<semaphore_mem>>) src(%dma_wait3A_168 : memref<64x128xf32, #tpu.memory_space<vmem>>) dst(%dma_wait3A_165 : memref<64x128xf32, #tpu.memory_space<vmem_shared>>)
        tpu.yield
      }) : () -> ()
      "tpu.region"() ({
        %run_scoped3A = tpu.sem_alloc : memref<!tpu.dma_semaphore, #tpu.memory_space<semaphore_mem>>
        %dma_start3A_149 = arith.constant 0 : i32
        %dma_start3A_150 = tpu.memref_slice %arg44[%dma_start3A_149] : memref<640xf32, #tpu.memory_space<vmem>> -> memref<624xf32, #tpu.memory_space<vmem>>
        %dma_start3A_151 = tpu.memref_slice %arg46[%mul3A_16] : memref<10000xf32, #tpu.memory_space<vmem_shared>> -> memref<624xf32, #tpu.memory_space<vmem_shared>>
        %dma_start3A_152 = tpu.memref_slice %arg46[%mul3A_16] : memref<10000xf32, #tpu.memory_space<vmem_shared>> -> memref<624xf32, #tpu.memory_space<vmem_shared>>
        %dma_start3A_153 = arith.constant 0 : i32
        %dma_start3A_154 = tpu.memref_slice %arg44[%dma_start3A_153] : memref<640xf32, #tpu.memory_space<vmem>> -> memref<624xf32, #tpu.memory_space<vmem>>
        tpu.enqueue_dma source(%dma_start3A_154 : memref<624xf32, #tpu.memory_space<vmem>>) target(%dma_start3A_152 : memref<624xf32, #tpu.memory_space<vmem_shared>>) target_semaphore(%run_scoped3A : memref<!tpu.dma_semaphore, #tpu.memory_space<semaphore_mem>>)
        %dma_wait3A_155 = arith.constant 0 : i32
        %dma_wait3A_156 = tpu.memref_slice %arg44[%dma_wait3A_155] : memref<640xf32, #tpu.memory_space<vmem>> -> memref<624xf32, #tpu.memory_space<vmem>>
        %dma_wait3A_157 = tpu.memref_slice %arg46[%mul3A_16] : memref<10000xf32, #tpu.memory_space<vmem_shared>> -> memref<624xf32, #tpu.memory_space<vmem_shared>>
        %dma_wait3A_158 = tpu.memref_slice %arg46[%mul3A_16] : memref<10000xf32, #tpu.memory_space<vmem_shared>> -> memref<624xf32, #tpu.memory_space<vmem_shared>>
        %dma_wait3A_159 = arith.constant 0 : i32
        %dma_wait3A_160 = tpu.memref_slice %arg44[%dma_wait3A_159] : memref<640xf32, #tpu.memory_space<vmem>> -> memref<624xf32, #tpu.memory_space<vmem>>
        tpu.wait_dma2 semaphore(%run_scoped3A : memref<!tpu.dma_semaphore, #tpu.memory_space<semaphore_mem>>) src(%dma_wait3A_160 : memref<624xf32, #tpu.memory_space<vmem>>) dst(%dma_wait3A_158 : memref<624xf32, #tpu.memory_space<vmem_shared>>)
        tpu.yield
      }) : () -> ()
      %eq3A_39 = arith.constant 15 : i32
      %eq3A_40 = arith.cmpi eq, %arg1, %eq3A_39 : i32
      %convert_element_type3A_41 = arith.extui %eq3A_40 : i1 to i32
      %cond3A_42 = arith.constant 0 : i32
      %cond3A_43 = arith.cmpi ne, %convert_element_type3A_41, %cond3A_42 : i32
      scf.if %cond3A_43 {
        "tpu.region"() ({
          %run_scoped3A = tpu.sem_alloc : memref<!tpu.dma_semaphore, #tpu.memory_space<semaphore_mem>>
          %dma_start3A_149 = arith.constant 0 : i32
          %dma_start3A_150 = arith.constant 0 : i32
          %dma_start3A_151 = tpu.memref_slice %arg22[%dma_start3A_149, %dma_start3A_150] : memref<112x128xf32, #tpu.memory_space<vmem>> -> memref<16x128xf32, #tpu.memory_space<vmem>>
          %dma_start3A_152 = arith.constant 9984 : i32
          %dma_start3A_153 = arith.constant 0 : i32
          %dma_start3A_154 = tpu.memref_slice %arg45[%dma_start3A_152, %dma_start3A_153] : memref<10000x128xf32, #tpu.memory_space<vmem_shared>> -> memref<16x128xf32, #tpu.memory_space<vmem_shared>>
          %dma_start3A_155 = arith.constant 9984 : i32
          %dma_start3A_156 = arith.constant 0 : i32
          %dma_start3A_157 = tpu.memref_slice %arg45[%dma_start3A_155, %dma_start3A_156] : memref<10000x128xf32, #tpu.memory_space<vmem_shared>> -> memref<16x128xf32, #tpu.memory_space<vmem_shared>>
          %dma_start3A_158 = arith.constant 0 : i32
          %dma_start3A_159 = arith.constant 0 : i32
          %dma_start3A_160 = tpu.memref_slice %arg22[%dma_start3A_158, %dma_start3A_159] : memref<112x128xf32, #tpu.memory_space<vmem>> -> memref<16x128xf32, #tpu.memory_space<vmem>>
          tpu.enqueue_dma source(%dma_start3A_160 : memref<16x128xf32, #tpu.memory_space<vmem>>) target(%dma_start3A_157 : memref<16x128xf32, #tpu.memory_space<vmem_shared>>) target_semaphore(%run_scoped3A : memref<!tpu.dma_semaphore, #tpu.memory_space<semaphore_mem>>)
          %dma_wait3A_161 = arith.constant 0 : i32
          %dma_wait3A_162 = arith.constant 0 : i32
          %dma_wait3A_163 = tpu.memref_slice %arg22[%dma_wait3A_161, %dma_wait3A_162] : memref<112x128xf32, #tpu.memory_space<vmem>> -> memref<16x128xf32, #tpu.memory_space<vmem>>
          %dma_wait3A_164 = arith.constant 9984 : i32
          %dma_wait3A_165 = arith.constant 0 : i32
          %dma_wait3A_166 = tpu.memref_slice %arg45[%dma_wait3A_164, %dma_wait3A_165] : memref<10000x128xf32, #tpu.memory_space<vmem_shared>> -> memref<16x128xf32, #tpu.memory_space<vmem_shared>>
          %dma_wait3A_167 = arith.constant 9984 : i32
          %dma_wait3A_168 = arith.constant 0 : i32
          %dma_wait3A_169 = tpu.memref_slice %arg45[%dma_wait3A_167, %dma_wait3A_168] : memref<10000x128xf32, #tpu.memory_space<vmem_shared>> -> memref<16x128xf32, #tpu.memory_space<vmem_shared>>
          %dma_wait3A_170 = arith.constant 0 : i32
          %dma_wait3A_171 = arith.constant 0 : i32
          %dma_wait3A_172 = tpu.memref_slice %arg22[%dma_wait3A_170, %dma_wait3A_171] : memref<112x128xf32, #tpu.memory_space<vmem>> -> memref<16x128xf32, #tpu.memory_space<vmem>>
          tpu.wait_dma2 semaphore(%run_scoped3A : memref<!tpu.dma_semaphore, #tpu.memory_space<semaphore_mem>>) src(%dma_wait3A_172 : memref<16x128xf32, #tpu.memory_space<vmem>>) dst(%dma_wait3A_169 : memref<16x128xf32, #tpu.memory_space<vmem_shared>>)
          tpu.yield
        }) : () -> ()
        "tpu.region"() ({
          %run_scoped3A = tpu.sem_alloc : memref<!tpu.dma_semaphore, #tpu.memory_space<semaphore_mem>>
          %dma_start3A_149 = arith.constant 0 : i32
          %dma_start3A_150 = tpu.memref_slice %arg44[%dma_start3A_149] : memref<640xf32, #tpu.memory_space<vmem>> -> memref<16xf32, #tpu.memory_space<vmem>>
          %dma_start3A_151 = arith.constant 9984 : i32
          %dma_start3A_152 = tpu.memref_slice %arg46[%dma_start3A_151] : memref<10000xf32, #tpu.memory_space<vmem_shared>> -> memref<16xf32, #tpu.memory_space<vmem_shared>>
          %dma_start3A_153 = arith.constant 9984 : i32
          %dma_start3A_154 = tpu.memref_slice %arg46[%dma_start3A_153] : memref<10000xf32, #tpu.memory_space<vmem_shared>> -> memref<16xf32, #tpu.memory_space<vmem_shared>>
          %dma_start3A_155 = arith.constant 0 : i32
          %dma_start3A_156 = tpu.memref_slice %arg44[%dma_start3A_155] : memref<640xf32, #tpu.memory_space<vmem>> -> memref<16xf32, #tpu.memory_space<vmem>>
          tpu.enqueue_dma source(%dma_start3A_156 : memref<16xf32, #tpu.memory_space<vmem>>) target(%dma_start3A_154 : memref<16xf32, #tpu.memory_space<vmem_shared>>) target_semaphore(%run_scoped3A : memref<!tpu.dma_semaphore, #tpu.memory_space<semaphore_mem>>)
          %dma_wait3A_157 = arith.constant 0 : i32
          %dma_wait3A_158 = tpu.memref_slice %arg44[%dma_wait3A_157] : memref<640xf32, #tpu.memory_space<vmem>> -> memref<16xf32, #tpu.memory_space<vmem>>
          %dma_wait3A_159 = arith.constant 9984 : i32
          %dma_wait3A_160 = tpu.memref_slice %arg46[%dma_wait3A_159] : memref<10000xf32, #tpu.memory_space<vmem_shared>> -> memref<16xf32, #tpu.memory_space<vmem_shared>>
          %dma_wait3A_161 = arith.constant 9984 : i32
          %dma_wait3A_162 = tpu.memref_slice %arg46[%dma_wait3A_161] : memref<10000xf32, #tpu.memory_space<vmem_shared>> -> memref<16xf32, #tpu.memory_space<vmem_shared>>
          %dma_wait3A_163 = arith.constant 0 : i32
          %dma_wait3A_164 = tpu.memref_slice %arg44[%dma_wait3A_163] : memref<640xf32, #tpu.memory_space<vmem>> -> memref<16xf32, #tpu.memory_space<vmem>>
          tpu.wait_dma2 semaphore(%run_scoped3A : memref<!tpu.dma_semaphore, #tpu.memory_space<semaphore_mem>>) src(%dma_wait3A_164 : memref<16xf32, #tpu.memory_space<vmem>>) dst(%dma_wait3A_162 : memref<16xf32, #tpu.memory_space<vmem_shared>>)
          tpu.yield
        }) : () -> ()
      } else {
      }
      %barrier3A = arith.constant 0 : index
      tpu.barrier barrier_id(%barrier3A)
      %mul3A_44 = arith.constant 10080 : i32
      %mul3A_45 = arith.muli %arg1, %mul3A_44 : i32
      %mul3A_46 = arith.constant 2 : i32
      %mul3A_47 = arith.muli %mul3A_46, %mul3A_45 : i32
      %dma_start3A = tpu.memref_slice %arg6[%mul3A_47] : memref<322560xi32, #tpu.memory_space<hbm>> -> memref<224xi32, #tpu.memory_space<hbm>>
      %dma_start3A_48 = tpu.memref_slice %arg6[%mul3A_47] : memref<322560xi32, #tpu.memory_space<hbm>> -> memref<224xi32, #tpu.memory_space<hbm>>
      tpu.enqueue_dma source(%dma_start3A_48 : memref<224xi32, #tpu.memory_space<hbm>>) target(%arg11 : memref<224xi32, #tpu.memory_space<vmem>>) target_semaphore(%arg13 : memref<!tpu.dma_semaphore, #tpu.memory_space<semaphore_mem>>)
      %add3A_49 = arith.constant 112 : i32
      %add3A_50 = arith.addi %mul3A_45, %add3A_49 : i32
      %mul3A_51 = arith.constant 2 : i32
      %mul3A_52 = arith.muli %mul3A_51, %add3A_50 : i32
      %dma_start3A_53 = tpu.memref_slice %arg6[%mul3A_52] : memref<322560xi32, #tpu.memory_space<hbm>> -> memref<224xi32, #tpu.memory_space<hbm>>
      %dma_start3A_54 = tpu.memref_slice %arg6[%mul3A_52] : memref<322560xi32, #tpu.memory_space<hbm>> -> memref<224xi32, #tpu.memory_space<hbm>>
      tpu.enqueue_dma source(%dma_start3A_54 : memref<224xi32, #tpu.memory_space<hbm>>) target(%arg14 : memref<224xi32, #tpu.memory_space<vmem>>) target_semaphore(%arg16 : memref<!tpu.dma_semaphore, #tpu.memory_space<semaphore_mem>>)
      %mul3A_55 = arith.constant 2 : i32
      %mul3A_56 = arith.muli %mul3A_55, %mul3A_45 : i32
      %dma_wait3A = tpu.memref_slice %arg6[%mul3A_56] : memref<322560xi32, #tpu.memory_space<hbm>> -> memref<224xi32, #tpu.memory_space<hbm>>
      %dma_wait3A_57 = tpu.memref_slice %arg6[%mul3A_56] : memref<322560xi32, #tpu.memory_space<hbm>> -> memref<224xi32, #tpu.memory_space<hbm>>
      tpu.wait_dma2 semaphore(%arg13 : memref<!tpu.dma_semaphore, #tpu.memory_space<semaphore_mem>>) src(%dma_wait3A_57 : memref<224xi32, #tpu.memory_space<hbm>>) dst(%arg11 : memref<224xi32, #tpu.memory_space<vmem>>)
      %parallel_loop3A = arith.constant 0 : i32
      %parallel_loop3A_58 = arith.constant 7 : i32
      %parallel_loop3A_59 = arith.constant 1 : i32
      scf.for %parallel_loop3A_149 = %parallel_loop3A to %parallel_loop3A_58 step %parallel_loop3A_59  : i32 {
        %parallel_loop3A_150 = arith.constant 16 : i32
        %parallel_loop3A_151 = arith.muli %parallel_loop3A_149, %parallel_loop3A_150 : i32
        %parallel_loop3A_152 = arith.constant 16 : i32
        %parallel_loop3A_153 = arith.muli %parallel_loop3A_149, %parallel_loop3A_152 : i32
        %parallel_loop3A_154 = arith.constant 112 : i32
        %parallel_loop3A_155 = arith.addi %parallel_loop3A_154, %parallel_loop3A_153 : i32
        %parallel_loop3A_156 = arith.index_cast %parallel_loop3A_155 : i32 to index
        %parallel_loop3A_157 = tpu.vector_load %arg11[%parallel_loop3A_156] {strides = array<i32>} : memref<224xi32, #tpu.memory_space<vmem>>, vector<16xi32>,
        %parallel_loop3A_158 = arith.constant 10000 : i32
        %parallel_loop3A_159 = vector.broadcast %parallel_loop3A_158 : i32 to vector<16xi32>
        %parallel_loop3A_160 = arith.subi %parallel_loop3A_157, %parallel_loop3A_159 : vector<16xi32>
        %parallel_loop3A_161 = arith.index_cast %parallel_loop3A_151 : i32 to index
        %parallel_loop3A_162 = tpu.vector_load %arg12[%parallel_loop3A_161] {strides = array<i32>} : memref<112xi32, #tpu.memory_space<vmem>>, vector<16xi32>,
        tpu.vector_store %arg12[%parallel_loop3A_161], %parallel_loop3A_160 {strides = array<i32>} : memref<112xi32, #tpu.memory_space<vmem>>, vector<16xi32>,
      } {sc.loop_unroll_factor = 7 : i64, sc.parallel_access}
      %dma_start3A_60 = arith.constant 0 : i32
      %dma_start3A_61 = tpu.memref_slice %arg4[%dma_start3A_60] : memref<20000xf32, #tpu.memory_space<hbm>> -> memref<20000xf32, #tpu.memory_space<hbm>>
      tpu.enqueue_indirect_dma source(%dma_start3A_61 : memref<20000xf32, #tpu.memory_space<hbm>>) target(%arg20 : memref<224xf32, #tpu.memory_space<vmem>>) offsets(%arg11 : memref<224xi32, #tpu.memory_space<vmem>>) semaphore(%arg24 : memref<!tpu.dma_semaphore, #tpu.memory_space<semaphore_mem>>)
      %dma_start3A_62 = arith.constant 0 : i32
      %dma_start3A_63 = arith.constant 0 : i32
      %dma_start3A_64 = tpu.memref_slice %arg2[%dma_start3A_62, %dma_start3A_63] : memref<10000x128xf32, #tpu.memory_space<hbm>> -> memref<10000x128xf32, #tpu.memory_space<hbm>>
      tpu.enqueue_indirect_dma source(%dma_start3A_64 : memref<10000x128xf32, #tpu.memory_space<hbm>>) target(%arg22 : memref<112x128xf32, #tpu.memory_space<vmem>>) offsets(%arg12 : memref<112xi32, #tpu.memory_space<vmem>>) semaphore(%arg25 : memref<!tpu.dma_semaphore, #tpu.memory_space<semaphore_mem>>)
      %add3A_65 = arith.constant 224 : i32
      %add3A_66 = arith.addi %mul3A_45, %add3A_65 : i32
      %mul3A_67 = arith.constant 2 : i32
      %mul3A_68 = arith.muli %mul3A_67, %add3A_66 : i32
      %dma_start3A_69 = tpu.memref_slice %arg6[%mul3A_68] : memref<322560xi32, #tpu.memory_space<hbm>> -> memref<224xi32, #tpu.memory_space<hbm>>
      %dma_start3A_70 = tpu.memref_slice %arg6[%mul3A_68] : memref<322560xi32, #tpu.memory_space<hbm>> -> memref<224xi32, #tpu.memory_space<hbm>>
      tpu.enqueue_dma source(%dma_start3A_70 : memref<224xi32, #tpu.memory_space<hbm>>) target(%arg17 : memref<224xi32, #tpu.memory_space<vmem>>) target_semaphore(%arg19 : memref<!tpu.dma_semaphore, #tpu.memory_space<semaphore_mem>>)
      %add3A_71 = arith.constant 112 : i32
      %add3A_72 = arith.addi %mul3A_45, %add3A_71 : i32
      %mul3A_73 = arith.constant 2 : i32
      %mul3A_74 = arith.muli %mul3A_73, %add3A_72 : i32
      %dma_wait3A_75 = tpu.memref_slice %arg6[%mul3A_74] : memref<322560xi32, #tpu.memory_space<hbm>> -> memref<224xi32, #tpu.memory_space<hbm>>
      %dma_wait3A_76 = tpu.memref_slice %arg6[%mul3A_74] : memref<322560xi32, #tpu.memory_space<hbm>> -> memref<224xi32, #tpu.memory_space<hbm>>
      tpu.wait_dma2 semaphore(%arg16 : memref<!tpu.dma_semaphore, #tpu.memory_space<semaphore_mem>>) src(%dma_wait3A_76 : memref<224xi32, #tpu.memory_space<hbm>>) dst(%arg14 : memref<224xi32, #tpu.memory_space<vmem>>)
      %parallel_loop3A_77 = arith.constant 0 : i32
      %parallel_loop3A_78 = arith.constant 7 : i32
      %parallel_loop3A_79 = arith.constant 1 : i32
      scf.for %parallel_loop3A_149 = %parallel_loop3A_77 to %parallel_loop3A_78 step %parallel_loop3A_79  : i32 {
        %parallel_loop3A_150 = arith.constant 16 : i32
        %parallel_loop3A_151 = arith.muli %parallel_loop3A_149, %parallel_loop3A_150 : i32
        %parallel_loop3A_152 = arith.constant 16 : i32
        %parallel_loop3A_153 = arith.muli %parallel_loop3A_149, %parallel_loop3A_152 : i32
        %parallel_loop3A_154 = arith.constant 112 : i32
        %parallel_loop3A_155 = arith.addi %parallel_loop3A_154, %parallel_loop3A_153 : i32
        %parallel_loop3A_156 = arith.index_cast %parallel_loop3A_155 : i32 to index
        %parallel_loop3A_157 = tpu.vector_load %arg14[%parallel_loop3A_156] {strides = array<i32>} : memref<224xi32, #tpu.memory_space<vmem>>, vector<16xi32>,
        %parallel_loop3A_158 = arith.constant 10000 : i32
        %parallel_loop3A_159 = vector.broadcast %parallel_loop3A_158 : i32 to vector<16xi32>
        %parallel_loop3A_160 = arith.subi %parallel_loop3A_157, %parallel_loop3A_159 : vector<16xi32>
        %parallel_loop3A_161 = arith.index_cast %parallel_loop3A_151 : i32 to index
        %parallel_loop3A_162 = tpu.vector_load %arg15[%parallel_loop3A_161] {strides = array<i32>} : memref<112xi32, #tpu.memory_space<vmem>>, vector<16xi32>,
        tpu.vector_store %arg15[%parallel_loop3A_161], %parallel_loop3A_160 {strides = array<i32>} : memref<112xi32, #tpu.memory_space<vmem>>, vector<16xi32>,
      } {sc.loop_unroll_factor = 7 : i64, sc.parallel_access}
      %dma_start3A_80 = arith.constant 0 : i32
      %dma_start3A_81 = tpu.memref_slice %arg4[%dma_start3A_80] : memref<20000xf32, #tpu.memory_space<hbm>> -> memref<20000xf32, #tpu.memory_space<hbm>>
      tpu.enqueue_indirect_dma source(%dma_start3A_81 : memref<20000xf32, #tpu.memory_space<hbm>>) target(%arg28 : memref<224xf32, #tpu.memory_space<vmem>>) offsets(%arg14 : memref<224xi32, #tpu.memory_space<vmem>>) semaphore(%arg32 : memref<!tpu.dma_semaphore, #tpu.memory_space<semaphore_mem>>)
      %dma_start3A_82 = arith.constant 0 : i32
      %dma_start3A_83 = arith.constant 0 : i32
      %dma_start3A_84 = tpu.memref_slice %arg2[%dma_start3A_82, %dma_start3A_83] : memref<10000x128xf32, #tpu.memory_space<hbm>> -> memref<10000x128xf32, #tpu.memory_space<hbm>>
      tpu.enqueue_indirect_dma source(%dma_start3A_84 : memref<10000x128xf32, #tpu.memory_space<hbm>>) target(%arg30 : memref<112x128xf32, #tpu.memory_space<vmem>>) offsets(%arg15 : memref<112xi32, #tpu.memory_space<vmem>>) semaphore(%arg33 : memref<!tpu.dma_semaphore, #tpu.memory_space<semaphore_mem>>)
      %scan3A_85 = arith.constant 0 : i32
      %scan3A_86 = arith.constant 30 : i32
      %scan3A_87 = arith.addi %scan3A_85, %scan3A_86 : i32
      %scan3A_88 = arith.constant 1 : i32
      scf.for %scan3A_149 = %scan3A_85 to %scan3A_87 step %scan3A_88  : i32 {
        %mul3A_150 = arith.constant 1 : i32
        %mul3A_151 = arith.muli %scan3A_149, %mul3A_150 : i32
        %add3A_152 = arith.constant 0 : i32
        %add3A_153 = arith.addi %add3A_152, %mul3A_151 : i32
        %mul3A_154 = arith.constant 336 : i32
        %mul3A_155 = arith.muli %add3A_153, %mul3A_154 : i32
        %add3A_156 = arith.addi %mul3A_45, %mul3A_155 : i32
        %ge3A = arith.constant 29 : i32
        %ge3A_157 = arith.cmpi sge, %add3A_153, %ge3A : i32
        %dma_wait3A_158 = arith.constant 0 : i32
        %dma_wait3A_159 = tpu.memref_slice %arg4[%dma_wait3A_158] : memref<20000xf32, #tpu.memory_space<hbm>> -> memref<20000xf32, #tpu.memory_space<hbm>>
        tpu.wait_indirect_dma semaphore(%arg24 : memref<!tpu.dma_semaphore, #tpu.memory_space<semaphore_mem>>) src(%dma_wait3A_159 : memref<20000xf32, #tpu.memory_space<hbm>>) dst(%arg20 : memref<224xf32, #tpu.memory_space<vmem>>)
        %parallel_loop3A_160 = arith.constant 0 : i32
        %parallel_loop3A_161 = arith.constant 7 : i32
        %parallel_loop3A_162 = arith.constant 1 : i32
        scf.for %parallel_loop3A_262 = %parallel_loop3A_160 to %parallel_loop3A_161 step %parallel_loop3A_162  : i32 {
          %parallel_loop3A_263 = arith.constant 16 : i32
          %parallel_loop3A_264 = arith.muli %parallel_loop3A_262, %parallel_loop3A_263 : i32
          %parallel_loop3A_265 = arith.index_cast %parallel_loop3A_264 : i32 to index
          %parallel_loop3A_266 = tpu.vector_load %arg20[%parallel_loop3A_265] {strides = array<i32>} : memref<224xf32, #tpu.memory_space<vmem>>, vector<16xf32>,
          %parallel_loop3A_267 = arith.constant 16 : i32
          %parallel_loop3A_268 = arith.muli %parallel_loop3A_262, %parallel_loop3A_267 : i32
          %parallel_loop3A_269 = arith.constant 112 : i32
          %parallel_loop3A_270 = arith.addi %parallel_loop3A_269, %parallel_loop3A_268 : i32
          %parallel_loop3A_271 = arith.index_cast %parallel_loop3A_270 : i32 to index
          %parallel_loop3A_272 = tpu.vector_load %arg20[%parallel_loop3A_271] {strides = array<i32>} : memref<224xf32, #tpu.memory_space<vmem>>, vector<16xf32>,
          %parallel_loop3A_273 = arith.addf %parallel_loop3A_266, %parallel_loop3A_272 : vector<16xf32>
          %parallel_loop3A_274 = arith.constant 2.000000e-01 : f32
          %parallel_loop3A_275 = vector.broadcast %parallel_loop3A_274 : f32 to vector<16xf32>
          %parallel_loop3A_276 = arith.mulf %parallel_loop3A_275, %parallel_loop3A_273 : vector<16xf32>
          %parallel_loop3A_277 = arith.maximumf %parallel_loop3A_273, %parallel_loop3A_276 : vector<16xf32>
          %parallel_loop3A_278 = arith.constant 0.000000e+00 : f32
          %parallel_loop3A_279 = vector.broadcast %parallel_loop3A_278 : f32 to vector<16xf32>
          %parallel_loop3A_280 = arith.subf %parallel_loop3A_279, %parallel_loop3A_277 : vector<16xf32>
          %parallel_loop3A_281 = math.exp %parallel_loop3A_280 : vector<16xf32>
          %parallel_loop3A_282 = arith.constant 16 : i32
          %parallel_loop3A_283 = arith.muli %parallel_loop3A_262, %parallel_loop3A_282 : i32
          %parallel_loop3A_284 = arith.addi %add3A_156, %parallel_loop3A_283 : i32
          %parallel_loop3A_285 = tpu.iota {dimensions = array<i32: 0>} : vector<16xi32>
          %parallel_loop3A_286 = vector.broadcast %parallel_loop3A_284 : i32 to vector<16xi32>
          %parallel_loop3A_287 = arith.addi %parallel_loop3A_286, %parallel_loop3A_285 : vector<16xi32>
          %parallel_loop3A_288 = arith.constant 160000 : i32
          %parallel_loop3A_289 = vector.broadcast %parallel_loop3A_288 : i32 to vector<16xi32>
          %parallel_loop3A_290 = arith.cmpi slt, %parallel_loop3A_287, %parallel_loop3A_289 : vector<16xi32>
          %parallel_loop3A_291 = arith.constant 0.000000e+00 : f32
          %parallel_loop3A_292 = vector.broadcast %parallel_loop3A_291 : f32 to vector<16xf32>
          %parallel_loop3A_293 = arith.select %parallel_loop3A_290, %parallel_loop3A_281, %parallel_loop3A_292 : vector<16xi1>, vector<16xf32>
          %parallel_loop3A_294 = arith.index_cast %parallel_loop3A_264 : i32 to index
          %parallel_loop3A_295 = tpu.vector_load %arg21[%parallel_loop3A_294] {strides = array<i32>} : memref<112xf32, #tpu.memory_space<vmem>>, vector<16xf32>,
          tpu.vector_store %arg21[%parallel_loop3A_294], %parallel_loop3A_293 {strides = array<i32>} : memref<112xf32, #tpu.memory_space<vmem>>, vector<16xf32>,
          %parallel_loop3A_296 = arith.index_cast %parallel_loop3A_264 : i32 to index
          %parallel_loop3A_297 = tpu.vector_load %arg11[%parallel_loop3A_296] {strides = array<i32>} : memref<224xi32, #tpu.memory_space<vmem>>, vector<16xi32>,
          %parallel_loop3A_298 = arith.index_cast %parallel_loop3A_264 : i32 to index
          %parallel_loop3A_299 = tpu.vector_load %arg23[%parallel_loop3A_298] {strides = array<i32>} : memref<112xi32, #tpu.memory_space<vmem>>, vector<16xi32>,
          tpu.vector_store %arg23[%parallel_loop3A_298], %parallel_loop3A_297 {strides = array<i32>} : memref<112xi32, #tpu.memory_space<vmem>>, vector<16xi32>,
        } {sc.loop_unroll_factor = 7 : i64, sc.parallel_access}
        %dma_start3A_163 = arith.constant 0 : i32
        %dma_start3A_164 = tpu.memref_slice %arg46[%dma_start3A_163] : memref<10000xf32, #tpu.memory_space<vmem_shared>> -> memref<10000xf32, #tpu.memory_space<vmem_shared>>
        tpu.enqueue_indirect_dma source(%arg21 : memref<112xf32, #tpu.memory_space<vmem>>) target(%dma_start3A_164 : memref<10000xf32, #tpu.memory_space<vmem_shared>>) offsets(%arg23 : memref<112xi32, #tpu.memory_space<vmem>>) semaphore(%arg27 : memref<!tpu.dma_semaphore, #tpu.memory_space<semaphore_mem>>) {add = true}
        %dma_wait3A_165 = arith.constant 0 : i32
        %dma_wait3A_166 = arith.constant 0 : i32
        %dma_wait3A_167 = tpu.memref_slice %arg2[%dma_wait3A_165, %dma_wait3A_166] : memref<10000x128xf32, #tpu.memory_space<hbm>> -> memref<10000x128xf32, #tpu.memory_space<hbm>>
        tpu.wait_indirect_dma semaphore(%arg25 : memref<!tpu.dma_semaphore, #tpu.memory_space<semaphore_mem>>) src(%dma_wait3A_167 : memref<10000x128xf32, #tpu.memory_space<hbm>>) dst(%arg22 : memref<112x128xf32, #tpu.memory_space<vmem>>)
        %parallel_loop3A_168 = arith.constant 0 : i32
        %parallel_loop3A_169 = arith.constant 112 : i32
        %parallel_loop3A_170 = arith.constant 1 : i32
        scf.for %parallel_loop3A_262 = %parallel_loop3A_168 to %parallel_loop3A_169 step %parallel_loop3A_170  : i32 {
          %parallel_loop3A_263 = arith.constant 0 : i32
          %parallel_loop3A_264 = vector.broadcast %parallel_loop3A_263 : i32 to vector<16xi32>
          %parallel_loop3A_265 = vector.broadcast %parallel_loop3A_262 : i32 to vector<16xi32>
          %parallel_loop3A_266 = arith.addi %parallel_loop3A_264, %parallel_loop3A_265 : vector<16xi32>
          %parallel_loop3A_267 = tpu.vector_load_idx %arg21[%parallel_loop3A_266] : memref<112xf32, #tpu.memory_space<vmem>>[vector<16xi32>], vector<16xf32>,
          %parallel_loop3A_268 = arith.index_cast %parallel_loop3A_262 : i32 to index
          %parallel_loop3A_269 = arith.constant 0 : index
          %parallel_loop3A_270 = tpu.vector_load %arg22[%parallel_loop3A_268, %parallel_loop3A_269] {strides = array<i32>} : memref<112x128xf32, #tpu.memory_space<vmem>>, vector<16xf32>,
          %parallel_loop3A_271 = arith.mulf %parallel_loop3A_270, %parallel_loop3A_267 : vector<16xf32>
          %parallel_loop3A_272 = arith.index_cast %parallel_loop3A_262 : i32 to index
          %parallel_loop3A_273 = arith.constant 0 : index
          %parallel_loop3A_274 = tpu.vector_load %arg22[%parallel_loop3A_272, %parallel_loop3A_273] {strides = array<i32>} : memref<112x128xf32, #tpu.memory_space<vmem>>, vector<16xf32>,
          tpu.vector_store %arg22[%parallel_loop3A_272, %parallel_loop3A_273], %parallel_loop3A_271 {strides = array<i32>} : memref<112x128xf32, #tpu.memory_space<vmem>>, vector<16xf32>,
          %parallel_loop3A_275 = arith.index_cast %parallel_loop3A_262 : i32 to index
          %parallel_loop3A_276 = arith.constant 16 : index
          %parallel_loop3A_277 = tpu.vector_load %arg22[%parallel_loop3A_275, %parallel_loop3A_276] {strides = array<i32>} : memref<112x128xf32, #tpu.memory_space<vmem>>, vector<16xf32>,
          %parallel_loop3A_278 = arith.mulf %parallel_loop3A_277, %parallel_loop3A_267 : vector<16xf32>
          %parallel_loop3A_279 = arith.index_cast %parallel_loop3A_262 : i32 to index
          %parallel_loop3A_280 = arith.constant 16 : index
          %parallel_loop3A_281 = tpu.vector_load %arg22[%parallel_loop3A_279, %parallel_loop3A_280] {strides = array<i32>} : memref<112x128xf32, #tpu.memory_space<vmem>>, vector<16xf32>,
          tpu.vector_store %arg22[%parallel_loop3A_279, %parallel_loop3A_280], %parallel_loop3A_278 {strides = array<i32>} : memref<112x128xf32, #tpu.memory_space<vmem>>, vector<16xf32>,
          %parallel_loop3A_282 = arith.index_cast %parallel_loop3A_262 : i32 to index
          %parallel_loop3A_283 = arith.constant 32 : index
          %parallel_loop3A_284 = tpu.vector_load %arg22[%parallel_loop3A_282, %parallel_loop3A_283] {strides = array<i32>} : memref<112x128xf32, #tpu.memory_space<vmem>>, vector<16xf32>,
          %parallel_loop3A_285 = arith.mulf %parallel_loop3A_284, %parallel_loop3A_267 : vector<16xf32>
          %parallel_loop3A_286 = arith.index_cast %parallel_loop3A_262 : i32 to index
          %parallel_loop3A_287 = arith.constant 32 : index
          %parallel_loop3A_288 = tpu.vector_load %arg22[%parallel_loop3A_286, %parallel_loop3A_287] {strides = array<i32>} : memref<112x128xf32, #tpu.memory_space<vmem>>, vector<16xf32>,
          tpu.vector_store %arg22[%parallel_loop3A_286, %parallel_loop3A_287], %parallel_loop3A_285 {strides = array<i32>} : memref<112x128xf32, #tpu.memory_space<vmem>>, vector<16xf32>,
          %parallel_loop3A_289 = arith.index_cast %parallel_loop3A_262 : i32 to index
          %parallel_loop3A_290 = arith.constant 48 : index
          %parallel_loop3A_291 = tpu.vector_load %arg22[%parallel_loop3A_289, %parallel_loop3A_290] {strides = array<i32>} : memref<112x128xf32, #tpu.memory_space<vmem>>, vector<16xf32>,
          %parallel_loop3A_292 = arith.mulf %parallel_loop3A_291, %parallel_loop3A_267 : vector<16xf32>
          %parallel_loop3A_293 = arith.index_cast %parallel_loop3A_262 : i32 to index
          %parallel_loop3A_294 = arith.constant 48 : index
          %parallel_loop3A_295 = tpu.vector_load %arg22[%parallel_loop3A_293, %parallel_loop3A_294] {strides = array<i32>} : memref<112x128xf32, #tpu.memory_space<vmem>>, vector<16xf32>,
          tpu.vector_store %arg22[%parallel_loop3A_293, %parallel_loop3A_294], %parallel_loop3A_292 {strides = array<i32>} : memref<112x128xf32, #tpu.memory_space<vmem>>, vector<16xf32>,
          %parallel_loop3A_296 = arith.index_cast %parallel_loop3A_262 : i32 to index
          %parallel_loop3A_297 = arith.constant 64 : index
          %parallel_loop3A_298 = tpu.vector_load %arg22[%parallel_loop3A_296, %parallel_loop3A_297] {strides = array<i32>} : memref<112x128xf32, #tpu.memory_space<vmem>>, vector<16xf32>,
          %parallel_loop3A_299 = arith.mulf %parallel_loop3A_298, %parallel_loop3A_267 : vector<16xf32>
          %parallel_loop3A_300 = arith.index_cast %parallel_loop3A_262 : i32 to index
          %parallel_loop3A_301 = arith.constant 64 : index
          %parallel_loop3A_302 = tpu.vector_load %arg22[%parallel_loop3A_300, %parallel_loop3A_301] {strides = array<i32>} : memref<112x128xf32, #tpu.memory_space<vmem>>, vector<16xf32>,
          tpu.vector_store %arg22[%parallel_loop3A_300, %parallel_loop3A_301], %parallel_loop3A_299 {strides = array<i32>} : memref<112x128xf32, #tpu.memory_space<vmem>>, vector<16xf32>,
          %parallel_loop3A_303 = arith.index_cast %parallel_loop3A_262 : i32 to index
          %parallel_loop3A_304 = arith.constant 80 : index
          %parallel_loop3A_305 = tpu.vector_load %arg22[%parallel_loop3A_303, %parallel_loop3A_304] {strides = array<i32>} : memref<112x128xf32, #tpu.memory_space<vmem>>, vector<16xf32>,
          %parallel_loop3A_306 = arith.mulf %parallel_loop3A_305, %parallel_loop3A_267 : vector<16xf32>
          %parallel_loop3A_307 = arith.index_cast %parallel_loop3A_262 : i32 to index
          %parallel_loop3A_308 = arith.constant 80 : index
          %parallel_loop3A_309 = tpu.vector_load %arg22[%parallel_loop3A_307, %parallel_loop3A_308] {strides = array<i32>} : memref<112x128xf32, #tpu.memory_space<vmem>>, vector<16xf32>,
          tpu.vector_store %arg22[%parallel_loop3A_307, %parallel_loop3A_308], %parallel_loop3A_306 {strides = array<i32>} : memref<112x128xf32, #tpu.memory_space<vmem>>, vector<16xf32>,
          %parallel_loop3A_310 = arith.index_cast %parallel_loop3A_262 : i32 to index
          %parallel_loop3A_311 = arith.constant 96 : index
          %parallel_loop3A_312 = tpu.vector_load %arg22[%parallel_loop3A_310, %parallel_loop3A_311] {strides = array<i32>} : memref<112x128xf32, #tpu.memory_space<vmem>>, vector<16xf32>,
          %parallel_loop3A_313 = arith.mulf %parallel_loop3A_312, %parallel_loop3A_267 : vector<16xf32>
          %parallel_loop3A_314 = arith.index_cast %parallel_loop3A_262 : i32 to index
          %parallel_loop3A_315 = arith.constant 96 : index
          %parallel_loop3A_316 = tpu.vector_load %arg22[%parallel_loop3A_314, %parallel_loop3A_315] {strides = array<i32>} : memref<112x128xf32, #tpu.memory_space<vmem>>, vector<16xf32>,
          tpu.vector_store %arg22[%parallel_loop3A_314, %parallel_loop3A_315], %parallel_loop3A_313 {strides = array<i32>} : memref<112x128xf32, #tpu.memory_space<vmem>>, vector<16xf32>,
          %parallel_loop3A_317 = arith.index_cast %parallel_loop3A_262 : i32 to index
          %parallel_loop3A_318 = arith.constant 112 : index
          %parallel_loop3A_319 = tpu.vector_load %arg22[%parallel_loop3A_317, %parallel_loop3A_318] {strides = array<i32>} : memref<112x128xf32, #tpu.memory_space<vmem>>, vector<16xf32>,
          %parallel_loop3A_320 = arith.mulf %parallel_loop3A_319, %parallel_loop3A_267 : vector<16xf32>
          %parallel_loop3A_321 = arith.index_cast %parallel_loop3A_262 : i32 to index
          %parallel_loop3A_322 = arith.constant 112 : index
          %parallel_loop3A_323 = tpu.vector_load %arg22[%parallel_loop3A_321, %parallel_loop3A_322] {strides = array<i32>} : memref<112x128xf32, #tpu.memory_space<vmem>>, vector<16xf32>,
          tpu.vector_store %arg22[%parallel_loop3A_321, %parallel_loop3A_322], %parallel_loop3A_320 {strides = array<i32>} : memref<112x128xf32, #tpu.memory_space<vmem>>, vector<16xf32>,
        } {sc.loop_unroll_factor = 4 : i64, sc.parallel_access}
        %dma_start3A_171 = arith.constant 0 : i32
        %dma_start3A_172 = arith.constant 0 : i32
        %dma_start3A_173 = tpu.memref_slice %arg45[%dma_start3A_171, %dma_start3A_172] : memref<10000x128xf32, #tpu.memory_space<vmem_shared>> -> memref<10000x128xf32, #tpu.memory_space<vmem_shared>>
        tpu.enqueue_indirect_dma source(%arg22 : memref<112x128xf32, #tpu.memory_space<vmem>>) target(%dma_start3A_173 : memref<10000x128xf32, #tpu.memory_space<vmem_shared>>) offsets(%arg23 : memref<112xi32, #tpu.memory_space<vmem>>) semaphore(%arg26 : memref<!tpu.dma_semaphore, #tpu.memory_space<semaphore_mem>>) {add = true}
        %not3A = arith.constant true
        %not3A_174 = arith.xori %ge3A_157, %not3A : i1
        %convert_element_type3A_175 = arith.extui %not3A_174 : i1 to i32
        %cond3A_176 = arith.constant 0 : i32
        %cond3A_177 = arith.cmpi ne, %convert_element_type3A_175, %cond3A_176 : i32
        scf.if %cond3A_177 {
          %add3A_262 = arith.constant 336 : i32
          %add3A_263 = arith.addi %add3A_156, %add3A_262 : i32
          %mul3A_264 = arith.constant 2 : i32
          %mul3A_265 = arith.muli %mul3A_264, %add3A_263 : i32
          %dma_start3A_266 = tpu.memref_slice %arg6[%mul3A_265] : memref<322560xi32, #tpu.memory_space<hbm>> -> memref<224xi32, #tpu.memory_space<hbm>>
          %dma_start3A_267 = tpu.memref_slice %arg6[%mul3A_265] : memref<322560xi32, #tpu.memory_space<hbm>> -> memref<224xi32, #tpu.memory_space<hbm>>
          tpu.enqueue_dma source(%dma_start3A_267 : memref<224xi32, #tpu.memory_space<hbm>>) target(%arg11 : memref<224xi32, #tpu.memory_space<vmem>>) target_semaphore(%arg13 : memref<!tpu.dma_semaphore, #tpu.memory_space<semaphore_mem>>)
        } else {
        }
        %gt3A = arith.constant 0 : i32
        %gt3A_178 = arith.cmpi sgt, %add3A_153, %gt3A : i32
        %convert_element_type3A_179 = arith.extui %gt3A_178 : i1 to i32
        %cond3A_180 = arith.constant 0 : i32
        %cond3A_181 = arith.cmpi ne, %convert_element_type3A_179, %cond3A_180 : i32
        scf.if %cond3A_181 {
          %dma_wait3A_262 = arith.constant 0 : i32
          %dma_wait3A_263 = arith.constant 0 : i32
          %dma_wait3A_264 = tpu.memref_slice %arg45[%dma_wait3A_262, %dma_wait3A_263] : memref<10000x128xf32, #tpu.memory_space<vmem_shared>> -> memref<10000x128xf32, #tpu.memory_space<vmem_shared>>
          tpu.wait_indirect_dma semaphore(%arg42 : memref<!tpu.dma_semaphore, #tpu.memory_space<semaphore_mem>>) src(%arg38 : memref<112x128xf32, #tpu.memory_space<vmem>>) dst(%dma_wait3A_264 : memref<10000x128xf32, #tpu.memory_space<vmem_shared>>)
          %dma_wait3A_265 = arith.constant 0 : i32
          %dma_wait3A_266 = tpu.memref_slice %arg46[%dma_wait3A_265] : memref<10000xf32, #tpu.memory_space<vmem_shared>> -> memref<10000xf32, #tpu.memory_space<vmem_shared>>
          tpu.wait_indirect_dma semaphore(%arg43 : memref<!tpu.dma_semaphore, #tpu.memory_space<semaphore_mem>>) src(%arg37 : memref<112xf32, #tpu.memory_space<vmem>>) dst(%dma_wait3A_266 : memref<10000xf32, #tpu.memory_space<vmem_shared>>)
        } else {
        }
        %add3A_182 = arith.constant 224 : i32
        %add3A_183 = arith.addi %add3A_156, %add3A_182 : i32
        %mul3A_184 = arith.constant 2 : i32
        %mul3A_185 = arith.muli %mul3A_184, %add3A_183 : i32
        %dma_wait3A_186 = tpu.memref_slice %arg6[%mul3A_185] : memref<322560xi32, #tpu.memory_space<hbm>> -> memref<224xi32, #tpu.memory_space<hbm>>
        %dma_wait3A_187 = tpu.memref_slice %arg6[%mul3A_185] : memref<322560xi32, #tpu.memory_space<hbm>> -> memref<224xi32, #tpu.memory_space<hbm>>
        tpu.wait_dma2 semaphore(%arg19 : memref<!tpu.dma_semaphore, #tpu.memory_space<semaphore_mem>>) src(%dma_wait3A_187 : memref<224xi32, #tpu.memory_space<hbm>>) dst(%arg17 : memref<224xi32, #tpu.memory_space<vmem>>)
        %parallel_loop3A_188 = arith.constant 0 : i32
        %parallel_loop3A_189 = arith.constant 7 : i32
        %parallel_loop3A_190 = arith.constant 1 : i32
        scf.for %parallel_loop3A_262 = %parallel_loop3A_188 to %parallel_loop3A_189 step %parallel_loop3A_190  : i32 {
          %parallel_loop3A_263 = arith.constant 16 : i32
          %parallel_loop3A_264 = arith.muli %parallel_loop3A_262, %parallel_loop3A_263 : i32
          %parallel_loop3A_265 = arith.constant 16 : i32
          %parallel_loop3A_266 = arith.muli %parallel_loop3A_262, %parallel_loop3A_265 : i32
          %parallel_loop3A_267 = arith.constant 112 : i32
          %parallel_loop3A_268 = arith.addi %parallel_loop3A_267, %parallel_loop3A_266 : i32
          %parallel_loop3A_269 = arith.index_cast %parallel_loop3A_268 : i32 to index
          %parallel_loop3A_270 = tpu.vector_load %arg17[%parallel_loop3A_269] {strides = array<i32>} : memref<224xi32, #tpu.memory_space<vmem>>, vector<16xi32>,
          %parallel_loop3A_271 = arith.constant 10000 : i32
          %parallel_loop3A_272 = vector.broadcast %parallel_loop3A_271 : i32 to vector<16xi32>
          %parallel_loop3A_273 = arith.subi %parallel_loop3A_270, %parallel_loop3A_272 : vector<16xi32>
          %parallel_loop3A_274 = arith.index_cast %parallel_loop3A_264 : i32 to index
          %parallel_loop3A_275 = tpu.vector_load %arg18[%parallel_loop3A_274] {strides = array<i32>} : memref<112xi32, #tpu.memory_space<vmem>>, vector<16xi32>,
          tpu.vector_store %arg18[%parallel_loop3A_274], %parallel_loop3A_273 {strides = array<i32>} : memref<112xi32, #tpu.memory_space<vmem>>, vector<16xi32>,
        } {sc.loop_unroll_factor = 7 : i64, sc.parallel_access}
        %dma_start3A_191 = arith.constant 0 : i32
        %dma_start3A_192 = tpu.memref_slice %arg4[%dma_start3A_191] : memref<20000xf32, #tpu.memory_space<hbm>> -> memref<20000xf32, #tpu.memory_space<hbm>>
        tpu.enqueue_indirect_dma source(%dma_start3A_192 : memref<20000xf32, #tpu.memory_space<hbm>>) target(%arg36 : memref<224xf32, #tpu.memory_space<vmem>>) offsets(%arg17 : memref<224xi32, #tpu.memory_space<vmem>>) semaphore(%arg40 : memref<!tpu.dma_semaphore, #tpu.memory_space<semaphore_mem>>)
        %dma_start3A_193 = arith.constant 0 : i32
        %dma_start3A_194 = arith.constant 0 : i32
        %dma_start3A_195 = tpu.memref_slice %arg2[%dma_start3A_193, %dma_start3A_194] : memref<10000x128xf32, #tpu.memory_space<hbm>> -> memref<10000x128xf32, #tpu.memory_space<hbm>>
        tpu.enqueue_indirect_dma source(%dma_start3A_195 : memref<10000x128xf32, #tpu.memory_space<hbm>>) target(%arg38 : memref<112x128xf32, #tpu.memory_space<vmem>>) offsets(%arg18 : memref<112xi32, #tpu.memory_space<vmem>>) semaphore(%arg41 : memref<!tpu.dma_semaphore, #tpu.memory_space<semaphore_mem>>)
        %add3A_196 = arith.constant 112 : i32
        %add3A_197 = arith.addi %add3A_156, %add3A_196 : i32
        %dma_wait3A_198 = arith.constant 0 : i32
        %dma_wait3A_199 = tpu.memref_slice %arg4[%dma_wait3A_198] : memref<20000xf32, #tpu.memory_space<hbm>> -> memref<20000xf32, #tpu.memory_space<hbm>>
        tpu.wait_indirect_dma semaphore(%arg32 : memref<!tpu.dma_semaphore, #tpu.memory_space<semaphore_mem>>) src(%dma_wait3A_199 : memref<20000xf32, #tpu.memory_space<hbm>>) dst(%arg28 : memref<224xf32, #tpu.memory_space<vmem>>)
        %parallel_loop3A_200 = arith.constant 0 : i32
        %parallel_loop3A_201 = arith.constant 7 : i32
        %parallel_loop3A_202 = arith.constant 1 : i32
        scf.for %parallel_loop3A_262 = %parallel_loop3A_200 to %parallel_loop3A_201 step %parallel_loop3A_202  : i32 {
          %parallel_loop3A_263 = arith.constant 16 : i32
          %parallel_loop3A_264 = arith.muli %parallel_loop3A_262, %parallel_loop3A_263 : i32
          %parallel_loop3A_265 = arith.index_cast %parallel_loop3A_264 : i32 to index
          %parallel_loop3A_266 = tpu.vector_load %arg28[%parallel_loop3A_265] {strides = array<i32>} : memref<224xf32, #tpu.memory_space<vmem>>, vector<16xf32>,
          %parallel_loop3A_267 = arith.constant 16 : i32
          %parallel_loop3A_268 = arith.muli %parallel_loop3A_262, %parallel_loop3A_267 : i32
          %parallel_loop3A_269 = arith.constant 112 : i32
          %parallel_loop3A_270 = arith.addi %parallel_loop3A_269, %parallel_loop3A_268 : i32
          %parallel_loop3A_271 = arith.index_cast %parallel_loop3A_270 : i32 to index
          %parallel_loop3A_272 = tpu.vector_load %arg28[%parallel_loop3A_271] {strides = array<i32>} : memref<224xf32, #tpu.memory_space<vmem>>, vector<16xf32>,
          %parallel_loop3A_273 = arith.addf %parallel_loop3A_266, %parallel_loop3A_272 : vector<16xf32>
          %parallel_loop3A_274 = arith.constant 2.000000e-01 : f32
          %parallel_loop3A_275 = vector.broadcast %parallel_loop3A_274 : f32 to vector<16xf32>
          %parallel_loop3A_276 = arith.mulf %parallel_loop3A_275, %parallel_loop3A_273 : vector<16xf32>
          %parallel_loop3A_277 = arith.maximumf %parallel_loop3A_273, %parallel_loop3A_276 : vector<16xf32>
          %parallel_loop3A_278 = arith.constant 0.000000e+00 : f32
          %parallel_loop3A_279 = vector.broadcast %parallel_loop3A_278 : f32 to vector<16xf32>
          %parallel_loop3A_280 = arith.subf %parallel_loop3A_279, %parallel_loop3A_277 : vector<16xf32>
          %parallel_loop3A_281 = math.exp %parallel_loop3A_280 : vector<16xf32>
          %parallel_loop3A_282 = arith.constant 16 : i32
          %parallel_loop3A_283 = arith.muli %parallel_loop3A_262, %parallel_loop3A_282 : i32
          %parallel_loop3A_284 = arith.addi %add3A_197, %parallel_loop3A_283 : i32
          %parallel_loop3A_285 = tpu.iota {dimensions = array<i32: 0>} : vector<16xi32>
          %parallel_loop3A_286 = vector.broadcast %parallel_loop3A_284 : i32 to vector<16xi32>
          %parallel_loop3A_287 = arith.addi %parallel_loop3A_286, %parallel_loop3A_285 : vector<16xi32>
          %parallel_loop3A_288 = arith.constant 160000 : i32
          %parallel_loop3A_289 = vector.broadcast %parallel_loop3A_288 : i32 to vector<16xi32>
          %parallel_loop3A_290 = arith.cmpi slt, %parallel_loop3A_287, %parallel_loop3A_289 : vector<16xi32>
          %parallel_loop3A_291 = arith.constant 0.000000e+00 : f32
          %parallel_loop3A_292 = vector.broadcast %parallel_loop3A_291 : f32 to vector<16xf32>
          %parallel_loop3A_293 = arith.select %parallel_loop3A_290, %parallel_loop3A_281, %parallel_loop3A_292 : vector<16xi1>, vector<16xf32>
          %parallel_loop3A_294 = arith.index_cast %parallel_loop3A_264 : i32 to index
          %parallel_loop3A_295 = tpu.vector_load %arg29[%parallel_loop3A_294] {strides = array<i32>} : memref<112xf32, #tpu.memory_space<vmem>>, vector<16xf32>,
          tpu.vector_store %arg29[%parallel_loop3A_294], %parallel_loop3A_293 {strides = array<i32>} : memref<112xf32, #tpu.memory_space<vmem>>, vector<16xf32>,
          %parallel_loop3A_296 = arith.index_cast %parallel_loop3A_264 : i32 to index
          %parallel_loop3A_297 = tpu.vector_load %arg14[%parallel_loop3A_296] {strides = array<i32>} : memref<224xi32, #tpu.memory_space<vmem>>, vector<16xi32>,
          %parallel_loop3A_298 = arith.index_cast %parallel_loop3A_264 : i32 to index
          %parallel_loop3A_299 = tpu.vector_load %arg31[%parallel_loop3A_298] {strides = array<i32>} : memref<112xi32, #tpu.memory_space<vmem>>, vector<16xi32>,
          tpu.vector_store %arg31[%parallel_loop3A_298], %parallel_loop3A_297 {strides = array<i32>} : memref<112xi32, #tpu.memory_space<vmem>>, vector<16xi32>,
        } {sc.loop_unroll_factor = 7 : i64, sc.parallel_access}
        %dma_start3A_203 = arith.constant 0 : i32
        %dma_start3A_204 = tpu.memref_slice %arg46[%dma_start3A_203] : memref<10000xf32, #tpu.memory_space<vmem_shared>> -> memref<10000xf32, #tpu.memory_space<vmem_shared>>
        tpu.enqueue_indirect_dma source(%arg29 : memref<112xf32, #tpu.memory_space<vmem>>) target(%dma_start3A_204 : memref<10000xf32, #tpu.memory_space<vmem_shared>>) offsets(%arg31 : memref<112xi32, #tpu.memory_space<vmem>>) semaphore(%arg35 : memref<!tpu.dma_semaphore, #tpu.memory_space<semaphore_mem>>) {add = true}
        %dma_wait3A_205 = arith.constant 0 : i32
        %dma_wait3A_206 = arith.constant 0 : i32
        %dma_wait3A_207 = tpu.memref_slice %arg2[%dma_wait3A_205, %dma_wait3A_206] : memref<10000x128xf32, #tpu.memory_space<hbm>> -> memref<10000x128xf32, #tpu.memory_space<hbm>>
        tpu.wait_indirect_dma semaphore(%arg33 : memref<!tpu.dma_semaphore, #tpu.memory_space<semaphore_mem>>) src(%dma_wait3A_207 : memref<10000x128xf32, #tpu.memory_space<hbm>>) dst(%arg30 : memref<112x128xf32, #tpu.memory_space<vmem>>)
        %parallel_loop3A_208 = arith.constant 0 : i32
        %parallel_loop3A_209 = arith.constant 112 : i32
        %parallel_loop3A_210 = arith.constant 1 : i32
        scf.for %parallel_loop3A_262 = %parallel_loop3A_208 to %parallel_loop3A_209 step %parallel_loop3A_210  : i32 {
          %parallel_loop3A_263 = arith.constant 0 : i32
          %parallel_loop3A_264 = vector.broadcast %parallel_loop3A_263 : i32 to vector<16xi32>
          %parallel_loop3A_265 = vector.broadcast %parallel_loop3A_262 : i32 to vector<16xi32>
          %parallel_loop3A_266 = arith.addi %parallel_loop3A_264, %parallel_loop3A_265 : vector<16xi32>
          %parallel_loop3A_267 = tpu.vector_load_idx %arg29[%parallel_loop3A_266] : memref<112xf32, #tpu.memory_space<vmem>>[vector<16xi32>], vector<16xf32>,
          %parallel_loop3A_268 = arith.index_cast %parallel_loop3A_262 : i32 to index
          %parallel_loop3A_269 = arith.constant 0 : index
          %parallel_loop3A_270 = tpu.vector_load %arg30[%parallel_loop3A_268, %parallel_loop3A_269] {strides = array<i32>} : memref<112x128xf32, #tpu.memory_space<vmem>>, vector<16xf32>,
          %parallel_loop3A_271 = arith.mulf %parallel_loop3A_270, %parallel_loop3A_267 : vector<16xf32>
          %parallel_loop3A_272 = arith.index_cast %parallel_loop3A_262 : i32 to index
          %parallel_loop3A_273 = arith.constant 0 : index
          %parallel_loop3A_274 = tpu.vector_load %arg30[%parallel_loop3A_272, %parallel_loop3A_273] {strides = array<i32>} : memref<112x128xf32, #tpu.memory_space<vmem>>, vector<16xf32>,
          tpu.vector_store %arg30[%parallel_loop3A_272, %parallel_loop3A_273], %parallel_loop3A_271 {strides = array<i32>} : memref<112x128xf32, #tpu.memory_space<vmem>>, vector<16xf32>,
          %parallel_loop3A_275 = arith.index_cast %parallel_loop3A_262 : i32 to index
          %parallel_loop3A_276 = arith.constant 16 : index
          %parallel_loop3A_277 = tpu.vector_load %arg30[%parallel_loop3A_275, %parallel_loop3A_276] {strides = array<i32>} : memref<112x128xf32, #tpu.memory_space<vmem>>, vector<16xf32>,
          %parallel_loop3A_278 = arith.mulf %parallel_loop3A_277, %parallel_loop3A_267 : vector<16xf32>
          %parallel_loop3A_279 = arith.index_cast %parallel_loop3A_262 : i32 to index
          %parallel_loop3A_280 = arith.constant 16 : index
          %parallel_loop3A_281 = tpu.vector_load %arg30[%parallel_loop3A_279, %parallel_loop3A_280] {strides = array<i32>} : memref<112x128xf32, #tpu.memory_space<vmem>>, vector<16xf32>,
          tpu.vector_store %arg30[%parallel_loop3A_279, %parallel_loop3A_280], %parallel_loop3A_278 {strides = array<i32>} : memref<112x128xf32, #tpu.memory_space<vmem>>, vector<16xf32>,
          %parallel_loop3A_282 = arith.index_cast %parallel_loop3A_262 : i32 to index
          %parallel_loop3A_283 = arith.constant 32 : index
          %parallel_loop3A_284 = tpu.vector_load %arg30[%parallel_loop3A_282, %parallel_loop3A_283] {strides = array<i32>} : memref<112x128xf32, #tpu.memory_space<vmem>>, vector<16xf32>,
          %parallel_loop3A_285 = arith.mulf %parallel_loop3A_284, %parallel_loop3A_267 : vector<16xf32>
          %parallel_loop3A_286 = arith.index_cast %parallel_loop3A_262 : i32 to index
          %parallel_loop3A_287 = arith.constant 32 : index
          %parallel_loop3A_288 = tpu.vector_load %arg30[%parallel_loop3A_286, %parallel_loop3A_287] {strides = array<i32>} : memref<112x128xf32, #tpu.memory_space<vmem>>, vector<16xf32>,
          tpu.vector_store %arg30[%parallel_loop3A_286, %parallel_loop3A_287], %parallel_loop3A_285 {strides = array<i32>} : memref<112x128xf32, #tpu.memory_space<vmem>>, vector<16xf32>,
          %parallel_loop3A_289 = arith.index_cast %parallel_loop3A_262 : i32 to index
          %parallel_loop3A_290 = arith.constant 48 : index
          %parallel_loop3A_291 = tpu.vector_load %arg30[%parallel_loop3A_289, %parallel_loop3A_290] {strides = array<i32>} : memref<112x128xf32, #tpu.memory_space<vmem>>, vector<16xf32>,
          %parallel_loop3A_292 = arith.mulf %parallel_loop3A_291, %parallel_loop3A_267 : vector<16xf32>
          %parallel_loop3A_293 = arith.index_cast %parallel_loop3A_262 : i32 to index
          %parallel_loop3A_294 = arith.constant 48 : index
          %parallel_loop3A_295 = tpu.vector_load %arg30[%parallel_loop3A_293, %parallel_loop3A_294] {strides = array<i32>} : memref<112x128xf32, #tpu.memory_space<vmem>>, vector<16xf32>,
          tpu.vector_store %arg30[%parallel_loop3A_293, %parallel_loop3A_294], %parallel_loop3A_292 {strides = array<i32>} : memref<112x128xf32, #tpu.memory_space<vmem>>, vector<16xf32>,
          %parallel_loop3A_296 = arith.index_cast %parallel_loop3A_262 : i32 to index
          %parallel_loop3A_297 = arith.constant 64 : index
          %parallel_loop3A_298 = tpu.vector_load %arg30[%parallel_loop3A_296, %parallel_loop3A_297] {strides = array<i32>} : memref<112x128xf32, #tpu.memory_space<vmem>>, vector<16xf32>,
          %parallel_loop3A_299 = arith.mulf %parallel_loop3A_298, %parallel_loop3A_267 : vector<16xf32>
          %parallel_loop3A_300 = arith.index_cast %parallel_loop3A_262 : i32 to index
          %parallel_loop3A_301 = arith.constant 64 : index
          %parallel_loop3A_302 = tpu.vector_load %arg30[%parallel_loop3A_300, %parallel_loop3A_301] {strides = array<i32>} : memref<112x128xf32, #tpu.memory_space<vmem>>, vector<16xf32>,
          tpu.vector_store %arg30[%parallel_loop3A_300, %parallel_loop3A_301], %parallel_loop3A_299 {strides = array<i32>} : memref<112x128xf32, #tpu.memory_space<vmem>>, vector<16xf32>,
          %parallel_loop3A_303 = arith.index_cast %parallel_loop3A_262 : i32 to index
          %parallel_loop3A_304 = arith.constant 80 : index
          %parallel_loop3A_305 = tpu.vector_load %arg30[%parallel_loop3A_303, %parallel_loop3A_304] {strides = array<i32>} : memref<112x128xf32, #tpu.memory_space<vmem>>, vector<16xf32>,
          %parallel_loop3A_306 = arith.mulf %parallel_loop3A_305, %parallel_loop3A_267 : vector<16xf32>
          %parallel_loop3A_307 = arith.index_cast %parallel_loop3A_262 : i32 to index
          %parallel_loop3A_308 = arith.constant 80 : index
          %parallel_loop3A_309 = tpu.vector_load %arg30[%parallel_loop3A_307, %parallel_loop3A_308] {strides = array<i32>} : memref<112x128xf32, #tpu.memory_space<vmem>>, vector<16xf32>,
          tpu.vector_store %arg30[%parallel_loop3A_307, %parallel_loop3A_308], %parallel_loop3A_306 {strides = array<i32>} : memref<112x128xf32, #tpu.memory_space<vmem>>, vector<16xf32>,
          %parallel_loop3A_310 = arith.index_cast %parallel_loop3A_262 : i32 to index
          %parallel_loop3A_311 = arith.constant 96 : index
          %parallel_loop3A_312 = tpu.vector_load %arg30[%parallel_loop3A_310, %parallel_loop3A_311] {strides = array<i32>} : memref<112x128xf32, #tpu.memory_space<vmem>>, vector<16xf32>,
          %parallel_loop3A_313 = arith.mulf %parallel_loop3A_312, %parallel_loop3A_267 : vector<16xf32>
          %parallel_loop3A_314 = arith.index_cast %parallel_loop3A_262 : i32 to index
          %parallel_loop3A_315 = arith.constant 96 : index
          %parallel_loop3A_316 = tpu.vector_load %arg30[%parallel_loop3A_314, %parallel_loop3A_315] {strides = array<i32>} : memref<112x128xf32, #tpu.memory_space<vmem>>, vector<16xf32>,
          tpu.vector_store %arg30[%parallel_loop3A_314, %parallel_loop3A_315], %parallel_loop3A_313 {strides = array<i32>} : memref<112x128xf32, #tpu.memory_space<vmem>>, vector<16xf32>,
          %parallel_loop3A_317 = arith.index_cast %parallel_loop3A_262 : i32 to index
          %parallel_loop3A_318 = arith.constant 112 : index
          %parallel_loop3A_319 = tpu.vector_load %arg30[%parallel_loop3A_317, %parallel_loop3A_318] {strides = array<i32>} : memref<112x128xf32, #tpu.memory_space<vmem>>, vector<16xf32>,
          %parallel_loop3A_320 = arith.mulf %parallel_loop3A_319, %parallel_loop3A_267 : vector<16xf32>
          %parallel_loop3A_321 = arith.index_cast %parallel_loop3A_262 : i32 to index
          %parallel_loop3A_322 = arith.constant 112 : index
          %parallel_loop3A_323 = tpu.vector_load %arg30[%parallel_loop3A_321, %parallel_loop3A_322] {strides = array<i32>} : memref<112x128xf32, #tpu.memory_space<vmem>>, vector<16xf32>,
          tpu.vector_store %arg30[%parallel_loop3A_321, %parallel_loop3A_322], %parallel_loop3A_320 {strides = array<i32>} : memref<112x128xf32, #tpu.memory_space<vmem>>, vector<16xf32>,
        } {sc.loop_unroll_factor = 4 : i64, sc.parallel_access}
        %dma_start3A_211 = arith.constant 0 : i32
        %dma_start3A_212 = arith.constant 0 : i32
        %dma_start3A_213 = tpu.memref_slice %arg45[%dma_start3A_211, %dma_start3A_212] : memref<10000x128xf32, #tpu.memory_space<vmem_shared>> -> memref<10000x128xf32, #tpu.memory_space<vmem_shared>>
        tpu.enqueue_indirect_dma source(%arg30 : memref<112x128xf32, #tpu.memory_space<vmem>>) target(%dma_start3A_213 : memref<10000x128xf32, #tpu.memory_space<vmem_shared>>) offsets(%arg31 : memref<112xi32, #tpu.memory_space<vmem>>) semaphore(%arg34 : memref<!tpu.dma_semaphore, #tpu.memory_space<semaphore_mem>>) {add = true}
        %not3A_214 = arith.constant true
        %not3A_215 = arith.xori %ge3A_157, %not3A_214 : i1
        %convert_element_type3A_216 = arith.extui %not3A_215 : i1 to i32
        %cond3A_217 = arith.constant 0 : i32
        %cond3A_218 = arith.cmpi ne, %convert_element_type3A_216, %cond3A_217 : i32
        scf.if %cond3A_218 {
          %add3A_262 = arith.constant 448 : i32
          %add3A_263 = arith.addi %add3A_156, %add3A_262 : i32
          %mul3A_264 = arith.constant 2 : i32
          %mul3A_265 = arith.muli %mul3A_264, %add3A_263 : i32
          %dma_start3A_266 = tpu.memref_slice %arg6[%mul3A_265] : memref<322560xi32, #tpu.memory_space<hbm>> -> memref<224xi32, #tpu.memory_space<hbm>>
          %dma_start3A_267 = tpu.memref_slice %arg6[%mul3A_265] : memref<322560xi32, #tpu.memory_space<hbm>> -> memref<224xi32, #tpu.memory_space<hbm>>
          tpu.enqueue_dma source(%dma_start3A_267 : memref<224xi32, #tpu.memory_space<hbm>>) target(%arg14 : memref<224xi32, #tpu.memory_space<vmem>>) target_semaphore(%arg16 : memref<!tpu.dma_semaphore, #tpu.memory_space<semaphore_mem>>)
        } else {
        }
        %dma_wait3A_219 = arith.constant 0 : i32
        %dma_wait3A_220 = arith.constant 0 : i32
        %dma_wait3A_221 = tpu.memref_slice %arg45[%dma_wait3A_219, %dma_wait3A_220] : memref<10000x128xf32, #tpu.memory_space<vmem_shared>> -> memref<10000x128xf32, #tpu.memory_space<vmem_shared>>
        tpu.wait_indirect_dma semaphore(%arg26 : memref<!tpu.dma_semaphore, #tpu.memory_space<semaphore_mem>>) src(%arg22 : memref<112x128xf32, #tpu.memory_space<vmem>>) dst(%dma_wait3A_221 : memref<10000x128xf32, #tpu.memory_space<vmem_shared>>)
        %dma_wait3A_222 = arith.constant 0 : i32
        %dma_wait3A_223 = tpu.memref_slice %arg46[%dma_wait3A_222] : memref<10000xf32, #tpu.memory_space<vmem_shared>> -> memref<10000xf32, #tpu.memory_space<vmem_shared>>
        tpu.wait_indirect_dma semaphore(%arg27 : memref<!tpu.dma_semaphore, #tpu.memory_space<semaphore_mem>>) src(%arg21 : memref<112xf32, #tpu.memory_space<vmem>>) dst(%dma_wait3A_223 : memref<10000xf32, #tpu.memory_space<vmem_shared>>)
        %not3A_224 = arith.constant true
        %not3A_225 = arith.xori %ge3A_157, %not3A_224 : i1
        %convert_element_type3A_226 = arith.extui %not3A_225 : i1 to i32
        %cond3A_227 = arith.constant 0 : i32
        %cond3A_228 = arith.cmpi ne, %convert_element_type3A_226, %cond3A_227 : i32
        scf.if %cond3A_228 {
          %add3A_262 = arith.constant 336 : i32
          %add3A_263 = arith.addi %add3A_156, %add3A_262 : i32
          %mul3A_264 = arith.constant 2 : i32
          %mul3A_265 = arith.muli %mul3A_264, %add3A_263 : i32
          %dma_wait3A_266 = tpu.memref_slice %arg6[%mul3A_265] : memref<322560xi32, #tpu.memory_space<hbm>> -> memref<224xi32, #tpu.memory_space<hbm>>
          %dma_wait3A_267 = tpu.memref_slice %arg6[%mul3A_265] : memref<322560xi32, #tpu.memory_space<hbm>> -> memref<224xi32, #tpu.memory_space<hbm>>
          tpu.wait_dma2 semaphore(%arg13 : memref<!tpu.dma_semaphore, #tpu.memory_space<semaphore_mem>>) src(%dma_wait3A_267 : memref<224xi32, #tpu.memory_space<hbm>>) dst(%arg11 : memref<224xi32, #tpu.memory_space<vmem>>)
          %parallel_loop3A_268 = arith.constant 0 : i32
          %parallel_loop3A_269 = arith.constant 7 : i32
          %parallel_loop3A_270 = arith.constant 1 : i32
          scf.for %parallel_loop3A_276 = %parallel_loop3A_268 to %parallel_loop3A_269 step %parallel_loop3A_270  : i32 {
            %parallel_loop3A_277 = arith.constant 16 : i32
            %parallel_loop3A_278 = arith.muli %parallel_loop3A_276, %parallel_loop3A_277 : i32
            %parallel_loop3A_279 = arith.constant 16 : i32
            %parallel_loop3A_280 = arith.muli %parallel_loop3A_276, %parallel_loop3A_279 : i32
            %parallel_loop3A_281 = arith.constant 112 : i32
            %parallel_loop3A_282 = arith.addi %parallel_loop3A_281, %parallel_loop3A_280 : i32
            %parallel_loop3A_283 = arith.index_cast %parallel_loop3A_282 : i32 to index
            %parallel_loop3A_284 = tpu.vector_load %arg11[%parallel_loop3A_283] {strides = array<i32>} : memref<224xi32, #tpu.memory_space<vmem>>, vector<16xi32>,
            %parallel_loop3A_285 = arith.constant 10000 : i32
            %parallel_loop3A_286 = vector.broadcast %parallel_loop3A_285 : i32 to vector<16xi32>
            %parallel_loop3A_287 = arith.subi %parallel_loop3A_284, %parallel_loop3A_286 : vector<16xi32>
            %parallel_loop3A_288 = arith.index_cast %parallel_loop3A_278 : i32 to index
            %parallel_loop3A_289 = tpu.vector_load %arg12[%parallel_loop3A_288] {strides = array<i32>} : memref<112xi32, #tpu.memory_space<vmem>>, vector<16xi32>,
            tpu.vector_store %arg12[%parallel_loop3A_288], %parallel_loop3A_287 {strides = array<i32>} : memref<112xi32, #tpu.memory_space<vmem>>, vector<16xi32>,
          } {sc.loop_unroll_factor = 7 : i64, sc.parallel_access}
          %dma_start3A_271 = arith.constant 0 : i32
          %dma_start3A_272 = tpu.memref_slice %arg4[%dma_start3A_271] : memref<20000xf32, #tpu.memory_space<hbm>> -> memref<20000xf32, #tpu.memory_space<hbm>>
          tpu.enqueue_indirect_dma source(%dma_start3A_272 : memref<20000xf32, #tpu.memory_space<hbm>>) target(%arg20 : memref<224xf32, #tpu.memory_space<vmem>>) offsets(%arg11 : memref<224xi32, #tpu.memory_space<vmem>>) semaphore(%arg24 : memref<!tpu.dma_semaphore, #tpu.memory_space<semaphore_mem>>)
          %dma_start3A_273 = arith.constant 0 : i32
          %dma_start3A_274 = arith.constant 0 : i32
          %dma_start3A_275 = tpu.memref_slice %arg2[%dma_start3A_273, %dma_start3A_274] : memref<10000x128xf32, #tpu.memory_space<hbm>> -> memref<10000x128xf32, #tpu.memory_space<hbm>>
          tpu.enqueue_indirect_dma source(%dma_start3A_275 : memref<10000x128xf32, #tpu.memory_space<hbm>>) target(%arg22 : memref<112x128xf32, #tpu.memory_space<vmem>>) offsets(%arg12 : memref<112xi32, #tpu.memory_space<vmem>>) semaphore(%arg25 : memref<!tpu.dma_semaphore, #tpu.memory_space<semaphore_mem>>)
        } else {
        }
        %add3A_229 = arith.constant 224 : i32
        %add3A_230 = arith.addi %add3A_156, %add3A_229 : i32
        %dma_wait3A_231 = arith.constant 0 : i32
        %dma_wait3A_232 = tpu.memref_slice %arg4[%dma_wait3A_231] : memref<20000xf32, #tpu.memory_space<hbm>> -> memref<20000xf32, #tpu.memory_space<hbm>>
        tpu.wait_indirect_dma semaphore(%arg40 : memref<!tpu.dma_semaphore, #tpu.memory_space<semaphore_mem>>) src(%dma_wait3A_232 : memref<20000xf32, #tpu.memory_space<hbm>>) dst(%arg36 : memref<224xf32, #tpu.memory_space<vmem>>)
        %parallel_loop3A_233 = arith.constant 0 : i32
        %parallel_loop3A_234 = arith.constant 7 : i32
        %parallel_loop3A_235 = arith.constant 1 : i32
        scf.for %parallel_loop3A_262 = %parallel_loop3A_233 to %parallel_loop3A_234 step %parallel_loop3A_235  : i32 {
          %parallel_loop3A_263 = arith.constant 16 : i32
          %parallel_loop3A_264 = arith.muli %parallel_loop3A_262, %parallel_loop3A_263 : i32
          %parallel_loop3A_265 = arith.index_cast %parallel_loop3A_264 : i32 to index
          %parallel_loop3A_266 = tpu.vector_load %arg36[%parallel_loop3A_265] {strides = array<i32>} : memref<224xf32, #tpu.memory_space<vmem>>, vector<16xf32>,
          %parallel_loop3A_267 = arith.constant 16 : i32
          %parallel_loop3A_268 = arith.muli %parallel_loop3A_262, %parallel_loop3A_267 : i32
          %parallel_loop3A_269 = arith.constant 112 : i32
          %parallel_loop3A_270 = arith.addi %parallel_loop3A_269, %parallel_loop3A_268 : i32
          %parallel_loop3A_271 = arith.index_cast %parallel_loop3A_270 : i32 to index
          %parallel_loop3A_272 = tpu.vector_load %arg36[%parallel_loop3A_271] {strides = array<i32>} : memref<224xf32, #tpu.memory_space<vmem>>, vector<16xf32>,
          %parallel_loop3A_273 = arith.addf %parallel_loop3A_266, %parallel_loop3A_272 : vector<16xf32>
          %parallel_loop3A_274 = arith.constant 2.000000e-01 : f32
          %parallel_loop3A_275 = vector.broadcast %parallel_loop3A_274 : f32 to vector<16xf32>
          %parallel_loop3A_276 = arith.mulf %parallel_loop3A_275, %parallel_loop3A_273 : vector<16xf32>
          %parallel_loop3A_277 = arith.maximumf %parallel_loop3A_273, %parallel_loop3A_276 : vector<16xf32>
          %parallel_loop3A_278 = arith.constant 0.000000e+00 : f32
          %parallel_loop3A_279 = vector.broadcast %parallel_loop3A_278 : f32 to vector<16xf32>
          %parallel_loop3A_280 = arith.subf %parallel_loop3A_279, %parallel_loop3A_277 : vector<16xf32>
          %parallel_loop3A_281 = math.exp %parallel_loop3A_280 : vector<16xf32>
          %parallel_loop3A_282 = arith.constant 16 : i32
          %parallel_loop3A_283 = arith.muli %parallel_loop3A_262, %parallel_loop3A_282 : i32
          %parallel_loop3A_284 = arith.addi %add3A_230, %parallel_loop3A_283 : i32
          %parallel_loop3A_285 = tpu.iota {dimensions = array<i32: 0>} : vector<16xi32>
          %parallel_loop3A_286 = vector.broadcast %parallel_loop3A_284 : i32 to vector<16xi32>
          %parallel_loop3A_287 = arith.addi %parallel_loop3A_286, %parallel_loop3A_285 : vector<16xi32>
          %parallel_loop3A_288 = arith.constant 160000 : i32
          %parallel_loop3A_289 = vector.broadcast %parallel_loop3A_288 : i32 to vector<16xi32>
          %parallel_loop3A_290 = arith.cmpi slt, %parallel_loop3A_287, %parallel_loop3A_289 : vector<16xi32>
          %parallel_loop3A_291 = arith.constant 0.000000e+00 : f32
          %parallel_loop3A_292 = vector.broadcast %parallel_loop3A_291 : f32 to vector<16xf32>
          %parallel_loop3A_293 = arith.select %parallel_loop3A_290, %parallel_loop3A_281, %parallel_loop3A_292 : vector<16xi1>, vector<16xf32>
          %parallel_loop3A_294 = arith.index_cast %parallel_loop3A_264 : i32 to index
          %parallel_loop3A_295 = tpu.vector_load %arg37[%parallel_loop3A_294] {strides = array<i32>} : memref<112xf32, #tpu.memory_space<vmem>>, vector<16xf32>,
          tpu.vector_store %arg37[%parallel_loop3A_294], %parallel_loop3A_293 {strides = array<i32>} : memref<112xf32, #tpu.memory_space<vmem>>, vector<16xf32>,
          %parallel_loop3A_296 = arith.index_cast %parallel_loop3A_264 : i32 to index
          %parallel_loop3A_297 = tpu.vector_load %arg17[%parallel_loop3A_296] {strides = array<i32>} : memref<224xi32, #tpu.memory_space<vmem>>, vector<16xi32>,
          %parallel_loop3A_298 = arith.index_cast %parallel_loop3A_264 : i32 to index
          %parallel_loop3A_299 = tpu.vector_load %arg39[%parallel_loop3A_298] {strides = array<i32>} : memref<112xi32, #tpu.memory_space<vmem>>, vector<16xi32>,
          tpu.vector_store %arg39[%parallel_loop3A_298], %parallel_loop3A_297 {strides = array<i32>} : memref<112xi32, #tpu.memory_space<vmem>>, vector<16xi32>,
        } {sc.loop_unroll_factor = 7 : i64, sc.parallel_access}
        %dma_start3A_236 = arith.constant 0 : i32
        %dma_start3A_237 = tpu.memref_slice %arg46[%dma_start3A_236] : memref<10000xf32, #tpu.memory_space<vmem_shared>> -> memref<10000xf32, #tpu.memory_space<vmem_shared>>
        tpu.enqueue_indirect_dma source(%arg37 : memref<112xf32, #tpu.memory_space<vmem>>) target(%dma_start3A_237 : memref<10000xf32, #tpu.memory_space<vmem_shared>>) offsets(%arg39 : memref<112xi32, #tpu.memory_space<vmem>>) semaphore(%arg43 : memref<!tpu.dma_semaphore, #tpu.memory_space<semaphore_mem>>) {add = true}
        %dma_wait3A_238 = arith.constant 0 : i32
        %dma_wait3A_239 = arith.constant 0 : i32
        %dma_wait3A_240 = tpu.memref_slice %arg2[%dma_wait3A_238, %dma_wait3A_239] : memref<10000x128xf32, #tpu.memory_space<hbm>> -> memref<10000x128xf32, #tpu.memory_space<hbm>>
        tpu.wait_indirect_dma semaphore(%arg41 : memref<!tpu.dma_semaphore, #tpu.memory_space<semaphore_mem>>) src(%dma_wait3A_240 : memref<10000x128xf32, #tpu.memory_space<hbm>>) dst(%arg38 : memref<112x128xf32, #tpu.memory_space<vmem>>)
        %parallel_loop3A_241 = arith.constant 0 : i32
        %parallel_loop3A_242 = arith.constant 112 : i32
        %parallel_loop3A_243 = arith.constant 1 : i32
        scf.for %parallel_loop3A_262 = %parallel_loop3A_241 to %parallel_loop3A_242 step %parallel_loop3A_243  : i32 {
          %parallel_loop3A_263 = arith.constant 0 : i32
          %parallel_loop3A_264 = vector.broadcast %parallel_loop3A_263 : i32 to vector<16xi32>
          %parallel_loop3A_265 = vector.broadcast %parallel_loop3A_262 : i32 to vector<16xi32>
          %parallel_loop3A_266 = arith.addi %parallel_loop3A_264, %parallel_loop3A_265 : vector<16xi32>
          %parallel_loop3A_267 = tpu.vector_load_idx %arg37[%parallel_loop3A_266] : memref<112xf32, #tpu.memory_space<vmem>>[vector<16xi32>], vector<16xf32>,
          %parallel_loop3A_268 = arith.index_cast %parallel_loop3A_262 : i32 to index
          %parallel_loop3A_269 = arith.constant 0 : index
          %parallel_loop3A_270 = tpu.vector_load %arg38[%parallel_loop3A_268, %parallel_loop3A_269] {strides = array<i32>} : memref<112x128xf32, #tpu.memory_space<vmem>>, vector<16xf32>,
          %parallel_loop3A_271 = arith.mulf %parallel_loop3A_270, %parallel_loop3A_267 : vector<16xf32>
          %parallel_loop3A_272 = arith.index_cast %parallel_loop3A_262 : i32 to index
          %parallel_loop3A_273 = arith.constant 0 : index
          %parallel_loop3A_274 = tpu.vector_load %arg38[%parallel_loop3A_272, %parallel_loop3A_273] {strides = array<i32>} : memref<112x128xf32, #tpu.memory_space<vmem>>, vector<16xf32>,
          tpu.vector_store %arg38[%parallel_loop3A_272, %parallel_loop3A_273], %parallel_loop3A_271 {strides = array<i32>} : memref<112x128xf32, #tpu.memory_space<vmem>>, vector<16xf32>,
          %parallel_loop3A_275 = arith.index_cast %parallel_loop3A_262 : i32 to index
          %parallel_loop3A_276 = arith.constant 16 : index
          %parallel_loop3A_277 = tpu.vector_load %arg38[%parallel_loop3A_275, %parallel_loop3A_276] {strides = array<i32>} : memref<112x128xf32, #tpu.memory_space<vmem>>, vector<16xf32>,
          %parallel_loop3A_278 = arith.mulf %parallel_loop3A_277, %parallel_loop3A_267 : vector<16xf32>
          %parallel_loop3A_279 = arith.index_cast %parallel_loop3A_262 : i32 to index
          %parallel_loop3A_280 = arith.constant 16 : index
          %parallel_loop3A_281 = tpu.vector_load %arg38[%parallel_loop3A_279, %parallel_loop3A_280] {strides = array<i32>} : memref<112x128xf32, #tpu.memory_space<vmem>>, vector<16xf32>,
          tpu.vector_store %arg38[%parallel_loop3A_279, %parallel_loop3A_280], %parallel_loop3A_278 {strides = array<i32>} : memref<112x128xf32, #tpu.memory_space<vmem>>, vector<16xf32>,
          %parallel_loop3A_282 = arith.index_cast %parallel_loop3A_262 : i32 to index
          %parallel_loop3A_283 = arith.constant 32 : index
          %parallel_loop3A_284 = tpu.vector_load %arg38[%parallel_loop3A_282, %parallel_loop3A_283] {strides = array<i32>} : memref<112x128xf32, #tpu.memory_space<vmem>>, vector<16xf32>,
          %parallel_loop3A_285 = arith.mulf %parallel_loop3A_284, %parallel_loop3A_267 : vector<16xf32>
          %parallel_loop3A_286 = arith.index_cast %parallel_loop3A_262 : i32 to index
          %parallel_loop3A_287 = arith.constant 32 : index
          %parallel_loop3A_288 = tpu.vector_load %arg38[%parallel_loop3A_286, %parallel_loop3A_287] {strides = array<i32>} : memref<112x128xf32, #tpu.memory_space<vmem>>, vector<16xf32>,
          tpu.vector_store %arg38[%parallel_loop3A_286, %parallel_loop3A_287], %parallel_loop3A_285 {strides = array<i32>} : memref<112x128xf32, #tpu.memory_space<vmem>>, vector<16xf32>,
          %parallel_loop3A_289 = arith.index_cast %parallel_loop3A_262 : i32 to index
          %parallel_loop3A_290 = arith.constant 48 : index
          %parallel_loop3A_291 = tpu.vector_load %arg38[%parallel_loop3A_289, %parallel_loop3A_290] {strides = array<i32>} : memref<112x128xf32, #tpu.memory_space<vmem>>, vector<16xf32>,
          %parallel_loop3A_292 = arith.mulf %parallel_loop3A_291, %parallel_loop3A_267 : vector<16xf32>
          %parallel_loop3A_293 = arith.index_cast %parallel_loop3A_262 : i32 to index
          %parallel_loop3A_294 = arith.constant 48 : index
          %parallel_loop3A_295 = tpu.vector_load %arg38[%parallel_loop3A_293, %parallel_loop3A_294] {strides = array<i32>} : memref<112x128xf32, #tpu.memory_space<vmem>>, vector<16xf32>,
          tpu.vector_store %arg38[%parallel_loop3A_293, %parallel_loop3A_294], %parallel_loop3A_292 {strides = array<i32>} : memref<112x128xf32, #tpu.memory_space<vmem>>, vector<16xf32>,
          %parallel_loop3A_296 = arith.index_cast %parallel_loop3A_262 : i32 to index
          %parallel_loop3A_297 = arith.constant 64 : index
          %parallel_loop3A_298 = tpu.vector_load %arg38[%parallel_loop3A_296, %parallel_loop3A_297] {strides = array<i32>} : memref<112x128xf32, #tpu.memory_space<vmem>>, vector<16xf32>,
          %parallel_loop3A_299 = arith.mulf %parallel_loop3A_298, %parallel_loop3A_267 : vector<16xf32>
          %parallel_loop3A_300 = arith.index_cast %parallel_loop3A_262 : i32 to index
          %parallel_loop3A_301 = arith.constant 64 : index
          %parallel_loop3A_302 = tpu.vector_load %arg38[%parallel_loop3A_300, %parallel_loop3A_301] {strides = array<i32>} : memref<112x128xf32, #tpu.memory_space<vmem>>, vector<16xf32>,
          tpu.vector_store %arg38[%parallel_loop3A_300, %parallel_loop3A_301], %parallel_loop3A_299 {strides = array<i32>} : memref<112x128xf32, #tpu.memory_space<vmem>>, vector<16xf32>,
          %parallel_loop3A_303 = arith.index_cast %parallel_loop3A_262 : i32 to index
          %parallel_loop3A_304 = arith.constant 80 : index
          %parallel_loop3A_305 = tpu.vector_load %arg38[%parallel_loop3A_303, %parallel_loop3A_304] {strides = array<i32>} : memref<112x128xf32, #tpu.memory_space<vmem>>, vector<16xf32>,
          %parallel_loop3A_306 = arith.mulf %parallel_loop3A_305, %parallel_loop3A_267 : vector<16xf32>
          %parallel_loop3A_307 = arith.index_cast %parallel_loop3A_262 : i32 to index
          %parallel_loop3A_308 = arith.constant 80 : index
          %parallel_loop3A_309 = tpu.vector_load %arg38[%parallel_loop3A_307, %parallel_loop3A_308] {strides = array<i32>} : memref<112x128xf32, #tpu.memory_space<vmem>>, vector<16xf32>,
          tpu.vector_store %arg38[%parallel_loop3A_307, %parallel_loop3A_308], %parallel_loop3A_306 {strides = array<i32>} : memref<112x128xf32, #tpu.memory_space<vmem>>, vector<16xf32>,
          %parallel_loop3A_310 = arith.index_cast %parallel_loop3A_262 : i32 to index
          %parallel_loop3A_311 = arith.constant 96 : index
          %parallel_loop3A_312 = tpu.vector_load %arg38[%parallel_loop3A_310, %parallel_loop3A_311] {strides = array<i32>} : memref<112x128xf32, #tpu.memory_space<vmem>>, vector<16xf32>,
          %parallel_loop3A_313 = arith.mulf %parallel_loop3A_312, %parallel_loop3A_267 : vector<16xf32>
          %parallel_loop3A_314 = arith.index_cast %parallel_loop3A_262 : i32 to index
          %parallel_loop3A_315 = arith.constant 96 : index
          %parallel_loop3A_316 = tpu.vector_load %arg38[%parallel_loop3A_314, %parallel_loop3A_315] {strides = array<i32>} : memref<112x128xf32, #tpu.memory_space<vmem>>, vector<16xf32>,
          tpu.vector_store %arg38[%parallel_loop3A_314, %parallel_loop3A_315], %parallel_loop3A_313 {strides = array<i32>} : memref<112x128xf32, #tpu.memory_space<vmem>>, vector<16xf32>,
          %parallel_loop3A_317 = arith.index_cast %parallel_loop3A_262 : i32 to index
          %parallel_loop3A_318 = arith.constant 112 : index
          %parallel_loop3A_319 = tpu.vector_load %arg38[%parallel_loop3A_317, %parallel_loop3A_318] {strides = array<i32>} : memref<112x128xf32, #tpu.memory_space<vmem>>, vector<16xf32>,
          %parallel_loop3A_320 = arith.mulf %parallel_loop3A_319, %parallel_loop3A_267 : vector<16xf32>
          %parallel_loop3A_321 = arith.index_cast %parallel_loop3A_262 : i32 to index
          %parallel_loop3A_322 = arith.constant 112 : index
          %parallel_loop3A_323 = tpu.vector_load %arg38[%parallel_loop3A_321, %parallel_loop3A_322] {strides = array<i32>} : memref<112x128xf32, #tpu.memory_space<vmem>>, vector<16xf32>,
          tpu.vector_store %arg38[%parallel_loop3A_321, %parallel_loop3A_322], %parallel_loop3A_320 {strides = array<i32>} : memref<112x128xf32, #tpu.memory_space<vmem>>, vector<16xf32>,
        } {sc.loop_unroll_factor = 4 : i64, sc.parallel_access}
        %dma_start3A_244 = arith.constant 0 : i32
        %dma_start3A_245 = arith.constant 0 : i32
        %dma_start3A_246 = tpu.memref_slice %arg45[%dma_start3A_244, %dma_start3A_245] : memref<10000x128xf32, #tpu.memory_space<vmem_shared>> -> memref<10000x128xf32, #tpu.memory_space<vmem_shared>>
        tpu.enqueue_indirect_dma source(%arg38 : memref<112x128xf32, #tpu.memory_space<vmem>>) target(%dma_start3A_246 : memref<10000x128xf32, #tpu.memory_space<vmem_shared>>) offsets(%arg39 : memref<112xi32, #tpu.memory_space<vmem>>) semaphore(%arg42 : memref<!tpu.dma_semaphore, #tpu.memory_space<semaphore_mem>>) {add = true}
        %not3A_247 = arith.constant true
        %not3A_248 = arith.xori %ge3A_157, %not3A_247 : i1
        %convert_element_type3A_249 = arith.extui %not3A_248 : i1 to i32
        %cond3A_250 = arith.constant 0 : i32
        %cond3A_251 = arith.cmpi ne, %convert_element_type3A_249, %cond3A_250 : i32
        scf.if %cond3A_251 {
          %add3A_262 = arith.constant 560 : i32
          %add3A_263 = arith.addi %add3A_156, %add3A_262 : i32
          %mul3A_264 = arith.constant 2 : i32
          %mul3A_265 = arith.muli %mul3A_264, %add3A_263 : i32
          %dma_start3A_266 = tpu.memref_slice %arg6[%mul3A_265] : memref<322560xi32, #tpu.memory_space<hbm>> -> memref<224xi32, #tpu.memory_space<hbm>>
          %dma_start3A_267 = tpu.memref_slice %arg6[%mul3A_265] : memref<322560xi32, #tpu.memory_space<hbm>> -> memref<224xi32, #tpu.memory_space<hbm>>
          tpu.enqueue_dma source(%dma_start3A_267 : memref<224xi32, #tpu.memory_space<hbm>>) target(%arg17 : memref<224xi32, #tpu.memory_space<vmem>>) target_semaphore(%arg19 : memref<!tpu.dma_semaphore, #tpu.memory_space<semaphore_mem>>)
        } else {
        }
        %dma_wait3A_252 = arith.constant 0 : i32
        %dma_wait3A_253 = arith.constant 0 : i32
        %dma_wait3A_254 = tpu.memref_slice %arg45[%dma_wait3A_252, %dma_wait3A_253] : memref<10000x128xf32, #tpu.memory_space<vmem_shared>> -> memref<10000x128xf32, #tpu.memory_space<vmem_shared>>
        tpu.wait_indirect_dma semaphore(%arg34 : memref<!tpu.dma_semaphore, #tpu.memory_space<semaphore_mem>>) src(%arg30 : memref<112x128xf32, #tpu.memory_space<vmem>>) dst(%dma_wait3A_254 : memref<10000x128xf32, #tpu.memory_space<vmem_shared>>)
        %dma_wait3A_255 = arith.constant 0 : i32
        %dma_wait3A_256 = tpu.memref_slice %arg46[%dma_wait3A_255] : memref<10000xf32, #tpu.memory_space<vmem_shared>> -> memref<10000xf32, #tpu.memory_space<vmem_shared>>
        tpu.wait_indirect_dma semaphore(%arg35 : memref<!tpu.dma_semaphore, #tpu.memory_space<semaphore_mem>>) src(%arg29 : memref<112xf32, #tpu.memory_space<vmem>>) dst(%dma_wait3A_256 : memref<10000xf32, #tpu.memory_space<vmem_shared>>)
        %not3A_257 = arith.constant true
        %not3A_258 = arith.xori %ge3A_157, %not3A_257 : i1
        %convert_element_type3A_259 = arith.extui %not3A_258 : i1 to i32
        %cond3A_260 = arith.constant 0 : i32
        %cond3A_261 = arith.cmpi ne, %convert_element_type3A_259, %cond3A_260 : i32
        scf.if %cond3A_261 {
          %add3A_262 = arith.constant 448 : i32
          %add3A_263 = arith.addi %add3A_156, %add3A_262 : i32
          %mul3A_264 = arith.constant 2 : i32
          %mul3A_265 = arith.muli %mul3A_264, %add3A_263 : i32
          %dma_wait3A_266 = tpu.memref_slice %arg6[%mul3A_265] : memref<322560xi32, #tpu.memory_space<hbm>> -> memref<224xi32, #tpu.memory_space<hbm>>
          %dma_wait3A_267 = tpu.memref_slice %arg6[%mul3A_265] : memref<322560xi32, #tpu.memory_space<hbm>> -> memref<224xi32, #tpu.memory_space<hbm>>
          tpu.wait_dma2 semaphore(%arg16 : memref<!tpu.dma_semaphore, #tpu.memory_space<semaphore_mem>>) src(%dma_wait3A_267 : memref<224xi32, #tpu.memory_space<hbm>>) dst(%arg14 : memref<224xi32, #tpu.memory_space<vmem>>)
          %parallel_loop3A_268 = arith.constant 0 : i32
          %parallel_loop3A_269 = arith.constant 7 : i32
          %parallel_loop3A_270 = arith.constant 1 : i32
          scf.for %parallel_loop3A_276 = %parallel_loop3A_268 to %parallel_loop3A_269 step %parallel_loop3A_270  : i32 {
            %parallel_loop3A_277 = arith.constant 16 : i32
            %parallel_loop3A_278 = arith.muli %parallel_loop3A_276, %parallel_loop3A_277 : i32
            %parallel_loop3A_279 = arith.constant 16 : i32
            %parallel_loop3A_280 = arith.muli %parallel_loop3A_276, %parallel_loop3A_279 : i32
            %parallel_loop3A_281 = arith.constant 112 : i32
            %parallel_loop3A_282 = arith.addi %parallel_loop3A_281, %parallel_loop3A_280 : i32
            %parallel_loop3A_283 = arith.index_cast %parallel_loop3A_282 : i32 to index
            %parallel_loop3A_284 = tpu.vector_load %arg14[%parallel_loop3A_283] {strides = array<i32>} : memref<224xi32, #tpu.memory_space<vmem>>, vector<16xi32>,
            %parallel_loop3A_285 = arith.constant 10000 : i32
            %parallel_loop3A_286 = vector.broadcast %parallel_loop3A_285 : i32 to vector<16xi32>
            %parallel_loop3A_287 = arith.subi %parallel_loop3A_284, %parallel_loop3A_286 : vector<16xi32>
            %parallel_loop3A_288 = arith.index_cast %parallel_loop3A_278 : i32 to index
            %parallel_loop3A_289 = tpu.vector_load %arg15[%parallel_loop3A_288] {strides = array<i32>} : memref<112xi32, #tpu.memory_space<vmem>>, vector<16xi32>,
            tpu.vector_store %arg15[%parallel_loop3A_288], %parallel_loop3A_287 {strides = array<i32>} : memref<112xi32, #tpu.memory_space<vmem>>, vector<16xi32>,
          } {sc.loop_unroll_factor = 7 : i64, sc.parallel_access}
          %dma_start3A_271 = arith.constant 0 : i32
          %dma_start3A_272 = tpu.memref_slice %arg4[%dma_start3A_271] : memref<20000xf32, #tpu.memory_space<hbm>> -> memref<20000xf32, #tpu.memory_space<hbm>>
          tpu.enqueue_indirect_dma source(%dma_start3A_272 : memref<20000xf32, #tpu.memory_space<hbm>>) target(%arg28 : memref<224xf32, #tpu.memory_space<vmem>>) offsets(%arg14 : memref<224xi32, #tpu.memory_space<vmem>>) semaphore(%arg32 : memref<!tpu.dma_semaphore, #tpu.memory_space<semaphore_mem>>)
          %dma_start3A_273 = arith.constant 0 : i32
          %dma_start3A_274 = arith.constant 0 : i32
          %dma_start3A_275 = tpu.memref_slice %arg2[%dma_start3A_273, %dma_start3A_274] : memref<10000x128xf32, #tpu.memory_space<hbm>> -> memref<10000x128xf32, #tpu.memory_space<hbm>>
          tpu.enqueue_indirect_dma source(%dma_start3A_275 : memref<10000x128xf32, #tpu.memory_space<hbm>>) target(%arg30 : memref<112x128xf32, #tpu.memory_space<vmem>>) offsets(%arg15 : memref<112xi32, #tpu.memory_space<vmem>>) semaphore(%arg33 : memref<!tpu.dma_semaphore, #tpu.memory_space<semaphore_mem>>)
        } else {
        }
      }
      %scan3A_89 = arith.constant 30 : i32
      %dma_wait3A_90 = arith.constant 0 : i32
      %dma_wait3A_91 = arith.constant 0 : i32
      %dma_wait3A_92 = tpu.memref_slice %arg45[%dma_wait3A_90, %dma_wait3A_91] : memref<10000x128xf32, #tpu.memory_space<vmem_shared>> -> memref<10000x128xf32, #tpu.memory_space<vmem_shared>>
      tpu.wait_indirect_dma semaphore(%arg42 : memref<!tpu.dma_semaphore, #tpu.memory_space<semaphore_mem>>) src(%arg38 : memref<112x128xf32, #tpu.memory_space<vmem>>) dst(%dma_wait3A_92 : memref<10000x128xf32, #tpu.memory_space<vmem_shared>>)
      %dma_wait3A_93 = arith.constant 0 : i32
      %dma_wait3A_94 = tpu.memref_slice %arg46[%dma_wait3A_93] : memref<10000xf32, #tpu.memory_space<vmem_shared>> -> memref<10000xf32, #tpu.memory_space<vmem_shared>>
      tpu.wait_indirect_dma semaphore(%arg43 : memref<!tpu.dma_semaphore, #tpu.memory_space<semaphore_mem>>) src(%arg37 : memref<112xf32, #tpu.memory_space<vmem>>) dst(%dma_wait3A_94 : memref<10000xf32, #tpu.memory_space<vmem_shared>>)
      %barrier3A_95 = arith.constant 0 : index
      tpu.barrier barrier_id(%barrier3A_95)
      "tpu.region"() ({
        %run_scoped3A = tpu.sem_alloc : memref<!tpu.dma_semaphore, #tpu.memory_space<semaphore_mem>>
        %dma_start3A_149 = arith.constant 0 : i32
        %dma_start3A_150 = tpu.memref_slice %arg44[%dma_start3A_149] : memref<640xf32, #tpu.memory_space<vmem>> -> memref<624xf32, #tpu.memory_space<vmem>>
        %dma_start3A_151 = tpu.memref_slice %arg46[%mul3A_16] : memref<10000xf32, #tpu.memory_space<vmem_shared>> -> memref<624xf32, #tpu.memory_space<vmem_shared>>
        %dma_start3A_152 = arith.constant 0 : i32
        %dma_start3A_153 = tpu.memref_slice %arg44[%dma_start3A_152] : memref<640xf32, #tpu.memory_space<vmem>> -> memref<624xf32, #tpu.memory_space<vmem>>
        %dma_start3A_154 = tpu.memref_slice %arg46[%mul3A_16] : memref<10000xf32, #tpu.memory_space<vmem_shared>> -> memref<624xf32, #tpu.memory_space<vmem_shared>>
        tpu.enqueue_dma source(%dma_start3A_154 : memref<624xf32, #tpu.memory_space<vmem_shared>>) target(%dma_start3A_153 : memref<624xf32, #tpu.memory_space<vmem>>) target_semaphore(%run_scoped3A : memref<!tpu.dma_semaphore, #tpu.memory_space<semaphore_mem>>)
        %dma_wait3A_155 = arith.constant 0 : i32
        %dma_wait3A_156 = tpu.memref_slice %arg44[%dma_wait3A_155] : memref<640xf32, #tpu.memory_space<vmem>> -> memref<624xf32, #tpu.memory_space<vmem>>
        %dma_wait3A_157 = tpu.memref_slice %arg46[%mul3A_16] : memref<10000xf32, #tpu.memory_space<vmem_shared>> -> memref<624xf32, #tpu.memory_space<vmem_shared>>
        %dma_wait3A_158 = arith.constant 0 : i32
        %dma_wait3A_159 = tpu.memref_slice %arg44[%dma_wait3A_158] : memref<640xf32, #tpu.memory_space<vmem>> -> memref<624xf32, #tpu.memory_space<vmem>>
        %dma_wait3A_160 = tpu.memref_slice %arg46[%mul3A_16] : memref<10000xf32, #tpu.memory_space<vmem_shared>> -> memref<624xf32, #tpu.memory_space<vmem_shared>>
        tpu.wait_dma2 semaphore(%run_scoped3A : memref<!tpu.dma_semaphore, #tpu.memory_space<semaphore_mem>>) src(%dma_wait3A_160 : memref<624xf32, #tpu.memory_space<vmem_shared>>) dst(%dma_wait3A_159 : memref<624xf32, #tpu.memory_space<vmem>>)
        tpu.yield
      }) : () -> ()
      "tpu.region"() ({
        %run_scoped3A = tpu.sem_alloc : memref<!tpu.dma_semaphore, #tpu.memory_space<semaphore_mem>>
        %dma_start3A_149 = arith.constant 0 : i32
        %dma_start3A_150 = tpu.memref_slice %arg44[%dma_start3A_149] : memref<640xf32, #tpu.memory_space<vmem>> -> memref<624xf32, #tpu.memory_space<vmem>>
        %dma_start3A_151 = tpu.memref_slice %arg9[%mul3A_16] : memref<10000xf32, #tpu.memory_space<hbm>> -> memref<624xf32, #tpu.memory_space<hbm>>
        %dma_start3A_152 = tpu.memref_slice %arg9[%mul3A_16] : memref<10000xf32, #tpu.memory_space<hbm>> -> memref<624xf32, #tpu.memory_space<hbm>>
        %dma_start3A_153 = arith.constant 0 : i32
        %dma_start3A_154 = tpu.memref_slice %arg44[%dma_start3A_153] : memref<640xf32, #tpu.memory_space<vmem>> -> memref<624xf32, #tpu.memory_space<vmem>>
        tpu.enqueue_dma source(%dma_start3A_154 : memref<624xf32, #tpu.memory_space<vmem>>) target(%dma_start3A_152 : memref<624xf32, #tpu.memory_space<hbm>>) target_semaphore(%run_scoped3A : memref<!tpu.dma_semaphore, #tpu.memory_space<semaphore_mem>>)
        %dma_wait3A_155 = arith.constant 0 : i32
        %dma_wait3A_156 = tpu.memref_slice %arg44[%dma_wait3A_155] : memref<640xf32, #tpu.memory_space<vmem>> -> memref<624xf32, #tpu.memory_space<vmem>>
        %dma_wait3A_157 = tpu.memref_slice %arg9[%mul3A_16] : memref<10000xf32, #tpu.memory_space<hbm>> -> memref<624xf32, #tpu.memory_space<hbm>>
        %dma_wait3A_158 = tpu.memref_slice %arg9[%mul3A_16] : memref<10000xf32, #tpu.memory_space<hbm>> -> memref<624xf32, #tpu.memory_space<hbm>>
        %dma_wait3A_159 = arith.constant 0 : i32
        %dma_wait3A_160 = tpu.memref_slice %arg44[%dma_wait3A_159] : memref<640xf32, #tpu.memory_space<vmem>> -> memref<624xf32, #tpu.memory_space<vmem>>
        tpu.wait_dma2 semaphore(%run_scoped3A : memref<!tpu.dma_semaphore, #tpu.memory_space<semaphore_mem>>) src(%dma_wait3A_160 : memref<624xf32, #tpu.memory_space<vmem>>) dst(%dma_wait3A_158 : memref<624xf32, #tpu.memory_space<hbm>>)
        tpu.yield
      }) : () -> ()
      %add3A_96 = arith.constant 624 : i32
      %add3A_97 = arith.addi %mul3A_16, %add3A_96 : i32
      %sub3A_98 = arith.constant 624 : i32
      %sub3A_99 = arith.subi %add3A_97, %sub3A_98 : i32
      %add3A_100 = arith.constant 624 : i32
      %add3A_101 = arith.addi %mul3A_16, %add3A_100 : i32
      %sub3A_102 = arith.constant 624 : i32
      %sub3A_103 = arith.subi %add3A_101, %sub3A_102 : i32
      "tpu.region"() ({
        %run_scoped3A = tpu.sem_alloc : memref<!tpu.dma_semaphore, #tpu.memory_space<semaphore_mem>>
        %dma_start3A_149 = arith.constant 0 : i32
        %dma_start3A_150 = tpu.memref_slice %arg7[%sub3A_103, %dma_start3A_149] : memref<10000x128xf32, #tpu.memory_space<hbm>> -> memref<112x128xf32, #tpu.memory_space<hbm>>
        %dma_start3A_151 = arith.constant 0 : i32
        %dma_start3A_152 = tpu.memref_slice %arg45[%sub3A_99, %dma_start3A_151] : memref<10000x128xf32, #tpu.memory_space<vmem_shared>> -> memref<112x128xf32, #tpu.memory_space<vmem_shared>>
        tpu.enqueue_dma source(%dma_start3A_152 : memref<112x128xf32, #tpu.memory_space<vmem_shared>>) target(%dma_start3A_150 : memref<112x128xf32, #tpu.memory_space<hbm>>) target_semaphore(%run_scoped3A : memref<!tpu.dma_semaphore, #tpu.memory_space<semaphore_mem>>)
        %dma_wait3A_153 = arith.constant 0 : i32
        %dma_wait3A_154 = tpu.memref_slice %arg7[%sub3A_103, %dma_wait3A_153] : memref<10000x128xf32, #tpu.memory_space<hbm>> -> memref<112x128xf32, #tpu.memory_space<hbm>>
        %dma_wait3A_155 = arith.constant 0 : i32
        %dma_wait3A_156 = tpu.memref_slice %arg45[%sub3A_99, %dma_wait3A_155] : memref<10000x128xf32, #tpu.memory_space<vmem_shared>> -> memref<112x128xf32, #tpu.memory_space<vmem_shared>>
        tpu.wait_dma2 semaphore(%run_scoped3A : memref<!tpu.dma_semaphore, #tpu.memory_space<semaphore_mem>>) src(%dma_wait3A_156 : memref<112x128xf32, #tpu.memory_space<vmem_shared>>) dst(%dma_wait3A_154 : memref<112x128xf32, #tpu.memory_space<hbm>>)
        tpu.yield
      }) : () -> ()
      %add3A_104 = arith.constant 624 : i32
      %add3A_105 = arith.addi %mul3A_16, %add3A_104 : i32
      %sub3A_106 = arith.constant 512 : i32
      %sub3A_107 = arith.subi %add3A_105, %sub3A_106 : i32
      %add3A_108 = arith.constant 624 : i32
      %add3A_109 = arith.addi %mul3A_16, %add3A_108 : i32
      %sub3A_110 = arith.constant 512 : i32
      %sub3A_111 = arith.subi %add3A_109, %sub3A_110 : i32
      "tpu.region"() ({
        %run_scoped3A = tpu.sem_alloc : memref<!tpu.dma_semaphore, #tpu.memory_space<semaphore_mem>>
        %dma_start3A_149 = arith.constant 0 : i32
        %dma_start3A_150 = tpu.memref_slice %arg7[%sub3A_111, %dma_start3A_149] : memref<10000x128xf32, #tpu.memory_space<hbm>> -> memref<112x128xf32, #tpu.memory_space<hbm>>
        %dma_start3A_151 = arith.constant 0 : i32
        %dma_start3A_152 = tpu.memref_slice %arg45[%sub3A_107, %dma_start3A_151] : memref<10000x128xf32, #tpu.memory_space<vmem_shared>> -> memref<112x128xf32, #tpu.memory_space<vmem_shared>>
        tpu.enqueue_dma source(%dma_start3A_152 : memref<112x128xf32, #tpu.memory_space<vmem_shared>>) target(%dma_start3A_150 : memref<112x128xf32, #tpu.memory_space<hbm>>) target_semaphore(%run_scoped3A : memref<!tpu.dma_semaphore, #tpu.memory_space<semaphore_mem>>)
        %dma_wait3A_153 = arith.constant 0 : i32
        %dma_wait3A_154 = tpu.memref_slice %arg7[%sub3A_111, %dma_wait3A_153] : memref<10000x128xf32, #tpu.memory_space<hbm>> -> memref<112x128xf32, #tpu.memory_space<hbm>>
        %dma_wait3A_155 = arith.constant 0 : i32
        %dma_wait3A_156 = tpu.memref_slice %arg45[%sub3A_107, %dma_wait3A_155] : memref<10000x128xf32, #tpu.memory_space<vmem_shared>> -> memref<112x128xf32, #tpu.memory_space<vmem_shared>>
        tpu.wait_dma2 semaphore(%run_scoped3A : memref<!tpu.dma_semaphore, #tpu.memory_space<semaphore_mem>>) src(%dma_wait3A_156 : memref<112x128xf32, #tpu.memory_space<vmem_shared>>) dst(%dma_wait3A_154 : memref<112x128xf32, #tpu.memory_space<hbm>>)
        tpu.yield
      }) : () -> ()
      %add3A_112 = arith.constant 624 : i32
      %add3A_113 = arith.addi %mul3A_16, %add3A_112 : i32
      %sub3A_114 = arith.constant 400 : i32
      %sub3A_115 = arith.subi %add3A_113, %sub3A_114 : i32
      %add3A_116 = arith.constant 624 : i32
      %add3A_117 = arith.addi %mul3A_16, %add3A_116 : i32
      %sub3A_118 = arith.constant 400 : i32
      %sub3A_119 = arith.subi %add3A_117, %sub3A_118 : i32
      "tpu.region"() ({
        %run_scoped3A = tpu.sem_alloc : memref<!tpu.dma_semaphore, #tpu.memory_space<semaphore_mem>>
        %dma_start3A_149 = arith.constant 0 : i32
        %dma_start3A_150 = tpu.memref_slice %arg7[%sub3A_119, %dma_start3A_149] : memref<10000x128xf32, #tpu.memory_space<hbm>> -> memref<112x128xf32, #tpu.memory_space<hbm>>
        %dma_start3A_151 = arith.constant 0 : i32
        %dma_start3A_152 = tpu.memref_slice %arg45[%sub3A_115, %dma_start3A_151] : memref<10000x128xf32, #tpu.memory_space<vmem_shared>> -> memref<112x128xf32, #tpu.memory_space<vmem_shared>>
        tpu.enqueue_dma source(%dma_start3A_152 : memref<112x128xf32, #tpu.memory_space<vmem_shared>>) target(%dma_start3A_150 : memref<112x128xf32, #tpu.memory_space<hbm>>) target_semaphore(%run_scoped3A : memref<!tpu.dma_semaphore, #tpu.memory_space<semaphore_mem>>)
        %dma_wait3A_153 = arith.constant 0 : i32
        %dma_wait3A_154 = tpu.memref_slice %arg7[%sub3A_119, %dma_wait3A_153] : memref<10000x128xf32, #tpu.memory_space<hbm>> -> memref<112x128xf32, #tpu.memory_space<hbm>>
        %dma_wait3A_155 = arith.constant 0 : i32
        %dma_wait3A_156 = tpu.memref_slice %arg45[%sub3A_115, %dma_wait3A_155] : memref<10000x128xf32, #tpu.memory_space<vmem_shared>> -> memref<112x128xf32, #tpu.memory_space<vmem_shared>>
        tpu.wait_dma2 semaphore(%run_scoped3A : memref<!tpu.dma_semaphore, #tpu.memory_space<semaphore_mem>>) src(%dma_wait3A_156 : memref<112x128xf32, #tpu.memory_space<vmem_shared>>) dst(%dma_wait3A_154 : memref<112x128xf32, #tpu.memory_space<hbm>>)
        tpu.yield
      }) : () -> ()
      %add3A_120 = arith.constant 624 : i32
      %add3A_121 = arith.addi %mul3A_16, %add3A_120 : i32
      %sub3A_122 = arith.constant 288 : i32
      %sub3A_123 = arith.subi %add3A_121, %sub3A_122 : i32
      %add3A_124 = arith.constant 624 : i32
      %add3A_125 = arith.addi %mul3A_16, %add3A_124 : i32
      %sub3A_126 = arith.constant 288 : i32
      %sub3A_127 = arith.subi %add3A_125, %sub3A_126 : i32
      "tpu.region"() ({
        %run_scoped3A = tpu.sem_alloc : memref<!tpu.dma_semaphore, #tpu.memory_space<semaphore_mem>>
        %dma_start3A_149 = arith.constant 0 : i32
        %dma_start3A_150 = tpu.memref_slice %arg7[%sub3A_127, %dma_start3A_149] : memref<10000x128xf32, #tpu.memory_space<hbm>> -> memref<112x128xf32, #tpu.memory_space<hbm>>
        %dma_start3A_151 = arith.constant 0 : i32
        %dma_start3A_152 = tpu.memref_slice %arg45[%sub3A_123, %dma_start3A_151] : memref<10000x128xf32, #tpu.memory_space<vmem_shared>> -> memref<112x128xf32, #tpu.memory_space<vmem_shared>>
        tpu.enqueue_dma source(%dma_start3A_152 : memref<112x128xf32, #tpu.memory_space<vmem_shared>>) target(%dma_start3A_150 : memref<112x128xf32, #tpu.memory_space<hbm>>) target_semaphore(%run_scoped3A : memref<!tpu.dma_semaphore, #tpu.memory_space<semaphore_mem>>)
        %dma_wait3A_153 = arith.constant 0 : i32
        %dma_wait3A_154 = tpu.memref_slice %arg7[%sub3A_127, %dma_wait3A_153] : memref<10000x128xf32, #tpu.memory_space<hbm>> -> memref<112x128xf32, #tpu.memory_space<hbm>>
        %dma_wait3A_155 = arith.constant 0 : i32
        %dma_wait3A_156 = tpu.memref_slice %arg45[%sub3A_123, %dma_wait3A_155] : memref<10000x128xf32, #tpu.memory_space<vmem_shared>> -> memref<112x128xf32, #tpu.memory_space<vmem_shared>>
        tpu.wait_dma2 semaphore(%run_scoped3A : memref<!tpu.dma_semaphore, #tpu.memory_space<semaphore_mem>>) src(%dma_wait3A_156 : memref<112x128xf32, #tpu.memory_space<vmem_shared>>) dst(%dma_wait3A_154 : memref<112x128xf32, #tpu.memory_space<hbm>>)
        tpu.yield
      }) : () -> ()
      %add3A_128 = arith.constant 624 : i32
      %add3A_129 = arith.addi %mul3A_16, %add3A_128 : i32
      %sub3A_130 = arith.constant 176 : i32
      %sub3A_131 = arith.subi %add3A_129, %sub3A_130 : i32
      %add3A_132 = arith.constant 624 : i32
      %add3A_133 = arith.addi %mul3A_16, %add3A_132 : i32
      %sub3A_134 = arith.constant 176 : i32
      %sub3A_135 = arith.subi %add3A_133, %sub3A_134 : i32
      "tpu.region"() ({
        %run_scoped3A = tpu.sem_alloc : memref<!tpu.dma_semaphore, #tpu.memory_space<semaphore_mem>>
        %dma_start3A_149 = arith.constant 0 : i32
        %dma_start3A_150 = tpu.memref_slice %arg7[%sub3A_135, %dma_start3A_149] : memref<10000x128xf32, #tpu.memory_space<hbm>> -> memref<112x128xf32, #tpu.memory_space<hbm>>
        %dma_start3A_151 = arith.constant 0 : i32
        %dma_start3A_152 = tpu.memref_slice %arg45[%sub3A_131, %dma_start3A_151] : memref<10000x128xf32, #tpu.memory_space<vmem_shared>> -> memref<112x128xf32, #tpu.memory_space<vmem_shared>>
        tpu.enqueue_dma source(%dma_start3A_152 : memref<112x128xf32, #tpu.memory_space<vmem_shared>>) target(%dma_start3A_150 : memref<112x128xf32, #tpu.memory_space<hbm>>) target_semaphore(%run_scoped3A : memref<!tpu.dma_semaphore, #tpu.memory_space<semaphore_mem>>)
        %dma_wait3A_153 = arith.constant 0 : i32
        %dma_wait3A_154 = tpu.memref_slice %arg7[%sub3A_135, %dma_wait3A_153] : memref<10000x128xf32, #tpu.memory_space<hbm>> -> memref<112x128xf32, #tpu.memory_space<hbm>>
        %dma_wait3A_155 = arith.constant 0 : i32
        %dma_wait3A_156 = tpu.memref_slice %arg45[%sub3A_131, %dma_wait3A_155] : memref<10000x128xf32, #tpu.memory_space<vmem_shared>> -> memref<112x128xf32, #tpu.memory_space<vmem_shared>>
        tpu.wait_dma2 semaphore(%run_scoped3A : memref<!tpu.dma_semaphore, #tpu.memory_space<semaphore_mem>>) src(%dma_wait3A_156 : memref<112x128xf32, #tpu.memory_space<vmem_shared>>) dst(%dma_wait3A_154 : memref<112x128xf32, #tpu.memory_space<hbm>>)
        tpu.yield
      }) : () -> ()
      %add3A_136 = arith.constant 624 : i32
      %add3A_137 = arith.addi %mul3A_16, %add3A_136 : i32
      %sub3A_138 = arith.constant 64 : i32
      %sub3A_139 = arith.subi %add3A_137, %sub3A_138 : i32
      %add3A_140 = arith.constant 624 : i32
      %add3A_141 = arith.addi %mul3A_16, %add3A_140 : i32
      %sub3A_142 = arith.constant 64 : i32
      %sub3A_143 = arith.subi %add3A_141, %sub3A_142 : i32
      "tpu.region"() ({
        %run_scoped3A = tpu.sem_alloc : memref<!tpu.dma_semaphore, #tpu.memory_space<semaphore_mem>>
        %dma_start3A_149 = arith.constant 0 : i32
        %dma_start3A_150 = tpu.memref_slice %arg7[%sub3A_143, %dma_start3A_149] : memref<10000x128xf32, #tpu.memory_space<hbm>> -> memref<64x128xf32, #tpu.memory_space<hbm>>
        %dma_start3A_151 = arith.constant 0 : i32
        %dma_start3A_152 = tpu.memref_slice %arg45[%sub3A_139, %dma_start3A_151] : memref<10000x128xf32, #tpu.memory_space<vmem_shared>> -> memref<64x128xf32, #tpu.memory_space<vmem_shared>>
        tpu.enqueue_dma source(%dma_start3A_152 : memref<64x128xf32, #tpu.memory_space<vmem_shared>>) target(%dma_start3A_150 : memref<64x128xf32, #tpu.memory_space<hbm>>) target_semaphore(%run_scoped3A : memref<!tpu.dma_semaphore, #tpu.memory_space<semaphore_mem>>)
        %dma_wait3A_153 = arith.constant 0 : i32
        %dma_wait3A_154 = tpu.memref_slice %arg7[%sub3A_143, %dma_wait3A_153] : memref<10000x128xf32, #tpu.memory_space<hbm>> -> memref<64x128xf32, #tpu.memory_space<hbm>>
        %dma_wait3A_155 = arith.constant 0 : i32
        %dma_wait3A_156 = tpu.memref_slice %arg45[%sub3A_139, %dma_wait3A_155] : memref<10000x128xf32, #tpu.memory_space<vmem_shared>> -> memref<64x128xf32, #tpu.memory_space<vmem_shared>>
        tpu.wait_dma2 semaphore(%run_scoped3A : memref<!tpu.dma_semaphore, #tpu.memory_space<semaphore_mem>>) src(%dma_wait3A_156 : memref<64x128xf32, #tpu.memory_space<vmem_shared>>) dst(%dma_wait3A_154 : memref<64x128xf32, #tpu.memory_space<hbm>>)
        tpu.yield
      }) : () -> ()
      %eq3A_144 = arith.constant 15 : i32
      %eq3A_145 = arith.cmpi eq, %arg1, %eq3A_144 : i32
      %convert_element_type3A_146 = arith.extui %eq3A_145 : i1 to i32
      %cond3A_147 = arith.constant 0 : i32
      %cond3A_148 = arith.cmpi ne, %convert_element_type3A_146, %cond3A_147 : i32
      scf.if %cond3A_148 {
        "tpu.region"() ({
          %run_scoped3A = tpu.sem_alloc : memref<!tpu.dma_semaphore, #tpu.memory_space<semaphore_mem>>
          %dma_start3A_149 = arith.constant 9984 : i32
          %dma_start3A_150 = arith.constant 0 : i32
          %dma_start3A_151 = tpu.memref_slice %arg7[%dma_start3A_149, %dma_start3A_150] : memref<10000x128xf32, #tpu.memory_space<hbm>> -> memref<16x128xf32, #tpu.memory_space<hbm>>
          %dma_start3A_152 = arith.constant 9984 : i32
          %dma_start3A_153 = arith.constant 0 : i32
          %dma_start3A_154 = tpu.memref_slice %arg45[%dma_start3A_152, %dma_start3A_153] : memref<10000x128xf32, #tpu.memory_space<vmem_shared>> -> memref<16x128xf32, #tpu.memory_space<vmem_shared>>
          tpu.enqueue_dma source(%dma_start3A_154 : memref<16x128xf32, #tpu.memory_space<vmem_shared>>) target(%dma_start3A_151 : memref<16x128xf32, #tpu.memory_space<hbm>>) target_semaphore(%run_scoped3A : memref<!tpu.dma_semaphore, #tpu.memory_space<semaphore_mem>>)
          %dma_wait3A_155 = arith.constant 9984 : i32
          %dma_wait3A_156 = arith.constant 0 : i32
          %dma_wait3A_157 = tpu.memref_slice %arg7[%dma_wait3A_155, %dma_wait3A_156] : memref<10000x128xf32, #tpu.memory_space<hbm>> -> memref<16x128xf32, #tpu.memory_space<hbm>>
          %dma_wait3A_158 = arith.constant 9984 : i32
          %dma_wait3A_159 = arith.constant 0 : i32
          %dma_wait3A_160 = tpu.memref_slice %arg45[%dma_wait3A_158, %dma_wait3A_159] : memref<10000x128xf32, #tpu.memory_space<vmem_shared>> -> memref<16x128xf32, #tpu.memory_space<vmem_shared>>
          tpu.wait_dma2 semaphore(%run_scoped3A : memref<!tpu.dma_semaphore, #tpu.memory_space<semaphore_mem>>) src(%dma_wait3A_160 : memref<16x128xf32, #tpu.memory_space<vmem_shared>>) dst(%dma_wait3A_157 : memref<16x128xf32, #tpu.memory_space<hbm>>)
          tpu.yield
        }) : () -> ()
        "tpu.region"() ({
          %run_scoped3A = tpu.sem_alloc : memref<!tpu.dma_semaphore, #tpu.memory_space<semaphore_mem>>
          %dma_start3A_149 = arith.constant 624 : i32
          %dma_start3A_150 = tpu.memref_slice %arg44[%dma_start3A_149] : memref<640xf32, #tpu.memory_space<vmem>> -> memref<16xf32, #tpu.memory_space<vmem>>
          %dma_start3A_151 = arith.constant 9984 : i32
          %dma_start3A_152 = tpu.memref_slice %arg46[%dma_start3A_151] : memref<10000xf32, #tpu.memory_space<vmem_shared>> -> memref<16xf32, #tpu.memory_space<vmem_shared>>
          %dma_start3A_153 = arith.constant 624 : i32
          %dma_start3A_154 = tpu.memref_slice %arg44[%dma_start3A_153] : memref<640xf32, #tpu.memory_space<vmem>> -> memref<16xf32, #tpu.memory_space<vmem>>
          %dma_start3A_155 = arith.constant 9984 : i32
          %dma_start3A_156 = tpu.memref_slice %arg46[%dma_start3A_155] : memref<10000xf32, #tpu.memory_space<vmem_shared>> -> memref<16xf32, #tpu.memory_space<vmem_shared>>
          tpu.enqueue_dma source(%dma_start3A_156 : memref<16xf32, #tpu.memory_space<vmem_shared>>) target(%dma_start3A_154 : memref<16xf32, #tpu.memory_space<vmem>>) target_semaphore(%run_scoped3A : memref<!tpu.dma_semaphore, #tpu.memory_space<semaphore_mem>>)
          %dma_wait3A_157 = arith.constant 624 : i32
          %dma_wait3A_158 = tpu.memref_slice %arg44[%dma_wait3A_157] : memref<640xf32, #tpu.memory_space<vmem>> -> memref<16xf32, #tpu.memory_space<vmem>>
          %dma_wait3A_159 = arith.constant 9984 : i32
          %dma_wait3A_160 = tpu.memref_slice %arg46[%dma_wait3A_159] : memref<10000xf32, #tpu.memory_space<vmem_shared>> -> memref<16xf32, #tpu.memory_space<vmem_shared>>
          %dma_wait3A_161 = arith.constant 624 : i32
          %dma_wait3A_162 = tpu.memref_slice %arg44[%dma_wait3A_161] : memref<640xf32, #tpu.memory_space<vmem>> -> memref<16xf32, #tpu.memory_space<vmem>>
          %dma_wait3A_163 = arith.constant 9984 : i32
          %dma_wait3A_164 = tpu.memref_slice %arg46[%dma_wait3A_163] : memref<10000xf32, #tpu.memory_space<vmem_shared>> -> memref<16xf32, #tpu.memory_space<vmem_shared>>
          tpu.wait_dma2 semaphore(%run_scoped3A : memref<!tpu.dma_semaphore, #tpu.memory_space<semaphore_mem>>) src(%dma_wait3A_164 : memref<16xf32, #tpu.memory_space<vmem_shared>>) dst(%dma_wait3A_162 : memref<16xf32, #tpu.memory_space<vmem>>)
          tpu.yield
        }) : () -> ()
        "tpu.region"() ({
          %run_scoped3A = tpu.sem_alloc : memref<!tpu.dma_semaphore, #tpu.memory_space<semaphore_mem>>
          %dma_start3A_149 = arith.constant 624 : i32
          %dma_start3A_150 = tpu.memref_slice %arg44[%dma_start3A_149] : memref<640xf32, #tpu.memory_space<vmem>> -> memref<16xf32, #tpu.memory_space<vmem>>
          %dma_start3A_151 = arith.constant 9984 : i32
          %dma_start3A_152 = tpu.memref_slice %arg9[%dma_start3A_151] : memref<10000xf32, #tpu.memory_space<hbm>> -> memref<16xf32, #tpu.memory_space<hbm>>
          %dma_start3A_153 = arith.constant 9984 : i32
          %dma_start3A_154 = tpu.memref_slice %arg9[%dma_start3A_153] : memref<10000xf32, #tpu.memory_space<hbm>> -> memref<16xf32, #tpu.memory_space<hbm>>
          %dma_start3A_155 = arith.constant 624 : i32
          %dma_start3A_156 = tpu.memref_slice %arg44[%dma_start3A_155] : memref<640xf32, #tpu.memory_space<vmem>> -> memref<16xf32, #tpu.memory_space<vmem>>
          tpu.enqueue_dma source(%dma_start3A_156 : memref<16xf32, #tpu.memory_space<vmem>>) target(%dma_start3A_154 : memref<16xf32, #tpu.memory_space<hbm>>) target_semaphore(%run_scoped3A : memref<!tpu.dma_semaphore, #tpu.memory_space<semaphore_mem>>)
          %dma_wait3A_157 = arith.constant 624 : i32
          %dma_wait3A_158 = tpu.memref_slice %arg44[%dma_wait3A_157] : memref<640xf32, #tpu.memory_space<vmem>> -> memref<16xf32, #tpu.memory_space<vmem>>
          %dma_wait3A_159 = arith.constant 9984 : i32
          %dma_wait3A_160 = tpu.memref_slice %arg9[%dma_wait3A_159] : memref<10000xf32, #tpu.memory_space<hbm>> -> memref<16xf32, #tpu.memory_space<hbm>>
          %dma_wait3A_161 = arith.constant 9984 : i32
          %dma_wait3A_162 = tpu.memref_slice %arg9[%dma_wait3A_161] : memref<10000xf32, #tpu.memory_space<hbm>> -> memref<16xf32, #tpu.memory_space<hbm>>
          %dma_wait3A_163 = arith.constant 624 : i32
          %dma_wait3A_164 = tpu.memref_slice %arg44[%dma_wait3A_163] : memref<640xf32, #tpu.memory_space<vmem>> -> memref<16xf32, #tpu.memory_space<vmem>>
          tpu.wait_dma2 semaphore(%run_scoped3A : memref<!tpu.dma_semaphore, #tpu.memory_space<semaphore_mem>>) src(%dma_wait3A_164 : memref<16xf32, #tpu.memory_space<vmem>>) dst(%dma_wait3A_162 : memref<16xf32, #tpu.memory_space<hbm>>)
          tpu.yield
        }) : () -> ()
      } else {
      }
    } else {
    }
    %eq3A_2 = arith.constant 1 : i32
    %eq3A_3 = arith.cmpi eq, %arg0, %eq3A_2 : i32
    %convert_element_type3A_4 = arith.extui %eq3A_3 : i1 to i32
    %cond3A_5 = arith.constant 0 : i32
    %cond3A_6 = arith.cmpi ne, %convert_element_type3A_4, %cond3A_5 : i32
    scf.if %cond3A_6 {
      %scan3A = arith.constant 0 : i32
      %scan3A_7 = arith.constant 40 : i32
      %scan3A_8 = arith.addi %scan3A, %scan3A_7 : i32
      %scan3A_9 = arith.constant 1 : i32
      scf.for %scan3A_149 = %scan3A to %scan3A_8 step %scan3A_9  : i32 {
        %mul3A_150 = arith.constant 1 : i32
        %mul3A_151 = arith.muli %scan3A_149, %mul3A_150 : i32
        %add3A_152 = arith.constant 0 : i32
        %add3A_153 = arith.addi %add3A_152, %mul3A_151 : i32
        %broadcast_in_dim3A = arith.constant 0.000000e+00 : f32
        %broadcast_in_dim3A_154 = vector.broadcast %broadcast_in_dim3A : f32 to vector<16xf32>
        %mul3A_155 = arith.constant 16 : i32
        %mul3A_156 = arith.muli %add3A_153, %mul3A_155 : i32
        %swap3A = arith.index_cast %mul3A_156 : i32 to index
        %swap3A_157 = tpu.vector_load %arg44[%swap3A] {strides = array<i32>} : memref<640xf32, #tpu.memory_space<vmem>>, vector<16xf32>,
        tpu.vector_store %arg44[%swap3A], %broadcast_in_dim3A_154 {strides = array<i32>} : memref<640xf32, #tpu.memory_space<vmem>>, vector<16xf32>,
      }
      %scan3A_10 = arith.constant 40 : i32
      %scan3A_11 = arith.constant 0 : i32
      %scan3A_12 = arith.constant 112 : i32
      %scan3A_13 = arith.addi %scan3A_11, %scan3A_12 : i32
      %scan3A_14 = arith.constant 1 : i32
      scf.for %scan3A_149 = %scan3A_11 to %scan3A_13 step %scan3A_14  : i32 {
        %mul3A_150 = arith.constant 1 : i32
        %mul3A_151 = arith.muli %scan3A_149, %mul3A_150 : i32
        %add3A_152 = arith.constant 0 : i32
        %add3A_153 = arith.addi %add3A_152, %mul3A_151 : i32
        %broadcast_in_dim3A = arith.constant 0.000000e+00 : f32
        %broadcast_in_dim3A_154 = vector.broadcast %broadcast_in_dim3A : f32 to vector<16xf32>
        %swap3A = arith.index_cast %add3A_153 : i32 to index
        %swap3A_155 = arith.constant 0 : index
        %swap3A_156 = tpu.vector_load %arg22[%swap3A, %swap3A_155] {strides = array<i32>} : memref<112x128xf32, #tpu.memory_space<vmem>>, vector<16xf32>,
        tpu.vector_store %arg22[%swap3A, %swap3A_155], %broadcast_in_dim3A_154 {strides = array<i32>} : memref<112x128xf32, #tpu.memory_space<vmem>>, vector<16xf32>,
        %broadcast_in_dim3A_157 = arith.constant 0.000000e+00 : f32
        %broadcast_in_dim3A_158 = vector.broadcast %broadcast_in_dim3A_157 : f32 to vector<16xf32>
        %swap3A_159 = arith.index_cast %add3A_153 : i32 to index
        %swap3A_160 = arith.constant 16 : index
        %swap3A_161 = tpu.vector_load %arg22[%swap3A_159, %swap3A_160] {strides = array<i32>} : memref<112x128xf32, #tpu.memory_space<vmem>>, vector<16xf32>,
        tpu.vector_store %arg22[%swap3A_159, %swap3A_160], %broadcast_in_dim3A_158 {strides = array<i32>} : memref<112x128xf32, #tpu.memory_space<vmem>>, vector<16xf32>,
        %broadcast_in_dim3A_162 = arith.constant 0.000000e+00 : f32
        %broadcast_in_dim3A_163 = vector.broadcast %broadcast_in_dim3A_162 : f32 to vector<16xf32>
        %swap3A_164 = arith.index_cast %add3A_153 : i32 to index
        %swap3A_165 = arith.constant 32 : index
        %swap3A_166 = tpu.vector_load %arg22[%swap3A_164, %swap3A_165] {strides = array<i32>} : memref<112x128xf32, #tpu.memory_space<vmem>>, vector<16xf32>,
        tpu.vector_store %arg22[%swap3A_164, %swap3A_165], %broadcast_in_dim3A_163 {strides = array<i32>} : memref<112x128xf32, #tpu.memory_space<vmem>>, vector<16xf32>,
        %broadcast_in_dim3A_167 = arith.constant 0.000000e+00 : f32
        %broadcast_in_dim3A_168 = vector.broadcast %broadcast_in_dim3A_167 : f32 to vector<16xf32>
        %swap3A_169 = arith.index_cast %add3A_153 : i32 to index
        %swap3A_170 = arith.constant 48 : index
        %swap3A_171 = tpu.vector_load %arg22[%swap3A_169, %swap3A_170] {strides = array<i32>} : memref<112x128xf32, #tpu.memory_space<vmem>>, vector<16xf32>,
        tpu.vector_store %arg22[%swap3A_169, %swap3A_170], %broadcast_in_dim3A_168 {strides = array<i32>} : memref<112x128xf32, #tpu.memory_space<vmem>>, vector<16xf32>,
        %broadcast_in_dim3A_172 = arith.constant 0.000000e+00 : f32
        %broadcast_in_dim3A_173 = vector.broadcast %broadcast_in_dim3A_172 : f32 to vector<16xf32>
        %swap3A_174 = arith.index_cast %add3A_153 : i32 to index
        %swap3A_175 = arith.constant 64 : index
        %swap3A_176 = tpu.vector_load %arg22[%swap3A_174, %swap3A_175] {strides = array<i32>} : memref<112x128xf32, #tpu.memory_space<vmem>>, vector<16xf32>,
        tpu.vector_store %arg22[%swap3A_174, %swap3A_175], %broadcast_in_dim3A_173 {strides = array<i32>} : memref<112x128xf32, #tpu.memory_space<vmem>>, vector<16xf32>,
        %broadcast_in_dim3A_177 = arith.constant 0.000000e+00 : f32
        %broadcast_in_dim3A_178 = vector.broadcast %broadcast_in_dim3A_177 : f32 to vector<16xf32>
        %swap3A_179 = arith.index_cast %add3A_153 : i32 to index
        %swap3A_180 = arith.constant 80 : index
        %swap3A_181 = tpu.vector_load %arg22[%swap3A_179, %swap3A_180] {strides = array<i32>} : memref<112x128xf32, #tpu.memory_space<vmem>>, vector<16xf32>,
        tpu.vector_store %arg22[%swap3A_179, %swap3A_180], %broadcast_in_dim3A_178 {strides = array<i32>} : memref<112x128xf32, #tpu.memory_space<vmem>>, vector<16xf32>,
        %broadcast_in_dim3A_182 = arith.constant 0.000000e+00 : f32
        %broadcast_in_dim3A_183 = vector.broadcast %broadcast_in_dim3A_182 : f32 to vector<16xf32>
        %swap3A_184 = arith.index_cast %add3A_153 : i32 to index
        %swap3A_185 = arith.constant 96 : index
        %swap3A_186 = tpu.vector_load %arg22[%swap3A_184, %swap3A_185] {strides = array<i32>} : memref<112x128xf32, #tpu.memory_space<vmem>>, vector<16xf32>,
        tpu.vector_store %arg22[%swap3A_184, %swap3A_185], %broadcast_in_dim3A_183 {strides = array<i32>} : memref<112x128xf32, #tpu.memory_space<vmem>>, vector<16xf32>,
        %broadcast_in_dim3A_187 = arith.constant 0.000000e+00 : f32
        %broadcast_in_dim3A_188 = vector.broadcast %broadcast_in_dim3A_187 : f32 to vector<16xf32>
        %swap3A_189 = arith.index_cast %add3A_153 : i32 to index
        %swap3A_190 = arith.constant 112 : index
        %swap3A_191 = tpu.vector_load %arg22[%swap3A_189, %swap3A_190] {strides = array<i32>} : memref<112x128xf32, #tpu.memory_space<vmem>>, vector<16xf32>,
        tpu.vector_store %arg22[%swap3A_189, %swap3A_190], %broadcast_in_dim3A_188 {strides = array<i32>} : memref<112x128xf32, #tpu.memory_space<vmem>>, vector<16xf32>,
      }
      %scan3A_15 = arith.constant 112 : i32
      %mul3A = arith.constant 624 : i32
      %mul3A_16 = arith.muli %arg1, %mul3A : i32
      %add3A = arith.constant 624 : i32
      %add3A_17 = arith.addi %mul3A_16, %add3A : i32
      %sub3A = arith.constant 624 : i32
      %sub3A_18 = arith.subi %add3A_17, %sub3A : i32
      "tpu.region"() ({
        %run_scoped3A = tpu.sem_alloc : memref<!tpu.dma_semaphore, #tpu.memory_space<semaphore_mem>>
        %dma_start3A_149 = arith.constant 0 : i32
        %dma_start3A_150 = arith.constant 0 : i32
        %dma_start3A_151 = tpu.memref_slice %arg22[%dma_start3A_149, %dma_start3A_150] : memref<112x128xf32, #tpu.memory_space<vmem>> -> memref<112x128xf32, #tpu.memory_space<vmem>>
        %dma_start3A_152 = arith.constant 0 : i32
        %dma_start3A_153 = tpu.memref_slice %arg45[%sub3A_18, %dma_start3A_152] : memref<10000x128xf32, #tpu.memory_space<vmem_shared>> -> memref<112x128xf32, #tpu.memory_space<vmem_shared>>
        %dma_start3A_154 = arith.constant 0 : i32
        %dma_start3A_155 = tpu.memref_slice %arg45[%sub3A_18, %dma_start3A_154] : memref<10000x128xf32, #tpu.memory_space<vmem_shared>> -> memref<112x128xf32, #tpu.memory_space<vmem_shared>>
        %dma_start3A_156 = arith.constant 0 : i32
        %dma_start3A_157 = arith.constant 0 : i32
        %dma_start3A_158 = tpu.memref_slice %arg22[%dma_start3A_156, %dma_start3A_157] : memref<112x128xf32, #tpu.memory_space<vmem>> -> memref<112x128xf32, #tpu.memory_space<vmem>>
        tpu.enqueue_dma source(%dma_start3A_158 : memref<112x128xf32, #tpu.memory_space<vmem>>) target(%dma_start3A_155 : memref<112x128xf32, #tpu.memory_space<vmem_shared>>) target_semaphore(%run_scoped3A : memref<!tpu.dma_semaphore, #tpu.memory_space<semaphore_mem>>)
        %dma_wait3A_159 = arith.constant 0 : i32
        %dma_wait3A_160 = arith.constant 0 : i32
        %dma_wait3A_161 = tpu.memref_slice %arg22[%dma_wait3A_159, %dma_wait3A_160] : memref<112x128xf32, #tpu.memory_space<vmem>> -> memref<112x128xf32, #tpu.memory_space<vmem>>
        %dma_wait3A_162 = arith.constant 0 : i32
        %dma_wait3A_163 = tpu.memref_slice %arg45[%sub3A_18, %dma_wait3A_162] : memref<10000x128xf32, #tpu.memory_space<vmem_shared>> -> memref<112x128xf32, #tpu.memory_space<vmem_shared>>
        %dma_wait3A_164 = arith.constant 0 : i32
        %dma_wait3A_165 = tpu.memref_slice %arg45[%sub3A_18, %dma_wait3A_164] : memref<10000x128xf32, #tpu.memory_space<vmem_shared>> -> memref<112x128xf32, #tpu.memory_space<vmem_shared>>
        %dma_wait3A_166 = arith.constant 0 : i32
        %dma_wait3A_167 = arith.constant 0 : i32
        %dma_wait3A_168 = tpu.memref_slice %arg22[%dma_wait3A_166, %dma_wait3A_167] : memref<112x128xf32, #tpu.memory_space<vmem>> -> memref<112x128xf32, #tpu.memory_space<vmem>>
        tpu.wait_dma2 semaphore(%run_scoped3A : memref<!tpu.dma_semaphore, #tpu.memory_space<semaphore_mem>>) src(%dma_wait3A_168 : memref<112x128xf32, #tpu.memory_space<vmem>>) dst(%dma_wait3A_165 : memref<112x128xf32, #tpu.memory_space<vmem_shared>>)
        tpu.yield
      }) : () -> ()
      %add3A_19 = arith.constant 624 : i32
      %add3A_20 = arith.addi %mul3A_16, %add3A_19 : i32
      %sub3A_21 = arith.constant 512 : i32
      %sub3A_22 = arith.subi %add3A_20, %sub3A_21 : i32
      "tpu.region"() ({
        %run_scoped3A = tpu.sem_alloc : memref<!tpu.dma_semaphore, #tpu.memory_space<semaphore_mem>>
        %dma_start3A_149 = arith.constant 0 : i32
        %dma_start3A_150 = arith.constant 0 : i32
        %dma_start3A_151 = tpu.memref_slice %arg22[%dma_start3A_149, %dma_start3A_150] : memref<112x128xf32, #tpu.memory_space<vmem>> -> memref<112x128xf32, #tpu.memory_space<vmem>>
        %dma_start3A_152 = arith.constant 0 : i32
        %dma_start3A_153 = tpu.memref_slice %arg45[%sub3A_22, %dma_start3A_152] : memref<10000x128xf32, #tpu.memory_space<vmem_shared>> -> memref<112x128xf32, #tpu.memory_space<vmem_shared>>
        %dma_start3A_154 = arith.constant 0 : i32
        %dma_start3A_155 = tpu.memref_slice %arg45[%sub3A_22, %dma_start3A_154] : memref<10000x128xf32, #tpu.memory_space<vmem_shared>> -> memref<112x128xf32, #tpu.memory_space<vmem_shared>>
        %dma_start3A_156 = arith.constant 0 : i32
        %dma_start3A_157 = arith.constant 0 : i32
        %dma_start3A_158 = tpu.memref_slice %arg22[%dma_start3A_156, %dma_start3A_157] : memref<112x128xf32, #tpu.memory_space<vmem>> -> memref<112x128xf32, #tpu.memory_space<vmem>>
        tpu.enqueue_dma source(%dma_start3A_158 : memref<112x128xf32, #tpu.memory_space<vmem>>) target(%dma_start3A_155 : memref<112x128xf32, #tpu.memory_space<vmem_shared>>) target_semaphore(%run_scoped3A : memref<!tpu.dma_semaphore, #tpu.memory_space<semaphore_mem>>)
        %dma_wait3A_159 = arith.constant 0 : i32
        %dma_wait3A_160 = arith.constant 0 : i32
        %dma_wait3A_161 = tpu.memref_slice %arg22[%dma_wait3A_159, %dma_wait3A_160] : memref<112x128xf32, #tpu.memory_space<vmem>> -> memref<112x128xf32, #tpu.memory_space<vmem>>
        %dma_wait3A_162 = arith.constant 0 : i32
        %dma_wait3A_163 = tpu.memref_slice %arg45[%sub3A_22, %dma_wait3A_162] : memref<10000x128xf32, #tpu.memory_space<vmem_shared>> -> memref<112x128xf32, #tpu.memory_space<vmem_shared>>
        %dma_wait3A_164 = arith.constant 0 : i32
        %dma_wait3A_165 = tpu.memref_slice %arg45[%sub3A_22, %dma_wait3A_164] : memref<10000x128xf32, #tpu.memory_space<vmem_shared>> -> memref<112x128xf32, #tpu.memory_space<vmem_shared>>
        %dma_wait3A_166 = arith.constant 0 : i32
        %dma_wait3A_167 = arith.constant 0 : i32
        %dma_wait3A_168 = tpu.memref_slice %arg22[%dma_wait3A_166, %dma_wait3A_167] : memref<112x128xf32, #tpu.memory_space<vmem>> -> memref<112x128xf32, #tpu.memory_space<vmem>>
        tpu.wait_dma2 semaphore(%run_scoped3A : memref<!tpu.dma_semaphore, #tpu.memory_space<semaphore_mem>>) src(%dma_wait3A_168 : memref<112x128xf32, #tpu.memory_space<vmem>>) dst(%dma_wait3A_165 : memref<112x128xf32, #tpu.memory_space<vmem_shared>>)
        tpu.yield
      }) : () -> ()
      %add3A_23 = arith.constant 624 : i32
      %add3A_24 = arith.addi %mul3A_16, %add3A_23 : i32
      %sub3A_25 = arith.constant 400 : i32
      %sub3A_26 = arith.subi %add3A_24, %sub3A_25 : i32
      "tpu.region"() ({
        %run_scoped3A = tpu.sem_alloc : memref<!tpu.dma_semaphore, #tpu.memory_space<semaphore_mem>>
        %dma_start3A_149 = arith.constant 0 : i32
        %dma_start3A_150 = arith.constant 0 : i32
        %dma_start3A_151 = tpu.memref_slice %arg22[%dma_start3A_149, %dma_start3A_150] : memref<112x128xf32, #tpu.memory_space<vmem>> -> memref<112x128xf32, #tpu.memory_space<vmem>>
        %dma_start3A_152 = arith.constant 0 : i32
        %dma_start3A_153 = tpu.memref_slice %arg45[%sub3A_26, %dma_start3A_152] : memref<10000x128xf32, #tpu.memory_space<vmem_shared>> -> memref<112x128xf32, #tpu.memory_space<vmem_shared>>
        %dma_start3A_154 = arith.constant 0 : i32
        %dma_start3A_155 = tpu.memref_slice %arg45[%sub3A_26, %dma_start3A_154] : memref<10000x128xf32, #tpu.memory_space<vmem_shared>> -> memref<112x128xf32, #tpu.memory_space<vmem_shared>>
        %dma_start3A_156 = arith.constant 0 : i32
        %dma_start3A_157 = arith.constant 0 : i32
        %dma_start3A_158 = tpu.memref_slice %arg22[%dma_start3A_156, %dma_start3A_157] : memref<112x128xf32, #tpu.memory_space<vmem>> -> memref<112x128xf32, #tpu.memory_space<vmem>>
        tpu.enqueue_dma source(%dma_start3A_158 : memref<112x128xf32, #tpu.memory_space<vmem>>) target(%dma_start3A_155 : memref<112x128xf32, #tpu.memory_space<vmem_shared>>) target_semaphore(%run_scoped3A : memref<!tpu.dma_semaphore, #tpu.memory_space<semaphore_mem>>)
        %dma_wait3A_159 = arith.constant 0 : i32
        %dma_wait3A_160 = arith.constant 0 : i32
        %dma_wait3A_161 = tpu.memref_slice %arg22[%dma_wait3A_159, %dma_wait3A_160] : memref<112x128xf32, #tpu.memory_space<vmem>> -> memref<112x128xf32, #tpu.memory_space<vmem>>
        %dma_wait3A_162 = arith.constant 0 : i32
        %dma_wait3A_163 = tpu.memref_slice %arg45[%sub3A_26, %dma_wait3A_162] : memref<10000x128xf32, #tpu.memory_space<vmem_shared>> -> memref<112x128xf32, #tpu.memory_space<vmem_shared>>
        %dma_wait3A_164 = arith.constant 0 : i32
        %dma_wait3A_165 = tpu.memref_slice %arg45[%sub3A_26, %dma_wait3A_164] : memref<10000x128xf32, #tpu.memory_space<vmem_shared>> -> memref<112x128xf32, #tpu.memory_space<vmem_shared>>
        %dma_wait3A_166 = arith.constant 0 : i32
        %dma_wait3A_167 = arith.constant 0 : i32
        %dma_wait3A_168 = tpu.memref_slice %arg22[%dma_wait3A_166, %dma_wait3A_167] : memref<112x128xf32, #tpu.memory_space<vmem>> -> memref<112x128xf32, #tpu.memory_space<vmem>>
        tpu.wait_dma2 semaphore(%run_scoped3A : memref<!tpu.dma_semaphore, #tpu.memory_space<semaphore_mem>>) src(%dma_wait3A_168 : memref<112x128xf32, #tpu.memory_space<vmem>>) dst(%dma_wait3A_165 : memref<112x128xf32, #tpu.memory_space<vmem_shared>>)
        tpu.yield
      }) : () -> ()
      %add3A_27 = arith.constant 624 : i32
      %add3A_28 = arith.addi %mul3A_16, %add3A_27 : i32
      %sub3A_29 = arith.constant 288 : i32
      %sub3A_30 = arith.subi %add3A_28, %sub3A_29 : i32
      "tpu.region"() ({
        %run_scoped3A = tpu.sem_alloc : memref<!tpu.dma_semaphore, #tpu.memory_space<semaphore_mem>>
        %dma_start3A_149 = arith.constant 0 : i32
        %dma_start3A_150 = arith.constant 0 : i32
        %dma_start3A_151 = tpu.memref_slice %arg22[%dma_start3A_149, %dma_start3A_150] : memref<112x128xf32, #tpu.memory_space<vmem>> -> memref<112x128xf32, #tpu.memory_space<vmem>>
        %dma_start3A_152 = arith.constant 0 : i32
        %dma_start3A_153 = tpu.memref_slice %arg45[%sub3A_30, %dma_start3A_152] : memref<10000x128xf32, #tpu.memory_space<vmem_shared>> -> memref<112x128xf32, #tpu.memory_space<vmem_shared>>
        %dma_start3A_154 = arith.constant 0 : i32
        %dma_start3A_155 = tpu.memref_slice %arg45[%sub3A_30, %dma_start3A_154] : memref<10000x128xf32, #tpu.memory_space<vmem_shared>> -> memref<112x128xf32, #tpu.memory_space<vmem_shared>>
        %dma_start3A_156 = arith.constant 0 : i32
        %dma_start3A_157 = arith.constant 0 : i32
        %dma_start3A_158 = tpu.memref_slice %arg22[%dma_start3A_156, %dma_start3A_157] : memref<112x128xf32, #tpu.memory_space<vmem>> -> memref<112x128xf32, #tpu.memory_space<vmem>>
        tpu.enqueue_dma source(%dma_start3A_158 : memref<112x128xf32, #tpu.memory_space<vmem>>) target(%dma_start3A_155 : memref<112x128xf32, #tpu.memory_space<vmem_shared>>) target_semaphore(%run_scoped3A : memref<!tpu.dma_semaphore, #tpu.memory_space<semaphore_mem>>)
        %dma_wait3A_159 = arith.constant 0 : i32
        %dma_wait3A_160 = arith.constant 0 : i32
        %dma_wait3A_161 = tpu.memref_slice %arg22[%dma_wait3A_159, %dma_wait3A_160] : memref<112x128xf32, #tpu.memory_space<vmem>> -> memref<112x128xf32, #tpu.memory_space<vmem>>
        %dma_wait3A_162 = arith.constant 0 : i32
        %dma_wait3A_163 = tpu.memref_slice %arg45[%sub3A_30, %dma_wait3A_162] : memref<10000x128xf32, #tpu.memory_space<vmem_shared>> -> memref<112x128xf32, #tpu.memory_space<vmem_shared>>
        %dma_wait3A_164 = arith.constant 0 : i32
        %dma_wait3A_165 = tpu.memref_slice %arg45[%sub3A_30, %dma_wait3A_164] : memref<10000x128xf32, #tpu.memory_space<vmem_shared>> -> memref<112x128xf32, #tpu.memory_space<vmem_shared>>
        %dma_wait3A_166 = arith.constant 0 : i32
        %dma_wait3A_167 = arith.constant 0 : i32
        %dma_wait3A_168 = tpu.memref_slice %arg22[%dma_wait3A_166, %dma_wait3A_167] : memref<112x128xf32, #tpu.memory_space<vmem>> -> memref<112x128xf32, #tpu.memory_space<vmem>>
        tpu.wait_dma2 semaphore(%run_scoped3A : memref<!tpu.dma_semaphore, #tpu.memory_space<semaphore_mem>>) src(%dma_wait3A_168 : memref<112x128xf32, #tpu.memory_space<vmem>>) dst(%dma_wait3A_165 : memref<112x128xf32, #tpu.memory_space<vmem_shared>>)
        tpu.yield
      }) : () -> ()
      %add3A_31 = arith.constant 624 : i32
      %add3A_32 = arith.addi %mul3A_16, %add3A_31 : i32
      %sub3A_33 = arith.constant 176 : i32
      %sub3A_34 = arith.subi %add3A_32, %sub3A_33 : i32
      "tpu.region"() ({
        %run_scoped3A = tpu.sem_alloc : memref<!tpu.dma_semaphore, #tpu.memory_space<semaphore_mem>>
        %dma_start3A_149 = arith.constant 0 : i32
        %dma_start3A_150 = arith.constant 0 : i32
        %dma_start3A_151 = tpu.memref_slice %arg22[%dma_start3A_149, %dma_start3A_150] : memref<112x128xf32, #tpu.memory_space<vmem>> -> memref<112x128xf32, #tpu.memory_space<vmem>>
        %dma_start3A_152 = arith.constant 0 : i32
        %dma_start3A_153 = tpu.memref_slice %arg45[%sub3A_34, %dma_start3A_152] : memref<10000x128xf32, #tpu.memory_space<vmem_shared>> -> memref<112x128xf32, #tpu.memory_space<vmem_shared>>
        %dma_start3A_154 = arith.constant 0 : i32
        %dma_start3A_155 = tpu.memref_slice %arg45[%sub3A_34, %dma_start3A_154] : memref<10000x128xf32, #tpu.memory_space<vmem_shared>> -> memref<112x128xf32, #tpu.memory_space<vmem_shared>>
        %dma_start3A_156 = arith.constant 0 : i32
        %dma_start3A_157 = arith.constant 0 : i32
        %dma_start3A_158 = tpu.memref_slice %arg22[%dma_start3A_156, %dma_start3A_157] : memref<112x128xf32, #tpu.memory_space<vmem>> -> memref<112x128xf32, #tpu.memory_space<vmem>>
        tpu.enqueue_dma source(%dma_start3A_158 : memref<112x128xf32, #tpu.memory_space<vmem>>) target(%dma_start3A_155 : memref<112x128xf32, #tpu.memory_space<vmem_shared>>) target_semaphore(%run_scoped3A : memref<!tpu.dma_semaphore, #tpu.memory_space<semaphore_mem>>)
        %dma_wait3A_159 = arith.constant 0 : i32
        %dma_wait3A_160 = arith.constant 0 : i32
        %dma_wait3A_161 = tpu.memref_slice %arg22[%dma_wait3A_159, %dma_wait3A_160] : memref<112x128xf32, #tpu.memory_space<vmem>> -> memref<112x128xf32, #tpu.memory_space<vmem>>
        %dma_wait3A_162 = arith.constant 0 : i32
        %dma_wait3A_163 = tpu.memref_slice %arg45[%sub3A_34, %dma_wait3A_162] : memref<10000x128xf32, #tpu.memory_space<vmem_shared>> -> memref<112x128xf32, #tpu.memory_space<vmem_shared>>
        %dma_wait3A_164 = arith.constant 0 : i32
        %dma_wait3A_165 = tpu.memref_slice %arg45[%sub3A_34, %dma_wait3A_164] : memref<10000x128xf32, #tpu.memory_space<vmem_shared>> -> memref<112x128xf32, #tpu.memory_space<vmem_shared>>
        %dma_wait3A_166 = arith.constant 0 : i32
        %dma_wait3A_167 = arith.constant 0 : i32
        %dma_wait3A_168 = tpu.memref_slice %arg22[%dma_wait3A_166, %dma_wait3A_167] : memref<112x128xf32, #tpu.memory_space<vmem>> -> memref<112x128xf32, #tpu.memory_space<vmem>>
        tpu.wait_dma2 semaphore(%run_scoped3A : memref<!tpu.dma_semaphore, #tpu.memory_space<semaphore_mem>>) src(%dma_wait3A_168 : memref<112x128xf32, #tpu.memory_space<vmem>>) dst(%dma_wait3A_165 : memref<112x128xf32, #tpu.memory_space<vmem_shared>>)
        tpu.yield
      }) : () -> ()
      %add3A_35 = arith.constant 624 : i32
      %add3A_36 = arith.addi %mul3A_16, %add3A_35 : i32
      %sub3A_37 = arith.constant 64 : i32
      %sub3A_38 = arith.subi %add3A_36, %sub3A_37 : i32
      "tpu.region"() ({
        %run_scoped3A = tpu.sem_alloc : memref<!tpu.dma_semaphore, #tpu.memory_space<semaphore_mem>>
        %dma_start3A_149 = arith.constant 0 : i32
        %dma_start3A_150 = arith.constant 0 : i32
        %dma_start3A_151 = tpu.memref_slice %arg22[%dma_start3A_149, %dma_start3A_150] : memref<112x128xf32, #tpu.memory_space<vmem>> -> memref<64x128xf32, #tpu.memory_space<vmem>>
        %dma_start3A_152 = arith.constant 0 : i32
        %dma_start3A_153 = tpu.memref_slice %arg45[%sub3A_38, %dma_start3A_152] : memref<10000x128xf32, #tpu.memory_space<vmem_shared>> -> memref<64x128xf32, #tpu.memory_space<vmem_shared>>
        %dma_start3A_154 = arith.constant 0 : i32
        %dma_start3A_155 = tpu.memref_slice %arg45[%sub3A_38, %dma_start3A_154] : memref<10000x128xf32, #tpu.memory_space<vmem_shared>> -> memref<64x128xf32, #tpu.memory_space<vmem_shared>>
        %dma_start3A_156 = arith.constant 0 : i32
        %dma_start3A_157 = arith.constant 0 : i32
        %dma_start3A_158 = tpu.memref_slice %arg22[%dma_start3A_156, %dma_start3A_157] : memref<112x128xf32, #tpu.memory_space<vmem>> -> memref<64x128xf32, #tpu.memory_space<vmem>>
        tpu.enqueue_dma source(%dma_start3A_158 : memref<64x128xf32, #tpu.memory_space<vmem>>) target(%dma_start3A_155 : memref<64x128xf32, #tpu.memory_space<vmem_shared>>) target_semaphore(%run_scoped3A : memref<!tpu.dma_semaphore, #tpu.memory_space<semaphore_mem>>)
        %dma_wait3A_159 = arith.constant 0 : i32
        %dma_wait3A_160 = arith.constant 0 : i32
        %dma_wait3A_161 = tpu.memref_slice %arg22[%dma_wait3A_159, %dma_wait3A_160] : memref<112x128xf32, #tpu.memory_space<vmem>> -> memref<64x128xf32, #tpu.memory_space<vmem>>
        %dma_wait3A_162 = arith.constant 0 : i32
        %dma_wait3A_163 = tpu.memref_slice %arg45[%sub3A_38, %dma_wait3A_162] : memref<10000x128xf32, #tpu.memory_space<vmem_shared>> -> memref<64x128xf32, #tpu.memory_space<vmem_shared>>
        %dma_wait3A_164 = arith.constant 0 : i32
        %dma_wait3A_165 = tpu.memref_slice %arg45[%sub3A_38, %dma_wait3A_164] : memref<10000x128xf32, #tpu.memory_space<vmem_shared>> -> memref<64x128xf32, #tpu.memory_space<vmem_shared>>
        %dma_wait3A_166 = arith.constant 0 : i32
        %dma_wait3A_167 = arith.constant 0 : i32
        %dma_wait3A_168 = tpu.memref_slice %arg22[%dma_wait3A_166, %dma_wait3A_167] : memref<112x128xf32, #tpu.memory_space<vmem>> -> memref<64x128xf32, #tpu.memory_space<vmem>>
        tpu.wait_dma2 semaphore(%run_scoped3A : memref<!tpu.dma_semaphore, #tpu.memory_space<semaphore_mem>>) src(%dma_wait3A_168 : memref<64x128xf32, #tpu.memory_space<vmem>>) dst(%dma_wait3A_165 : memref<64x128xf32, #tpu.memory_space<vmem_shared>>)
        tpu.yield
      }) : () -> ()
      "tpu.region"() ({
        %run_scoped3A = tpu.sem_alloc : memref<!tpu.dma_semaphore, #tpu.memory_space<semaphore_mem>>
        %dma_start3A_149 = arith.constant 0 : i32
        %dma_start3A_150 = tpu.memref_slice %arg44[%dma_start3A_149] : memref<640xf32, #tpu.memory_space<vmem>> -> memref<624xf32, #tpu.memory_space<vmem>>
        %dma_start3A_151 = tpu.memref_slice %arg46[%mul3A_16] : memref<10000xf32, #tpu.memory_space<vmem_shared>> -> memref<624xf32, #tpu.memory_space<vmem_shared>>
        %dma_start3A_152 = tpu.memref_slice %arg46[%mul3A_16] : memref<10000xf32, #tpu.memory_space<vmem_shared>> -> memref<624xf32, #tpu.memory_space<vmem_shared>>
        %dma_start3A_153 = arith.constant 0 : i32
        %dma_start3A_154 = tpu.memref_slice %arg44[%dma_start3A_153] : memref<640xf32, #tpu.memory_space<vmem>> -> memref<624xf32, #tpu.memory_space<vmem>>
        tpu.enqueue_dma source(%dma_start3A_154 : memref<624xf32, #tpu.memory_space<vmem>>) target(%dma_start3A_152 : memref<624xf32, #tpu.memory_space<vmem_shared>>) target_semaphore(%run_scoped3A : memref<!tpu.dma_semaphore, #tpu.memory_space<semaphore_mem>>)
        %dma_wait3A_155 = arith.constant 0 : i32
        %dma_wait3A_156 = tpu.memref_slice %arg44[%dma_wait3A_155] : memref<640xf32, #tpu.memory_space<vmem>> -> memref<624xf32, #tpu.memory_space<vmem>>
        %dma_wait3A_157 = tpu.memref_slice %arg46[%mul3A_16] : memref<10000xf32, #tpu.memory_space<vmem_shared>> -> memref<624xf32, #tpu.memory_space<vmem_shared>>
        %dma_wait3A_158 = tpu.memref_slice %arg46[%mul3A_16] : memref<10000xf32, #tpu.memory_space<vmem_shared>> -> memref<624xf32, #tpu.memory_space<vmem_shared>>
        %dma_wait3A_159 = arith.constant 0 : i32
        %dma_wait3A_160 = tpu.memref_slice %arg44[%dma_wait3A_159] : memref<640xf32, #tpu.memory_space<vmem>> -> memref<624xf32, #tpu.memory_space<vmem>>
        tpu.wait_dma2 semaphore(%run_scoped3A : memref<!tpu.dma_semaphore, #tpu.memory_space<semaphore_mem>>) src(%dma_wait3A_160 : memref<624xf32, #tpu.memory_space<vmem>>) dst(%dma_wait3A_158 : memref<624xf32, #tpu.memory_space<vmem_shared>>)
        tpu.yield
      }) : () -> ()
      %eq3A_39 = arith.constant 15 : i32
      %eq3A_40 = arith.cmpi eq, %arg1, %eq3A_39 : i32
      %convert_element_type3A_41 = arith.extui %eq3A_40 : i1 to i32
      %cond3A_42 = arith.constant 0 : i32
      %cond3A_43 = arith.cmpi ne, %convert_element_type3A_41, %cond3A_42 : i32
      scf.if %cond3A_43 {
        "tpu.region"() ({
          %run_scoped3A = tpu.sem_alloc : memref<!tpu.dma_semaphore, #tpu.memory_space<semaphore_mem>>
          %dma_start3A_149 = arith.constant 0 : i32
          %dma_start3A_150 = arith.constant 0 : i32
          %dma_start3A_151 = tpu.memref_slice %arg22[%dma_start3A_149, %dma_start3A_150] : memref<112x128xf32, #tpu.memory_space<vmem>> -> memref<16x128xf32, #tpu.memory_space<vmem>>
          %dma_start3A_152 = arith.constant 9984 : i32
          %dma_start3A_153 = arith.constant 0 : i32
          %dma_start3A_154 = tpu.memref_slice %arg45[%dma_start3A_152, %dma_start3A_153] : memref<10000x128xf32, #tpu.memory_space<vmem_shared>> -> memref<16x128xf32, #tpu.memory_space<vmem_shared>>
          %dma_start3A_155 = arith.constant 9984 : i32
          %dma_start3A_156 = arith.constant 0 : i32
          %dma_start3A_157 = tpu.memref_slice %arg45[%dma_start3A_155, %dma_start3A_156] : memref<10000x128xf32, #tpu.memory_space<vmem_shared>> -> memref<16x128xf32, #tpu.memory_space<vmem_shared>>
          %dma_start3A_158 = arith.constant 0 : i32
          %dma_start3A_159 = arith.constant 0 : i32
          %dma_start3A_160 = tpu.memref_slice %arg22[%dma_start3A_158, %dma_start3A_159] : memref<112x128xf32, #tpu.memory_space<vmem>> -> memref<16x128xf32, #tpu.memory_space<vmem>>
          tpu.enqueue_dma source(%dma_start3A_160 : memref<16x128xf32, #tpu.memory_space<vmem>>) target(%dma_start3A_157 : memref<16x128xf32, #tpu.memory_space<vmem_shared>>) target_semaphore(%run_scoped3A : memref<!tpu.dma_semaphore, #tpu.memory_space<semaphore_mem>>)
          %dma_wait3A_161 = arith.constant 0 : i32
          %dma_wait3A_162 = arith.constant 0 : i32
          %dma_wait3A_163 = tpu.memref_slice %arg22[%dma_wait3A_161, %dma_wait3A_162] : memref<112x128xf32, #tpu.memory_space<vmem>> -> memref<16x128xf32, #tpu.memory_space<vmem>>
          %dma_wait3A_164 = arith.constant 9984 : i32
          %dma_wait3A_165 = arith.constant 0 : i32
          %dma_wait3A_166 = tpu.memref_slice %arg45[%dma_wait3A_164, %dma_wait3A_165] : memref<10000x128xf32, #tpu.memory_space<vmem_shared>> -> memref<16x128xf32, #tpu.memory_space<vmem_shared>>
          %dma_wait3A_167 = arith.constant 9984 : i32
          %dma_wait3A_168 = arith.constant 0 : i32
          %dma_wait3A_169 = tpu.memref_slice %arg45[%dma_wait3A_167, %dma_wait3A_168] : memref<10000x128xf32, #tpu.memory_space<vmem_shared>> -> memref<16x128xf32, #tpu.memory_space<vmem_shared>>
          %dma_wait3A_170 = arith.constant 0 : i32
          %dma_wait3A_171 = arith.constant 0 : i32
          %dma_wait3A_172 = tpu.memref_slice %arg22[%dma_wait3A_170, %dma_wait3A_171] : memref<112x128xf32, #tpu.memory_space<vmem>> -> memref<16x128xf32, #tpu.memory_space<vmem>>
          tpu.wait_dma2 semaphore(%run_scoped3A : memref<!tpu.dma_semaphore, #tpu.memory_space<semaphore_mem>>) src(%dma_wait3A_172 : memref<16x128xf32, #tpu.memory_space<vmem>>) dst(%dma_wait3A_169 : memref<16x128xf32, #tpu.memory_space<vmem_shared>>)
          tpu.yield
        }) : () -> ()
        "tpu.region"() ({
          %run_scoped3A = tpu.sem_alloc : memref<!tpu.dma_semaphore, #tpu.memory_space<semaphore_mem>>
          %dma_start3A_149 = arith.constant 0 : i32
          %dma_start3A_150 = tpu.memref_slice %arg44[%dma_start3A_149] : memref<640xf32, #tpu.memory_space<vmem>> -> memref<16xf32, #tpu.memory_space<vmem>>
          %dma_start3A_151 = arith.constant 9984 : i32
          %dma_start3A_152 = tpu.memref_slice %arg46[%dma_start3A_151] : memref<10000xf32, #tpu.memory_space<vmem_shared>> -> memref<16xf32, #tpu.memory_space<vmem_shared>>
          %dma_start3A_153 = arith.constant 9984 : i32
          %dma_start3A_154 = tpu.memref_slice %arg46[%dma_start3A_153] : memref<10000xf32, #tpu.memory_space<vmem_shared>> -> memref<16xf32, #tpu.memory_space<vmem_shared>>
          %dma_start3A_155 = arith.constant 0 : i32
          %dma_start3A_156 = tpu.memref_slice %arg44[%dma_start3A_155] : memref<640xf32, #tpu.memory_space<vmem>> -> memref<16xf32, #tpu.memory_space<vmem>>
          tpu.enqueue_dma source(%dma_start3A_156 : memref<16xf32, #tpu.memory_space<vmem>>) target(%dma_start3A_154 : memref<16xf32, #tpu.memory_space<vmem_shared>>) target_semaphore(%run_scoped3A : memref<!tpu.dma_semaphore, #tpu.memory_space<semaphore_mem>>)
          %dma_wait3A_157 = arith.constant 0 : i32
          %dma_wait3A_158 = tpu.memref_slice %arg44[%dma_wait3A_157] : memref<640xf32, #tpu.memory_space<vmem>> -> memref<16xf32, #tpu.memory_space<vmem>>
          %dma_wait3A_159 = arith.constant 9984 : i32
          %dma_wait3A_160 = tpu.memref_slice %arg46[%dma_wait3A_159] : memref<10000xf32, #tpu.memory_space<vmem_shared>> -> memref<16xf32, #tpu.memory_space<vmem_shared>>
          %dma_wait3A_161 = arith.constant 9984 : i32
          %dma_wait3A_162 = tpu.memref_slice %arg46[%dma_wait3A_161] : memref<10000xf32, #tpu.memory_space<vmem_shared>> -> memref<16xf32, #tpu.memory_space<vmem_shared>>
          %dma_wait3A_163 = arith.constant 0 : i32
          %dma_wait3A_164 = tpu.memref_slice %arg44[%dma_wait3A_163] : memref<640xf32, #tpu.memory_space<vmem>> -> memref<16xf32, #tpu.memory_space<vmem>>
          tpu.wait_dma2 semaphore(%run_scoped3A : memref<!tpu.dma_semaphore, #tpu.memory_space<semaphore_mem>>) src(%dma_wait3A_164 : memref<16xf32, #tpu.memory_space<vmem>>) dst(%dma_wait3A_162 : memref<16xf32, #tpu.memory_space<vmem_shared>>)
          tpu.yield
        }) : () -> ()
      } else {
      }
      %barrier3A = arith.constant 0 : index
      tpu.barrier barrier_id(%barrier3A)
      %mul3A_44 = arith.constant 10080 : i32
      %mul3A_45 = arith.muli %arg1, %mul3A_44 : i32
      %mul3A_46 = arith.constant 2 : i32
      %mul3A_47 = arith.muli %mul3A_46, %mul3A_45 : i32
      %dma_start3A = tpu.memref_slice %arg6[%mul3A_47] : memref<322560xi32, #tpu.memory_space<hbm>> -> memref<224xi32, #tpu.memory_space<hbm>>
      %dma_start3A_48 = tpu.memref_slice %arg6[%mul3A_47] : memref<322560xi32, #tpu.memory_space<hbm>> -> memref<224xi32, #tpu.memory_space<hbm>>
      tpu.enqueue_dma source(%dma_start3A_48 : memref<224xi32, #tpu.memory_space<hbm>>) target(%arg11 : memref<224xi32, #tpu.memory_space<vmem>>) target_semaphore(%arg13 : memref<!tpu.dma_semaphore, #tpu.memory_space<semaphore_mem>>)
      %add3A_49 = arith.constant 112 : i32
      %add3A_50 = arith.addi %mul3A_45, %add3A_49 : i32
      %mul3A_51 = arith.constant 2 : i32
      %mul3A_52 = arith.muli %mul3A_51, %add3A_50 : i32
      %dma_start3A_53 = tpu.memref_slice %arg6[%mul3A_52] : memref<322560xi32, #tpu.memory_space<hbm>> -> memref<224xi32, #tpu.memory_space<hbm>>
      %dma_start3A_54 = tpu.memref_slice %arg6[%mul3A_52] : memref<322560xi32, #tpu.memory_space<hbm>> -> memref<224xi32, #tpu.memory_space<hbm>>
      tpu.enqueue_dma source(%dma_start3A_54 : memref<224xi32, #tpu.memory_space<hbm>>) target(%arg14 : memref<224xi32, #tpu.memory_space<vmem>>) target_semaphore(%arg16 : memref<!tpu.dma_semaphore, #tpu.memory_space<semaphore_mem>>)
      %mul3A_55 = arith.constant 2 : i32
      %mul3A_56 = arith.muli %mul3A_55, %mul3A_45 : i32
      %dma_wait3A = tpu.memref_slice %arg6[%mul3A_56] : memref<322560xi32, #tpu.memory_space<hbm>> -> memref<224xi32, #tpu.memory_space<hbm>>
      %dma_wait3A_57 = tpu.memref_slice %arg6[%mul3A_56] : memref<322560xi32, #tpu.memory_space<hbm>> -> memref<224xi32, #tpu.memory_space<hbm>>
      tpu.wait_dma2 semaphore(%arg13 : memref<!tpu.dma_semaphore, #tpu.memory_space<semaphore_mem>>) src(%dma_wait3A_57 : memref<224xi32, #tpu.memory_space<hbm>>) dst(%arg11 : memref<224xi32, #tpu.memory_space<vmem>>)
      %parallel_loop3A = arith.constant 0 : i32
      %parallel_loop3A_58 = arith.constant 7 : i32
      %parallel_loop3A_59 = arith.constant 1 : i32
      scf.for %parallel_loop3A_149 = %parallel_loop3A to %parallel_loop3A_58 step %parallel_loop3A_59  : i32 {
        %parallel_loop3A_150 = arith.constant 16 : i32
        %parallel_loop3A_151 = arith.muli %parallel_loop3A_149, %parallel_loop3A_150 : i32
        %parallel_loop3A_152 = arith.constant 16 : i32
        %parallel_loop3A_153 = arith.muli %parallel_loop3A_149, %parallel_loop3A_152 : i32
        %parallel_loop3A_154 = arith.constant 112 : i32
        %parallel_loop3A_155 = arith.addi %parallel_loop3A_154, %parallel_loop3A_153 : i32
        %parallel_loop3A_156 = arith.index_cast %parallel_loop3A_155 : i32 to index
        %parallel_loop3A_157 = tpu.vector_load %arg11[%parallel_loop3A_156] {strides = array<i32>} : memref<224xi32, #tpu.memory_space<vmem>>, vector<16xi32>,
        %parallel_loop3A_158 = arith.constant 10000 : i32
        %parallel_loop3A_159 = vector.broadcast %parallel_loop3A_158 : i32 to vector<16xi32>
        %parallel_loop3A_160 = arith.subi %parallel_loop3A_157, %parallel_loop3A_159 : vector<16xi32>
        %parallel_loop3A_161 = arith.index_cast %parallel_loop3A_151 : i32 to index
        %parallel_loop3A_162 = tpu.vector_load %arg12[%parallel_loop3A_161] {strides = array<i32>} : memref<112xi32, #tpu.memory_space<vmem>>, vector<16xi32>,
        tpu.vector_store %arg12[%parallel_loop3A_161], %parallel_loop3A_160 {strides = array<i32>} : memref<112xi32, #tpu.memory_space<vmem>>, vector<16xi32>,
      } {sc.loop_unroll_factor = 7 : i64, sc.parallel_access}
      %dma_start3A_60 = arith.constant 0 : i32
      %dma_start3A_61 = tpu.memref_slice %arg5[%dma_start3A_60] : memref<20000xf32, #tpu.memory_space<hbm>> -> memref<20000xf32, #tpu.memory_space<hbm>>
      tpu.enqueue_indirect_dma source(%dma_start3A_61 : memref<20000xf32, #tpu.memory_space<hbm>>) target(%arg20 : memref<224xf32, #tpu.memory_space<vmem>>) offsets(%arg11 : memref<224xi32, #tpu.memory_space<vmem>>) semaphore(%arg24 : memref<!tpu.dma_semaphore, #tpu.memory_space<semaphore_mem>>)
      %dma_start3A_62 = arith.constant 0 : i32
      %dma_start3A_63 = arith.constant 0 : i32
      %dma_start3A_64 = tpu.memref_slice %arg3[%dma_start3A_62, %dma_start3A_63] : memref<10000x128xf32, #tpu.memory_space<hbm>> -> memref<10000x128xf32, #tpu.memory_space<hbm>>
      tpu.enqueue_indirect_dma source(%dma_start3A_64 : memref<10000x128xf32, #tpu.memory_space<hbm>>) target(%arg22 : memref<112x128xf32, #tpu.memory_space<vmem>>) offsets(%arg12 : memref<112xi32, #tpu.memory_space<vmem>>) semaphore(%arg25 : memref<!tpu.dma_semaphore, #tpu.memory_space<semaphore_mem>>)
      %add3A_65 = arith.constant 224 : i32
      %add3A_66 = arith.addi %mul3A_45, %add3A_65 : i32
      %mul3A_67 = arith.constant 2 : i32
      %mul3A_68 = arith.muli %mul3A_67, %add3A_66 : i32
      %dma_start3A_69 = tpu.memref_slice %arg6[%mul3A_68] : memref<322560xi32, #tpu.memory_space<hbm>> -> memref<224xi32, #tpu.memory_space<hbm>>
      %dma_start3A_70 = tpu.memref_slice %arg6[%mul3A_68] : memref<322560xi32, #tpu.memory_space<hbm>> -> memref<224xi32, #tpu.memory_space<hbm>>
      tpu.enqueue_dma source(%dma_start3A_70 : memref<224xi32, #tpu.memory_space<hbm>>) target(%arg17 : memref<224xi32, #tpu.memory_space<vmem>>) target_semaphore(%arg19 : memref<!tpu.dma_semaphore, #tpu.memory_space<semaphore_mem>>)
      %add3A_71 = arith.constant 112 : i32
      %add3A_72 = arith.addi %mul3A_45, %add3A_71 : i32
      %mul3A_73 = arith.constant 2 : i32
      %mul3A_74 = arith.muli %mul3A_73, %add3A_72 : i32
      %dma_wait3A_75 = tpu.memref_slice %arg6[%mul3A_74] : memref<322560xi32, #tpu.memory_space<hbm>> -> memref<224xi32, #tpu.memory_space<hbm>>
      %dma_wait3A_76 = tpu.memref_slice %arg6[%mul3A_74] : memref<322560xi32, #tpu.memory_space<hbm>> -> memref<224xi32, #tpu.memory_space<hbm>>
      tpu.wait_dma2 semaphore(%arg16 : memref<!tpu.dma_semaphore, #tpu.memory_space<semaphore_mem>>) src(%dma_wait3A_76 : memref<224xi32, #tpu.memory_space<hbm>>) dst(%arg14 : memref<224xi32, #tpu.memory_space<vmem>>)
      %parallel_loop3A_77 = arith.constant 0 : i32
      %parallel_loop3A_78 = arith.constant 7 : i32
      %parallel_loop3A_79 = arith.constant 1 : i32
      scf.for %parallel_loop3A_149 = %parallel_loop3A_77 to %parallel_loop3A_78 step %parallel_loop3A_79  : i32 {
        %parallel_loop3A_150 = arith.constant 16 : i32
        %parallel_loop3A_151 = arith.muli %parallel_loop3A_149, %parallel_loop3A_150 : i32
        %parallel_loop3A_152 = arith.constant 16 : i32
        %parallel_loop3A_153 = arith.muli %parallel_loop3A_149, %parallel_loop3A_152 : i32
        %parallel_loop3A_154 = arith.constant 112 : i32
        %parallel_loop3A_155 = arith.addi %parallel_loop3A_154, %parallel_loop3A_153 : i32
        %parallel_loop3A_156 = arith.index_cast %parallel_loop3A_155 : i32 to index
        %parallel_loop3A_157 = tpu.vector_load %arg14[%parallel_loop3A_156] {strides = array<i32>} : memref<224xi32, #tpu.memory_space<vmem>>, vector<16xi32>,
        %parallel_loop3A_158 = arith.constant 10000 : i32
        %parallel_loop3A_159 = vector.broadcast %parallel_loop3A_158 : i32 to vector<16xi32>
        %parallel_loop3A_160 = arith.subi %parallel_loop3A_157, %parallel_loop3A_159 : vector<16xi32>
        %parallel_loop3A_161 = arith.index_cast %parallel_loop3A_151 : i32 to index
        %parallel_loop3A_162 = tpu.vector_load %arg15[%parallel_loop3A_161] {strides = array<i32>} : memref<112xi32, #tpu.memory_space<vmem>>, vector<16xi32>,
        tpu.vector_store %arg15[%parallel_loop3A_161], %parallel_loop3A_160 {strides = array<i32>} : memref<112xi32, #tpu.memory_space<vmem>>, vector<16xi32>,
      } {sc.loop_unroll_factor = 7 : i64, sc.parallel_access}
      %dma_start3A_80 = arith.constant 0 : i32
      %dma_start3A_81 = tpu.memref_slice %arg5[%dma_start3A_80] : memref<20000xf32, #tpu.memory_space<hbm>> -> memref<20000xf32, #tpu.memory_space<hbm>>
      tpu.enqueue_indirect_dma source(%dma_start3A_81 : memref<20000xf32, #tpu.memory_space<hbm>>) target(%arg28 : memref<224xf32, #tpu.memory_space<vmem>>) offsets(%arg14 : memref<224xi32, #tpu.memory_space<vmem>>) semaphore(%arg32 : memref<!tpu.dma_semaphore, #tpu.memory_space<semaphore_mem>>)
      %dma_start3A_82 = arith.constant 0 : i32
      %dma_start3A_83 = arith.constant 0 : i32
      %dma_start3A_84 = tpu.memref_slice %arg3[%dma_start3A_82, %dma_start3A_83] : memref<10000x128xf32, #tpu.memory_space<hbm>> -> memref<10000x128xf32, #tpu.memory_space<hbm>>
      tpu.enqueue_indirect_dma source(%dma_start3A_84 : memref<10000x128xf32, #tpu.memory_space<hbm>>) target(%arg30 : memref<112x128xf32, #tpu.memory_space<vmem>>) offsets(%arg15 : memref<112xi32, #tpu.memory_space<vmem>>) semaphore(%arg33 : memref<!tpu.dma_semaphore, #tpu.memory_space<semaphore_mem>>)
      %scan3A_85 = arith.constant 0 : i32
      %scan3A_86 = arith.constant 30 : i32
      %scan3A_87 = arith.addi %scan3A_85, %scan3A_86 : i32
      %scan3A_88 = arith.constant 1 : i32
      scf.for %scan3A_149 = %scan3A_85 to %scan3A_87 step %scan3A_88  : i32 {
        %mul3A_150 = arith.constant 1 : i32
        %mul3A_151 = arith.muli %scan3A_149, %mul3A_150 : i32
        %add3A_152 = arith.constant 0 : i32
        %add3A_153 = arith.addi %add3A_152, %mul3A_151 : i32
        %mul3A_154 = arith.constant 336 : i32
        %mul3A_155 = arith.muli %add3A_153, %mul3A_154 : i32
        %add3A_156 = arith.addi %mul3A_45, %mul3A_155 : i32
        %ge3A = arith.constant 29 : i32
        %ge3A_157 = arith.cmpi sge, %add3A_153, %ge3A : i32
        %dma_wait3A_158 = arith.constant 0 : i32
        %dma_wait3A_159 = tpu.memref_slice %arg5[%dma_wait3A_158] : memref<20000xf32, #tpu.memory_space<hbm>> -> memref<20000xf32, #tpu.memory_space<hbm>>
        tpu.wait_indirect_dma semaphore(%arg24 : memref<!tpu.dma_semaphore, #tpu.memory_space<semaphore_mem>>) src(%dma_wait3A_159 : memref<20000xf32, #tpu.memory_space<hbm>>) dst(%arg20 : memref<224xf32, #tpu.memory_space<vmem>>)
        %parallel_loop3A_160 = arith.constant 0 : i32
        %parallel_loop3A_161 = arith.constant 7 : i32
        %parallel_loop3A_162 = arith.constant 1 : i32
        scf.for %parallel_loop3A_262 = %parallel_loop3A_160 to %parallel_loop3A_161 step %parallel_loop3A_162  : i32 {
          %parallel_loop3A_263 = arith.constant 16 : i32
          %parallel_loop3A_264 = arith.muli %parallel_loop3A_262, %parallel_loop3A_263 : i32
          %parallel_loop3A_265 = arith.index_cast %parallel_loop3A_264 : i32 to index
          %parallel_loop3A_266 = tpu.vector_load %arg20[%parallel_loop3A_265] {strides = array<i32>} : memref<224xf32, #tpu.memory_space<vmem>>, vector<16xf32>,
          %parallel_loop3A_267 = arith.constant 16 : i32
          %parallel_loop3A_268 = arith.muli %parallel_loop3A_262, %parallel_loop3A_267 : i32
          %parallel_loop3A_269 = arith.constant 112 : i32
          %parallel_loop3A_270 = arith.addi %parallel_loop3A_269, %parallel_loop3A_268 : i32
          %parallel_loop3A_271 = arith.index_cast %parallel_loop3A_270 : i32 to index
          %parallel_loop3A_272 = tpu.vector_load %arg20[%parallel_loop3A_271] {strides = array<i32>} : memref<224xf32, #tpu.memory_space<vmem>>, vector<16xf32>,
          %parallel_loop3A_273 = arith.addf %parallel_loop3A_266, %parallel_loop3A_272 : vector<16xf32>
          %parallel_loop3A_274 = arith.constant 2.000000e-01 : f32
          %parallel_loop3A_275 = vector.broadcast %parallel_loop3A_274 : f32 to vector<16xf32>
          %parallel_loop3A_276 = arith.mulf %parallel_loop3A_275, %parallel_loop3A_273 : vector<16xf32>
          %parallel_loop3A_277 = arith.maximumf %parallel_loop3A_273, %parallel_loop3A_276 : vector<16xf32>
          %parallel_loop3A_278 = arith.constant 0.000000e+00 : f32
          %parallel_loop3A_279 = vector.broadcast %parallel_loop3A_278 : f32 to vector<16xf32>
          %parallel_loop3A_280 = arith.subf %parallel_loop3A_279, %parallel_loop3A_277 : vector<16xf32>
          %parallel_loop3A_281 = math.exp %parallel_loop3A_280 : vector<16xf32>
          %parallel_loop3A_282 = arith.constant 16 : i32
          %parallel_loop3A_283 = arith.muli %parallel_loop3A_262, %parallel_loop3A_282 : i32
          %parallel_loop3A_284 = arith.addi %add3A_156, %parallel_loop3A_283 : i32
          %parallel_loop3A_285 = tpu.iota {dimensions = array<i32: 0>} : vector<16xi32>
          %parallel_loop3A_286 = vector.broadcast %parallel_loop3A_284 : i32 to vector<16xi32>
          %parallel_loop3A_287 = arith.addi %parallel_loop3A_286, %parallel_loop3A_285 : vector<16xi32>
          %parallel_loop3A_288 = arith.constant 160000 : i32
          %parallel_loop3A_289 = vector.broadcast %parallel_loop3A_288 : i32 to vector<16xi32>
          %parallel_loop3A_290 = arith.cmpi slt, %parallel_loop3A_287, %parallel_loop3A_289 : vector<16xi32>
          %parallel_loop3A_291 = arith.constant 0.000000e+00 : f32
          %parallel_loop3A_292 = vector.broadcast %parallel_loop3A_291 : f32 to vector<16xf32>
          %parallel_loop3A_293 = arith.select %parallel_loop3A_290, %parallel_loop3A_281, %parallel_loop3A_292 : vector<16xi1>, vector<16xf32>
          %parallel_loop3A_294 = arith.index_cast %parallel_loop3A_264 : i32 to index
          %parallel_loop3A_295 = tpu.vector_load %arg21[%parallel_loop3A_294] {strides = array<i32>} : memref<112xf32, #tpu.memory_space<vmem>>, vector<16xf32>,
          tpu.vector_store %arg21[%parallel_loop3A_294], %parallel_loop3A_293 {strides = array<i32>} : memref<112xf32, #tpu.memory_space<vmem>>, vector<16xf32>,
          %parallel_loop3A_296 = arith.index_cast %parallel_loop3A_264 : i32 to index
          %parallel_loop3A_297 = tpu.vector_load %arg11[%parallel_loop3A_296] {strides = array<i32>} : memref<224xi32, #tpu.memory_space<vmem>>, vector<16xi32>,
          %parallel_loop3A_298 = arith.index_cast %parallel_loop3A_264 : i32 to index
          %parallel_loop3A_299 = tpu.vector_load %arg23[%parallel_loop3A_298] {strides = array<i32>} : memref<112xi32, #tpu.memory_space<vmem>>, vector<16xi32>,
          tpu.vector_store %arg23[%parallel_loop3A_298], %parallel_loop3A_297 {strides = array<i32>} : memref<112xi32, #tpu.memory_space<vmem>>, vector<16xi32>,
        } {sc.loop_unroll_factor = 7 : i64, sc.parallel_access}
        %dma_start3A_163 = arith.constant 0 : i32
        %dma_start3A_164 = tpu.memref_slice %arg46[%dma_start3A_163] : memref<10000xf32, #tpu.memory_space<vmem_shared>> -> memref<10000xf32, #tpu.memory_space<vmem_shared>>
        tpu.enqueue_indirect_dma source(%arg21 : memref<112xf32, #tpu.memory_space<vmem>>) target(%dma_start3A_164 : memref<10000xf32, #tpu.memory_space<vmem_shared>>) offsets(%arg23 : memref<112xi32, #tpu.memory_space<vmem>>) semaphore(%arg27 : memref<!tpu.dma_semaphore, #tpu.memory_space<semaphore_mem>>) {add = true}
        %dma_wait3A_165 = arith.constant 0 : i32
        %dma_wait3A_166 = arith.constant 0 : i32
        %dma_wait3A_167 = tpu.memref_slice %arg3[%dma_wait3A_165, %dma_wait3A_166] : memref<10000x128xf32, #tpu.memory_space<hbm>> -> memref<10000x128xf32, #tpu.memory_space<hbm>>
        tpu.wait_indirect_dma semaphore(%arg25 : memref<!tpu.dma_semaphore, #tpu.memory_space<semaphore_mem>>) src(%dma_wait3A_167 : memref<10000x128xf32, #tpu.memory_space<hbm>>) dst(%arg22 : memref<112x128xf32, #tpu.memory_space<vmem>>)
        %parallel_loop3A_168 = arith.constant 0 : i32
        %parallel_loop3A_169 = arith.constant 112 : i32
        %parallel_loop3A_170 = arith.constant 1 : i32
        scf.for %parallel_loop3A_262 = %parallel_loop3A_168 to %parallel_loop3A_169 step %parallel_loop3A_170  : i32 {
          %parallel_loop3A_263 = arith.constant 0 : i32
          %parallel_loop3A_264 = vector.broadcast %parallel_loop3A_263 : i32 to vector<16xi32>
          %parallel_loop3A_265 = vector.broadcast %parallel_loop3A_262 : i32 to vector<16xi32>
          %parallel_loop3A_266 = arith.addi %parallel_loop3A_264, %parallel_loop3A_265 : vector<16xi32>
          %parallel_loop3A_267 = tpu.vector_load_idx %arg21[%parallel_loop3A_266] : memref<112xf32, #tpu.memory_space<vmem>>[vector<16xi32>], vector<16xf32>,
          %parallel_loop3A_268 = arith.index_cast %parallel_loop3A_262 : i32 to index
          %parallel_loop3A_269 = arith.constant 0 : index
          %parallel_loop3A_270 = tpu.vector_load %arg22[%parallel_loop3A_268, %parallel_loop3A_269] {strides = array<i32>} : memref<112x128xf32, #tpu.memory_space<vmem>>, vector<16xf32>,
          %parallel_loop3A_271 = arith.mulf %parallel_loop3A_270, %parallel_loop3A_267 : vector<16xf32>
          %parallel_loop3A_272 = arith.index_cast %parallel_loop3A_262 : i32 to index
          %parallel_loop3A_273 = arith.constant 0 : index
          %parallel_loop3A_274 = tpu.vector_load %arg22[%parallel_loop3A_272, %parallel_loop3A_273] {strides = array<i32>} : memref<112x128xf32, #tpu.memory_space<vmem>>, vector<16xf32>,
          tpu.vector_store %arg22[%parallel_loop3A_272, %parallel_loop3A_273], %parallel_loop3A_271 {strides = array<i32>} : memref<112x128xf32, #tpu.memory_space<vmem>>, vector<16xf32>,
          %parallel_loop3A_275 = arith.index_cast %parallel_loop3A_262 : i32 to index
          %parallel_loop3A_276 = arith.constant 16 : index
          %parallel_loop3A_277 = tpu.vector_load %arg22[%parallel_loop3A_275, %parallel_loop3A_276] {strides = array<i32>} : memref<112x128xf32, #tpu.memory_space<vmem>>, vector<16xf32>,
          %parallel_loop3A_278 = arith.mulf %parallel_loop3A_277, %parallel_loop3A_267 : vector<16xf32>
          %parallel_loop3A_279 = arith.index_cast %parallel_loop3A_262 : i32 to index
          %parallel_loop3A_280 = arith.constant 16 : index
          %parallel_loop3A_281 = tpu.vector_load %arg22[%parallel_loop3A_279, %parallel_loop3A_280] {strides = array<i32>} : memref<112x128xf32, #tpu.memory_space<vmem>>, vector<16xf32>,
          tpu.vector_store %arg22[%parallel_loop3A_279, %parallel_loop3A_280], %parallel_loop3A_278 {strides = array<i32>} : memref<112x128xf32, #tpu.memory_space<vmem>>, vector<16xf32>,
          %parallel_loop3A_282 = arith.index_cast %parallel_loop3A_262 : i32 to index
          %parallel_loop3A_283 = arith.constant 32 : index
          %parallel_loop3A_284 = tpu.vector_load %arg22[%parallel_loop3A_282, %parallel_loop3A_283] {strides = array<i32>} : memref<112x128xf32, #tpu.memory_space<vmem>>, vector<16xf32>,
          %parallel_loop3A_285 = arith.mulf %parallel_loop3A_284, %parallel_loop3A_267 : vector<16xf32>
          %parallel_loop3A_286 = arith.index_cast %parallel_loop3A_262 : i32 to index
          %parallel_loop3A_287 = arith.constant 32 : index
          %parallel_loop3A_288 = tpu.vector_load %arg22[%parallel_loop3A_286, %parallel_loop3A_287] {strides = array<i32>} : memref<112x128xf32, #tpu.memory_space<vmem>>, vector<16xf32>,
          tpu.vector_store %arg22[%parallel_loop3A_286, %parallel_loop3A_287], %parallel_loop3A_285 {strides = array<i32>} : memref<112x128xf32, #tpu.memory_space<vmem>>, vector<16xf32>,
          %parallel_loop3A_289 = arith.index_cast %parallel_loop3A_262 : i32 to index
          %parallel_loop3A_290 = arith.constant 48 : index
          %parallel_loop3A_291 = tpu.vector_load %arg22[%parallel_loop3A_289, %parallel_loop3A_290] {strides = array<i32>} : memref<112x128xf32, #tpu.memory_space<vmem>>, vector<16xf32>,
          %parallel_loop3A_292 = arith.mulf %parallel_loop3A_291, %parallel_loop3A_267 : vector<16xf32>
          %parallel_loop3A_293 = arith.index_cast %parallel_loop3A_262 : i32 to index
          %parallel_loop3A_294 = arith.constant 48 : index
          %parallel_loop3A_295 = tpu.vector_load %arg22[%parallel_loop3A_293, %parallel_loop3A_294] {strides = array<i32>} : memref<112x128xf32, #tpu.memory_space<vmem>>, vector<16xf32>,
          tpu.vector_store %arg22[%parallel_loop3A_293, %parallel_loop3A_294], %parallel_loop3A_292 {strides = array<i32>} : memref<112x128xf32, #tpu.memory_space<vmem>>, vector<16xf32>,
          %parallel_loop3A_296 = arith.index_cast %parallel_loop3A_262 : i32 to index
          %parallel_loop3A_297 = arith.constant 64 : index
          %parallel_loop3A_298 = tpu.vector_load %arg22[%parallel_loop3A_296, %parallel_loop3A_297] {strides = array<i32>} : memref<112x128xf32, #tpu.memory_space<vmem>>, vector<16xf32>,
          %parallel_loop3A_299 = arith.mulf %parallel_loop3A_298, %parallel_loop3A_267 : vector<16xf32>
          %parallel_loop3A_300 = arith.index_cast %parallel_loop3A_262 : i32 to index
          %parallel_loop3A_301 = arith.constant 64 : index
          %parallel_loop3A_302 = tpu.vector_load %arg22[%parallel_loop3A_300, %parallel_loop3A_301] {strides = array<i32>} : memref<112x128xf32, #tpu.memory_space<vmem>>, vector<16xf32>,
          tpu.vector_store %arg22[%parallel_loop3A_300, %parallel_loop3A_301], %parallel_loop3A_299 {strides = array<i32>} : memref<112x128xf32, #tpu.memory_space<vmem>>, vector<16xf32>,
          %parallel_loop3A_303 = arith.index_cast %parallel_loop3A_262 : i32 to index
          %parallel_loop3A_304 = arith.constant 80 : index
          %parallel_loop3A_305 = tpu.vector_load %arg22[%parallel_loop3A_303, %parallel_loop3A_304] {strides = array<i32>} : memref<112x128xf32, #tpu.memory_space<vmem>>, vector<16xf32>,
          %parallel_loop3A_306 = arith.mulf %parallel_loop3A_305, %parallel_loop3A_267 : vector<16xf32>
          %parallel_loop3A_307 = arith.index_cast %parallel_loop3A_262 : i32 to index
          %parallel_loop3A_308 = arith.constant 80 : index
          %parallel_loop3A_309 = tpu.vector_load %arg22[%parallel_loop3A_307, %parallel_loop3A_308] {strides = array<i32>} : memref<112x128xf32, #tpu.memory_space<vmem>>, vector<16xf32>,
          tpu.vector_store %arg22[%parallel_loop3A_307, %parallel_loop3A_308], %parallel_loop3A_306 {strides = array<i32>} : memref<112x128xf32, #tpu.memory_space<vmem>>, vector<16xf32>,
          %parallel_loop3A_310 = arith.index_cast %parallel_loop3A_262 : i32 to index
          %parallel_loop3A_311 = arith.constant 96 : index
          %parallel_loop3A_312 = tpu.vector_load %arg22[%parallel_loop3A_310, %parallel_loop3A_311] {strides = array<i32>} : memref<112x128xf32, #tpu.memory_space<vmem>>, vector<16xf32>,
          %parallel_loop3A_313 = arith.mulf %parallel_loop3A_312, %parallel_loop3A_267 : vector<16xf32>
          %parallel_loop3A_314 = arith.index_cast %parallel_loop3A_262 : i32 to index
          %parallel_loop3A_315 = arith.constant 96 : index
          %parallel_loop3A_316 = tpu.vector_load %arg22[%parallel_loop3A_314, %parallel_loop3A_315] {strides = array<i32>} : memref<112x128xf32, #tpu.memory_space<vmem>>, vector<16xf32>,
          tpu.vector_store %arg22[%parallel_loop3A_314, %parallel_loop3A_315], %parallel_loop3A_313 {strides = array<i32>} : memref<112x128xf32, #tpu.memory_space<vmem>>, vector<16xf32>,
          %parallel_loop3A_317 = arith.index_cast %parallel_loop3A_262 : i32 to index
          %parallel_loop3A_318 = arith.constant 112 : index
          %parallel_loop3A_319 = tpu.vector_load %arg22[%parallel_loop3A_317, %parallel_loop3A_318] {strides = array<i32>} : memref<112x128xf32, #tpu.memory_space<vmem>>, vector<16xf32>,
          %parallel_loop3A_320 = arith.mulf %parallel_loop3A_319, %parallel_loop3A_267 : vector<16xf32>
          %parallel_loop3A_321 = arith.index_cast %parallel_loop3A_262 : i32 to index
          %parallel_loop3A_322 = arith.constant 112 : index
          %parallel_loop3A_323 = tpu.vector_load %arg22[%parallel_loop3A_321, %parallel_loop3A_322] {strides = array<i32>} : memref<112x128xf32, #tpu.memory_space<vmem>>, vector<16xf32>,
          tpu.vector_store %arg22[%parallel_loop3A_321, %parallel_loop3A_322], %parallel_loop3A_320 {strides = array<i32>} : memref<112x128xf32, #tpu.memory_space<vmem>>, vector<16xf32>,
        } {sc.loop_unroll_factor = 4 : i64, sc.parallel_access}
        %dma_start3A_171 = arith.constant 0 : i32
        %dma_start3A_172 = arith.constant 0 : i32
        %dma_start3A_173 = tpu.memref_slice %arg45[%dma_start3A_171, %dma_start3A_172] : memref<10000x128xf32, #tpu.memory_space<vmem_shared>> -> memref<10000x128xf32, #tpu.memory_space<vmem_shared>>
        tpu.enqueue_indirect_dma source(%arg22 : memref<112x128xf32, #tpu.memory_space<vmem>>) target(%dma_start3A_173 : memref<10000x128xf32, #tpu.memory_space<vmem_shared>>) offsets(%arg23 : memref<112xi32, #tpu.memory_space<vmem>>) semaphore(%arg26 : memref<!tpu.dma_semaphore, #tpu.memory_space<semaphore_mem>>) {add = true}
        %not3A = arith.constant true
        %not3A_174 = arith.xori %ge3A_157, %not3A : i1
        %convert_element_type3A_175 = arith.extui %not3A_174 : i1 to i32
        %cond3A_176 = arith.constant 0 : i32
        %cond3A_177 = arith.cmpi ne, %convert_element_type3A_175, %cond3A_176 : i32
        scf.if %cond3A_177 {
          %add3A_262 = arith.constant 336 : i32
          %add3A_263 = arith.addi %add3A_156, %add3A_262 : i32
          %mul3A_264 = arith.constant 2 : i32
          %mul3A_265 = arith.muli %mul3A_264, %add3A_263 : i32
          %dma_start3A_266 = tpu.memref_slice %arg6[%mul3A_265] : memref<322560xi32, #tpu.memory_space<hbm>> -> memref<224xi32, #tpu.memory_space<hbm>>
          %dma_start3A_267 = tpu.memref_slice %arg6[%mul3A_265] : memref<322560xi32, #tpu.memory_space<hbm>> -> memref<224xi32, #tpu.memory_space<hbm>>
          tpu.enqueue_dma source(%dma_start3A_267 : memref<224xi32, #tpu.memory_space<hbm>>) target(%arg11 : memref<224xi32, #tpu.memory_space<vmem>>) target_semaphore(%arg13 : memref<!tpu.dma_semaphore, #tpu.memory_space<semaphore_mem>>)
        } else {
        }
        %gt3A = arith.constant 0 : i32
        %gt3A_178 = arith.cmpi sgt, %add3A_153, %gt3A : i32
        %convert_element_type3A_179 = arith.extui %gt3A_178 : i1 to i32
        %cond3A_180 = arith.constant 0 : i32
        %cond3A_181 = arith.cmpi ne, %convert_element_type3A_179, %cond3A_180 : i32
        scf.if %cond3A_181 {
          %dma_wait3A_262 = arith.constant 0 : i32
          %dma_wait3A_263 = arith.constant 0 : i32
          %dma_wait3A_264 = tpu.memref_slice %arg45[%dma_wait3A_262, %dma_wait3A_263] : memref<10000x128xf32, #tpu.memory_space<vmem_shared>> -> memref<10000x128xf32, #tpu.memory_space<vmem_shared>>
          tpu.wait_indirect_dma semaphore(%arg42 : memref<!tpu.dma_semaphore, #tpu.memory_space<semaphore_mem>>) src(%arg38 : memref<112x128xf32, #tpu.memory_space<vmem>>) dst(%dma_wait3A_264 : memref<10000x128xf32, #tpu.memory_space<vmem_shared>>)
          %dma_wait3A_265 = arith.constant 0 : i32
          %dma_wait3A_266 = tpu.memref_slice %arg46[%dma_wait3A_265] : memref<10000xf32, #tpu.memory_space<vmem_shared>> -> memref<10000xf32, #tpu.memory_space<vmem_shared>>
          tpu.wait_indirect_dma semaphore(%arg43 : memref<!tpu.dma_semaphore, #tpu.memory_space<semaphore_mem>>) src(%arg37 : memref<112xf32, #tpu.memory_space<vmem>>) dst(%dma_wait3A_266 : memref<10000xf32, #tpu.memory_space<vmem_shared>>)
        } else {
        }
        %add3A_182 = arith.constant 224 : i32
        %add3A_183 = arith.addi %add3A_156, %add3A_182 : i32
        %mul3A_184 = arith.constant 2 : i32
        %mul3A_185 = arith.muli %mul3A_184, %add3A_183 : i32
        %dma_wait3A_186 = tpu.memref_slice %arg6[%mul3A_185] : memref<322560xi32, #tpu.memory_space<hbm>> -> memref<224xi32, #tpu.memory_space<hbm>>
        %dma_wait3A_187 = tpu.memref_slice %arg6[%mul3A_185] : memref<322560xi32, #tpu.memory_space<hbm>> -> memref<224xi32, #tpu.memory_space<hbm>>
        tpu.wait_dma2 semaphore(%arg19 : memref<!tpu.dma_semaphore, #tpu.memory_space<semaphore_mem>>) src(%dma_wait3A_187 : memref<224xi32, #tpu.memory_space<hbm>>) dst(%arg17 : memref<224xi32, #tpu.memory_space<vmem>>)
        %parallel_loop3A_188 = arith.constant 0 : i32
        %parallel_loop3A_189 = arith.constant 7 : i32
        %parallel_loop3A_190 = arith.constant 1 : i32
        scf.for %parallel_loop3A_262 = %parallel_loop3A_188 to %parallel_loop3A_189 step %parallel_loop3A_190  : i32 {
          %parallel_loop3A_263 = arith.constant 16 : i32
          %parallel_loop3A_264 = arith.muli %parallel_loop3A_262, %parallel_loop3A_263 : i32
          %parallel_loop3A_265 = arith.constant 16 : i32
          %parallel_loop3A_266 = arith.muli %parallel_loop3A_262, %parallel_loop3A_265 : i32
          %parallel_loop3A_267 = arith.constant 112 : i32
          %parallel_loop3A_268 = arith.addi %parallel_loop3A_267, %parallel_loop3A_266 : i32
          %parallel_loop3A_269 = arith.index_cast %parallel_loop3A_268 : i32 to index
          %parallel_loop3A_270 = tpu.vector_load %arg17[%parallel_loop3A_269] {strides = array<i32>} : memref<224xi32, #tpu.memory_space<vmem>>, vector<16xi32>,
          %parallel_loop3A_271 = arith.constant 10000 : i32
          %parallel_loop3A_272 = vector.broadcast %parallel_loop3A_271 : i32 to vector<16xi32>
          %parallel_loop3A_273 = arith.subi %parallel_loop3A_270, %parallel_loop3A_272 : vector<16xi32>
          %parallel_loop3A_274 = arith.index_cast %parallel_loop3A_264 : i32 to index
          %parallel_loop3A_275 = tpu.vector_load %arg18[%parallel_loop3A_274] {strides = array<i32>} : memref<112xi32, #tpu.memory_space<vmem>>, vector<16xi32>,
          tpu.vector_store %arg18[%parallel_loop3A_274], %parallel_loop3A_273 {strides = array<i32>} : memref<112xi32, #tpu.memory_space<vmem>>, vector<16xi32>,
        } {sc.loop_unroll_factor = 7 : i64, sc.parallel_access}
        %dma_start3A_191 = arith.constant 0 : i32
        %dma_start3A_192 = tpu.memref_slice %arg5[%dma_start3A_191] : memref<20000xf32, #tpu.memory_space<hbm>> -> memref<20000xf32, #tpu.memory_space<hbm>>
        tpu.enqueue_indirect_dma source(%dma_start3A_192 : memref<20000xf32, #tpu.memory_space<hbm>>) target(%arg36 : memref<224xf32, #tpu.memory_space<vmem>>) offsets(%arg17 : memref<224xi32, #tpu.memory_space<vmem>>) semaphore(%arg40 : memref<!tpu.dma_semaphore, #tpu.memory_space<semaphore_mem>>)
        %dma_start3A_193 = arith.constant 0 : i32
        %dma_start3A_194 = arith.constant 0 : i32
        %dma_start3A_195 = tpu.memref_slice %arg3[%dma_start3A_193, %dma_start3A_194] : memref<10000x128xf32, #tpu.memory_space<hbm>> -> memref<10000x128xf32, #tpu.memory_space<hbm>>
        tpu.enqueue_indirect_dma source(%dma_start3A_195 : memref<10000x128xf32, #tpu.memory_space<hbm>>) target(%arg38 : memref<112x128xf32, #tpu.memory_space<vmem>>) offsets(%arg18 : memref<112xi32, #tpu.memory_space<vmem>>) semaphore(%arg41 : memref<!tpu.dma_semaphore, #tpu.memory_space<semaphore_mem>>)
        %add3A_196 = arith.constant 112 : i32
        %add3A_197 = arith.addi %add3A_156, %add3A_196 : i32
        %dma_wait3A_198 = arith.constant 0 : i32
        %dma_wait3A_199 = tpu.memref_slice %arg5[%dma_wait3A_198] : memref<20000xf32, #tpu.memory_space<hbm>> -> memref<20000xf32, #tpu.memory_space<hbm>>
        tpu.wait_indirect_dma semaphore(%arg32 : memref<!tpu.dma_semaphore, #tpu.memory_space<semaphore_mem>>) src(%dma_wait3A_199 : memref<20000xf32, #tpu.memory_space<hbm>>) dst(%arg28 : memref<224xf32, #tpu.memory_space<vmem>>)
        %parallel_loop3A_200 = arith.constant 0 : i32
        %parallel_loop3A_201 = arith.constant 7 : i32
        %parallel_loop3A_202 = arith.constant 1 : i32
        scf.for %parallel_loop3A_262 = %parallel_loop3A_200 to %parallel_loop3A_201 step %parallel_loop3A_202  : i32 {
          %parallel_loop3A_263 = arith.constant 16 : i32
          %parallel_loop3A_264 = arith.muli %parallel_loop3A_262, %parallel_loop3A_263 : i32
          %parallel_loop3A_265 = arith.index_cast %parallel_loop3A_264 : i32 to index
          %parallel_loop3A_266 = tpu.vector_load %arg28[%parallel_loop3A_265] {strides = array<i32>} : memref<224xf32, #tpu.memory_space<vmem>>, vector<16xf32>,
          %parallel_loop3A_267 = arith.constant 16 : i32
          %parallel_loop3A_268 = arith.muli %parallel_loop3A_262, %parallel_loop3A_267 : i32
          %parallel_loop3A_269 = arith.constant 112 : i32
          %parallel_loop3A_270 = arith.addi %parallel_loop3A_269, %parallel_loop3A_268 : i32
          %parallel_loop3A_271 = arith.index_cast %parallel_loop3A_270 : i32 to index
          %parallel_loop3A_272 = tpu.vector_load %arg28[%parallel_loop3A_271] {strides = array<i32>} : memref<224xf32, #tpu.memory_space<vmem>>, vector<16xf32>,
          %parallel_loop3A_273 = arith.addf %parallel_loop3A_266, %parallel_loop3A_272 : vector<16xf32>
          %parallel_loop3A_274 = arith.constant 2.000000e-01 : f32
          %parallel_loop3A_275 = vector.broadcast %parallel_loop3A_274 : f32 to vector<16xf32>
          %parallel_loop3A_276 = arith.mulf %parallel_loop3A_275, %parallel_loop3A_273 : vector<16xf32>
          %parallel_loop3A_277 = arith.maximumf %parallel_loop3A_273, %parallel_loop3A_276 : vector<16xf32>
          %parallel_loop3A_278 = arith.constant 0.000000e+00 : f32
          %parallel_loop3A_279 = vector.broadcast %parallel_loop3A_278 : f32 to vector<16xf32>
          %parallel_loop3A_280 = arith.subf %parallel_loop3A_279, %parallel_loop3A_277 : vector<16xf32>
          %parallel_loop3A_281 = math.exp %parallel_loop3A_280 : vector<16xf32>
          %parallel_loop3A_282 = arith.constant 16 : i32
          %parallel_loop3A_283 = arith.muli %parallel_loop3A_262, %parallel_loop3A_282 : i32
          %parallel_loop3A_284 = arith.addi %add3A_197, %parallel_loop3A_283 : i32
          %parallel_loop3A_285 = tpu.iota {dimensions = array<i32: 0>} : vector<16xi32>
          %parallel_loop3A_286 = vector.broadcast %parallel_loop3A_284 : i32 to vector<16xi32>
          %parallel_loop3A_287 = arith.addi %parallel_loop3A_286, %parallel_loop3A_285 : vector<16xi32>
          %parallel_loop3A_288 = arith.constant 160000 : i32
          %parallel_loop3A_289 = vector.broadcast %parallel_loop3A_288 : i32 to vector<16xi32>
          %parallel_loop3A_290 = arith.cmpi slt, %parallel_loop3A_287, %parallel_loop3A_289 : vector<16xi32>
          %parallel_loop3A_291 = arith.constant 0.000000e+00 : f32
          %parallel_loop3A_292 = vector.broadcast %parallel_loop3A_291 : f32 to vector<16xf32>
          %parallel_loop3A_293 = arith.select %parallel_loop3A_290, %parallel_loop3A_281, %parallel_loop3A_292 : vector<16xi1>, vector<16xf32>
          %parallel_loop3A_294 = arith.index_cast %parallel_loop3A_264 : i32 to index
          %parallel_loop3A_295 = tpu.vector_load %arg29[%parallel_loop3A_294] {strides = array<i32>} : memref<112xf32, #tpu.memory_space<vmem>>, vector<16xf32>,
          tpu.vector_store %arg29[%parallel_loop3A_294], %parallel_loop3A_293 {strides = array<i32>} : memref<112xf32, #tpu.memory_space<vmem>>, vector<16xf32>,
          %parallel_loop3A_296 = arith.index_cast %parallel_loop3A_264 : i32 to index
          %parallel_loop3A_297 = tpu.vector_load %arg14[%parallel_loop3A_296] {strides = array<i32>} : memref<224xi32, #tpu.memory_space<vmem>>, vector<16xi32>,
          %parallel_loop3A_298 = arith.index_cast %parallel_loop3A_264 : i32 to index
          %parallel_loop3A_299 = tpu.vector_load %arg31[%parallel_loop3A_298] {strides = array<i32>} : memref<112xi32, #tpu.memory_space<vmem>>, vector<16xi32>,
          tpu.vector_store %arg31[%parallel_loop3A_298], %parallel_loop3A_297 {strides = array<i32>} : memref<112xi32, #tpu.memory_space<vmem>>, vector<16xi32>,
        } {sc.loop_unroll_factor = 7 : i64, sc.parallel_access}
        %dma_start3A_203 = arith.constant 0 : i32
        %dma_start3A_204 = tpu.memref_slice %arg46[%dma_start3A_203] : memref<10000xf32, #tpu.memory_space<vmem_shared>> -> memref<10000xf32, #tpu.memory_space<vmem_shared>>
        tpu.enqueue_indirect_dma source(%arg29 : memref<112xf32, #tpu.memory_space<vmem>>) target(%dma_start3A_204 : memref<10000xf32, #tpu.memory_space<vmem_shared>>) offsets(%arg31 : memref<112xi32, #tpu.memory_space<vmem>>) semaphore(%arg35 : memref<!tpu.dma_semaphore, #tpu.memory_space<semaphore_mem>>) {add = true}
        %dma_wait3A_205 = arith.constant 0 : i32
        %dma_wait3A_206 = arith.constant 0 : i32
        %dma_wait3A_207 = tpu.memref_slice %arg3[%dma_wait3A_205, %dma_wait3A_206] : memref<10000x128xf32, #tpu.memory_space<hbm>> -> memref<10000x128xf32, #tpu.memory_space<hbm>>
        tpu.wait_indirect_dma semaphore(%arg33 : memref<!tpu.dma_semaphore, #tpu.memory_space<semaphore_mem>>) src(%dma_wait3A_207 : memref<10000x128xf32, #tpu.memory_space<hbm>>) dst(%arg30 : memref<112x128xf32, #tpu.memory_space<vmem>>)
        %parallel_loop3A_208 = arith.constant 0 : i32
        %parallel_loop3A_209 = arith.constant 112 : i32
        %parallel_loop3A_210 = arith.constant 1 : i32
        scf.for %parallel_loop3A_262 = %parallel_loop3A_208 to %parallel_loop3A_209 step %parallel_loop3A_210  : i32 {
          %parallel_loop3A_263 = arith.constant 0 : i32
          %parallel_loop3A_264 = vector.broadcast %parallel_loop3A_263 : i32 to vector<16xi32>
          %parallel_loop3A_265 = vector.broadcast %parallel_loop3A_262 : i32 to vector<16xi32>
          %parallel_loop3A_266 = arith.addi %parallel_loop3A_264, %parallel_loop3A_265 : vector<16xi32>
          %parallel_loop3A_267 = tpu.vector_load_idx %arg29[%parallel_loop3A_266] : memref<112xf32, #tpu.memory_space<vmem>>[vector<16xi32>], vector<16xf32>,
          %parallel_loop3A_268 = arith.index_cast %parallel_loop3A_262 : i32 to index
          %parallel_loop3A_269 = arith.constant 0 : index
          %parallel_loop3A_270 = tpu.vector_load %arg30[%parallel_loop3A_268, %parallel_loop3A_269] {strides = array<i32>} : memref<112x128xf32, #tpu.memory_space<vmem>>, vector<16xf32>,
          %parallel_loop3A_271 = arith.mulf %parallel_loop3A_270, %parallel_loop3A_267 : vector<16xf32>
          %parallel_loop3A_272 = arith.index_cast %parallel_loop3A_262 : i32 to index
          %parallel_loop3A_273 = arith.constant 0 : index
          %parallel_loop3A_274 = tpu.vector_load %arg30[%parallel_loop3A_272, %parallel_loop3A_273] {strides = array<i32>} : memref<112x128xf32, #tpu.memory_space<vmem>>, vector<16xf32>,
          tpu.vector_store %arg30[%parallel_loop3A_272, %parallel_loop3A_273], %parallel_loop3A_271 {strides = array<i32>} : memref<112x128xf32, #tpu.memory_space<vmem>>, vector<16xf32>,
          %parallel_loop3A_275 = arith.index_cast %parallel_loop3A_262 : i32 to index
          %parallel_loop3A_276 = arith.constant 16 : index
          %parallel_loop3A_277 = tpu.vector_load %arg30[%parallel_loop3A_275, %parallel_loop3A_276] {strides = array<i32>} : memref<112x128xf32, #tpu.memory_space<vmem>>, vector<16xf32>,
          %parallel_loop3A_278 = arith.mulf %parallel_loop3A_277, %parallel_loop3A_267 : vector<16xf32>
          %parallel_loop3A_279 = arith.index_cast %parallel_loop3A_262 : i32 to index
          %parallel_loop3A_280 = arith.constant 16 : index
          %parallel_loop3A_281 = tpu.vector_load %arg30[%parallel_loop3A_279, %parallel_loop3A_280] {strides = array<i32>} : memref<112x128xf32, #tpu.memory_space<vmem>>, vector<16xf32>,
          tpu.vector_store %arg30[%parallel_loop3A_279, %parallel_loop3A_280], %parallel_loop3A_278 {strides = array<i32>} : memref<112x128xf32, #tpu.memory_space<vmem>>, vector<16xf32>,
          %parallel_loop3A_282 = arith.index_cast %parallel_loop3A_262 : i32 to index
          %parallel_loop3A_283 = arith.constant 32 : index
          %parallel_loop3A_284 = tpu.vector_load %arg30[%parallel_loop3A_282, %parallel_loop3A_283] {strides = array<i32>} : memref<112x128xf32, #tpu.memory_space<vmem>>, vector<16xf32>,
          %parallel_loop3A_285 = arith.mulf %parallel_loop3A_284, %parallel_loop3A_267 : vector<16xf32>
          %parallel_loop3A_286 = arith.index_cast %parallel_loop3A_262 : i32 to index
          %parallel_loop3A_287 = arith.constant 32 : index
          %parallel_loop3A_288 = tpu.vector_load %arg30[%parallel_loop3A_286, %parallel_loop3A_287] {strides = array<i32>} : memref<112x128xf32, #tpu.memory_space<vmem>>, vector<16xf32>,
          tpu.vector_store %arg30[%parallel_loop3A_286, %parallel_loop3A_287], %parallel_loop3A_285 {strides = array<i32>} : memref<112x128xf32, #tpu.memory_space<vmem>>, vector<16xf32>,
          %parallel_loop3A_289 = arith.index_cast %parallel_loop3A_262 : i32 to index
          %parallel_loop3A_290 = arith.constant 48 : index
          %parallel_loop3A_291 = tpu.vector_load %arg30[%parallel_loop3A_289, %parallel_loop3A_290] {strides = array<i32>} : memref<112x128xf32, #tpu.memory_space<vmem>>, vector<16xf32>,
          %parallel_loop3A_292 = arith.mulf %parallel_loop3A_291, %parallel_loop3A_267 : vector<16xf32>
          %parallel_loop3A_293 = arith.index_cast %parallel_loop3A_262 : i32 to index
          %parallel_loop3A_294 = arith.constant 48 : index
          %parallel_loop3A_295 = tpu.vector_load %arg30[%parallel_loop3A_293, %parallel_loop3A_294] {strides = array<i32>} : memref<112x128xf32, #tpu.memory_space<vmem>>, vector<16xf32>,
          tpu.vector_store %arg30[%parallel_loop3A_293, %parallel_loop3A_294], %parallel_loop3A_292 {strides = array<i32>} : memref<112x128xf32, #tpu.memory_space<vmem>>, vector<16xf32>,
          %parallel_loop3A_296 = arith.index_cast %parallel_loop3A_262 : i32 to index
          %parallel_loop3A_297 = arith.constant 64 : index
          %parallel_loop3A_298 = tpu.vector_load %arg30[%parallel_loop3A_296, %parallel_loop3A_297] {strides = array<i32>} : memref<112x128xf32, #tpu.memory_space<vmem>>, vector<16xf32>,
          %parallel_loop3A_299 = arith.mulf %parallel_loop3A_298, %parallel_loop3A_267 : vector<16xf32>
          %parallel_loop3A_300 = arith.index_cast %parallel_loop3A_262 : i32 to index
          %parallel_loop3A_301 = arith.constant 64 : index
          %parallel_loop3A_302 = tpu.vector_load %arg30[%parallel_loop3A_300, %parallel_loop3A_301] {strides = array<i32>} : memref<112x128xf32, #tpu.memory_space<vmem>>, vector<16xf32>,
          tpu.vector_store %arg30[%parallel_loop3A_300, %parallel_loop3A_301], %parallel_loop3A_299 {strides = array<i32>} : memref<112x128xf32, #tpu.memory_space<vmem>>, vector<16xf32>,
          %parallel_loop3A_303 = arith.index_cast %parallel_loop3A_262 : i32 to index
          %parallel_loop3A_304 = arith.constant 80 : index
          %parallel_loop3A_305 = tpu.vector_load %arg30[%parallel_loop3A_303, %parallel_loop3A_304] {strides = array<i32>} : memref<112x128xf32, #tpu.memory_space<vmem>>, vector<16xf32>,
          %parallel_loop3A_306 = arith.mulf %parallel_loop3A_305, %parallel_loop3A_267 : vector<16xf32>
          %parallel_loop3A_307 = arith.index_cast %parallel_loop3A_262 : i32 to index
          %parallel_loop3A_308 = arith.constant 80 : index
          %parallel_loop3A_309 = tpu.vector_load %arg30[%parallel_loop3A_307, %parallel_loop3A_308] {strides = array<i32>} : memref<112x128xf32, #tpu.memory_space<vmem>>, vector<16xf32>,
          tpu.vector_store %arg30[%parallel_loop3A_307, %parallel_loop3A_308], %parallel_loop3A_306 {strides = array<i32>} : memref<112x128xf32, #tpu.memory_space<vmem>>, vector<16xf32>,
          %parallel_loop3A_310 = arith.index_cast %parallel_loop3A_262 : i32 to index
          %parallel_loop3A_311 = arith.constant 96 : index
          %parallel_loop3A_312 = tpu.vector_load %arg30[%parallel_loop3A_310, %parallel_loop3A_311] {strides = array<i32>} : memref<112x128xf32, #tpu.memory_space<vmem>>, vector<16xf32>,
          %parallel_loop3A_313 = arith.mulf %parallel_loop3A_312, %parallel_loop3A_267 : vector<16xf32>
          %parallel_loop3A_314 = arith.index_cast %parallel_loop3A_262 : i32 to index
          %parallel_loop3A_315 = arith.constant 96 : index
          %parallel_loop3A_316 = tpu.vector_load %arg30[%parallel_loop3A_314, %parallel_loop3A_315] {strides = array<i32>} : memref<112x128xf32, #tpu.memory_space<vmem>>, vector<16xf32>,
          tpu.vector_store %arg30[%parallel_loop3A_314, %parallel_loop3A_315], %parallel_loop3A_313 {strides = array<i32>} : memref<112x128xf32, #tpu.memory_space<vmem>>, vector<16xf32>,
          %parallel_loop3A_317 = arith.index_cast %parallel_loop3A_262 : i32 to index
          %parallel_loop3A_318 = arith.constant 112 : index
          %parallel_loop3A_319 = tpu.vector_load %arg30[%parallel_loop3A_317, %parallel_loop3A_318] {strides = array<i32>} : memref<112x128xf32, #tpu.memory_space<vmem>>, vector<16xf32>,
          %parallel_loop3A_320 = arith.mulf %parallel_loop3A_319, %parallel_loop3A_267 : vector<16xf32>
          %parallel_loop3A_321 = arith.index_cast %parallel_loop3A_262 : i32 to index
          %parallel_loop3A_322 = arith.constant 112 : index
          %parallel_loop3A_323 = tpu.vector_load %arg30[%parallel_loop3A_321, %parallel_loop3A_322] {strides = array<i32>} : memref<112x128xf32, #tpu.memory_space<vmem>>, vector<16xf32>,
          tpu.vector_store %arg30[%parallel_loop3A_321, %parallel_loop3A_322], %parallel_loop3A_320 {strides = array<i32>} : memref<112x128xf32, #tpu.memory_space<vmem>>, vector<16xf32>,
        } {sc.loop_unroll_factor = 4 : i64, sc.parallel_access}
        %dma_start3A_211 = arith.constant 0 : i32
        %dma_start3A_212 = arith.constant 0 : i32
        %dma_start3A_213 = tpu.memref_slice %arg45[%dma_start3A_211, %dma_start3A_212] : memref<10000x128xf32, #tpu.memory_space<vmem_shared>> -> memref<10000x128xf32, #tpu.memory_space<vmem_shared>>
        tpu.enqueue_indirect_dma source(%arg30 : memref<112x128xf32, #tpu.memory_space<vmem>>) target(%dma_start3A_213 : memref<10000x128xf32, #tpu.memory_space<vmem_shared>>) offsets(%arg31 : memref<112xi32, #tpu.memory_space<vmem>>) semaphore(%arg34 : memref<!tpu.dma_semaphore, #tpu.memory_space<semaphore_mem>>) {add = true}
        %not3A_214 = arith.constant true
        %not3A_215 = arith.xori %ge3A_157, %not3A_214 : i1
        %convert_element_type3A_216 = arith.extui %not3A_215 : i1 to i32
        %cond3A_217 = arith.constant 0 : i32
        %cond3A_218 = arith.cmpi ne, %convert_element_type3A_216, %cond3A_217 : i32
        scf.if %cond3A_218 {
          %add3A_262 = arith.constant 448 : i32
          %add3A_263 = arith.addi %add3A_156, %add3A_262 : i32
          %mul3A_264 = arith.constant 2 : i32
          %mul3A_265 = arith.muli %mul3A_264, %add3A_263 : i32
          %dma_start3A_266 = tpu.memref_slice %arg6[%mul3A_265] : memref<322560xi32, #tpu.memory_space<hbm>> -> memref<224xi32, #tpu.memory_space<hbm>>
          %dma_start3A_267 = tpu.memref_slice %arg6[%mul3A_265] : memref<322560xi32, #tpu.memory_space<hbm>> -> memref<224xi32, #tpu.memory_space<hbm>>
          tpu.enqueue_dma source(%dma_start3A_267 : memref<224xi32, #tpu.memory_space<hbm>>) target(%arg14 : memref<224xi32, #tpu.memory_space<vmem>>) target_semaphore(%arg16 : memref<!tpu.dma_semaphore, #tpu.memory_space<semaphore_mem>>)
        } else {
        }
        %dma_wait3A_219 = arith.constant 0 : i32
        %dma_wait3A_220 = arith.constant 0 : i32
        %dma_wait3A_221 = tpu.memref_slice %arg45[%dma_wait3A_219, %dma_wait3A_220] : memref<10000x128xf32, #tpu.memory_space<vmem_shared>> -> memref<10000x128xf32, #tpu.memory_space<vmem_shared>>
        tpu.wait_indirect_dma semaphore(%arg26 : memref<!tpu.dma_semaphore, #tpu.memory_space<semaphore_mem>>) src(%arg22 : memref<112x128xf32, #tpu.memory_space<vmem>>) dst(%dma_wait3A_221 : memref<10000x128xf32, #tpu.memory_space<vmem_shared>>)
        %dma_wait3A_222 = arith.constant 0 : i32
        %dma_wait3A_223 = tpu.memref_slice %arg46[%dma_wait3A_222] : memref<10000xf32, #tpu.memory_space<vmem_shared>> -> memref<10000xf32, #tpu.memory_space<vmem_shared>>
        tpu.wait_indirect_dma semaphore(%arg27 : memref<!tpu.dma_semaphore, #tpu.memory_space<semaphore_mem>>) src(%arg21 : memref<112xf32, #tpu.memory_space<vmem>>) dst(%dma_wait3A_223 : memref<10000xf32, #tpu.memory_space<vmem_shared>>)
        %not3A_224 = arith.constant true
        %not3A_225 = arith.xori %ge3A_157, %not3A_224 : i1
        %convert_element_type3A_226 = arith.extui %not3A_225 : i1 to i32
        %cond3A_227 = arith.constant 0 : i32
        %cond3A_228 = arith.cmpi ne, %convert_element_type3A_226, %cond3A_227 : i32
        scf.if %cond3A_228 {
          %add3A_262 = arith.constant 336 : i32
          %add3A_263 = arith.addi %add3A_156, %add3A_262 : i32
          %mul3A_264 = arith.constant 2 : i32
          %mul3A_265 = arith.muli %mul3A_264, %add3A_263 : i32
          %dma_wait3A_266 = tpu.memref_slice %arg6[%mul3A_265] : memref<322560xi32, #tpu.memory_space<hbm>> -> memref<224xi32, #tpu.memory_space<hbm>>
          %dma_wait3A_267 = tpu.memref_slice %arg6[%mul3A_265] : memref<322560xi32, #tpu.memory_space<hbm>> -> memref<224xi32, #tpu.memory_space<hbm>>
          tpu.wait_dma2 semaphore(%arg13 : memref<!tpu.dma_semaphore, #tpu.memory_space<semaphore_mem>>) src(%dma_wait3A_267 : memref<224xi32, #tpu.memory_space<hbm>>) dst(%arg11 : memref<224xi32, #tpu.memory_space<vmem>>)
          %parallel_loop3A_268 = arith.constant 0 : i32
          %parallel_loop3A_269 = arith.constant 7 : i32
          %parallel_loop3A_270 = arith.constant 1 : i32
          scf.for %parallel_loop3A_276 = %parallel_loop3A_268 to %parallel_loop3A_269 step %parallel_loop3A_270  : i32 {
            %parallel_loop3A_277 = arith.constant 16 : i32
            %parallel_loop3A_278 = arith.muli %parallel_loop3A_276, %parallel_loop3A_277 : i32
            %parallel_loop3A_279 = arith.constant 16 : i32
            %parallel_loop3A_280 = arith.muli %parallel_loop3A_276, %parallel_loop3A_279 : i32
            %parallel_loop3A_281 = arith.constant 112 : i32
            %parallel_loop3A_282 = arith.addi %parallel_loop3A_281, %parallel_loop3A_280 : i32
            %parallel_loop3A_283 = arith.index_cast %parallel_loop3A_282 : i32 to index
            %parallel_loop3A_284 = tpu.vector_load %arg11[%parallel_loop3A_283] {strides = array<i32>} : memref<224xi32, #tpu.memory_space<vmem>>, vector<16xi32>,
            %parallel_loop3A_285 = arith.constant 10000 : i32
            %parallel_loop3A_286 = vector.broadcast %parallel_loop3A_285 : i32 to vector<16xi32>
            %parallel_loop3A_287 = arith.subi %parallel_loop3A_284, %parallel_loop3A_286 : vector<16xi32>
            %parallel_loop3A_288 = arith.index_cast %parallel_loop3A_278 : i32 to index
            %parallel_loop3A_289 = tpu.vector_load %arg12[%parallel_loop3A_288] {strides = array<i32>} : memref<112xi32, #tpu.memory_space<vmem>>, vector<16xi32>,
            tpu.vector_store %arg12[%parallel_loop3A_288], %parallel_loop3A_287 {strides = array<i32>} : memref<112xi32, #tpu.memory_space<vmem>>, vector<16xi32>,
          } {sc.loop_unroll_factor = 7 : i64, sc.parallel_access}
          %dma_start3A_271 = arith.constant 0 : i32
          %dma_start3A_272 = tpu.memref_slice %arg5[%dma_start3A_271] : memref<20000xf32, #tpu.memory_space<hbm>> -> memref<20000xf32, #tpu.memory_space<hbm>>
          tpu.enqueue_indirect_dma source(%dma_start3A_272 : memref<20000xf32, #tpu.memory_space<hbm>>) target(%arg20 : memref<224xf32, #tpu.memory_space<vmem>>) offsets(%arg11 : memref<224xi32, #tpu.memory_space<vmem>>) semaphore(%arg24 : memref<!tpu.dma_semaphore, #tpu.memory_space<semaphore_mem>>)
          %dma_start3A_273 = arith.constant 0 : i32
          %dma_start3A_274 = arith.constant 0 : i32
          %dma_start3A_275 = tpu.memref_slice %arg3[%dma_start3A_273, %dma_start3A_274] : memref<10000x128xf32, #tpu.memory_space<hbm>> -> memref<10000x128xf32, #tpu.memory_space<hbm>>
          tpu.enqueue_indirect_dma source(%dma_start3A_275 : memref<10000x128xf32, #tpu.memory_space<hbm>>) target(%arg22 : memref<112x128xf32, #tpu.memory_space<vmem>>) offsets(%arg12 : memref<112xi32, #tpu.memory_space<vmem>>) semaphore(%arg25 : memref<!tpu.dma_semaphore, #tpu.memory_space<semaphore_mem>>)
        } else {
        }
        %add3A_229 = arith.constant 224 : i32
        %add3A_230 = arith.addi %add3A_156, %add3A_229 : i32
        %dma_wait3A_231 = arith.constant 0 : i32
        %dma_wait3A_232 = tpu.memref_slice %arg5[%dma_wait3A_231] : memref<20000xf32, #tpu.memory_space<hbm>> -> memref<20000xf32, #tpu.memory_space<hbm>>
        tpu.wait_indirect_dma semaphore(%arg40 : memref<!tpu.dma_semaphore, #tpu.memory_space<semaphore_mem>>) src(%dma_wait3A_232 : memref<20000xf32, #tpu.memory_space<hbm>>) dst(%arg36 : memref<224xf32, #tpu.memory_space<vmem>>)
        %parallel_loop3A_233 = arith.constant 0 : i32
        %parallel_loop3A_234 = arith.constant 7 : i32
        %parallel_loop3A_235 = arith.constant 1 : i32
        scf.for %parallel_loop3A_262 = %parallel_loop3A_233 to %parallel_loop3A_234 step %parallel_loop3A_235  : i32 {
          %parallel_loop3A_263 = arith.constant 16 : i32
          %parallel_loop3A_264 = arith.muli %parallel_loop3A_262, %parallel_loop3A_263 : i32
          %parallel_loop3A_265 = arith.index_cast %parallel_loop3A_264 : i32 to index
          %parallel_loop3A_266 = tpu.vector_load %arg36[%parallel_loop3A_265] {strides = array<i32>} : memref<224xf32, #tpu.memory_space<vmem>>, vector<16xf32>,
          %parallel_loop3A_267 = arith.constant 16 : i32
          %parallel_loop3A_268 = arith.muli %parallel_loop3A_262, %parallel_loop3A_267 : i32
          %parallel_loop3A_269 = arith.constant 112 : i32
          %parallel_loop3A_270 = arith.addi %parallel_loop3A_269, %parallel_loop3A_268 : i32
          %parallel_loop3A_271 = arith.index_cast %parallel_loop3A_270 : i32 to index
          %parallel_loop3A_272 = tpu.vector_load %arg36[%parallel_loop3A_271] {strides = array<i32>} : memref<224xf32, #tpu.memory_space<vmem>>, vector<16xf32>,
          %parallel_loop3A_273 = arith.addf %parallel_loop3A_266, %parallel_loop3A_272 : vector<16xf32>
          %parallel_loop3A_274 = arith.constant 2.000000e-01 : f32
          %parallel_loop3A_275 = vector.broadcast %parallel_loop3A_274 : f32 to vector<16xf32>
          %parallel_loop3A_276 = arith.mulf %parallel_loop3A_275, %parallel_loop3A_273 : vector<16xf32>
          %parallel_loop3A_277 = arith.maximumf %parallel_loop3A_273, %parallel_loop3A_276 : vector<16xf32>
          %parallel_loop3A_278 = arith.constant 0.000000e+00 : f32
          %parallel_loop3A_279 = vector.broadcast %parallel_loop3A_278 : f32 to vector<16xf32>
          %parallel_loop3A_280 = arith.subf %parallel_loop3A_279, %parallel_loop3A_277 : vector<16xf32>
          %parallel_loop3A_281 = math.exp %parallel_loop3A_280 : vector<16xf32>
          %parallel_loop3A_282 = arith.constant 16 : i32
          %parallel_loop3A_283 = arith.muli %parallel_loop3A_262, %parallel_loop3A_282 : i32
          %parallel_loop3A_284 = arith.addi %add3A_230, %parallel_loop3A_283 : i32
          %parallel_loop3A_285 = tpu.iota {dimensions = array<i32: 0>} : vector<16xi32>
          %parallel_loop3A_286 = vector.broadcast %parallel_loop3A_284 : i32 to vector<16xi32>
          %parallel_loop3A_287 = arith.addi %parallel_loop3A_286, %parallel_loop3A_285 : vector<16xi32>
          %parallel_loop3A_288 = arith.constant 160000 : i32
          %parallel_loop3A_289 = vector.broadcast %parallel_loop3A_288 : i32 to vector<16xi32>
          %parallel_loop3A_290 = arith.cmpi slt, %parallel_loop3A_287, %parallel_loop3A_289 : vector<16xi32>
          %parallel_loop3A_291 = arith.constant 0.000000e+00 : f32
          %parallel_loop3A_292 = vector.broadcast %parallel_loop3A_291 : f32 to vector<16xf32>
          %parallel_loop3A_293 = arith.select %parallel_loop3A_290, %parallel_loop3A_281, %parallel_loop3A_292 : vector<16xi1>, vector<16xf32>
          %parallel_loop3A_294 = arith.index_cast %parallel_loop3A_264 : i32 to index
          %parallel_loop3A_295 = tpu.vector_load %arg37[%parallel_loop3A_294] {strides = array<i32>} : memref<112xf32, #tpu.memory_space<vmem>>, vector<16xf32>,
          tpu.vector_store %arg37[%parallel_loop3A_294], %parallel_loop3A_293 {strides = array<i32>} : memref<112xf32, #tpu.memory_space<vmem>>, vector<16xf32>,
          %parallel_loop3A_296 = arith.index_cast %parallel_loop3A_264 : i32 to index
          %parallel_loop3A_297 = tpu.vector_load %arg17[%parallel_loop3A_296] {strides = array<i32>} : memref<224xi32, #tpu.memory_space<vmem>>, vector<16xi32>,
          %parallel_loop3A_298 = arith.index_cast %parallel_loop3A_264 : i32 to index
          %parallel_loop3A_299 = tpu.vector_load %arg39[%parallel_loop3A_298] {strides = array<i32>} : memref<112xi32, #tpu.memory_space<vmem>>, vector<16xi32>,
          tpu.vector_store %arg39[%parallel_loop3A_298], %parallel_loop3A_297 {strides = array<i32>} : memref<112xi32, #tpu.memory_space<vmem>>, vector<16xi32>,
        } {sc.loop_unroll_factor = 7 : i64, sc.parallel_access}
        %dma_start3A_236 = arith.constant 0 : i32
        %dma_start3A_237 = tpu.memref_slice %arg46[%dma_start3A_236] : memref<10000xf32, #tpu.memory_space<vmem_shared>> -> memref<10000xf32, #tpu.memory_space<vmem_shared>>
        tpu.enqueue_indirect_dma source(%arg37 : memref<112xf32, #tpu.memory_space<vmem>>) target(%dma_start3A_237 : memref<10000xf32, #tpu.memory_space<vmem_shared>>) offsets(%arg39 : memref<112xi32, #tpu.memory_space<vmem>>) semaphore(%arg43 : memref<!tpu.dma_semaphore, #tpu.memory_space<semaphore_mem>>) {add = true}
        %dma_wait3A_238 = arith.constant 0 : i32
        %dma_wait3A_239 = arith.constant 0 : i32
        %dma_wait3A_240 = tpu.memref_slice %arg3[%dma_wait3A_238, %dma_wait3A_239] : memref<10000x128xf32, #tpu.memory_space<hbm>> -> memref<10000x128xf32, #tpu.memory_space<hbm>>
        tpu.wait_indirect_dma semaphore(%arg41 : memref<!tpu.dma_semaphore, #tpu.memory_space<semaphore_mem>>) src(%dma_wait3A_240 : memref<10000x128xf32, #tpu.memory_space<hbm>>) dst(%arg38 : memref<112x128xf32, #tpu.memory_space<vmem>>)
        %parallel_loop3A_241 = arith.constant 0 : i32
        %parallel_loop3A_242 = arith.constant 112 : i32
        %parallel_loop3A_243 = arith.constant 1 : i32
        scf.for %parallel_loop3A_262 = %parallel_loop3A_241 to %parallel_loop3A_242 step %parallel_loop3A_243  : i32 {
          %parallel_loop3A_263 = arith.constant 0 : i32
          %parallel_loop3A_264 = vector.broadcast %parallel_loop3A_263 : i32 to vector<16xi32>
          %parallel_loop3A_265 = vector.broadcast %parallel_loop3A_262 : i32 to vector<16xi32>
          %parallel_loop3A_266 = arith.addi %parallel_loop3A_264, %parallel_loop3A_265 : vector<16xi32>
          %parallel_loop3A_267 = tpu.vector_load_idx %arg37[%parallel_loop3A_266] : memref<112xf32, #tpu.memory_space<vmem>>[vector<16xi32>], vector<16xf32>,
          %parallel_loop3A_268 = arith.index_cast %parallel_loop3A_262 : i32 to index
          %parallel_loop3A_269 = arith.constant 0 : index
          %parallel_loop3A_270 = tpu.vector_load %arg38[%parallel_loop3A_268, %parallel_loop3A_269] {strides = array<i32>} : memref<112x128xf32, #tpu.memory_space<vmem>>, vector<16xf32>,
          %parallel_loop3A_271 = arith.mulf %parallel_loop3A_270, %parallel_loop3A_267 : vector<16xf32>
          %parallel_loop3A_272 = arith.index_cast %parallel_loop3A_262 : i32 to index
          %parallel_loop3A_273 = arith.constant 0 : index
          %parallel_loop3A_274 = tpu.vector_load %arg38[%parallel_loop3A_272, %parallel_loop3A_273] {strides = array<i32>} : memref<112x128xf32, #tpu.memory_space<vmem>>, vector<16xf32>,
          tpu.vector_store %arg38[%parallel_loop3A_272, %parallel_loop3A_273], %parallel_loop3A_271 {strides = array<i32>} : memref<112x128xf32, #tpu.memory_space<vmem>>, vector<16xf32>,
          %parallel_loop3A_275 = arith.index_cast %parallel_loop3A_262 : i32 to index
          %parallel_loop3A_276 = arith.constant 16 : index
          %parallel_loop3A_277 = tpu.vector_load %arg38[%parallel_loop3A_275, %parallel_loop3A_276] {strides = array<i32>} : memref<112x128xf32, #tpu.memory_space<vmem>>, vector<16xf32>,
          %parallel_loop3A_278 = arith.mulf %parallel_loop3A_277, %parallel_loop3A_267 : vector<16xf32>
          %parallel_loop3A_279 = arith.index_cast %parallel_loop3A_262 : i32 to index
          %parallel_loop3A_280 = arith.constant 16 : index
          %parallel_loop3A_281 = tpu.vector_load %arg38[%parallel_loop3A_279, %parallel_loop3A_280] {strides = array<i32>} : memref<112x128xf32, #tpu.memory_space<vmem>>, vector<16xf32>,
          tpu.vector_store %arg38[%parallel_loop3A_279, %parallel_loop3A_280], %parallel_loop3A_278 {strides = array<i32>} : memref<112x128xf32, #tpu.memory_space<vmem>>, vector<16xf32>,
          %parallel_loop3A_282 = arith.index_cast %parallel_loop3A_262 : i32 to index
          %parallel_loop3A_283 = arith.constant 32 : index
          %parallel_loop3A_284 = tpu.vector_load %arg38[%parallel_loop3A_282, %parallel_loop3A_283] {strides = array<i32>} : memref<112x128xf32, #tpu.memory_space<vmem>>, vector<16xf32>,
          %parallel_loop3A_285 = arith.mulf %parallel_loop3A_284, %parallel_loop3A_267 : vector<16xf32>
          %parallel_loop3A_286 = arith.index_cast %parallel_loop3A_262 : i32 to index
          %parallel_loop3A_287 = arith.constant 32 : index
          %parallel_loop3A_288 = tpu.vector_load %arg38[%parallel_loop3A_286, %parallel_loop3A_287] {strides = array<i32>} : memref<112x128xf32, #tpu.memory_space<vmem>>, vector<16xf32>,
          tpu.vector_store %arg38[%parallel_loop3A_286, %parallel_loop3A_287], %parallel_loop3A_285 {strides = array<i32>} : memref<112x128xf32, #tpu.memory_space<vmem>>, vector<16xf32>,
          %parallel_loop3A_289 = arith.index_cast %parallel_loop3A_262 : i32 to index
          %parallel_loop3A_290 = arith.constant 48 : index
          %parallel_loop3A_291 = tpu.vector_load %arg38[%parallel_loop3A_289, %parallel_loop3A_290] {strides = array<i32>} : memref<112x128xf32, #tpu.memory_space<vmem>>, vector<16xf32>,
          %parallel_loop3A_292 = arith.mulf %parallel_loop3A_291, %parallel_loop3A_267 : vector<16xf32>
          %parallel_loop3A_293 = arith.index_cast %parallel_loop3A_262 : i32 to index
          %parallel_loop3A_294 = arith.constant 48 : index
          %parallel_loop3A_295 = tpu.vector_load %arg38[%parallel_loop3A_293, %parallel_loop3A_294] {strides = array<i32>} : memref<112x128xf32, #tpu.memory_space<vmem>>, vector<16xf32>,
          tpu.vector_store %arg38[%parallel_loop3A_293, %parallel_loop3A_294], %parallel_loop3A_292 {strides = array<i32>} : memref<112x128xf32, #tpu.memory_space<vmem>>, vector<16xf32>,
          %parallel_loop3A_296 = arith.index_cast %parallel_loop3A_262 : i32 to index
          %parallel_loop3A_297 = arith.constant 64 : index
          %parallel_loop3A_298 = tpu.vector_load %arg38[%parallel_loop3A_296, %parallel_loop3A_297] {strides = array<i32>} : memref<112x128xf32, #tpu.memory_space<vmem>>, vector<16xf32>,
          %parallel_loop3A_299 = arith.mulf %parallel_loop3A_298, %parallel_loop3A_267 : vector<16xf32>
          %parallel_loop3A_300 = arith.index_cast %parallel_loop3A_262 : i32 to index
          %parallel_loop3A_301 = arith.constant 64 : index
          %parallel_loop3A_302 = tpu.vector_load %arg38[%parallel_loop3A_300, %parallel_loop3A_301] {strides = array<i32>} : memref<112x128xf32, #tpu.memory_space<vmem>>, vector<16xf32>,
          tpu.vector_store %arg38[%parallel_loop3A_300, %parallel_loop3A_301], %parallel_loop3A_299 {strides = array<i32>} : memref<112x128xf32, #tpu.memory_space<vmem>>, vector<16xf32>,
          %parallel_loop3A_303 = arith.index_cast %parallel_loop3A_262 : i32 to index
          %parallel_loop3A_304 = arith.constant 80 : index
          %parallel_loop3A_305 = tpu.vector_load %arg38[%parallel_loop3A_303, %parallel_loop3A_304] {strides = array<i32>} : memref<112x128xf32, #tpu.memory_space<vmem>>, vector<16xf32>,
          %parallel_loop3A_306 = arith.mulf %parallel_loop3A_305, %parallel_loop3A_267 : vector<16xf32>
          %parallel_loop3A_307 = arith.index_cast %parallel_loop3A_262 : i32 to index
          %parallel_loop3A_308 = arith.constant 80 : index
          %parallel_loop3A_309 = tpu.vector_load %arg38[%parallel_loop3A_307, %parallel_loop3A_308] {strides = array<i32>} : memref<112x128xf32, #tpu.memory_space<vmem>>, vector<16xf32>,
          tpu.vector_store %arg38[%parallel_loop3A_307, %parallel_loop3A_308], %parallel_loop3A_306 {strides = array<i32>} : memref<112x128xf32, #tpu.memory_space<vmem>>, vector<16xf32>,
          %parallel_loop3A_310 = arith.index_cast %parallel_loop3A_262 : i32 to index
          %parallel_loop3A_311 = arith.constant 96 : index
          %parallel_loop3A_312 = tpu.vector_load %arg38[%parallel_loop3A_310, %parallel_loop3A_311] {strides = array<i32>} : memref<112x128xf32, #tpu.memory_space<vmem>>, vector<16xf32>,
          %parallel_loop3A_313 = arith.mulf %parallel_loop3A_312, %parallel_loop3A_267 : vector<16xf32>
          %parallel_loop3A_314 = arith.index_cast %parallel_loop3A_262 : i32 to index
          %parallel_loop3A_315 = arith.constant 96 : index
          %parallel_loop3A_316 = tpu.vector_load %arg38[%parallel_loop3A_314, %parallel_loop3A_315] {strides = array<i32>} : memref<112x128xf32, #tpu.memory_space<vmem>>, vector<16xf32>,
          tpu.vector_store %arg38[%parallel_loop3A_314, %parallel_loop3A_315], %parallel_loop3A_313 {strides = array<i32>} : memref<112x128xf32, #tpu.memory_space<vmem>>, vector<16xf32>,
          %parallel_loop3A_317 = arith.index_cast %parallel_loop3A_262 : i32 to index
          %parallel_loop3A_318 = arith.constant 112 : index
          %parallel_loop3A_319 = tpu.vector_load %arg38[%parallel_loop3A_317, %parallel_loop3A_318] {strides = array<i32>} : memref<112x128xf32, #tpu.memory_space<vmem>>, vector<16xf32>,
          %parallel_loop3A_320 = arith.mulf %parallel_loop3A_319, %parallel_loop3A_267 : vector<16xf32>
          %parallel_loop3A_321 = arith.index_cast %parallel_loop3A_262 : i32 to index
          %parallel_loop3A_322 = arith.constant 112 : index
          %parallel_loop3A_323 = tpu.vector_load %arg38[%parallel_loop3A_321, %parallel_loop3A_322] {strides = array<i32>} : memref<112x128xf32, #tpu.memory_space<vmem>>, vector<16xf32>,
          tpu.vector_store %arg38[%parallel_loop3A_321, %parallel_loop3A_322], %parallel_loop3A_320 {strides = array<i32>} : memref<112x128xf32, #tpu.memory_space<vmem>>, vector<16xf32>,
        } {sc.loop_unroll_factor = 4 : i64, sc.parallel_access}
        %dma_start3A_244 = arith.constant 0 : i32
        %dma_start3A_245 = arith.constant 0 : i32
        %dma_start3A_246 = tpu.memref_slice %arg45[%dma_start3A_244, %dma_start3A_245] : memref<10000x128xf32, #tpu.memory_space<vmem_shared>> -> memref<10000x128xf32, #tpu.memory_space<vmem_shared>>
        tpu.enqueue_indirect_dma source(%arg38 : memref<112x128xf32, #tpu.memory_space<vmem>>) target(%dma_start3A_246 : memref<10000x128xf32, #tpu.memory_space<vmem_shared>>) offsets(%arg39 : memref<112xi32, #tpu.memory_space<vmem>>) semaphore(%arg42 : memref<!tpu.dma_semaphore, #tpu.memory_space<semaphore_mem>>) {add = true}
        %not3A_247 = arith.constant true
        %not3A_248 = arith.xori %ge3A_157, %not3A_247 : i1
        %convert_element_type3A_249 = arith.extui %not3A_248 : i1 to i32
        %cond3A_250 = arith.constant 0 : i32
        %cond3A_251 = arith.cmpi ne, %convert_element_type3A_249, %cond3A_250 : i32
        scf.if %cond3A_251 {
          %add3A_262 = arith.constant 560 : i32
          %add3A_263 = arith.addi %add3A_156, %add3A_262 : i32
          %mul3A_264 = arith.constant 2 : i32
          %mul3A_265 = arith.muli %mul3A_264, %add3A_263 : i32
          %dma_start3A_266 = tpu.memref_slice %arg6[%mul3A_265] : memref<322560xi32, #tpu.memory_space<hbm>> -> memref<224xi32, #tpu.memory_space<hbm>>
          %dma_start3A_267 = tpu.memref_slice %arg6[%mul3A_265] : memref<322560xi32, #tpu.memory_space<hbm>> -> memref<224xi32, #tpu.memory_space<hbm>>
          tpu.enqueue_dma source(%dma_start3A_267 : memref<224xi32, #tpu.memory_space<hbm>>) target(%arg17 : memref<224xi32, #tpu.memory_space<vmem>>) target_semaphore(%arg19 : memref<!tpu.dma_semaphore, #tpu.memory_space<semaphore_mem>>)
        } else {
        }
        %dma_wait3A_252 = arith.constant 0 : i32
        %dma_wait3A_253 = arith.constant 0 : i32
        %dma_wait3A_254 = tpu.memref_slice %arg45[%dma_wait3A_252, %dma_wait3A_253] : memref<10000x128xf32, #tpu.memory_space<vmem_shared>> -> memref<10000x128xf32, #tpu.memory_space<vmem_shared>>
        tpu.wait_indirect_dma semaphore(%arg34 : memref<!tpu.dma_semaphore, #tpu.memory_space<semaphore_mem>>) src(%arg30 : memref<112x128xf32, #tpu.memory_space<vmem>>) dst(%dma_wait3A_254 : memref<10000x128xf32, #tpu.memory_space<vmem_shared>>)
        %dma_wait3A_255 = arith.constant 0 : i32
        %dma_wait3A_256 = tpu.memref_slice %arg46[%dma_wait3A_255] : memref<10000xf32, #tpu.memory_space<vmem_shared>> -> memref<10000xf32, #tpu.memory_space<vmem_shared>>
        tpu.wait_indirect_dma semaphore(%arg35 : memref<!tpu.dma_semaphore, #tpu.memory_space<semaphore_mem>>) src(%arg29 : memref<112xf32, #tpu.memory_space<vmem>>) dst(%dma_wait3A_256 : memref<10000xf32, #tpu.memory_space<vmem_shared>>)
        %not3A_257 = arith.constant true
        %not3A_258 = arith.xori %ge3A_157, %not3A_257 : i1
        %convert_element_type3A_259 = arith.extui %not3A_258 : i1 to i32
        %cond3A_260 = arith.constant 0 : i32
        %cond3A_261 = arith.cmpi ne, %convert_element_type3A_259, %cond3A_260 : i32
        scf.if %cond3A_261 {
          %add3A_262 = arith.constant 448 : i32
          %add3A_263 = arith.addi %add3A_156, %add3A_262 : i32
          %mul3A_264 = arith.constant 2 : i32
          %mul3A_265 = arith.muli %mul3A_264, %add3A_263 : i32
          %dma_wait3A_266 = tpu.memref_slice %arg6[%mul3A_265] : memref<322560xi32, #tpu.memory_space<hbm>> -> memref<224xi32, #tpu.memory_space<hbm>>
          %dma_wait3A_267 = tpu.memref_slice %arg6[%mul3A_265] : memref<322560xi32, #tpu.memory_space<hbm>> -> memref<224xi32, #tpu.memory_space<hbm>>
          tpu.wait_dma2 semaphore(%arg16 : memref<!tpu.dma_semaphore, #tpu.memory_space<semaphore_mem>>) src(%dma_wait3A_267 : memref<224xi32, #tpu.memory_space<hbm>>) dst(%arg14 : memref<224xi32, #tpu.memory_space<vmem>>)
          %parallel_loop3A_268 = arith.constant 0 : i32
          %parallel_loop3A_269 = arith.constant 7 : i32
          %parallel_loop3A_270 = arith.constant 1 : i32
          scf.for %parallel_loop3A_276 = %parallel_loop3A_268 to %parallel_loop3A_269 step %parallel_loop3A_270  : i32 {
            %parallel_loop3A_277 = arith.constant 16 : i32
            %parallel_loop3A_278 = arith.muli %parallel_loop3A_276, %parallel_loop3A_277 : i32
            %parallel_loop3A_279 = arith.constant 16 : i32
            %parallel_loop3A_280 = arith.muli %parallel_loop3A_276, %parallel_loop3A_279 : i32
            %parallel_loop3A_281 = arith.constant 112 : i32
            %parallel_loop3A_282 = arith.addi %parallel_loop3A_281, %parallel_loop3A_280 : i32
            %parallel_loop3A_283 = arith.index_cast %parallel_loop3A_282 : i32 to index
            %parallel_loop3A_284 = tpu.vector_load %arg14[%parallel_loop3A_283] {strides = array<i32>} : memref<224xi32, #tpu.memory_space<vmem>>, vector<16xi32>,
            %parallel_loop3A_285 = arith.constant 10000 : i32
            %parallel_loop3A_286 = vector.broadcast %parallel_loop3A_285 : i32 to vector<16xi32>
            %parallel_loop3A_287 = arith.subi %parallel_loop3A_284, %parallel_loop3A_286 : vector<16xi32>
            %parallel_loop3A_288 = arith.index_cast %parallel_loop3A_278 : i32 to index
            %parallel_loop3A_289 = tpu.vector_load %arg15[%parallel_loop3A_288] {strides = array<i32>} : memref<112xi32, #tpu.memory_space<vmem>>, vector<16xi32>,
            tpu.vector_store %arg15[%parallel_loop3A_288], %parallel_loop3A_287 {strides = array<i32>} : memref<112xi32, #tpu.memory_space<vmem>>, vector<16xi32>,
          } {sc.loop_unroll_factor = 7 : i64, sc.parallel_access}
          %dma_start3A_271 = arith.constant 0 : i32
          %dma_start3A_272 = tpu.memref_slice %arg5[%dma_start3A_271] : memref<20000xf32, #tpu.memory_space<hbm>> -> memref<20000xf32, #tpu.memory_space<hbm>>
          tpu.enqueue_indirect_dma source(%dma_start3A_272 : memref<20000xf32, #tpu.memory_space<hbm>>) target(%arg28 : memref<224xf32, #tpu.memory_space<vmem>>) offsets(%arg14 : memref<224xi32, #tpu.memory_space<vmem>>) semaphore(%arg32 : memref<!tpu.dma_semaphore, #tpu.memory_space<semaphore_mem>>)
          %dma_start3A_273 = arith.constant 0 : i32
          %dma_start3A_274 = arith.constant 0 : i32
          %dma_start3A_275 = tpu.memref_slice %arg3[%dma_start3A_273, %dma_start3A_274] : memref<10000x128xf32, #tpu.memory_space<hbm>> -> memref<10000x128xf32, #tpu.memory_space<hbm>>
          tpu.enqueue_indirect_dma source(%dma_start3A_275 : memref<10000x128xf32, #tpu.memory_space<hbm>>) target(%arg30 : memref<112x128xf32, #tpu.memory_space<vmem>>) offsets(%arg15 : memref<112xi32, #tpu.memory_space<vmem>>) semaphore(%arg33 : memref<!tpu.dma_semaphore, #tpu.memory_space<semaphore_mem>>)
        } else {
        }
      }
      %scan3A_89 = arith.constant 30 : i32
      %dma_wait3A_90 = arith.constant 0 : i32
      %dma_wait3A_91 = arith.constant 0 : i32
      %dma_wait3A_92 = tpu.memref_slice %arg45[%dma_wait3A_90, %dma_wait3A_91] : memref<10000x128xf32, #tpu.memory_space<vmem_shared>> -> memref<10000x128xf32, #tpu.memory_space<vmem_shared>>
      tpu.wait_indirect_dma semaphore(%arg42 : memref<!tpu.dma_semaphore, #tpu.memory_space<semaphore_mem>>) src(%arg38 : memref<112x128xf32, #tpu.memory_space<vmem>>) dst(%dma_wait3A_92 : memref<10000x128xf32, #tpu.memory_space<vmem_shared>>)
      %dma_wait3A_93 = arith.constant 0 : i32
      %dma_wait3A_94 = tpu.memref_slice %arg46[%dma_wait3A_93] : memref<10000xf32, #tpu.memory_space<vmem_shared>> -> memref<10000xf32, #tpu.memory_space<vmem_shared>>
      tpu.wait_indirect_dma semaphore(%arg43 : memref<!tpu.dma_semaphore, #tpu.memory_space<semaphore_mem>>) src(%arg37 : memref<112xf32, #tpu.memory_space<vmem>>) dst(%dma_wait3A_94 : memref<10000xf32, #tpu.memory_space<vmem_shared>>)
      %barrier3A_95 = arith.constant 0 : index
      tpu.barrier barrier_id(%barrier3A_95)
      "tpu.region"() ({
        %run_scoped3A = tpu.sem_alloc : memref<!tpu.dma_semaphore, #tpu.memory_space<semaphore_mem>>
        %dma_start3A_149 = arith.constant 0 : i32
        %dma_start3A_150 = tpu.memref_slice %arg44[%dma_start3A_149] : memref<640xf32, #tpu.memory_space<vmem>> -> memref<624xf32, #tpu.memory_space<vmem>>
        %dma_start3A_151 = tpu.memref_slice %arg46[%mul3A_16] : memref<10000xf32, #tpu.memory_space<vmem_shared>> -> memref<624xf32, #tpu.memory_space<vmem_shared>>
        %dma_start3A_152 = arith.constant 0 : i32
        %dma_start3A_153 = tpu.memref_slice %arg44[%dma_start3A_152] : memref<640xf32, #tpu.memory_space<vmem>> -> memref<624xf32, #tpu.memory_space<vmem>>
        %dma_start3A_154 = tpu.memref_slice %arg46[%mul3A_16] : memref<10000xf32, #tpu.memory_space<vmem_shared>> -> memref<624xf32, #tpu.memory_space<vmem_shared>>
        tpu.enqueue_dma source(%dma_start3A_154 : memref<624xf32, #tpu.memory_space<vmem_shared>>) target(%dma_start3A_153 : memref<624xf32, #tpu.memory_space<vmem>>) target_semaphore(%run_scoped3A : memref<!tpu.dma_semaphore, #tpu.memory_space<semaphore_mem>>)
        %dma_wait3A_155 = arith.constant 0 : i32
        %dma_wait3A_156 = tpu.memref_slice %arg44[%dma_wait3A_155] : memref<640xf32, #tpu.memory_space<vmem>> -> memref<624xf32, #tpu.memory_space<vmem>>
        %dma_wait3A_157 = tpu.memref_slice %arg46[%mul3A_16] : memref<10000xf32, #tpu.memory_space<vmem_shared>> -> memref<624xf32, #tpu.memory_space<vmem_shared>>
        %dma_wait3A_158 = arith.constant 0 : i32
        %dma_wait3A_159 = tpu.memref_slice %arg44[%dma_wait3A_158] : memref<640xf32, #tpu.memory_space<vmem>> -> memref<624xf32, #tpu.memory_space<vmem>>
        %dma_wait3A_160 = tpu.memref_slice %arg46[%mul3A_16] : memref<10000xf32, #tpu.memory_space<vmem_shared>> -> memref<624xf32, #tpu.memory_space<vmem_shared>>
        tpu.wait_dma2 semaphore(%run_scoped3A : memref<!tpu.dma_semaphore, #tpu.memory_space<semaphore_mem>>) src(%dma_wait3A_160 : memref<624xf32, #tpu.memory_space<vmem_shared>>) dst(%dma_wait3A_159 : memref<624xf32, #tpu.memory_space<vmem>>)
        tpu.yield
      }) : () -> ()
      "tpu.region"() ({
        %run_scoped3A = tpu.sem_alloc : memref<!tpu.dma_semaphore, #tpu.memory_space<semaphore_mem>>
        %dma_start3A_149 = arith.constant 0 : i32
        %dma_start3A_150 = tpu.memref_slice %arg44[%dma_start3A_149] : memref<640xf32, #tpu.memory_space<vmem>> -> memref<624xf32, #tpu.memory_space<vmem>>
        %dma_start3A_151 = tpu.memref_slice %arg10[%mul3A_16] : memref<10000xf32, #tpu.memory_space<hbm>> -> memref<624xf32, #tpu.memory_space<hbm>>
        %dma_start3A_152 = tpu.memref_slice %arg10[%mul3A_16] : memref<10000xf32, #tpu.memory_space<hbm>> -> memref<624xf32, #tpu.memory_space<hbm>>
        %dma_start3A_153 = arith.constant 0 : i32
        %dma_start3A_154 = tpu.memref_slice %arg44[%dma_start3A_153] : memref<640xf32, #tpu.memory_space<vmem>> -> memref<624xf32, #tpu.memory_space<vmem>>
        tpu.enqueue_dma source(%dma_start3A_154 : memref<624xf32, #tpu.memory_space<vmem>>) target(%dma_start3A_152 : memref<624xf32, #tpu.memory_space<hbm>>) target_semaphore(%run_scoped3A : memref<!tpu.dma_semaphore, #tpu.memory_space<semaphore_mem>>)
        %dma_wait3A_155 = arith.constant 0 : i32
        %dma_wait3A_156 = tpu.memref_slice %arg44[%dma_wait3A_155] : memref<640xf32, #tpu.memory_space<vmem>> -> memref<624xf32, #tpu.memory_space<vmem>>
        %dma_wait3A_157 = tpu.memref_slice %arg10[%mul3A_16] : memref<10000xf32, #tpu.memory_space<hbm>> -> memref<624xf32, #tpu.memory_space<hbm>>
        %dma_wait3A_158 = tpu.memref_slice %arg10[%mul3A_16] : memref<10000xf32, #tpu.memory_space<hbm>> -> memref<624xf32, #tpu.memory_space<hbm>>
        %dma_wait3A_159 = arith.constant 0 : i32
        %dma_wait3A_160 = tpu.memref_slice %arg44[%dma_wait3A_159] : memref<640xf32, #tpu.memory_space<vmem>> -> memref<624xf32, #tpu.memory_space<vmem>>
        tpu.wait_dma2 semaphore(%run_scoped3A : memref<!tpu.dma_semaphore, #tpu.memory_space<semaphore_mem>>) src(%dma_wait3A_160 : memref<624xf32, #tpu.memory_space<vmem>>) dst(%dma_wait3A_158 : memref<624xf32, #tpu.memory_space<hbm>>)
        tpu.yield
      }) : () -> ()
      %add3A_96 = arith.constant 624 : i32
      %add3A_97 = arith.addi %mul3A_16, %add3A_96 : i32
      %sub3A_98 = arith.constant 624 : i32
      %sub3A_99 = arith.subi %add3A_97, %sub3A_98 : i32
      %add3A_100 = arith.constant 624 : i32
      %add3A_101 = arith.addi %mul3A_16, %add3A_100 : i32
      %sub3A_102 = arith.constant 624 : i32
      %sub3A_103 = arith.subi %add3A_101, %sub3A_102 : i32
      "tpu.region"() ({
        %run_scoped3A = tpu.sem_alloc : memref<!tpu.dma_semaphore, #tpu.memory_space<semaphore_mem>>
        %dma_start3A_149 = arith.constant 0 : i32
        %dma_start3A_150 = tpu.memref_slice %arg8[%sub3A_103, %dma_start3A_149] : memref<10000x128xf32, #tpu.memory_space<hbm>> -> memref<112x128xf32, #tpu.memory_space<hbm>>
        %dma_start3A_151 = arith.constant 0 : i32
        %dma_start3A_152 = tpu.memref_slice %arg45[%sub3A_99, %dma_start3A_151] : memref<10000x128xf32, #tpu.memory_space<vmem_shared>> -> memref<112x128xf32, #tpu.memory_space<vmem_shared>>
        tpu.enqueue_dma source(%dma_start3A_152 : memref<112x128xf32, #tpu.memory_space<vmem_shared>>) target(%dma_start3A_150 : memref<112x128xf32, #tpu.memory_space<hbm>>) target_semaphore(%run_scoped3A : memref<!tpu.dma_semaphore, #tpu.memory_space<semaphore_mem>>)
        %dma_wait3A_153 = arith.constant 0 : i32
        %dma_wait3A_154 = tpu.memref_slice %arg8[%sub3A_103, %dma_wait3A_153] : memref<10000x128xf32, #tpu.memory_space<hbm>> -> memref<112x128xf32, #tpu.memory_space<hbm>>
        %dma_wait3A_155 = arith.constant 0 : i32
        %dma_wait3A_156 = tpu.memref_slice %arg45[%sub3A_99, %dma_wait3A_155] : memref<10000x128xf32, #tpu.memory_space<vmem_shared>> -> memref<112x128xf32, #tpu.memory_space<vmem_shared>>
        tpu.wait_dma2 semaphore(%run_scoped3A : memref<!tpu.dma_semaphore, #tpu.memory_space<semaphore_mem>>) src(%dma_wait3A_156 : memref<112x128xf32, #tpu.memory_space<vmem_shared>>) dst(%dma_wait3A_154 : memref<112x128xf32, #tpu.memory_space<hbm>>)
        tpu.yield
      }) : () -> ()
      %add3A_104 = arith.constant 624 : i32
      %add3A_105 = arith.addi %mul3A_16, %add3A_104 : i32
      %sub3A_106 = arith.constant 512 : i32
      %sub3A_107 = arith.subi %add3A_105, %sub3A_106 : i32
      %add3A_108 = arith.constant 624 : i32
      %add3A_109 = arith.addi %mul3A_16, %add3A_108 : i32
      %sub3A_110 = arith.constant 512 : i32
      %sub3A_111 = arith.subi %add3A_109, %sub3A_110 : i32
      "tpu.region"() ({
        %run_scoped3A = tpu.sem_alloc : memref<!tpu.dma_semaphore, #tpu.memory_space<semaphore_mem>>
        %dma_start3A_149 = arith.constant 0 : i32
        %dma_start3A_150 = tpu.memref_slice %arg8[%sub3A_111, %dma_start3A_149] : memref<10000x128xf32, #tpu.memory_space<hbm>> -> memref<112x128xf32, #tpu.memory_space<hbm>>
        %dma_start3A_151 = arith.constant 0 : i32
        %dma_start3A_152 = tpu.memref_slice %arg45[%sub3A_107, %dma_start3A_151] : memref<10000x128xf32, #tpu.memory_space<vmem_shared>> -> memref<112x128xf32, #tpu.memory_space<vmem_shared>>
        tpu.enqueue_dma source(%dma_start3A_152 : memref<112x128xf32, #tpu.memory_space<vmem_shared>>) target(%dma_start3A_150 : memref<112x128xf32, #tpu.memory_space<hbm>>) target_semaphore(%run_scoped3A : memref<!tpu.dma_semaphore, #tpu.memory_space<semaphore_mem>>)
        %dma_wait3A_153 = arith.constant 0 : i32
        %dma_wait3A_154 = tpu.memref_slice %arg8[%sub3A_111, %dma_wait3A_153] : memref<10000x128xf32, #tpu.memory_space<hbm>> -> memref<112x128xf32, #tpu.memory_space<hbm>>
        %dma_wait3A_155 = arith.constant 0 : i32
        %dma_wait3A_156 = tpu.memref_slice %arg45[%sub3A_107, %dma_wait3A_155] : memref<10000x128xf32, #tpu.memory_space<vmem_shared>> -> memref<112x128xf32, #tpu.memory_space<vmem_shared>>
        tpu.wait_dma2 semaphore(%run_scoped3A : memref<!tpu.dma_semaphore, #tpu.memory_space<semaphore_mem>>) src(%dma_wait3A_156 : memref<112x128xf32, #tpu.memory_space<vmem_shared>>) dst(%dma_wait3A_154 : memref<112x128xf32, #tpu.memory_space<hbm>>)
        tpu.yield
      }) : () -> ()
      %add3A_112 = arith.constant 624 : i32
      %add3A_113 = arith.addi %mul3A_16, %add3A_112 : i32
      %sub3A_114 = arith.constant 400 : i32
      %sub3A_115 = arith.subi %add3A_113, %sub3A_114 : i32
      %add3A_116 = arith.constant 624 : i32
      %add3A_117 = arith.addi %mul3A_16, %add3A_116 : i32
      %sub3A_118 = arith.constant 400 : i32
      %sub3A_119 = arith.subi %add3A_117, %sub3A_118 : i32
      "tpu.region"() ({
        %run_scoped3A = tpu.sem_alloc : memref<!tpu.dma_semaphore, #tpu.memory_space<semaphore_mem>>
        %dma_start3A_149 = arith.constant 0 : i32
        %dma_start3A_150 = tpu.memref_slice %arg8[%sub3A_119, %dma_start3A_149] : memref<10000x128xf32, #tpu.memory_space<hbm>> -> memref<112x128xf32, #tpu.memory_space<hbm>>
        %dma_start3A_151 = arith.constant 0 : i32
        %dma_start3A_152 = tpu.memref_slice %arg45[%sub3A_115, %dma_start3A_151] : memref<10000x128xf32, #tpu.memory_space<vmem_shared>> -> memref<112x128xf32, #tpu.memory_space<vmem_shared>>
        tpu.enqueue_dma source(%dma_start3A_152 : memref<112x128xf32, #tpu.memory_space<vmem_shared>>) target(%dma_start3A_150 : memref<112x128xf32, #tpu.memory_space<hbm>>) target_semaphore(%run_scoped3A : memref<!tpu.dma_semaphore, #tpu.memory_space<semaphore_mem>>)
        %dma_wait3A_153 = arith.constant 0 : i32
        %dma_wait3A_154 = tpu.memref_slice %arg8[%sub3A_119, %dma_wait3A_153] : memref<10000x128xf32, #tpu.memory_space<hbm>> -> memref<112x128xf32, #tpu.memory_space<hbm>>
        %dma_wait3A_155 = arith.constant 0 : i32
        %dma_wait3A_156 = tpu.memref_slice %arg45[%sub3A_115, %dma_wait3A_155] : memref<10000x128xf32, #tpu.memory_space<vmem_shared>> -> memref<112x128xf32, #tpu.memory_space<vmem_shared>>
        tpu.wait_dma2 semaphore(%run_scoped3A : memref<!tpu.dma_semaphore, #tpu.memory_space<semaphore_mem>>) src(%dma_wait3A_156 : memref<112x128xf32, #tpu.memory_space<vmem_shared>>) dst(%dma_wait3A_154 : memref<112x128xf32, #tpu.memory_space<hbm>>)
        tpu.yield
      }) : () -> ()
      %add3A_120 = arith.constant 624 : i32
      %add3A_121 = arith.addi %mul3A_16, %add3A_120 : i32
      %sub3A_122 = arith.constant 288 : i32
      %sub3A_123 = arith.subi %add3A_121, %sub3A_122 : i32
      %add3A_124 = arith.constant 624 : i32
      %add3A_125 = arith.addi %mul3A_16, %add3A_124 : i32
      %sub3A_126 = arith.constant 288 : i32
      %sub3A_127 = arith.subi %add3A_125, %sub3A_126 : i32
      "tpu.region"() ({
        %run_scoped3A = tpu.sem_alloc : memref<!tpu.dma_semaphore, #tpu.memory_space<semaphore_mem>>
        %dma_start3A_149 = arith.constant 0 : i32
        %dma_start3A_150 = tpu.memref_slice %arg8[%sub3A_127, %dma_start3A_149] : memref<10000x128xf32, #tpu.memory_space<hbm>> -> memref<112x128xf32, #tpu.memory_space<hbm>>
        %dma_start3A_151 = arith.constant 0 : i32
        %dma_start3A_152 = tpu.memref_slice %arg45[%sub3A_123, %dma_start3A_151] : memref<10000x128xf32, #tpu.memory_space<vmem_shared>> -> memref<112x128xf32, #tpu.memory_space<vmem_shared>>
        tpu.enqueue_dma source(%dma_start3A_152 : memref<112x128xf32, #tpu.memory_space<vmem_shared>>) target(%dma_start3A_150 : memref<112x128xf32, #tpu.memory_space<hbm>>) target_semaphore(%run_scoped3A : memref<!tpu.dma_semaphore, #tpu.memory_space<semaphore_mem>>)
        %dma_wait3A_153 = arith.constant 0 : i32
        %dma_wait3A_154 = tpu.memref_slice %arg8[%sub3A_127, %dma_wait3A_153] : memref<10000x128xf32, #tpu.memory_space<hbm>> -> memref<112x128xf32, #tpu.memory_space<hbm>>
        %dma_wait3A_155 = arith.constant 0 : i32
        %dma_wait3A_156 = tpu.memref_slice %arg45[%sub3A_123, %dma_wait3A_155] : memref<10000x128xf32, #tpu.memory_space<vmem_shared>> -> memref<112x128xf32, #tpu.memory_space<vmem_shared>>
        tpu.wait_dma2 semaphore(%run_scoped3A : memref<!tpu.dma_semaphore, #tpu.memory_space<semaphore_mem>>) src(%dma_wait3A_156 : memref<112x128xf32, #tpu.memory_space<vmem_shared>>) dst(%dma_wait3A_154 : memref<112x128xf32, #tpu.memory_space<hbm>>)
        tpu.yield
      }) : () -> ()
      %add3A_128 = arith.constant 624 : i32
      %add3A_129 = arith.addi %mul3A_16, %add3A_128 : i32
      %sub3A_130 = arith.constant 176 : i32
      %sub3A_131 = arith.subi %add3A_129, %sub3A_130 : i32
      %add3A_132 = arith.constant 624 : i32
      %add3A_133 = arith.addi %mul3A_16, %add3A_132 : i32
      %sub3A_134 = arith.constant 176 : i32
      %sub3A_135 = arith.subi %add3A_133, %sub3A_134 : i32
      "tpu.region"() ({
        %run_scoped3A = tpu.sem_alloc : memref<!tpu.dma_semaphore, #tpu.memory_space<semaphore_mem>>
        %dma_start3A_149 = arith.constant 0 : i32
        %dma_start3A_150 = tpu.memref_slice %arg8[%sub3A_135, %dma_start3A_149] : memref<10000x128xf32, #tpu.memory_space<hbm>> -> memref<112x128xf32, #tpu.memory_space<hbm>>
        %dma_start3A_151 = arith.constant 0 : i32
        %dma_start3A_152 = tpu.memref_slice %arg45[%sub3A_131, %dma_start3A_151] : memref<10000x128xf32, #tpu.memory_space<vmem_shared>> -> memref<112x128xf32, #tpu.memory_space<vmem_shared>>
        tpu.enqueue_dma source(%dma_start3A_152 : memref<112x128xf32, #tpu.memory_space<vmem_shared>>) target(%dma_start3A_150 : memref<112x128xf32, #tpu.memory_space<hbm>>) target_semaphore(%run_scoped3A : memref<!tpu.dma_semaphore, #tpu.memory_space<semaphore_mem>>)
        %dma_wait3A_153 = arith.constant 0 : i32
        %dma_wait3A_154 = tpu.memref_slice %arg8[%sub3A_135, %dma_wait3A_153] : memref<10000x128xf32, #tpu.memory_space<hbm>> -> memref<112x128xf32, #tpu.memory_space<hbm>>
        %dma_wait3A_155 = arith.constant 0 : i32
        %dma_wait3A_156 = tpu.memref_slice %arg45[%sub3A_131, %dma_wait3A_155] : memref<10000x128xf32, #tpu.memory_space<vmem_shared>> -> memref<112x128xf32, #tpu.memory_space<vmem_shared>>
        tpu.wait_dma2 semaphore(%run_scoped3A : memref<!tpu.dma_semaphore, #tpu.memory_space<semaphore_mem>>) src(%dma_wait3A_156 : memref<112x128xf32, #tpu.memory_space<vmem_shared>>) dst(%dma_wait3A_154 : memref<112x128xf32, #tpu.memory_space<hbm>>)
        tpu.yield
      }) : () -> ()
      %add3A_136 = arith.constant 624 : i32
      %add3A_137 = arith.addi %mul3A_16, %add3A_136 : i32
      %sub3A_138 = arith.constant 64 : i32
      %sub3A_139 = arith.subi %add3A_137, %sub3A_138 : i32
      %add3A_140 = arith.constant 624 : i32
      %add3A_141 = arith.addi %mul3A_16, %add3A_140 : i32
      %sub3A_142 = arith.constant 64 : i32
      %sub3A_143 = arith.subi %add3A_141, %sub3A_142 : i32
      "tpu.region"() ({
        %run_scoped3A = tpu.sem_alloc : memref<!tpu.dma_semaphore, #tpu.memory_space<semaphore_mem>>
        %dma_start3A_149 = arith.constant 0 : i32
        %dma_start3A_150 = tpu.memref_slice %arg8[%sub3A_143, %dma_start3A_149] : memref<10000x128xf32, #tpu.memory_space<hbm>> -> memref<64x128xf32, #tpu.memory_space<hbm>>
        %dma_start3A_151 = arith.constant 0 : i32
        %dma_start3A_152 = tpu.memref_slice %arg45[%sub3A_139, %dma_start3A_151] : memref<10000x128xf32, #tpu.memory_space<vmem_shared>> -> memref<64x128xf32, #tpu.memory_space<vmem_shared>>
        tpu.enqueue_dma source(%dma_start3A_152 : memref<64x128xf32, #tpu.memory_space<vmem_shared>>) target(%dma_start3A_150 : memref<64x128xf32, #tpu.memory_space<hbm>>) target_semaphore(%run_scoped3A : memref<!tpu.dma_semaphore, #tpu.memory_space<semaphore_mem>>)
        %dma_wait3A_153 = arith.constant 0 : i32
        %dma_wait3A_154 = tpu.memref_slice %arg8[%sub3A_143, %dma_wait3A_153] : memref<10000x128xf32, #tpu.memory_space<hbm>> -> memref<64x128xf32, #tpu.memory_space<hbm>>
        %dma_wait3A_155 = arith.constant 0 : i32
        %dma_wait3A_156 = tpu.memref_slice %arg45[%sub3A_139, %dma_wait3A_155] : memref<10000x128xf32, #tpu.memory_space<vmem_shared>> -> memref<64x128xf32, #tpu.memory_space<vmem_shared>>
        tpu.wait_dma2 semaphore(%run_scoped3A : memref<!tpu.dma_semaphore, #tpu.memory_space<semaphore_mem>>) src(%dma_wait3A_156 : memref<64x128xf32, #tpu.memory_space<vmem_shared>>) dst(%dma_wait3A_154 : memref<64x128xf32, #tpu.memory_space<hbm>>)
        tpu.yield
      }) : () -> ()
      %eq3A_144 = arith.constant 15 : i32
      %eq3A_145 = arith.cmpi eq, %arg1, %eq3A_144 : i32
      %convert_element_type3A_146 = arith.extui %eq3A_145 : i1 to i32
      %cond3A_147 = arith.constant 0 : i32
      %cond3A_148 = arith.cmpi ne, %convert_element_type3A_146, %cond3A_147 : i32
      scf.if %cond3A_148 {
        "tpu.region"() ({
          %run_scoped3A = tpu.sem_alloc : memref<!tpu.dma_semaphore, #tpu.memory_space<semaphore_mem>>
          %dma_start3A_149 = arith.constant 9984 : i32
          %dma_start3A_150 = arith.constant 0 : i32
          %dma_start3A_151 = tpu.memref_slice %arg8[%dma_start3A_149, %dma_start3A_150] : memref<10000x128xf32, #tpu.memory_space<hbm>> -> memref<16x128xf32, #tpu.memory_space<hbm>>
          %dma_start3A_152 = arith.constant 9984 : i32
          %dma_start3A_153 = arith.constant 0 : i32
          %dma_start3A_154 = tpu.memref_slice %arg45[%dma_start3A_152, %dma_start3A_153] : memref<10000x128xf32, #tpu.memory_space<vmem_shared>> -> memref<16x128xf32, #tpu.memory_space<vmem_shared>>
          tpu.enqueue_dma source(%dma_start3A_154 : memref<16x128xf32, #tpu.memory_space<vmem_shared>>) target(%dma_start3A_151 : memref<16x128xf32, #tpu.memory_space<hbm>>) target_semaphore(%run_scoped3A : memref<!tpu.dma_semaphore, #tpu.memory_space<semaphore_mem>>)
          %dma_wait3A_155 = arith.constant 9984 : i32
          %dma_wait3A_156 = arith.constant 0 : i32
          %dma_wait3A_157 = tpu.memref_slice %arg8[%dma_wait3A_155, %dma_wait3A_156] : memref<10000x128xf32, #tpu.memory_space<hbm>> -> memref<16x128xf32, #tpu.memory_space<hbm>>
          %dma_wait3A_158 = arith.constant 9984 : i32
          %dma_wait3A_159 = arith.constant 0 : i32
          %dma_wait3A_160 = tpu.memref_slice %arg45[%dma_wait3A_158, %dma_wait3A_159] : memref<10000x128xf32, #tpu.memory_space<vmem_shared>> -> memref<16x128xf32, #tpu.memory_space<vmem_shared>>
          tpu.wait_dma2 semaphore(%run_scoped3A : memref<!tpu.dma_semaphore, #tpu.memory_space<semaphore_mem>>) src(%dma_wait3A_160 : memref<16x128xf32, #tpu.memory_space<vmem_shared>>) dst(%dma_wait3A_157 : memref<16x128xf32, #tpu.memory_space<hbm>>)
          tpu.yield
        }) : () -> ()
        "tpu.region"() ({
          %run_scoped3A = tpu.sem_alloc : memref<!tpu.dma_semaphore, #tpu.memory_space<semaphore_mem>>
          %dma_start3A_149 = arith.constant 624 : i32
          %dma_start3A_150 = tpu.memref_slice %arg44[%dma_start3A_149] : memref<640xf32, #tpu.memory_space<vmem>> -> memref<16xf32, #tpu.memory_space<vmem>>
          %dma_start3A_151 = arith.constant 9984 : i32
          %dma_start3A_152 = tpu.memref_slice %arg46[%dma_start3A_151] : memref<10000xf32, #tpu.memory_space<vmem_shared>> -> memref<16xf32, #tpu.memory_space<vmem_shared>>
          %dma_start3A_153 = arith.constant 624 : i32
          %dma_start3A_154 = tpu.memref_slice %arg44[%dma_start3A_153] : memref<640xf32, #tpu.memory_space<vmem>> -> memref<16xf32, #tpu.memory_space<vmem>>
          %dma_start3A_155 = arith.constant 9984 : i32
          %dma_start3A_156 = tpu.memref_slice %arg46[%dma_start3A_155] : memref<10000xf32, #tpu.memory_space<vmem_shared>> -> memref<16xf32, #tpu.memory_space<vmem_shared>>
          tpu.enqueue_dma source(%dma_start3A_156 : memref<16xf32, #tpu.memory_space<vmem_shared>>) target(%dma_start3A_154 : memref<16xf32, #tpu.memory_space<vmem>>) target_semaphore(%run_scoped3A : memref<!tpu.dma_semaphore, #tpu.memory_space<semaphore_mem>>)
          %dma_wait3A_157 = arith.constant 624 : i32
          %dma_wait3A_158 = tpu.memref_slice %arg44[%dma_wait3A_157] : memref<640xf32, #tpu.memory_space<vmem>> -> memref<16xf32, #tpu.memory_space<vmem>>
          %dma_wait3A_159 = arith.constant 9984 : i32
          %dma_wait3A_160 = tpu.memref_slice %arg46[%dma_wait3A_159] : memref<10000xf32, #tpu.memory_space<vmem_shared>> -> memref<16xf32, #tpu.memory_space<vmem_shared>>
          %dma_wait3A_161 = arith.constant 624 : i32
          %dma_wait3A_162 = tpu.memref_slice %arg44[%dma_wait3A_161] : memref<640xf32, #tpu.memory_space<vmem>> -> memref<16xf32, #tpu.memory_space<vmem>>
          %dma_wait3A_163 = arith.constant 9984 : i32
          %dma_wait3A_164 = tpu.memref_slice %arg46[%dma_wait3A_163] : memref<10000xf32, #tpu.memory_space<vmem_shared>> -> memref<16xf32, #tpu.memory_space<vmem_shared>>
          tpu.wait_dma2 semaphore(%run_scoped3A : memref<!tpu.dma_semaphore, #tpu.memory_space<semaphore_mem>>) src(%dma_wait3A_164 : memref<16xf32, #tpu.memory_space<vmem_shared>>) dst(%dma_wait3A_162 : memref<16xf32, #tpu.memory_space<vmem>>)
          tpu.yield
        }) : () -> ()
        "tpu.region"() ({
          %run_scoped3A = tpu.sem_alloc : memref<!tpu.dma_semaphore, #tpu.memory_space<semaphore_mem>>
          %dma_start3A_149 = arith.constant 624 : i32
          %dma_start3A_150 = tpu.memref_slice %arg44[%dma_start3A_149] : memref<640xf32, #tpu.memory_space<vmem>> -> memref<16xf32, #tpu.memory_space<vmem>>
          %dma_start3A_151 = arith.constant 9984 : i32
          %dma_start3A_152 = tpu.memref_slice %arg10[%dma_start3A_151] : memref<10000xf32, #tpu.memory_space<hbm>> -> memref<16xf32, #tpu.memory_space<hbm>>
          %dma_start3A_153 = arith.constant 9984 : i32
          %dma_start3A_154 = tpu.memref_slice %arg10[%dma_start3A_153] : memref<10000xf32, #tpu.memory_space<hbm>> -> memref<16xf32, #tpu.memory_space<hbm>>
          %dma_start3A_155 = arith.constant 624 : i32
          %dma_start3A_156 = tpu.memref_slice %arg44[%dma_start3A_155] : memref<640xf32, #tpu.memory_space<vmem>> -> memref<16xf32, #tpu.memory_space<vmem>>
          tpu.enqueue_dma source(%dma_start3A_156 : memref<16xf32, #tpu.memory_space<vmem>>) target(%dma_start3A_154 : memref<16xf32, #tpu.memory_space<hbm>>) target_semaphore(%run_scoped3A : memref<!tpu.dma_semaphore, #tpu.memory_space<semaphore_mem>>)
          %dma_wait3A_157 = arith.constant 624 : i32
          %dma_wait3A_158 = tpu.memref_slice %arg44[%dma_wait3A_157] : memref<640xf32, #tpu.memory_space<vmem>> -> memref<16xf32, #tpu.memory_space<vmem>>
          %dma_wait3A_159 = arith.constant 9984 : i32
          %dma_wait3A_160 = tpu.memref_slice %arg10[%dma_wait3A_159] : memref<10000xf32, #tpu.memory_space<hbm>> -> memref<16xf32, #tpu.memory_space<hbm>>
          %dma_wait3A_161 = arith.constant 9984 : i32
          %dma_wait3A_162 = tpu.memref_slice %arg10[%dma_wait3A_161] : memref<10000xf32, #tpu.memory_space<hbm>> -> memref<16xf32, #tpu.memory_space<hbm>>
          %dma_wait3A_163 = arith.constant 624 : i32
          %dma_wait3A_164 = tpu.memref_slice %arg44[%dma_wait3A_163] : memref<640xf32, #tpu.memory_space<vmem>> -> memref<16xf32, #tpu.memory_space<vmem>>
          tpu.wait_dma2 semaphore(%run_scoped3A : memref<!tpu.dma_semaphore, #tpu.memory_space<semaphore_mem>>) src(%dma_wait3A_164 : memref<16xf32, #tpu.memory_space<vmem>>) dst(%dma_wait3A_162 : memref<16xf32, #tpu.memory_space<hbm>>)
          tpu.yield
        }) : () -> ()
      } else {
      }
    } else {
    }
    return
  }
}

module attributes {stable_mosaic.version = 14 : i64} {
  func.func @_stage_a_body(%arg0: memref<10000x128xf32, #tpu.memory_space<vmem>>, %arg1: memref<128x128xf32, #tpu.memory_space<vmem>>, %arg2: memref<128x128xf32, #tpu.memory_space<vmem>>, %arg3: memref<128x8xf32, #tpu.memory_space<vmem>>, %arg4: memref<128x8xf32, #tpu.memory_space<vmem>>, %arg5: memref<10000x128xf32, #tpu.memory_space<vmem>>, %arg6: memref<10000x128xf32, #tpu.memory_space<vmem>>, %arg7: memref<20000xf32, #tpu.memory_space<vmem>>, %arg8: memref<20000xf32, #tpu.memory_space<vmem>>) attributes {dimension_semantics = [], scalar_prefetch = 0 : i64, scratch_operands = 0 : i64, tpu.core_type = #tpu.core_type<tc>} {
    %get3A = arith.constant 0 : index
    %get3A_0 = arith.constant 0 : index
    %get3A_1 = vector.load %arg0[%get3A, %get3A_0] : memref<10000x128xf32, #tpu.memory_space<vmem>>, vector<10000x128xf32>
    %get3A_2 = arith.constant 0 : index
    %get3A_3 = arith.constant 0 : index
    %get3A_4 = vector.load %arg1[%get3A_2, %get3A_3] : memref<128x128xf32, #tpu.memory_space<vmem>>, vector<128x128xf32>
    %dot_general3A = arith.constant dense<0.000000e+00> : vector<10000x128xf32>
    %dot_general3A_5 = tpu.matmul %get3A_1, %get3A_4, %dot_general3A {dimension_numbers = #tpu.dot_dimension_numbers<[1], [0], [0], [1], [0, 0, 1, 1], [], []>, transpose_lhs_hint = false} : vector<10000x128xf32>, vector<128x128xf32>, vector<10000x128xf32> -> vector<10000x128xf32>
    %get3A_6 = arith.constant 0 : index
    %get3A_7 = arith.constant 0 : index
    %get3A_8 = vector.load %arg2[%get3A_6, %get3A_7] : memref<128x128xf32, #tpu.memory_space<vmem>>, vector<128x128xf32>
    %dot_general3A_9 = arith.constant dense<0.000000e+00> : vector<10000x128xf32>
    %dot_general3A_10 = tpu.matmul %get3A_1, %get3A_8, %dot_general3A_9 {dimension_numbers = #tpu.dot_dimension_numbers<[1], [0], [0], [1], [0, 0, 1, 1], [], []>, transpose_lhs_hint = false} : vector<10000x128xf32>, vector<128x128xf32>, vector<10000x128xf32> -> vector<10000x128xf32>
    %abs3A = math.absf %dot_general3A_5 : vector<10000x128xf32>
    %reduce_max3A = vector.shape_cast %abs3A : vector<10000x128xf32> to vector<1x10000x128xf32>
    %reduce_max3A_11 = arith.constant dense<0xFF800000> : vector<1xf32>
    %reduce_max3A_12 = vector.multi_reduction <maximumf>, %reduce_max3A, %reduce_max3A_11 [1, 2] : vector<1x10000x128xf32> to vector<1xf32>
    %reduce_max3A_13 = vector.shape_cast %reduce_max3A_12 : vector<1xf32> to vector<1x1x1xf32>
    %reduce_max3A_14 = vector.extract %reduce_max3A_13[0, 0, 0] : f32 from vector<1x1x1xf32>
    %abs3A_15 = math.absf %dot_general3A_10 : vector<10000x128xf32>
    %reduce_max3A_16 = vector.shape_cast %abs3A_15 : vector<10000x128xf32> to vector<1x10000x128xf32>
    %reduce_max3A_17 = arith.constant dense<0xFF800000> : vector<1xf32>
    %reduce_max3A_18 = vector.multi_reduction <maximumf>, %reduce_max3A_16, %reduce_max3A_17 [1, 2] : vector<1x10000x128xf32> to vector<1xf32>
    %reduce_max3A_19 = vector.shape_cast %reduce_max3A_18 : vector<1xf32> to vector<1x1x1xf32>
    %reduce_max3A_20 = vector.extract %reduce_max3A_19[0, 0, 0] : f32 from vector<1x1x1xf32>
    %ge3A = arith.constant 0.000000e+00 : f32
    %ge3A_21 = vector.broadcast %ge3A : f32 to vector<10000x128xf32>
    %ge3A_22 = arith.cmpf oge, %dot_general3A_5, %ge3A_21 : vector<10000x128xf32>
    %mul3A = arith.constant 0.00999999977 : f32
    %mul3A_23 = vector.broadcast %mul3A : f32 to vector<10000x128xf32>
    %mul3A_24 = arith.mulf %mul3A_23, %dot_general3A_5 : vector<10000x128xf32>
    %select_n3A = arith.select %ge3A_22, %dot_general3A_5, %mul3A_24 : vector<10000x128xi1>, vector<10000x128xf32>
    %min3A = vector.broadcast %reduce_max3A_14 : f32 to vector<10000x128xf32>
    %min3A_25 = arith.minimumf %select_n3A, %min3A : vector<10000x128xf32>
    %ge3A_26 = arith.constant 0.000000e+00 : f32
    %ge3A_27 = vector.broadcast %ge3A_26 : f32 to vector<10000x128xf32>
    %ge3A_28 = arith.cmpf oge, %dot_general3A_10, %ge3A_27 : vector<10000x128xf32>
    %mul3A_29 = arith.constant 0.00999999977 : f32
    %mul3A_30 = vector.broadcast %mul3A_29 : f32 to vector<10000x128xf32>
    %mul3A_31 = arith.mulf %mul3A_30, %dot_general3A_10 : vector<10000x128xf32>
    %select_n3A_32 = arith.select %ge3A_28, %dot_general3A_10, %mul3A_31 : vector<10000x128xi1>, vector<10000x128xf32>
    %min3A_33 = vector.broadcast %reduce_max3A_20 : f32 to vector<10000x128xf32>
    %min3A_34 = arith.minimumf %select_n3A_32, %min3A_33 : vector<10000x128xf32>
    %swap3A = arith.constant 0 : index
    %swap3A_35 = arith.constant 0 : index
    %swap3A_36 = vector.load %arg5[%swap3A, %swap3A_35] : memref<10000x128xf32, #tpu.memory_space<vmem>>, vector<10000x128xf32>
    tpu.vector_store %arg5[%swap3A, %swap3A_35], %min3A_25 {strides = array<i32>} : memref<10000x128xf32, #tpu.memory_space<vmem>>, vector<10000x128xf32>,
    %swap3A_37 = arith.constant 0 : index
    %swap3A_38 = arith.constant 0 : index
    %swap3A_39 = vector.load %arg6[%swap3A_37, %swap3A_38] : memref<10000x128xf32, #tpu.memory_space<vmem>>, vector<10000x128xf32>
    tpu.vector_store %arg6[%swap3A_37, %swap3A_38], %min3A_34 {strides = array<i32>} : memref<10000x128xf32, #tpu.memory_space<vmem>>, vector<10000x128xf32>,
    %get3A_40 = arith.constant 0 : index
    %get3A_41 = arith.constant 0 : index
    %get3A_42 = vector.load %arg3[%get3A_40, %get3A_41] : memref<128x8xf32, #tpu.memory_space<vmem>>, vector<128x8xf32>
    %dot_general3A_43 = arith.constant dense<0.000000e+00> : vector<10000x8xf32>
    %dot_general3A_44 = tpu.matmul %min3A_25, %get3A_42, %dot_general3A_43 {dimension_numbers = #tpu.dot_dimension_numbers<[1], [0], [0], [1], [0, 0, 1, 1], [], []>, transpose_lhs_hint = false} : vector<10000x128xf32>, vector<128x8xf32>, vector<10000x8xf32> -> vector<10000x8xf32>
    %get3A_45 = arith.constant 0 : index
    %get3A_46 = arith.constant 0 : index
    %get3A_47 = vector.load %arg4[%get3A_45, %get3A_46] : memref<128x8xf32, #tpu.memory_space<vmem>>, vector<128x8xf32>
    %dot_general3A_48 = arith.constant dense<0.000000e+00> : vector<10000x8xf32>
    %dot_general3A_49 = tpu.matmul %min3A_34, %get3A_47, %dot_general3A_48 {dimension_numbers = #tpu.dot_dimension_numbers<[1], [0], [0], [1], [0, 0, 1, 1], [], []>, transpose_lhs_hint = false} : vector<10000x128xf32>, vector<128x8xf32>, vector<10000x8xf32> -> vector<10000x8xf32>
    %add3A = arith.addf %dot_general3A_44, %dot_general3A_49 : vector<10000x8xf32>
    %slice3A = vector.extract_strided_slice %add3A {offsets = [0, 0], sizes = [10000, 1], strides = [1, 1]} : vector<10000x8xf32> to vector<10000x1xf32>
    %squeeze3A = vector.shape_cast %slice3A : vector<10000x1xf32> to vector<10000xf32>
    %slice3A_50 = vector.extract_strided_slice %add3A {offsets = [0, 1], sizes = [10000, 1], strides = [1, 1]} : vector<10000x8xf32> to vector<10000x1xf32>
    %squeeze3A_51 = vector.shape_cast %slice3A_50 : vector<10000x1xf32> to vector<10000xf32>
    %concatenate3A = tpu.concatenate %squeeze3A, %squeeze3A_51 in 0 : vector<10000xf32>, vector<10000xf32> -> vector<20000xf32>
    %swap3A_52 = arith.constant 0 : index
    %swap3A_53 = vector.load %arg7[%swap3A_52] : memref<20000xf32, #tpu.memory_space<vmem>>, vector<20000xf32>
    tpu.vector_store %arg7[%swap3A_52], %concatenate3A {strides = array<i32>} : memref<20000xf32, #tpu.memory_space<vmem>>, vector<20000xf32>,
    %slice3A_54 = vector.extract_strided_slice %add3A {offsets = [0, 2], sizes = [10000, 1], strides = [1, 1]} : vector<10000x8xf32> to vector<10000x1xf32>
    %squeeze3A_55 = vector.shape_cast %slice3A_54 : vector<10000x1xf32> to vector<10000xf32>
    %slice3A_56 = vector.extract_strided_slice %add3A {offsets = [0, 3], sizes = [10000, 1], strides = [1, 1]} : vector<10000x8xf32> to vector<10000x1xf32>
    %squeeze3A_57 = vector.shape_cast %slice3A_56 : vector<10000x1xf32> to vector<10000xf32>
    %concatenate3A_58 = tpu.concatenate %squeeze3A_55, %squeeze3A_57 in 0 : vector<10000xf32>, vector<10000xf32> -> vector<20000xf32>
    %swap3A_59 = arith.constant 0 : index
    %swap3A_60 = vector.load %arg8[%swap3A_59] : memref<20000xf32, #tpu.memory_space<vmem>>, vector<20000xf32>
    tpu.vector_store %arg8[%swap3A_59], %concatenate3A_58 {strides = array<i32>} : memref<20000xf32, #tpu.memory_space<vmem>>, vector<20000xf32>,
    return
  }
}

module attributes {stable_mosaic.version = 14 : i64} {
  func.func @_stage_c_body(%arg0: memref<10000x128xf32, #tpu.memory_space<vmem>>, %arg1: memref<10000x128xf32, #tpu.memory_space<vmem>>, %arg2: memref<1x10000xf32, #tpu.memory_space<vmem>>, %arg3: memref<1x10000xf32, #tpu.memory_space<vmem>>, %arg4: memref<1x1xf32, #tpu.memory_space<vmem>>, %arg5: memref<1x1xf32, #tpu.memory_space<vmem>>, %arg6: memref<10000x256xf32, #tpu.memory_space<vmem>>) attributes {dimension_semantics = [], scalar_prefetch = 0 : i64, scratch_operands = 0 : i64, tpu.core_type = #tpu.core_type<tc>} {
    %get3A = arith.constant 0 : index
    %get3A_0 = arith.constant 0 : index
    %get3A_1 = vector.load %arg2[%get3A, %get3A_0] : memref<1x10000xf32, #tpu.memory_space<vmem>>, vector<1x10000xf32>
    %get3A_2 = vector.shape_cast %get3A_1 : vector<1x10000xf32> to vector<10000xf32>
    %broadcast_in_dim3A = vector.shape_cast %get3A_2 : vector<10000xf32> to vector<10000x1xf32>
    %get3A_3 = arith.constant 0 : index
    %get3A_4 = arith.constant 0 : index
    %get3A_5 = vector.load %arg4[%get3A_3, %get3A_4] : memref<1x1xf32, #tpu.memory_space<vmem>>, vector<1x1xf32>
    %get3A_6 = vector.extract %get3A_5[0, 0] : f32 from vector<1x1xf32>
    %add3A = vector.broadcast %get3A_6 : f32 to vector<10000x1xf32>
    %add3A_7 = arith.addf %broadcast_in_dim3A, %add3A : vector<10000x1xf32>
    %get3A_8 = arith.constant 0 : index
    %get3A_9 = arith.constant 0 : index
    %get3A_10 = vector.load %arg3[%get3A_8, %get3A_9] : memref<1x10000xf32, #tpu.memory_space<vmem>>, vector<1x10000xf32>
    %get3A_11 = vector.shape_cast %get3A_10 : vector<1x10000xf32> to vector<10000xf32>
    %broadcast_in_dim3A_12 = vector.shape_cast %get3A_11 : vector<10000xf32> to vector<10000x1xf32>
    %get3A_13 = arith.constant 0 : index
    %get3A_14 = arith.constant 0 : index
    %get3A_15 = vector.load %arg5[%get3A_13, %get3A_14] : memref<1x1xf32, #tpu.memory_space<vmem>>, vector<1x1xf32>
    %get3A_16 = vector.extract %get3A_15[0, 0] : f32 from vector<1x1xf32>
    %add3A_17 = vector.broadcast %get3A_16 : f32 to vector<10000x1xf32>
    %add3A_18 = arith.addf %broadcast_in_dim3A_12, %add3A_17 : vector<10000x1xf32>
    %get3A_19 = arith.constant 0 : index
    %get3A_20 = arith.constant 0 : index
    %get3A_21 = vector.load %arg0[%get3A_19, %get3A_20] : memref<10000x128xf32, #tpu.memory_space<vmem>>, vector<10000x128xf32>
    %div3A = vector.broadcast %add3A_7 : vector<10000x1xf32> to vector<10000x128xf32>
    %div3A_22 = arith.divf %get3A_21, %div3A : vector<10000x128xf32>
    %get3A_23 = arith.constant 0 : index
    %get3A_24 = arith.constant 0 : index
    %get3A_25 = vector.load %arg1[%get3A_23, %get3A_24] : memref<10000x128xf32, #tpu.memory_space<vmem>>, vector<10000x128xf32>
    %div3A_26 = vector.broadcast %add3A_18 : vector<10000x1xf32> to vector<10000x128xf32>
    %div3A_27 = arith.divf %get3A_25, %div3A_26 : vector<10000x128xf32>
    %concatenate3A = tpu.concatenate %div3A_22, %div3A_27 in 1 : vector<10000x128xf32>, vector<10000x128xf32> -> vector<10000x256xf32>
    %abs3A = math.absf %concatenate3A : vector<10000x256xf32>
    %reduce_max3A = vector.shape_cast %abs3A : vector<10000x256xf32> to vector<1x10000x256xf32>
    %reduce_max3A_28 = arith.constant dense<0xFF800000> : vector<1xf32>
    %reduce_max3A_29 = vector.multi_reduction <maximumf>, %reduce_max3A, %reduce_max3A_28 [1, 2] : vector<1x10000x256xf32> to vector<1xf32>
    %reduce_max3A_30 = vector.shape_cast %reduce_max3A_29 : vector<1xf32> to vector<1x1x1xf32>
    %reduce_max3A_31 = vector.extract %reduce_max3A_30[0, 0, 0] : f32 from vector<1x1x1xf32>
    %ge3A = arith.constant 0.000000e+00 : f32
    %ge3A_32 = vector.broadcast %ge3A : f32 to vector<10000x256xf32>
    %ge3A_33 = arith.cmpf oge, %concatenate3A, %ge3A_32 : vector<10000x256xf32>
    %mul3A = arith.constant 0.00999999977 : f32
    %mul3A_34 = vector.broadcast %mul3A : f32 to vector<10000x256xf32>
    %mul3A_35 = arith.mulf %mul3A_34, %concatenate3A : vector<10000x256xf32>
    %select_n3A = arith.select %ge3A_33, %concatenate3A, %mul3A_35 : vector<10000x256xi1>, vector<10000x256xf32>
    %min3A = vector.broadcast %reduce_max3A_31 : f32 to vector<10000x256xf32>
    %min3A_36 = arith.minimumf %select_n3A, %min3A : vector<10000x256xf32>
    %swap3A = arith.constant 0 : index
    %swap3A_37 = arith.constant 0 : index
    %swap3A_38 = vector.load %arg6[%swap3A, %swap3A_37] : memref<10000x256xf32, #tpu.memory_space<vmem>>, vector<10000x256xf32>
    tpu.vector_store %arg6[%swap3A, %swap3A_37], %min3A_36 {strides = array<i32>} : memref<10000x256xf32, #tpu.memory_space<vmem>>, vector<10000x256xf32>,
    return
  }
}

</mosaic_0001>

<sc_bundles>
// kernel: kernel.5.cloned.1.call-start
scs
__scs_entry_jumppad:
0x0: {  	(pc) =	sbr.rel $0x88, $3  }
0x1: {  	(tag) =	ssettag $0x0;
	lr =	simm.s32 $0x1  }
0x2: {  	[smem:$0x3F99] =	sst lr;
	_ =	strace $0xD0000000  }
0x3: {  	_ = 	snop  }
0x4: {  	_ = 	snop  }
0x5: {  	_ = 	snop  }
0x6: {  	_ = 	snop  }
0x7: {  	_ = 	snop  }
__scs_overlays_trampoline_lowered:
0x8: {  	[smem:$0x3FA8] =	sst s0  }
0x9: {  	[smem:$0x3FA9] =	sst s1  }
0xa: {  	[smem:$0x3FAA] =	sst s2  }
0xb: {  	[smem:$0x3FAB] =	sst s3  }
0xc: {  	[smem:$0x3FAC] =	sst s4  }
0xd: {  	[smem:$0x3FAD] =	sst s5  }
0xe: {  	[smem:$0x3FAE] =	sst s6  }
0xf: {  	[smem:$0x3FAF] =	sst s7  }
0x10: {  	[smem:$0x3FB0] =	sst s8  }
0x11: {  	[smem:$0x3FB1] =	sst s9;
	s0 =	simm.s32 @!p0 $0x0  }
0x12: {  	s1 =	sld [smem:$0x3F97];
	s0 =	simm.s32 @p0 $0x1  }
0x13: {  	[smem:$0x3FB2] =	sst s0;
	s0 =	simm.s32 @!p1 $0x0  }
0x14: {  	s2 =	sld [smem:$0x3F96];
	s0 =	simm.s32 @p1 $0x1  }
0x15: {  	[smem:$0x3FB3] =	sst s0;
	s0 =	simm.s32 @!p2 $0x0  }
0x16: {  	s3 =	sld [smem:$0x3FDB];
	s0 =	simm.s32 @p2 $0x1  }
0x17: {  	s4 =	simm.s32 $0x1BF5;
	[smem:$0x3FB5] =	sst s0  }
0x18: {  	s0 =	sld [smem:$0x3F98];
	_ =	swait.ge [sflag:s4], $0x0  }
0x19: {  	s7 =	sld [smem:$0x3F99]  }
0x1a: {  	s8 =	sadd.s32 $0xFFFFE003, lr  }
0x1b: {  	s9 =	sadd.s32 $0xFFFFFEF7, lr;
	s5 =	simm.s32 $0xFFFFFFFF;
	p2 =	slt.u32 s8, $0xFFFFF086  }
0x1c: {  	p1 =	slt.u32 s9, $0xF7A;
	s5 =	simm.s32 @!p2 $0x0  }
0x1d: {  	s5 =	simm.s32 @p1 $0x1;
	p0 =	seq.s32 s7, s2  }
0x1e: {  	s7 =	smul.u32 @!p0 $0xF7A, s2;
	p2 =	seq.s32 @!p0 s5, $0x0  }
0x1f: {  	s9 =	smul.u32 $0xF7A, s1;
	s8 =	simm.s32 @!p0 $0x1BF5;
	p2 =	por !p2, p0  }
0x20: {  	[sflag:s8] =	ssyncset.s32 @!p0 $0xFFFFF086;
	s6 =	sadd.s32 @!p0 s3, s7;
	s7 =	simm.s32 @!p0 $0x108  }
0x21: {  	s3 =	sadd.s32 s3, s9;
	s6 =	sadd.s32 @!p0 $0x88, s6;
	s7 =	simm.s32 @p2 $0x1082  }
0x22: {  	[simem:s7], [sflag:s8] =	dma.local @!p0 [hbm:s6], $0xF7A  }
0x23: {  	s9 =	sor.u32 $0xD0000000, s2;
	s6 =	simm.s32 $0x108;
	_ =	swait.ge @!p0 [sflag:s8], $0x0  }
0x24: {  	s3 =	sadd.s32 $0x88, s3;
	s6 =	simm.s32 @!p1 $0x1082;
	[sflag:s4] =	ssyncset.s32 $0xFFFFF086  }
0x25: {  	[simem:s6], [sflag:s4] =	dma.local [hbm:s3], $0xF7A  }
0x26: {  	[smem:$0x3F99] =	sst s1;
	(tag) =	ssettag s2;
	_ =	strace s9  }
0x27: {  	s1 =	sld [smem:$0x3FA9]  }
0x28: {  	s2 =	sld [smem:$0x3FAA]  }
0x29: {  	s4 =	sld [smem:$0x3FAC]  }
0x2a: {  	p0 =	seq.s32 s5, $0x0;
	s5 =	sld [smem:$0x3FAD]  }
0x2b: {  	s6 =	sld [smem:$0x3FAE]  }
0x2c: {  	s7 =	sld [smem:$0x3FAF]  }
0x2d: {  	s3 =	simm.s32 $0x108;
	s8 =	sld [smem:$0x3FB0]  }
0x2e: {  	s3 =	simm.s32 @!p0 $0x1082;
	s9 =	sld [smem:$0x3FB1]  }
0x2f: {  	lr =	sadd.s32 s0, s3;
	s0 =	sld [smem:$0x3FA8]  }
0x30: {  	s3 =	sld [smem:$0x3FAB]  }
0x31: {  	[smem:$0x3FB4] =	sst s10  }
0x32: {  	s10 =	sld [smem:$0x3FB2];
	_ =	sdelay $0x3  }
0x33: {  	p0 =	seq.s32 s10, $0x1;
	s10 =	sld [smem:$0x3FB4];
	_ =	sdelay $0x3  }
0x34: {  	[smem:$0x3FB4] =	sst s10  }
0x35: {  	s10 =	sld [smem:$0x3FB3];
	_ =	sdelay $0x3  }
0x36: {  	p1 =	seq.s32 s10, $0x1;
	s10 =	sld [smem:$0x3FB4];
	_ =	sdelay $0x3  }
0x37: {  	[smem:$0x3FB4] =	sst s10  }
0x38: {  	s10 =	sld [smem:$0x3FB5]  }
0x39: {  	_ = 	snop;
	(pc) =	sbr.ind lr, $3  }
0x3a: {  	_ = 	snop  }
0x3b: {  	_ = 	snop  }
0x3c: {  	p2 =	seq.s32 s10, $0x1;
	s10 =	sld [smem:$0x3FB4]  }
0x3d: {  	_ =	shalt  }
0x3e: {  	_ =	shalt  }
0x3f: {  	_ =	shalt  }
0x40: {  	_ =	shalt  }
0x41: {  	_ =	shalt  }
0x42: {  	_ =	shalt  }
0x43: {  	_ =	shalt  }
0x44: {  	_ =	shalt  }
0x45: {  	_ =	shalt  }
0x46: {  	_ =	shalt  }
0x47: {  	_ =	shalt  }
0x48: {  	_ =	shalt  }
0x49: {  	_ =	shalt  }
0x4a: {  	_ =	shalt  }
0x4b: {  	_ =	shalt  }
0x4c: {  	_ =	shalt  }
0x4d: {  	_ =	shalt  }
0x4e: {  	_ =	shalt  }
0x4f: {  	_ =	shalt  }
0x50: {  	_ =	shalt  }
0x51: {  	_ =	shalt  }
0x52: {  	_ =	shalt  }
0x53: {  	_ =	shalt  }
0x54: {  	_ =	shalt  }
0x55: {  	_ =	shalt  }
0x56: {  	_ =	shalt  }
0x57: {  	_ =	shalt  }
0x58: {  	_ =	shalt  }
0x59: {  	_ =	shalt  }
0x5a: {  	_ =	shalt  }
0x5b: {  	_ =	shalt  }
0x5c: {  	_ =	shalt  }
0x5d: {  	_ =	shalt  }
0x5e: {  	_ =	shalt  }
0x5f: {  	_ =	shalt  }
0x60: {  	_ =	shalt  }
0x61: {  	_ =	shalt  }
0x62: {  	_ =	shalt  }
0x63: {  	_ =	shalt  }
0x64: {  	_ =	shalt  }
0x65: {  	_ =	shalt  }
0x66: {  	_ =	shalt  }
0x67: {  	_ =	shalt  }
0x68: {  	_ =	shalt  }
0x69: {  	_ =	shalt  }
0x6a: {  	_ =	shalt  }
0x6b: {  	_ =	shalt  }
0x6c: {  	_ =	shalt  }
0x6d: {  	_ =	shalt  }
0x6e: {  	_ =	shalt  }
0x6f: {  	_ =	shalt  }
0x70: {  	_ =	shalt  }
0x71: {  	_ =	shalt  }
0x72: {  	_ =	shalt  }
0x73: {  	_ =	shalt  }
0x74: {  	_ =	shalt  }
0x75: {  	_ =	shalt  }
0x76: {  	_ =	shalt  }
0x77: {  	_ =	shalt  }
0x78: {  	_ =	shalt  }
0x79: {  	_ =	shalt  }
0x7a: {  	_ =	shalt  }
0x7b: {  	_ =	shalt  }
0x7c: {  	_ =	shalt  }
0x7d: {  	_ =	shalt  }
0x7e: {  	_ =	shalt  }
0x7f: {  	_ =	shalt  }
0x80: {  	_ =	shalt  }
0x81: {  	_ =	shalt  }
0x82: {  	_ =	shalt  }
0x83: {  	_ =	shalt  }
0x84: {  	_ =	shalt  }
0x85: {  	_ =	shalt  }
0x86: {  	_ =	shalt  }
0x87: {  	_ =	shalt  }
.Lfunc_end0:
.L_simem_size_0:
called_computation_lowered:
.L_overlay_start_0:
0x88: {  	s2 =	sld [smem:$0x3FD9]  }
0x89: {  	s3 =	sld [smem:$0x3FFE];
	_ =	sdelay $0x1  }
0x8a: {  	s1 =	srdreg.scid  }
0x8b: {  	s0 =	sand.u32 $0x1, s1  }
0x8c: {  	s17 =	sshll.u32 s0, $0xA;
	s2 =	sadd.s32 s3, s2  }
0x8d: {  	s2 =	sadd.s32 s2, s17  }
0x8e: {  	[smem:$0x3FC0] =	sst s2  }
0x8f: {  	_ = 	snop  }
0x90: {  	s2 =	sld [smem:$0x3FD0];
	(tm) =	ssettm $0x1  }
0x91: {  	s18 =	sld [smem:$0x3FFB];
	_ =	sdelay $0x3  }
0x92: {  	_ =	strace s18  }
0x93: {  	s3 =	sld [smem:$0x3FFC];
	_ =	sdelay $0x3  }
0x94: {  	_ =	strace s3  }
0x95: {  	s3 =	sld [smem:$0x3FFD];
	_ =	sdelay $0x3  }
0x96: {  	_ =	strace s3  }
0x97: {  	_ =	strace $0x8FFFFFFF  }
0x98: {  	s19 =	sld [smem:$0x3FDB];
	_ =	sdelay $0x1  }
0x99: {  	s4 =	simm.s32 $_scs_section_size  }
0x9a: {  	s5 =	simm.s32 $_size__tile_overlayer_lowered;
	s6 =	simm.s32 $_tile_overlayer_lowered  }
0x9b: {  	s22 =	simm.s32 $0x1BFF;
	s21 =	sshll.u32 s6, $0x1;
	s3 =	sadd.s32 s4, s19  }
0x9c: {  	s7 =	simm.s32 $0x0;
	s20 =	sshll.u32 s5, $0x1;
	s5 =	sadd.s32 s21, s3  }
0x9d: {  	[timem:s7], [sflag:s22] =	dma.local [hbm:s5], s20  }
0x9e: {  	_ =	swait.ge [sflag:s22], s20  }
0x9f: {  	s4 =	ssub.s32 $0x0, s20;
	[sflag:s22] =	ssyncset.done $0x0  }
0xa0: {  	[sflag:s22] =	ssyncadd.s32 s4;
	_ =	sdelay $0x1  }
0xa1: {  	s23 =	simm.s32 $0x1B8B  }
0xa2: {  	_ =	swait.ge [sflag:s23], $0x1  }
0xa3: {  	[sflag:s23] =	ssyncset.done $0x0  }
0xa4: {  	s25 =	simm.s32 $0x1B8E;
	s24 =	sld [smem:$0x3FFE];
	[sflag:s23] =	ssyncadd.s32 $0xFFFFFFFF  }
0xa5: {  	s26 =	simm.s32 $execute0_lowered;
	[smem:$0x3FD2] =	sst s25  }
0xa6: {  	s5 =	sshll.u32 s26, $0x1;
	_ =	strace $0x80000046;
	[dreg:$0x1] =	wrdreg $0xFFFFFFFF  }
0xa7: {  	s28 =	simm.s32 $_size_execute0_lowered;
	s3 =	sadd.s32 s3, s5;
	[dreg:$0x0] =	wrdreg $0x0  }
0xa8: {  	s5 =	sshll.u32 s28, $0x1;
	[dreg:$0x2] =	wrdreg s3  }
0xa9: {  	[dreg:$0x3] =	wrdreg s5  }
0xaa: {  	[dreg:$0x4] =	wrdreg $0xC0  }
0xab: {  	_ =	task [dreg:s7], $0x5FFFF  }
0xac: {  	[dreg:$0x1] =	wrdreg $0xFFFFFFFF  }
0xad: {  	[dreg:$0x0] =	wrdreg $0x60  }
0xae: {  	[dreg:$0x2] =	wrdreg s2  }
0xaf: {  	[dreg:$0x3] =	wrdreg s24  }
0xb0: {  	[dreg:$0x4] =	wrdreg $0xB5000  }
0xb1: {  	[dreg:$0x5] =	wrdreg $0x1ED800  }
0xb2: {  	[dreg:$0x6] =	wrdreg $0x9  }
0xb3: {  	_ =	task.clear_ibuf [dreg:s7], $0x7FFFF;
	_ =	strace $0x90000046  }
0xb4: {  	s29 =	simm.s32 $0x9;
	_ =	strace $0x80000048  }
0xb5: {  	_ =	swait.ge [sflag:s29], $0x1  }
0xb6: {  	[sflag:s29] =	ssyncadd.s32 $0xFFFFFFFF  }
0xb7: {  	_ =	strace $0x90000048  }
0xb8: {  	_ =	sfence  }
0xb9: {  	s30 =	sld [smem:$0x0];
	_ =	sdelay $0x2  }
0xba: {  	s31 =	sshll.u32 s1, $0xD;
	s1 =	sshrl.u32 s1, $0x2  }
0xbb: {  	s3 =	sand.u32 $0x4000, s31;
	s1 =	sadd.s32 s1, s30  }
0xbc: {  	s0 =	sor.u32 s3, s0;
	s1 =	sshll.u32 s1, $0x11  }
0xbd: {  	s0 =	sor.u32 s1, s0  }
0xbe: {  	s0 =	sadd.s32 $0x8F2B, s0  }
0xbf: {  	[sflag:s0] =	ssyncadd.remote.s32 $0x1  }
0xc0: {  	_ =	sfence.sel $0xFFFF  }
0xc1: {  	[dreg:$0x0] =	wrdreg $0xFFFFFFFF;
	(pc) =	sbr.abs _section_cstart, $3  }
0xc2: {  	[dreg:$0x1] =	wrdreg $0xFFFFFFFF  }
0xc3: {  	_ =	task.clear_ibuf [dreg:s7], $0x2FFFF;
	_ =	strace $0x9FFFFFFF  }
0xc4: {  	(tm) =	ssettm $0x7FFFFFFF  }
0xc5: {  	_ =	shalt  }
tec
execute0_lowered:
.L_overlay_start_1:
0x0: {  	(tag) =	ssettag $0x1  }
0x1: {  	s0 =	rddreg [dreg:$0x1]  }
0x2: {  	s2 =	rddreg [dreg:$0x2]  }
0x3: {  	s3 =	rddreg [dreg:$0x3]  }
0x4: {  	s1 =	simm.s32 $0x0;
	s11 =	srdreg.scid;
	s16 =	stileid.u32  }
0x5: {  	s31 =	simm.s32 $0x4;
	s30 =	simm.s32 $0xB;
	s29 =	simm.s32 $0x0  }
0x6: {  	[smem:$0x7FF] =	sst s1;
	s5 =	sadd.s32 $0xA800, s0;
	s6 =	sadd.s32 $0x31A00, s0  }
0x7: {  	s7 =	sadd.s32 $0x32400, s0;
	s9 =	sadd.s32 $0xA00, s0;
	s17 =	sadd.s32 $0x33A00, s0  }
0x8: {  	s18 =	sadd.s32 $0x5AC00, s0;
	s19 =	sadd.s32 $0x32E00, s0;
	s8 =	smul.u32 $0x4E000, s16  }
0x9: {  	s20 =	sadd.s32 $0x33400, s0;
	_ =	strace $0x80000047;
	[dreg:$0x7] =	wrdreg s19  }
0xa: {  	s1 =	sand.u32 $0x1, s11;
	s10 =	smul.u32 $0x270, s16;
	[dreg:$0x8] =	wrdreg s20  }
0xb: {  	s21 =	smul.u32 $0x4EC0, s16;
	p1 =	sne.s32 s16, $0xF;
	[dreg:$0x5] =	wrdreg s17  }
0xc: {  	s4 =	ssub.s32 $0x2, s1;
	p0 =	seq.s32 s1, $0x1;
	[dreg:$0x6] =	wrdreg s18  }
0xd: {  	s12 =	sshrl.u32 s4, $0x1;
	s13 =	sshrl.u32 s8, $0x2;
	s1 =	sadd.s32 $0x70, s10  }
0xe: {  	s0 =	ssub.s32 s4, s12;
	s25 =	sadd.s32 s13, s2;
	s4 =	sadd.s32 $0xE0, s10  }
0xf: {  	s14 =	sshll.u32 s1, $0x7;
	s12 =	sadd.s32 $0x150, s10;
	s1 =	sshll.u32 s1, $0x4  }
0x10: {  	s11 =	sshll.u32 s4, $0x7;
	s0 =	smax.u32 s0, $0x1;
	[dreg:$0x9] =	wrdreg s25  }
0x11: {  	s26 =	sadd.s32 s14, s2;
	s15 =	sshll.u32 s12, $0x7;
	[smem:$0x7FA] =	sst s0  }
0x12: {  	s8 =	sadd.s32 s15, s2;
	s15 =	smul.u32 $0x9D8, s16;
	[dreg:$0xa] =	wrdreg s26  }
0x13: {  	s28 =	sadd.s32 s11, s2;
	s11 =	sshrl.u32 s21, $0x3;
	[dreg:$0xc] =	wrdreg s8  }
0x14: {  	s11 =	sadd.s32 s9, s11;
	[dreg:$0xb] =	wrdreg s28;
	s23 =	sadd.s32 s9, s15  }
0x15: {  	s8 =	sadd.s32 $0x1C0, s10;
	s24 =	sadd.s32 $0x1C, s11;
	[dreg:$0xf] =	wrdreg s23  }
0x16: {  	s13 =	sshll.u32 s8, $0x7;
	s11 =	sadd.s32 $0x38, s11;
	[dreg:$0x10] =	wrdreg s24  }
0x17: {  	s14 =	sadd.s32 $0x230, s10;
	s13 =	sadd.s32 s13, s2;
	[dreg:$0x11] =	wrdreg s11  }
0x18: {  	s4 =	sshll.u32 s4, $0x4;
	s23 =	sadd.s32 s17, s1;
	[dreg:$0xd] =	wrdreg s13  }
0x19: {  	s22 =	sshll.u32 s14, $0x7;
	s1 =	sadd.s32 s18, s1;
	[dreg:$0x17] =	wrdreg s23  }
0x1a: {  	s15 =	smul.u32 $0x2700, s16;
	s24 =	sadd.s32 s17, s4;
	[dreg:$0x18] =	wrdreg s1  }
0x1b: {  	p2 =	seq.s32 s16, $0xF;
	s13 =	sadd.s32 s22, s2;
	[dreg:$0x19] =	wrdreg s24  }
0x1c: {  	s0 =	simm.s32 $0x5;
	s21 =	sadd.s32 s17, s15;
	[dreg:$0xe] =	wrdreg s13  }
0x1d: {  	s11 =	sshll.u32 s12, $0x4;
	s22 =	sadd.s32 s18, s15;
	[dreg:$0x15] =	wrdreg s21  }
0x1e: {  	s8 =	sshll.u32 s8, $0x4;
	s12 =	sadd.s32 s17, s11;
	[dreg:$0x16] =	wrdreg s22  }
0x1f: {  	s15 =	sadd.s32 s17, s8;
	s23 =	sadd.s32 $0x2700, s3;
	[dreg:$0x1b] =	wrdreg s12  }
0x20: {  	s24 =	smul.u32 $0x2760, s16;
	s13 =	sadd.s32 s10, s3;
	[dreg:$0x1d] =	wrdreg s15  }
0x21: {  	s10 =	sshrl.u32 s10, $0x3;
	s22 =	sadd.s32 $0x138000, s2;
	[smem:$0x7FC] =	sst s23  }
0x22: {  	s12 =	simm.s32 $0x580;
	s23 =	simm.s32 $0x9;
	[dreg:$0x12] =	wrdreg s13  }
0x23: {  	s15 =	simm.s32 $0xA;
	s13 =	sshll.u32 s14, $0x4;
	[smem:$0x7FB] =	sst s22  }
0x24: {  	s19 =	sadd.s32 s19, s10;
	s10 =	sadd.s32 s20, s10;
	[smem:$0x7FD] =	sst s24  }
0x25: {  	s14 =	sadd.s32 s18, s11;
	s11 =	simm.s32 $0x2;
	[dreg:$0x13] =	wrdreg s19  }
0x26: {  	s24 =	simm.s32 $0x3;
	[dreg:$0x14] =	wrdreg s10;
	s10 =	sadd.s32 s18, s4  }
0x27: {  	[dreg:$0x1c] =	wrdreg s14;
	s19 =	sadd.s32 s18, s8;
	s20 =	sadd.s32 s17, s13  }
.Ltmp0:
0x28: {  	s21 =	sadd.s32 s18, s13;
	[dreg:$0x1a] =	wrdreg s10;
	(pc) =	sbr.rel .LBB2_1-.Ltmp0, $4  }
0x29: {  	s13 =	simm.s32 $0xE0;
	s8 =	simm.s32 $0x70;
	[dreg:$0x1e] =	wrdreg s19  }
0x2a: {  	s17 =	simm.s32 $0x8;
	s18 =	simm.s32 $0x7800;
	[dreg:$0x1f] =	wrdreg s20  }
0x2b: {  	s4 =	simm.s32 $0xC;
	s14 =	simm.s32 $0xD;
	[smem:$0x7F9] =	sst s21  }
0x2c: {  	v0 =	vimm.f32 $0.0e+00;
	s19 =	simm.s32 $0x3F80;
	s20 =	simm.s32 $0xB200;
	s21 =	simm.s32 $0x7980  }
.LBB2_26:
0x2d: {  	s16 =	sadd.s32 $0x27000, s22;
	s22 =	sld [smem:$0x7FB];
	_ =	sdelay $0x2  }
0x2e: {  	s22 =	sshrl.u32 s22, $0x3  }
0x2f: {  	[hbm:s16], [sflag:s1] =	dma.local [spmem:s22], $0x100  }
0x30: {  	s16 =	simm.s32 $0x10  }
0x31: {  	_ =	swait.ge [sflag:s16], $0x100  }
0x32: {  	s1 =	sld [smem:$0x7FC]  }
0x33: {  	[sflag:s16] =	ssyncset.done $0x0  }
0x34: {  	s22 =	simm.s32 $0xB4F0;
	[sflag:s16] =	ssyncadd.s32 $0xFFFFFF00  }
0x35: {  	[tilespmem:s22], [sflag:$0x10] =	stream.linear.gather [spmem:s1], $0x10, $0x38;
	[tilespmem:$0x1EFF8] =	vst v63  }
0x36: {  	_ =	swait.ge [sflag:s16], $0x10  }
0x37: {  	[sflag:s16] =	ssyncset.done $0x0  }
0x38: {  	s1 =	sadd.s32 $0x4E0, s10;
	s10 =	simm.s32 $0x0;
	[sflag:s16] =	ssyncadd.s32 $0xFFFFFFF0  }
0x39: {  	[hbm4b:s1+s10] =	stream.linear.scatter [tilespmem:s22], [sflag:$0x10], $0x10, $0x38;
	[tilespmem:$0x1EFF8] =	vst v63  }
0x3a: {  	_ =	swait.ge [sflag:s16], $0x10  }
0x3b: {  	[sflag:s16] =	ssyncset.done $0x0  }
0x3c: {  	[sflag:s16] =	ssyncadd.s32 $0xFFFFFFF0  }
.LBB2_27:
0x3d: {  	s1 =	sld [smem:$0x7FA];
	_ =	sdelay $0x1  }
0x3e: {  	s29 =	sadd.s32 $0x1, s29  }
0x3f: {  	p3 =	sne.s32 s29, s1  }
.Ltmp1:
0x40: {  	_ = 	snop;
	(pc) =	sbr.rel @!p3 .LBB2_28-.Ltmp1, $1  }
0x41: {  	_ =	sdelay $0x3  }
.LBB2_1:
.Ltmp2:
0x42: {  	(pc) =	sbr.rel @!p0 .LBB2_2-.Ltmp2, $2  }
0x43: {  	_ =	sdelay $0x2  }
0x44: {  	[tilespmem:$0xB280] =	vst v0;
	[smem:$0x7F8] =	sst s29  }
0x45: {  	[tilespmem:$0xB290] =	vst v0  }
0x46: {  	[tilespmem:$0xB2A0] =	vst v0  }
0x47: {  	[tilespmem:$0xB2B0] =	vst v0  }
0x48: {  	[tilespmem:$0xB2C0] =	vst v0  }
0x49: {  	[tilespmem:$0xB2D0] =	vst v0  }
0x4a: {  	[tilespmem:$0xB2E0] =	vst v0  }
0x4b: {  	[tilespmem:$0xB2F0] =	vst v0  }
0x4c: {  	[tilespmem:$0xB300] =	vst v0  }
0x4d: {  	[tilespmem:$0xB310] =	vst v0  }
0x4e: {  	[tilespmem:$0xB320] =	vst v0  }
0x4f: {  	[tilespmem:$0xB330] =	vst v0  }
0x50: {  	[tilespmem:$0xB340] =	vst v0  }
0x51: {  	[tilespmem:$0xB350] =	vst v0  }
0x52: {  	[tilespmem:$0xB360] =	vst v0  }
0x53: {  	[tilespmem:$0xB370] =	vst v0  }
0x54: {  	[tilespmem:$0xB380] =	vst v0  }
0x55: {  	[tilespmem:$0xB390] =	vst v0  }
0x56: {  	[tilespmem:$0xB3A0] =	vst v0  }
0x57: {  	[tilespmem:$0xB3B0] =	vst v0  }
0x58: {  	[tilespmem:$0xB3C0] =	vst v0  }
0x59: {  	[tilespmem:$0xB3D0] =	vst v0  }
0x5a: {  	[tilespmem:$0xB3E0] =	vst v0  }
0x5b: {  	[tilespmem:$0xB3F0] =	vst v0  }
0x5c: {  	[tilespmem:$0xB400] =	vst v0  }
0x5d: {  	[tilespmem:$0xB410] =	vst v0  }
0x5e: {  	[tilespmem:$0xB420] =	vst v0  }
0x5f: {  	[tilespmem:$0xB430] =	vst v0  }
0x60: {  	[tilespmem:$0xB440] =	vst v0  }
0x61: {  	[tilespmem:$0xB450] =	vst v0  }
0x62: {  	[tilespmem:$0xB460] =	vst v0  }
0x63: {  	[tilespmem:$0xB470] =	vst v0  }
0x64: {  	[tilespmem:$0xB480] =	vst v0  }
0x65: {  	[tilespmem:$0xB490] =	vst v0  }
0x66: {  	[tilespmem:$0xB4A0] =	vst v0  }
0x67: {  	[tilespmem:$0xB4B0] =	vst v0  }
0x68: {  	[tilespmem:$0xB4C0] =	vst v0  }
0x69: {  	[tilespmem:$0xB4D0] =	vst v0  }
0x6a: {  	[tilespmem:$0xB4E0] =	vst v0  }
0x6b: {  	[tilespmem:$0xB4F0] =	vst v0;
	s1 =	simm.s32 $0x0;
	s10 =	simm.s32 $0x200  }
.LBB2_15:
0x6c: {  	p3 =	sne.s32 s10, $0xDE00;
	[tilespmem:s1+$0x670] =	vst v0  }
0x6d: {  	[tilespmem:s1+$0x600] =	vst v0  }
0x6e: {  	[tilespmem:s1+$0x610] =	vst v0  }
.Ltmp3:
0x6f: {  	[tilespmem:s1+$0x620] =	vst v0;
	(pc) =	sbr.rel @p3 .LBB2_15-.Ltmp3, $4  }
0x70: {  	[tilespmem:s1+$0x630] =	vst v0  }
0x71: {  	[tilespmem:s1+$0x640] =	vst v0  }
0x72: {  	[tilespmem:s1+$0x650] =	vst v0  }
0x73: {  	[tilespmem:s1+$0x660] =	vst v0;
	s1 =	sshra.s32 s10, $0x2;
	s10 =	sadd.s32 $0x200, s10  }
0x74: {  	[tilespmem:s1+$0x670] =	vst v0  }
0x75: {  	[tilespmem:s1+$0x600] =	vst v0  }
0x76: {  	[tilespmem:s1+$0x610] =	vst v0  }
0x77: {  	[tilespmem:s1+$0x620] =	vst v0  }
0x78: {  	[tilespmem:s1+$0x630] =	vst v0  }
0x79: {  	[tilespmem:s1+$0x640] =	vst v0  }
0x7a: {  	[tilespmem:s1+$0x650] =	vst v0  }
0x7b: {  	[tilespmem:s1+$0x660] =	vst v0;
	s22 =	simm.s32 $0x600;
	s10 =	simm.s32 $0x10  }
0x7c: {  	[spmem:s25] =	stream.linear.scatter [tilespmem:s22], [sflag:$0x10], $0x3800, $0x38;
	[tilespmem:$0x1EFF8] =	vst v63  }
0x7d: {  	_ =	swait.ge [sflag:s10], $0x3800  }
0x7e: {  	[sflag:s10] =	ssyncset.done $0x0  }
0x7f: {  	[sflag:s10] =	ssyncadd.s32 $0xFFFFC800  }
0x80: {  	[spmem:s26] =	stream.linear.scatter [tilespmem:s22], [sflag:$0x10], $0x3800, $0x38;
	[tilespmem:$0x1EFF8] =	vst v63  }
0x81: {  	_ =	swait.ge [sflag:s10], $0x3800  }
0x82: {  	[sflag:s10] =	ssyncset.done $0x0  }
0x83: {  	[sflag:s10] =	ssyncadd.s32 $0xFFFFC800  }
0x84: {  	[spmem:s28] =	stream.linear.scatter [tilespmem:s22], [sflag:$0x10], $0x3800, $0x38;
	[tilespmem:$0x1EFF8] =	vst v63  }
0x85: {  	_ =	swait.ge [sflag:s10], $0x3800  }
0x86: {  	[sflag:s10] =	ssyncset.done $0x0  }
0x87: {  	s26 =	rddreg [dreg:$0xc];
	[sflag:s10] =	ssyncadd.s32 $0xFFFFC800  }
0x88: {  	[spmem:s26] =	stream.linear.scatter [tilespmem:s22], [sflag:$0x10], $0x3800, $0x38;
	[tilespmem:$0x1EFF8] =	vst v63  }
0x89: {  	_ =	swait.ge [sflag:s10], $0x3800  }
0x8a: {  	[sflag:s10] =	ssyncset.done $0x0  }
0x8b: {  	s29 =	rddreg [dreg:$0xd];
	[sflag:s10] =	ssyncadd.s32 $0xFFFFC800  }
0x8c: {  	[spmem:s29] =	stream.linear.scatter [tilespmem:s22], [sflag:$0x10], $0x3800, $0x38;
	[tilespmem:$0x1EFF8] =	vst v63  }
0x8d: {  	_ =	swait.ge [sflag:s10], $0x3800  }
0x8e: {  	[sflag:s10] =	ssyncset.done $0x0  }
0x8f: {  	s16 =	rddreg [dreg:$0xe];
	[sflag:s10] =	ssyncadd.s32 $0xFFFFC800  }
0x90: {  	[spmem:s16] =	stream.linear.scatter [tilespmem:s22], [sflag:$0x10], $0x2000, $0x38;
	[tilespmem:$0x1EFF8] =	vst v63  }
0x91: {  	_ =	swait.ge [sflag:s10], $0x2000  }
0x92: {  	[sflag:s10] =	ssyncset.done $0x0  }
0x93: {  	s16 =	simm.s32 $0xB280;
	s25 =	rddreg [dreg:$0x12];
	[sflag:s10] =	ssyncadd.s32 $0xFFFFE000  }
0x94: {  	[spmem:s25] =	stream.linear.scatter [tilespmem:s16], [sflag:$0x10], $0x270, $0x38;
	[tilespmem:$0x1EFF8] =	vst v63  }
0x95: {  	_ =	swait.ge [sflag:s10], $0x270  }
0x96: {  	[sflag:s10] =	ssyncset.done $0x0  }
0x97: {  	[sflag:s10] =	ssyncadd.s32 $0xFFFFFD90;
	s10 =	sld [smem:$0x7FB];
	_ =	sdelay $0x1  }
0x98: {  	s1 =	simm.s32 @!p1 $0x600  }
0x99: {  	[spmem:s10] =	stream.linear.scatter @!p1 [tilespmem:s1], [sflag:$0x10], $0x800, $0x38;
	[tilespmem:$0x1EFF8] =	vst v63  }
0x9a: {  	s1 =	simm.s32 @!p1 $0x10  }
0x9b: {  	_ =	swait.ge @!p1 [sflag:s1], $0x800  }
0x9c: {  	s16 =	sld [smem:$0x7FC]  }
0x9d: {  	[sflag:s1] =	ssyncset.done @!p1 $0x0  }
0x9e: {  	s10 =	simm.s32 @!p1 $0xB280;
	[sflag:s1] =	ssyncadd.s32 @!p1 $0xFFFFF800  }
0x9f: {  	[spmem:s16] =	stream.linear.scatter @!p1 [tilespmem:s10], [sflag:$0x10], $0x10, $0x38;
	[tilespmem:$0x1EFF8] =	vst v63  }
0xa0: {  	_ =	swait.ge @!p1 [sflag:s1], $0x10  }
0xa1: {  	[sflag:s1] =	ssyncset.done @!p1 $0x0  }
0xa2: {  	[sflag:s1] =	ssyncadd.s32 @!p1 $0xFFFFFFF0  }
0xa3: {  	[bflag:$0x0] =	sbarrier.arrive $0xFFFF  }
0xa4: {  	s25 =	simm.s32 $0x0;
	s26 =	rddreg [dreg:$0xf]  }
0xa5: {  	[tilespmem:s25], [sflag:$0x1] =	stream.linear.gather [hbm4b:s26+s25], $0xE0, $0x38;
	[tilespmem:$0x1EFF8] =	vst v63  }
0xa6: {  	s10 =	simm.s32 $0x180;
	s16 =	simm.s32 $0x1;
	s29 =	rddreg [dreg:$0x10]  }
0xa7: {  	[tilespmem:s10], [sflag:$0x2] =	stream.linear.gather [hbm4b:s29+s25], $0xE0, $0x38;
	[tilespmem:$0x1EFF8] =	vst v63  }
0xa8: {  	_ =	swait.ge [sflag:s16], $0xE0  }
0xa9: {  	[sflag:s16] =	ssyncset.done $0x0  }
0xaa: {  	[sflag:s16] =	ssyncadd.s32 $0xFFFFFF20  }
0xab: {  	v1 =	vld [tilespmem:$0x70]  }
0xac: {  	v2 =	vld [tilespmem:$0x80]  }
0xad: {  	v3 =	vld [tilespmem:$0x90]  }
0xae: {  	v4 =	vld [tilespmem:$0xA0]  }
0xaf: {  	v5 =	vld [tilespmem:$0xB0]  }
0xb0: {  	v6 =	vld [tilespmem:$0xC0];
	v1 =	vadd.s32 $0xFFFFD8F0, v1  }
0xb1: {  	[tilespmem:$0x100] =	vst v1;
	v1 =	vadd.s32 $0xFFFFD8F0, v2;
	v2 =	vld [tilespmem:$0xD0]  }
0xb2: {  	[tilespmem:$0x110] =	vst v1;
	v1 =	vadd.s32 $0xFFFFD8F0, v3  }
0xb3: {  	[tilespmem:$0x120] =	vst v1;
	v1 =	vadd.s32 $0xFFFFD8F0, v4  }
0xb4: {  	[tilespmem:$0x130] =	vst v1;
	v1 =	vadd.s32 $0xFFFFD8F0, v5  }
0xb5: {  	[tilespmem:$0x140] =	vst v1;
	v1 =	vadd.s32 $0xFFFFD8F0, v6  }
0xb6: {  	[tilespmem:$0x150] =	vst v1;
	v1 =	vadd.s32 $0xFFFFD8F0, v2  }
0xb7: {  	s26 =	simm.s32 $0x480;
	[tilespmem:$0x160] =	vst v1  }
0xb8: {  	[tilespmem:s26], [sflag:$0x4] =	stream.indirect.gather [hbm4b:s7+s13], $0x1, s25, s13, $0xb8;
	[tilespmem:$0x1EFF8] =	vst v63  }
0xb9: {  	s29 =	simm.s32 $0x100  }
0xba: {  	[tilespmem:s22], [sflag:$0x5] =	stream.indirect.gather [hbm4b:s5+s8], $0x80, s29, s8, $0xb8;
	[tilespmem:$0x1EFF8] =	vst v63  }
0xbb: {  	s16 =	rddreg [dreg:$0x11];
	s22 =	simm.s32 $0x300  }
0xbc: {  	[tilespmem:s22], [sflag:$0x3] =	stream.linear.gather [hbm4b:s16+s25], $0xE0, $0x38;
	[tilespmem:$0x1EFF8] =	vst v63  }
0xbd: {  	_ =	swait.ge [sflag:s11], $0xE0  }
0xbe: {  	[sflag:s11] =	ssyncset.done $0x0  }
0xbf: {  	[sflag:s11] =	ssyncadd.s32 $0xFFFFFF20  }
0xc0: {  	v1 =	vld [tilespmem:$0x1F0]  }
0xc1: {  	v2 =	vld [tilespmem:$0x200]  }
0xc2: {  	v3 =	vld [tilespmem:$0x210]  }
0xc3: {  	v61 =	vld [tilespmem:$0x220]  }
0xc4: {  	v62 =	vld [tilespmem:$0x230]  }
0xc5: {  	v63 =	vld [tilespmem:$0x240];
	v1 =	vadd.s32 $0xFFFFD8F0, v1  }
0xc6: {  	[tilespmem:$0x280] =	vst v1;
	v1 =	vadd.s32 $0xFFFFD8F0, v2;
	v2 =	vld [tilespmem:$0x250]  }
0xc7: {  	[tilespmem:$0x290] =	vst v1;
	v1 =	vadd.s32 $0xFFFFD8F0, v3  }
0xc8: {  	[tilespmem:$0x2A0] =	vst v1;
	v1 =	vadd.s32 $0xFFFFD8F0, v61  }
0xc9: {  	[tilespmem:$0x2B0] =	vst v1;
	v1 =	vadd.s32 $0xFFFFD8F0, v62  }
0xca: {  	[tilespmem:$0x2C0] =	vst v1;
	v1 =	vadd.s32 $0xFFFFD8F0, v63  }
0xcb: {  	[tilespmem:$0x2D0] =	vst v1;
	v1 =	vadd.s32 $0xFFFFD8F0, v2  }
0xcc: {  	s25 =	simm.s32 $0x3E80;
	[tilespmem:$0x2E0] =	vst v1  }
0xcd: {  	[tilespmem:s25], [sflag:$0x8] =	stream.indirect.gather [hbm4b:s7+s13], $0x1, s10, s13, $0xb8;
	[tilespmem:$0x1EFF8] =	vst v63  }
0xce: {  	s28 =	simm.s32 $0x0;
	s26 =	simm.s32 $0x280;
	s29 =	simm.s32 $0x4000  }
0xcf: {  	[tilespmem:s29], [sflag:$0x9] =	stream.indirect.gather [hbm4b:s5+s8], $0x80, s26, s8, $0xb8;
	[tilespmem:$0x1EFF8] =	vst v63  }
.LBB2_17:
0xd0: {  	_ =	swait.ge [sflag:s31], $0xE0  }
0xd1: {  	[sflag:s31] =	ssyncset.done $0x0  }
0xd2: {  	[sflag:s31] =	ssyncadd.s32 $0xFFFFFF20  }
0xd3: {  	v1 =	vld [tilespmem:$0x480]  }
0xd4: {  	v2 =	vld [tilespmem:$0x4F0]  }
0xd5: {  	v3 =	vld [tilespmem:$0x490]  }
0xd6: {  	v4 =	vld [tilespmem:$0x500]  }
0xd7: {  	v5 =	vld [tilespmem:$0x4A0]  }
0xd8: {  	v6 =	vld [tilespmem:$0x510]  }
0xd9: {  	v7 =	vld [tilespmem:$0x520];
	v1 =	vadd.f32 v2, v1  }
0xda: {  	v2 =	vld [tilespmem:$0x4B0]  }
0xdb: {  	v9 =	vld [tilespmem:$0x530];
	v3 =	vadd.f32 v4, v3;
	v8 =	vmul.f32 $2.000000030e-01, v1  }
0xdc: {  	v4 =	vld [tilespmem:$0x4C0]  }
0xdd: {  	v10 =	vld [tilespmem:$0x540];
	v5 =	vadd.f32 v6, v5;
	v1 =	vmax.f32 v1, v8;
	v8 =	vmul.f32 $2.000000030e-01, v3  }
0xde: {  	v6 =	vld [tilespmem:$0x4D0];
	v1 =	vsub.f32 $0.0e+00, v1  }
0xdf: {  	v11 =	vld [tilespmem:$0x550];
	v2 =	vadd.f32 v7, v2;
	v3 =	vmax.f32 v3, v8;
	v8 =	vmul.f32 $2.000000030e-01, v5  }
0xe0: {  	v7 =	vld [tilespmem:$0x4E0];
	v1 =	vmul.f32 $1.442695020e+00, v1;
	v3 =	vsub.f32 $0.0e+00, v3  }
0xe1: {  	v4 =	vadd.f32 v9, v4;
	v5 =	vmax.f32 v5, v8;
	v8 =	vmul.f32 $2.000000030e-01, v2  }
0xe2: {  	(erf) = vpow2.f32 v1;
	v1 =	vmul.f32 $1.442695020e+00, v3;
	v3 =	vsub.f32 $0.0e+00, v5  }
0xe3: {  	v6 =	vadd.f32 v10, v6;
	v5 =	vmul.f32 $2.000000030e-01, v4;
	v2 =	vmax.f32 v2, v8  }
0xe4: {  	(erf) = vpow2.f32 v1;
	v1 =	vmul.f32 $1.442695020e+00, v3;
	v2 =	vsub.f32 $0.0e+00, v2  }
0xe5: {  	v3 =	vmax.f32 v4, v5;
	v4 =	vmul.f32 $2.000000030e-01, v6;
	v5 =	vadd.f32 v11, v7  }
0xe6: {  	(erf) = vpow2.f32 v1;
	v1 =	vmul.f32 $1.442695020e+00, v2;
	v2 =	vsub.f32 $0.0e+00, v3  }
0xe7: {  	v3 =	vmax.f32 v6, v4;
	v4 =	vmul.f32 $2.000000030e-01, v5  }
0xe8: {  	s10 =	sld [smem:$0x7FD];
	(erf) = vpow2.f32 v1;
	v1 =	vmul.f32 $1.442695020e+00, v2;
	v2 =	vsub.f32 $0.0e+00, v3  }
0xe9: {  	s1 =	smul.u32 $0x150, s28;
	v4 =	vmax.f32 v5, v4  }
0xea: {  	(erf) = vpow2.f32 v1;
	v1 =	vmul.f32 $1.442695020e+00, v2;
	v2 =	vsub.f32 $0.0e+00, v4  }
0xeb: {  	s26 =	sadd.s32 s10, s1  }
0xec: {  	p3 =	slt.u32 s26, $0x27100;
	v3 =	vld [tilespmem:$0x0];
	v4 =	vpop (erf);
	(erf) = vpow2.f32 v1;
	v1 =	vmul.f32 $1.442695020e+00, v2  }
0xed: {  	s1 =	sadd.s32 $0x10, s26;
	v4 =	vpsel !p3, $0x0, v4  }
0xee: {  	p4 =	slt.u32 s1, $0x27100;
	[tilespmem:$0x580] =	vst v4;
	v4 =	vld [tilespmem:$0x20];
	v2 =	vpop (erf)  }
0xef: {  	s25 =	sadd.s32 $0x20, s26;
	v2 =	vpsel !p4, $0x0, v2  }
0xf0: {  	p5 =	slt.u32 s25, $0x27100;
	(erf) = vpow2.f32 v1;
	v1 =	vpop (erf);
	[tilespmem:$0x590] =	vst v2;
	v2 =	vld [tilespmem:$0x30]  }
0xf1: {  	s29 =	sadd.s32 $0x30, s26;
	[tilespmem:$0x3E00] =	vst v3;
	v1 =	vpsel !p5, $0x0, v1  }
0xf2: {  	p6 =	slt.u32 s29, $0x27100;
	v3 =	vpop (erf);
	[tilespmem:$0x5A0] =	vst v1;
	v1 =	vld [tilespmem:$0x40]  }
0xf3: {  	s10 =	sadd.s32 $0x40, s26;
	v5 =	vld [tilespmem:$0x10];
	[tilespmem:$0x3E20] =	vst v4;
	v3 =	vpsel !p6, $0x0, v3  }
0xf4: {  	p4 =	slt.u32 s10, $0x27100;
	v4 =	vpop (erf);
	[tilespmem:$0x5B0] =	vst v3  }
0xf5: {  	s16 =	sadd.s32 $0x50, s26;
	v3 =	vld [tilespmem:$0x50];
	[tilespmem:$0x3E30] =	vst v2;
	v2 =	vpsel !p4, $0x0, v4  }
0xf6: {  	p5 =	slt.u32 s16, $0x27100;
	v4 =	vpop (erf);
	[tilespmem:$0x5C0] =	vst v2;
	v2 =	vld [tilespmem:$0x60]  }
0xf7: {  	[tilespmem:$0x3E40] =	vst v1;
	v1 =	vpsel !p5, $0x0, v4  }
0xf8: {  	[tilespmem:$0x3E10] =	vst v5  }
0xf9: {  	s22 =	sadd.s32 $0x60, s26;
	[tilespmem:$0x5D0] =	vst v1  }
0xfa: {  	p6 =	slt.u32 s22, $0x27100;
	[tilespmem:$0x3E50] =	vst v3;
	v1 =	vpop (erf)  }
0xfb: {  	v1 =	vpsel !p6, $0x0, v1;
	[tilespmem:$0x3E60] =	vst v2  }
0xfc: {  	s25 =	simm.s32 $0x0;
	s29 =	simm.s32 $0x2;
	s10 =	simm.s32 $0x3E00;
	[tilespmem:$0x5E0] =	vst v1  }
0xfd: {  	v4 =	vmov s25;
	[spmem:s3] =	stream.indirect.scatter.add.f32 [tilespmem:s12], [sflag:$0x7], $0x1, s10, s8, $0xb8;
	[tilespmem:$0x1EFF8] =	vst v63  }
0xfe: {  	v3 =	vand.u32 $0xFFFFFFFC, v4;
	v4 =	vmov s29;
	_ =	swait.ge [sflag:s0], $0x3800  }
0xff: {  	v1 =	vbroadcast v3, $0x0;
	v3 =	vand.u32 $0xFFFFFFFE, v4;
	[sflag:s0] =	ssyncset.done $0x0  }
0x100: {  	s1 =	simm.s32 $0x700;
	v2 =	vbroadcast v3, $0x0;
	[sflag:s0] =	ssyncadd.s32 $0xFFFFC800  }
0x101: {  	v4 =	vld [tilespmem:s1+$0x70]  }
0x102: {  	v5 =	vld [tilespmem:s1+$0xFFFFFF00]  }
0x103: {  	s16 =	simm.s32 $0x1;
	v6 =	vld [tilespmem:s1+$0xFFFFFF10]  }
0x104: {  	v3 =	vmov s16;
	v7 =	vld [tilespmem:s1+$0xFFFFFF20]  }
0x105: {  	v3 =	vand.u32 $0xFFFFFFFD, v3;
	v1 =	vld.idx.msk [tilespmem:v1+s12+$0x0], $0xffff  }
0x106: {  	v3 =	vbroadcast v3, $0x0;
	v2 =	vld.idx.msk [tilespmem:v2+s12+$0x0], $0xffff  }
0x107: {  	v8 =	vld [tilespmem:s1+$0xFFFFFF30]  }
0x108: {  	v9 =	vld [tilespmem:s1+$0xFFFFFF40]  }
0x109: {  	v10 =	vld [tilespmem:s1+$0xFFFFFF50]  }
0x10a: {  	v11 =	vld [tilespmem:s1+$0xFFFFFF60];
	v5 =	vmul.f32 v5, v1  }
0x10b: {  	v13 =	vld [tilespmem:s1+$0x40];
	v4 =	vmul.f32 v4, v2  }
0x10c: {  	v3 =	vld.idx.msk [tilespmem:v3+s12+$0x0], $0xffff;
	[tilespmem:s1+$0xFFFFFF00] =	vst v5;
	v5 =	vmul.f32 v6, v1  }
0x10d: {  	v6 =	vld [tilespmem:s1+$0xFFFFFF70];
	[tilespmem:s1+$0x70] =	vst v4;
	v4 =	vmul.f32 v7, v1  }
0x10e: {  	v7 =	vld [tilespmem:s1+$0xFFFFFF80];
	[tilespmem:s1+$0xFFFFFF10] =	vst v5;
	v5 =	vmul.f32 v8, v1  }
0x10f: {  	v8 =	vld [tilespmem:s1+$0xFFFFFF90];
	[tilespmem:s1+$0xFFFFFF20] =	vst v4;
	v4 =	vmul.f32 v9, v1  }
0x110: {  	v9 =	vld [tilespmem:s1+$0xFFFFFFA0];
	[tilespmem:s1+$0xFFFFFF30] =	vst v5;
	v5 =	vmul.f32 v10, v1  }
0x111: {  	v10 =	vld [tilespmem:s1+$0xFFFFFFB0];
	[tilespmem:s1+$0xFFFFFF40] =	vst v4;
	v4 =	vmul.f32 v11, v1  }
0x112: {  	v11 =	vld [tilespmem:s1+$0xFFFFFFC0];
	v6 =	vmul.f32 v6, v1;
	[tilespmem:s1+$0xFFFFFF50] =	vst v5  }
0x113: {  	v5 =	vmul.f32 v7, v3;
	v7 =	vld [tilespmem:s1+$0xFFFFFFD0];
	[tilespmem:s1+$0xFFFFFF60] =	vst v4  }
0x114: {  	s22 =	simm.s32 $0x3;
	v4 =	vld [tilespmem:s1+$0xFFFFFFE0];
	v8 =	vmul.f32 v8, v3;
	[tilespmem:s1+$0xFFFFFF70] =	vst v6  }
0x115: {  	v12 =	vmov s22;
	v6 =	vld [tilespmem:s1+$0xFFFFFFF0];
	[tilespmem:s1+$0xFFFFFF80] =	vst v5;
	v5 =	vmul.f32 v9, v3  }
0x116: {  	v9 =	vld [tilespmem:s1+$0x0];
	[tilespmem:s1+$0xFFFFFF90] =	vst v8;
	v8 =	vmul.f32 v10, v3  }
0x117: {  	v10 =	vld [tilespmem:s1+$0x10];
	[tilespmem:s1+$0xFFFFFFA0] =	vst v5;
	v5 =	vmul.f32 v11, v3  }
0x118: {  	[tilespmem:s1+$0xFFFFFFB0] =	vst v8;
	v7 =	vmul.f32 v7, v3;
	v8 =	vld [tilespmem:s1+$0x20]  }
0x119: {  	v11 =	vld [tilespmem:s1+$0x30];
	[tilespmem:s1+$0xFFFFFFC0] =	vst v5;
	v4 =	vmul.f32 v4, v3  }
0x11a: {  	v1 =	vld.idx.msk [tilespmem:v12+s12+$0x0], $0xffff;
	v3 =	vmul.f32 v6, v3;
	[tilespmem:s1+$0xFFFFFFD0] =	vst v7  }
0x11b: {  	v5 =	vmul.f32 v9, v2;
	[tilespmem:s1+$0xFFFFFFE0] =	vst v4;
	v4 =	vld [tilespmem:s1+$0x50]  }
0x11c: {  	s25 =	simm.s32 $0x4;
	[tilespmem:s1+$0xFFFFFFF0] =	vst v3;
	v6 =	vmul.f32 v10, v2;
	v3 =	vld [tilespmem:s1+$0x60]  }
0x11d: {  	s29 =	simm.s32 $0x7;
	v7 =	vmov s25;
	[tilespmem:s1+$0x0] =	vst v5;
	v9 =	vmul.f32 v8, v2;
	v8 =	vld [tilespmem:s1+$0x80]  }
0x11e: {  	s16 =	simm.s32 $0x5;
	v12 =	vand.u32 $0xFFFFFFFC, v7;
	v7 =	vld [tilespmem:s1+$0x90];
	v5 =	vmov s29;
	v10 =	vmul.f32 v11, v2;
	[tilespmem:s1+$0x10] =	vst v6  }
0x11f: {  	s22 =	simm.s32 $0x8;
	s10 =	simm.s32 $0x700;
	s25 =	simm.s32 $0x6;
	v11 =	vmul.f32 v13, v2;
	v6 =	vbroadcast v12, $0x0;
	v12 =	vmov s16;
	[tilespmem:s1+$0x20] =	vst v9;
	v9 =	vld [tilespmem:s1+$0xA0]  }
.LBB2_18:
0x120: {  	p3 =	slt.u32 s22, $0x6C;
	v12 =	vand.u32 $0xFFFFFFFD, v12;
	v13 =	vmov s25;
	[tilespmem:s1+$0x30] =	vst v10;
	v4 =	vmul.f32 v4, v2;
	v10 =	vld [tilespmem:s1+$0xB0]  }
0x121: {  	v12 =	vbroadcast v12, $0x0;
	v13 =	vand.u32 $0xFFFFFFFE, v13;
	[tilespmem:s1+$0x40] =	vst v11;
	v2 =	vmul.f32 v3, v2;
	v3 =	vld [tilespmem:s1+$0xC0]  }
0x122: {  	v11 =	vbroadcast v13, $0x0;
	[tilespmem:s1+$0x50] =	vst v4;
	v4 =	vmul.f32 v8, v1;
	v8 =	vld [tilespmem:s1+$0xD0]  }
0x123: {  	[tilespmem:s1+$0x60] =	vst v2;
	v2 =	vmul.f32 v7, v1;
	v7 =	vld [tilespmem:s1+$0xE0]  }
0x124: {  	[tilespmem:s1+$0x80] =	vst v4;
	v4 =	vmul.f32 v9, v1;
	v9 =	vld [tilespmem:s1+$0xF0]  }
0x125: {  	v5 =	vld.idx.msk [tilespmem:v5+s12+$0x0], $0xffff;
	[tilespmem:s1+$0x90] =	vst v2;
	v2 =	vmul.f32 v10, v1  }
0x126: {  	v6 =	vld.idx.msk [tilespmem:v6+s12+$0x0], $0xffff;
	[tilespmem:s1+$0xA0] =	vst v4;
	v3 =	vmul.f32 v3, v1  }
0x127: {  	v4 =	vld.idx.msk [tilespmem:v12+s12+$0x0], $0xffff;
	[tilespmem:s1+$0xB0] =	vst v2;
	v8 =	vmul.f32 v8, v1  }
0x128: {  	s1 =	sadd.s32 $0x200, s1;
	v2 =	vld.idx.msk [tilespmem:v11+s12+$0x0], $0xffff;
	[tilespmem:s10+$0xC0] =	vst v3;
	v3 =	vmul.f32 v7, v1  }
0x129: {  	v7 =	vld [tilespmem:s1+$0x70];
	[tilespmem:s10+$0xD0] =	vst v8;
	v9 =	vmul.f32 v9, v1  }
0x12a: {  	v8 =	vld [tilespmem:s1+$0xFFFFFF00];
	[tilespmem:s10+$0xE0] =	vst v3  }
0x12b: {  	v1 =	vmov v5;
	v3 =	vld [tilespmem:s1+$0xFFFFFF10];
	[tilespmem:s10+$0xF0] =	vst v9;
	s10 =	smov.u32 s1  }
0x12c: {  	v5 =	vld [tilespmem:s1+$0xFFFFFF20]  }
0x12d: {  	v9 =	vld [tilespmem:s1+$0xFFFFFF30]  }
0x12e: {  	v10 =	vld [tilespmem:s1+$0xFFFFFF40];
	v7 =	vmul.f32 v7, v2  }
0x12f: {  	v8 =	vmul.f32 v8, v6;
	v11 =	vld [tilespmem:s1+$0xFFFFFF50]  }
0x130: {  	v3 =	vmul.f32 v3, v6;
	v12 =	vld [tilespmem:s1+$0xFFFFFF60];
	[tilespmem:s1+$0x70] =	vst v7  }
0x131: {  	[tilespmem:s1+$0xFFFFFF00] =	vst v8;
	v5 =	vmul.f32 v5, v6;
	v7 =	vld [tilespmem:s1+$0xFFFFFF70]  }
0x132: {  	[tilespmem:s1+$0xFFFFFF10] =	vst v3;
	v3 =	vmul.f32 v9, v6;
	v8 =	vld [tilespmem:s1+$0xFFFFFF80]  }
0x133: {  	[tilespmem:s1+$0xFFFFFF20] =	vst v5;
	v5 =	vmul.f32 v10, v6;
	v9 =	vld [tilespmem:s1+$0xFFFFFF90]  }
0x134: {  	[tilespmem:s1+$0xFFFFFF30] =	vst v3;
	v3 =	vmul.f32 v11, v6;
	v10 =	vld [tilespmem:s1+$0xFFFFFFA0]  }
0x135: {  	[tilespmem:s1+$0xFFFFFF40] =	vst v5;
	v5 =	vmul.f32 v12, v6;
	v11 =	vld [tilespmem:s1+$0xFFFFFFB0]  }
0x136: {  	[tilespmem:s1+$0xFFFFFF50] =	vst v3;
	v3 =	vmul.f32 v7, v6;
	v6 =	vld [tilespmem:s1+$0xFFFFFFC0]  }
0x137: {  	[tilespmem:s1+$0xFFFFFF60] =	vst v5;
	v5 =	vmul.f32 v8, v4;
	v7 =	vld [tilespmem:s1+$0xFFFFFFD0]  }
0x138: {  	[tilespmem:s1+$0xFFFFFF70] =	vst v3;
	v3 =	vmul.f32 v9, v4;
	v8 =	vld [tilespmem:s1+$0xFFFFFFE0]  }
0x139: {  	[tilespmem:s1+$0xFFFFFF80] =	vst v5;
	v5 =	vmul.f32 v10, v4;
	v9 =	vld [tilespmem:s1+$0xFFFFFFF0]  }
0x13a: {  	[tilespmem:s1+$0xFFFFFF90] =	vst v3;
	v3 =	vmul.f32 v11, v4;
	v10 =	vld [tilespmem:s1+$0x0]  }
0x13b: {  	[tilespmem:s1+$0xFFFFFFA0] =	vst v5;
	v5 =	vmul.f32 v6, v4;
	v6 =	vld [tilespmem:s1+$0x10]  }
0x13c: {  	[tilespmem:s1+$0xFFFFFFB0] =	vst v3;
	v3 =	vmul.f32 v7, v4;
	v7 =	vld [tilespmem:s1+$0x20]  }
0x13d: {  	[tilespmem:s1+$0xFFFFFFC0] =	vst v5;
	v5 =	vmul.f32 v8, v4;
	v11 =	vld [tilespmem:s1+$0x30]  }
0x13e: {  	[tilespmem:s1+$0xFFFFFFD0] =	vst v3;
	v3 =	vmul.f32 v9, v4;
	v9 =	vld [tilespmem:s1+$0x40]  }
.Ltmp4:
0x13f: {  	[tilespmem:s1+$0xFFFFFFE0] =	vst v5;
	v5 =	vmul.f32 v10, v2;
	v4 =	vld [tilespmem:s1+$0x50];
	(pc) =	sbr.rel @p3 .LBB2_18-.Ltmp4, $4  }
0x140: {  	[tilespmem:s1+$0xFFFFFFF0] =	vst v3;
	v6 =	vmul.f32 v6, v2;
	v3 =	vld [tilespmem:s1+$0x60]  }
0x141: {  	s16 =	sadd.s32 $0x3, s22;
	v10 =	vmov s22;
	[tilespmem:s1+$0x0] =	vst v5;
	v13 =	vmul.f32 v7, v2;
	v8 =	vld [tilespmem:s1+$0x80]  }
0x142: {  	s25 =	sadd.s32 $0x1, s22;
	v12 =	vand.u32 $0xFFFFFFFC, v10;
	v5 =	vmov s16;
	[tilespmem:s1+$0x10] =	vst v6;
	v10 =	vmul.f32 v11, v2;
	v7 =	vld [tilespmem:s1+$0x90]  }
0x143: {  	v6 =	vbroadcast v12, $0x0;
	v12 =	vmov s25;
	s25 =	sadd.s32 $0x2, s22;
	s22 =	sadd.s32 $0x4, s22;
	[tilespmem:s1+$0x20] =	vst v13;
	v11 =	vmul.f32 v9, v2;
	v9 =	vld [tilespmem:s1+$0xA0]  }
0x144: {  	v13 =	vld [tilespmem:s1+$0xB0]  }
0x145: {  	v15 =	vld [tilespmem:s1+$0xC0]  }
0x146: {  	v14 =	vmov s25;
	v16 =	vld [tilespmem:s1+$0xD0]  }
0x147: {  	v17 =	vld [tilespmem:s1+$0xE0];
	[tilespmem:s1+$0x30] =	vst v10;
	v4 =	vmul.f32 v4, v2;
	v14 =	vand.u32 $0xFFFFFFFE, v14  }
0x148: {  	v12 =	vand.u32 $0xFFFFFFFD, v12;
	v5 =	vld.idx.msk [tilespmem:v5+s12+$0x0], $0xffff;
	[tilespmem:s1+$0x40] =	vst v11;
	v2 =	vmul.f32 v3, v2;
	v14 =	vbroadcast v14, $0x0  }
0x149: {  	s22 =	sadd.s32 $0x200, s1;
	v12 =	vbroadcast v12, $0x0;
	v3 =	vld.idx.msk [tilespmem:v6+s12+$0x0], $0xffff;
	v8 =	vmul.f32 v8, v1;
	[tilespmem:s1+$0x50] =	vst v4  }
0x14a: {  	v10 =	vld [tilespmem:s22+$0xFFFFFF00];
	v4 =	vmul.f32 v7, v1;
	[tilespmem:s1+$0x60] =	vst v2  }
0x14b: {  	[tilespmem:s1+$0x80] =	vst v8;
	v8 =	vld [tilespmem:s1+$0xF0];
	v2 =	vmul.f32 v9, v1  }
0x14c: {  	v11 =	vld [tilespmem:s22+$0xFFFFFF10];
	[tilespmem:s1+$0x90] =	vst v4;
	v4 =	vmul.f32 v13, v1  }
0x14d: {  	v9 =	vld [tilespmem:s22+$0x70];
	[tilespmem:s1+$0xA0] =	vst v2;
	v2 =	vmul.f32 v15, v1  }
0x14e: {  	[tilespmem:s1+$0xB0] =	vst v4;
	v4 =	vmul.f32 v16, v1;
	v7 =	vld.idx.msk [tilespmem:v14+s12+$0x0], $0xffff  }
0x14f: {  	v6 =	vld.idx.msk [tilespmem:v12+s12+$0x0], $0xffff;
	[tilespmem:s10+$0xC0] =	vst v2;
	v2 =	vmul.f32 v17, v1  }
0x150: {  	v12 =	vld [tilespmem:s22+$0xFFFFFF20];
	[tilespmem:s10+$0xD0] =	vst v4;
	v1 =	vmul.f32 v8, v1  }
0x151: {  	v4 =	vld [tilespmem:s22+$0xFFFFFF30];
	[tilespmem:s10+$0xE0] =	vst v2  }
0x152: {  	v2 =	vld [tilespmem:s22+$0xFFFFFF40];
	[tilespmem:s10+$0xF0] =	vst v1;
	v1 =	vmul.f32 v10, v3  }
0x153: {  	v8 =	vmul.f32 v9, v7;
	v9 =	vld [tilespmem:s22+$0xFFFFFF50]  }
0x154: {  	v10 =	vmul.f32 v11, v3;
	v11 =	vld [tilespmem:s22+$0xFFFFFF60];
	[tilespmem:s22+$0xFFFFFF00] =	vst v1  }
0x155: {  	v1 =	vmul.f32 v12, v3;
	[tilespmem:s22+$0x70] =	vst v8;
	v8 =	vld [tilespmem:s22+$0xFFFFFF70]  }
0x156: {  	[tilespmem:s22+$0xFFFFFF10] =	vst v10;
	v10 =	vld [tilespmem:s22+$0xFFFFFF80];
	v4 =	vmul.f32 v4, v3  }
0x157: {  	[tilespmem:s22+$0xFFFFFF20] =	vst v1;
	v1 =	vmul.f32 v2, v3;
	v2 =	vld [tilespmem:s22+$0xFFFFFF90]  }
0x158: {  	[tilespmem:s22+$0xFFFFFF30] =	vst v4;
	v4 =	vmul.f32 v9, v3;
	v9 =	vld [tilespmem:s22+$0xFFFFFFA0]  }
0x159: {  	[tilespmem:s22+$0xFFFFFF40] =	vst v1;
	v1 =	vmul.f32 v11, v3;
	v11 =	vld [tilespmem:s22+$0xFFFFFFB0]  }
0x15a: {  	[tilespmem:s22+$0xFFFFFF50] =	vst v4;
	v3 =	vmul.f32 v8, v3;
	v4 =	vld [tilespmem:s22+$0xFFFFFFC0]  }
0x15b: {  	[tilespmem:s22+$0xFFFFFF60] =	vst v1;
	v1 =	vmul.f32 v10, v6;
	v8 =	vld [tilespmem:s22+$0xFFFFFFD0]  }
0x15c: {  	v2 =	vmul.f32 v2, v6;
	[tilespmem:s22+$0xFFFFFF70] =	vst v3;
	v3 =	vld [tilespmem:s22+$0xFFFFFFE0]  }
0x15d: {  	[tilespmem:s22+$0xFFFFFF80] =	vst v1;
	v1 =	vmul.f32 v9, v6;
	v9 =	vld [tilespmem:s22+$0xFFFFFFF0]  }
0x15e: {  	v10 =	vld [tilespmem:s22+$0x0];
	[tilespmem:s22+$0xFFFFFF90] =	vst v2;
	v2 =	vmul.f32 v11, v6  }
0x15f: {  	[tilespmem:s22+$0xFFFFFFA0] =	vst v1;
	v1 =	vmul.f32 v4, v6;
	v4 =	vld [tilespmem:s22+$0x10]  }
0x160: {  	[tilespmem:s22+$0xFFFFFFB0] =	vst v2;
	v2 =	vmul.f32 v8, v6;
	v8 =	vld [tilespmem:s22+$0x20]  }
0x161: {  	[tilespmem:s22+$0xFFFFFFC0] =	vst v1;
	v1 =	vmul.f32 v3, v6;
	v3 =	vld [tilespmem:s22+$0x30]  }
0x162: {  	[tilespmem:s22+$0xFFFFFFD0] =	vst v2;
	v2 =	vmul.f32 v9, v6;
	v6 =	vld [tilespmem:s22+$0x40]  }
0x163: {  	v9 =	vld [tilespmem:s22+$0x50];
	[tilespmem:s22+$0xFFFFFFE0] =	vst v1;
	v1 =	vmul.f32 v10, v7  }
0x164: {  	[tilespmem:s22+$0xFFFFFFF0] =	vst v2;
	v2 =	vmul.f32 v4, v7;
	v4 =	vld [tilespmem:s22+$0x60]  }
0x165: {  	[tilespmem:s22+$0x0] =	vst v1;
	v1 =	vmul.f32 v8, v7;
	v8 =	vld [tilespmem:s22+$0x80]  }
0x166: {  	[tilespmem:s22+$0x10] =	vst v2;
	v2 =	vmul.f32 v3, v7;
	v3 =	vld [tilespmem:s22+$0x90]  }
0x167: {  	[tilespmem:s22+$0x20] =	vst v1;
	v1 =	vmul.f32 v6, v7;
	v6 =	vld [tilespmem:s22+$0xA0]  }
0x168: {  	[tilespmem:s22+$0x30] =	vst v2;
	v2 =	vmul.f32 v9, v7;
	v9 =	vld [tilespmem:s22+$0xB0]  }
0x169: {  	[tilespmem:s22+$0x40] =	vst v1;
	v1 =	vmul.f32 v4, v7;
	v4 =	vld [tilespmem:s22+$0xC0]  }
0x16a: {  	v7 =	vld [tilespmem:s22+$0xD0];
	[tilespmem:s22+$0x50] =	vst v2;
	v2 =	vmul.f32 v8, v5  }
0x16b: {  	[tilespmem:s22+$0x60] =	vst v1;
	v1 =	vmul.f32 v3, v5;
	v3 =	vld [tilespmem:s22+$0xE0]  }
0x16c: {  	[tilespmem:s22+$0x80] =	vst v2;
	v2 =	vmul.f32 v6, v5;
	v6 =	vld [tilespmem:s22+$0xF0]  }
0x16d: {  	[tilespmem:s22+$0x90] =	vst v1;
	v1 =	vmul.f32 v9, v5  }
0x16e: {  	[tilespmem:s22+$0xA0] =	vst v2;
	v2 =	vmul.f32 v4, v5  }
0x16f: {  	[tilespmem:s22+$0xB0] =	vst v1;
	v1 =	vmul.f32 v7, v5  }
0x170: {  	p3 =	seq.s32 s28, $0x1D;
	[tilespmem:s22+$0xC0] =	vst v2;
	v2 =	vmul.f32 v3, v5  }
0x171: {  	s1 =	sshrl.u32 @!p3 s26, $0x2;
	[tilespmem:s22+$0xD0] =	vst v1;
	v1 =	vmul.f32 v6, v5  }
0x172: {  	s16 =	simm.s32 $0x3E00;
	s1 =	sand.u32 @!p3 $0x1FFFFFFF, s1;
	[tilespmem:s22+$0xE0] =	vst v2  }
0x173: {  	p4 =	seq.s32 @!p3 s28, $0x0;
	s1 =	sadd.s32 @!p3 s9, s1;
	s10 =	simm.s32 $0x600;
	[tilespmem:s22+$0xF0] =	vst v1  }
0x174: {  	[spmem:s2] =	stream.indirect.scatter.add.f32 [tilespmem:s10], [sflag:$0x6], $0x80, s16, s8, $0xb8;
	[tilespmem:$0x1EFF8] =	vst v63  }
0x175: {  	p4 =	por p3, !p4;
	s10 =	sadd.s32 @!p3 $0x54, s1;
	s16 =	simm.s32 @!p3 $0x0  }
0x176: {  	[tilespmem:s16], [sflag:$0x1] =	stream.linear.gather @!p3 [hbm4b:s10+s16], $0xE0, $0x38;
	[tilespmem:$0x1EFF8] =	vst v63  }
0x177: {  	s10 =	simm.s32 @p4 $0xE  }
0x178: {  	_ =	swait.ge @p4 [sflag:s10], $0x3800  }
0x179: {  	[sflag:s10] =	ssyncset.done @p4 $0x0  }
0x17a: {  	[sflag:s10] =	ssyncadd.s32 @p4 $0xFFFFC800;
	s10 =	simm.s32 @p4 $0xF  }
0x17b: {  	_ =	swait.ge @p4 [sflag:s10], $0x70  }
0x17c: {  	[sflag:s10] =	ssyncset.done @p4 $0x0  }
0x17d: {  	[sflag:s10] =	ssyncadd.s32 @p4 $0xFFFFFF90  }
0x17e: {  	_ =	swait.ge [sflag:s24], $0xE0  }
0x17f: {  	[sflag:s24] =	ssyncset.done $0x0  }
0x180: {  	[sflag:s24] =	ssyncadd.s32 $0xFFFFFF20  }
0x181: {  	v1 =	vld [tilespmem:$0x370]  }
0x182: {  	v2 =	vld [tilespmem:$0x380]  }
0x183: {  	v3 =	vld [tilespmem:$0x390]  }
0x184: {  	v4 =	vld [tilespmem:$0x3A0]  }
0x185: {  	v5 =	vld [tilespmem:$0x3B0]  }
0x186: {  	v6 =	vld [tilespmem:$0x3C0];
	v1 =	vadd.s32 $0xFFFFD8F0, v1  }
0x187: {  	[tilespmem:$0x400] =	vst v1;
	v1 =	vadd.s32 $0xFFFFD8F0, v2;
	v2 =	vld [tilespmem:$0x3D0]  }
0x188: {  	[tilespmem:$0x410] =	vst v1;
	v1 =	vadd.s32 $0xFFFFD8F0, v3  }
0x189: {  	[tilespmem:$0x420] =	vst v1;
	v1 =	vadd.s32 $0xFFFFD8F0, v4  }
0x18a: {  	[tilespmem:$0x430] =	vst v1;
	v1 =	vadd.s32 $0xFFFFD8F0, v5  }
0x18b: {  	[tilespmem:$0x440] =	vst v1;
	v1 =	vadd.s32 $0xFFFFD8F0, v6  }
0x18c: {  	[tilespmem:$0x450] =	vst v1;
	v1 =	vadd.s32 $0xFFFFD8F0, v2  }
0x18d: {  	s25 =	simm.s32 $0x7880;
	s22 =	simm.s32 $0x300;
	[tilespmem:$0x460] =	vst v1  }
0x18e: {  	[tilespmem:s25], [sflag:$0xC] =	stream.indirect.gather [hbm4b:s7+s13], $0x1, s22, s13, $0xb8;
	[tilespmem:$0x1EFF8] =	vst v63  }
0x18f: {  	s22 =	simm.s32 $0x400;
	s25 =	simm.s32 $0x7A00  }
0x190: {  	[tilespmem:s25], [sflag:$0xD] =	stream.indirect.gather [hbm4b:s5+s8], $0x80, s22, s8, $0xb8;
	[tilespmem:$0x1EFF8] =	vst v63  }
0x191: {  	_ =	swait.ge [sflag:s17], $0xE0  }
0x192: {  	[sflag:s17] =	ssyncset.done $0x0  }
0x193: {  	[sflag:s17] =	ssyncadd.s32 $0xFFFFFF20  }
0x194: {  	v1 =	vld [tilespmem:$0x3E80]  }
0x195: {  	v2 =	vld [tilespmem:$0x3EF0]  }
0x196: {  	v3 =	vld [tilespmem:$0x3E90]  }
0x197: {  	v4 =	vld [tilespmem:$0x3F00]  }
0x198: {  	v5 =	vld [tilespmem:$0x3EA0]  }
0x199: {  	v6 =	vld [tilespmem:$0x3F10]  }
0x19a: {  	v7 =	vld [tilespmem:$0x3F20];
	v1 =	vadd.f32 v2, v1  }
0x19b: {  	v2 =	vld [tilespmem:$0x3EB0]  }
0x19c: {  	v9 =	vld [tilespmem:$0x3F30];
	v3 =	vadd.f32 v4, v3;
	v8 =	vmul.f32 $2.000000030e-01, v1  }
0x19d: {  	v4 =	vld [tilespmem:$0x3EC0]  }
0x19e: {  	v10 =	vld [tilespmem:$0x3F40];
	v5 =	vadd.f32 v6, v5;
	v1 =	vmax.f32 v1, v8;
	v8 =	vmul.f32 $2.000000030e-01, v3  }
0x19f: {  	v6 =	vld [tilespmem:$0x3ED0];
	v1 =	vsub.f32 $0.0e+00, v1  }
0x1a0: {  	v11 =	vld [tilespmem:$0x3F50];
	v2 =	vadd.f32 v7, v2;
	v3 =	vmax.f32 v3, v8;
	v8 =	vmul.f32 $2.000000030e-01, v5  }
0x1a1: {  	v7 =	vld [tilespmem:$0x3EE0];
	v1 =	vmul.f32 $1.442695020e+00, v1;
	v3 =	vsub.f32 $0.0e+00, v3  }
0x1a2: {  	v4 =	vadd.f32 v9, v4;
	v5 =	vmax.f32 v5, v8;
	v8 =	vmul.f32 $2.000000030e-01, v2  }
0x1a3: {  	(erf) = vpow2.f32 v1;
	v1 =	vmul.f32 $1.442695020e+00, v3;
	v3 =	vsub.f32 $0.0e+00, v5  }
0x1a4: {  	v6 =	vadd.f32 v10, v6;
	v5 =	vmul.f32 $2.000000030e-01, v4;
	v2 =	vmax.f32 v2, v8  }
0x1a5: {  	(erf) = vpow2.f32 v1;
	v1 =	vmul.f32 $1.442695020e+00, v3;
	v2 =	vsub.f32 $0.0e+00, v2  }
0x1a6: {  	v3 =	vmax.f32 v4, v5;
	v4 =	vmul.f32 $2.000000030e-01, v6;
	v5 =	vadd.f32 v11, v7  }
0x1a7: {  	(erf) = vpow2.f32 v1;
	v1 =	vmul.f32 $1.442695020e+00, v2;
	v2 =	vsub.f32 $0.0e+00, v3  }
0x1a8: {  	v3 =	vmax.f32 v6, v4;
	v4 =	vmul.f32 $2.000000030e-01, v5  }
0x1a9: {  	(erf) = vpow2.f32 v1;
	v1 =	vmul.f32 $1.442695020e+00, v2;
	v2 =	vsub.f32 $0.0e+00, v3  }
0x1aa: {  	v4 =	vmax.f32 v5, v4  }
0x1ab: {  	(erf) = vpow2.f32 v1;
	v1 =	vmul.f32 $1.442695020e+00, v2;
	v2 =	vsub.f32 $0.0e+00, v4  }
0x1ac: {  	s22 =	sadd.s32 $0x70, s26  }
0x1ad: {  	p6 =	slt.u32 s22, $0x27100;
	v3 =	vld [tilespmem:$0x180];
	v4 =	vpop (erf);
	(erf) = vpow2.f32 v1;
	v1 =	vmul.f32 $1.442695020e+00, v2  }
0x1ae: {  	s25 =	sadd.s32 $0x80, s26;
	v4 =	vpsel !p6, $0x0, v4  }
0x1af: {  	p5 =	slt.u32 s25, $0x27100;
	[tilespmem:$0x3F80] =	vst v4;
	v4 =	vld [tilespmem:$0x1A0];
	v2 =	vpop (erf)  }
0x1b0: {  	s16 =	sadd.s32 $0x90, s26;
	v2 =	vpsel !p5, $0x0, v2  }
0x1b1: {  	p6 =	slt.u32 s16, $0x27100;
	(erf) = vpow2.f32 v1;
	v1 =	vpop (erf);
	[tilespmem:$0x3F90] =	vst v2;
	v2 =	vld [tilespmem:$0x1B0]  }
0x1b2: {  	s22 =	sadd.s32 $0xA0, s26;
	[tilespmem:$0x7800] =	vst v3;
	v1 =	vpsel !p6, $0x0, v1  }
0x1b3: {  	p5 =	slt.u32 s22, $0x27100;
	v3 =	vpop (erf);
	[tilespmem:$0x3FA0] =	vst v1;
	v1 =	vld [tilespmem:$0x1C0]  }
0x1b4: {  	s25 =	sadd.s32 $0xB0, s26;
	v5 =	vld [tilespmem:$0x190];
	[tilespmem:$0x7820] =	vst v4;
	v3 =	vpsel !p5, $0x0, v3  }
0x1b5: {  	p6 =	slt.u32 s25, $0x27100;
	v4 =	vpop (erf);
	[tilespmem:$0x3FB0] =	vst v3  }
0x1b6: {  	s16 =	sadd.s32 $0xC0, s26;
	v3 =	vld [tilespmem:$0x1D0];
	[tilespmem:$0x7830] =	vst v2;
	v2 =	vpsel !p6, $0x0, v4  }
0x1b7: {  	p5 =	slt.u32 s16, $0x27100;
	v4 =	vpop (erf);
	[tilespmem:$0x3FC0] =	vst v2;
	v2 =	vld [tilespmem:$0x1E0]  }
0x1b8: {  	[tilespmem:$0x7840] =	vst v1;
	v1 =	vpsel !p5, $0x0, v4  }
0x1b9: {  	[tilespmem:$0x7810] =	vst v5  }
0x1ba: {  	s22 =	sadd.s32 $0xD0, s26;
	[tilespmem:$0x3FD0] =	vst v1  }
0x1bb: {  	p6 =	slt.u32 s22, $0x27100;
	[tilespmem:$0x7850] =	vst v3;
	v1 =	vpop (erf)  }
0x1bc: {  	v1 =	vpsel !p6, $0x0, v1;
	[tilespmem:$0x7860] =	vst v2  }
0x1bd: {  	s25 =	simm.s32 $0x0;
	s16 =	simm.s32 $0x2;
	[tilespmem:$0x3FE0] =	vst v1  }
0x1be: {  	v4 =	vmov s25;
	[spmem:s3] =	stream.indirect.scatter.add.f32 [tilespmem:s19], [sflag:$0xB], $0x1, s18, s8, $0xb8;
	[tilespmem:$0x1EFF8] =	vst v63  }
0x1bf: {  	v3 =	vand.u32 $0xFFFFFFFC, v4;
	v4 =	vmov s16;
	_ =	swait.ge [sflag:s23], $0x3800  }
0x1c0: {  	v1 =	vbroadcast v3, $0x0;
	v3 =	vand.u32 $0xFFFFFFFE, v4;
	[sflag:s23] =	ssyncset.done $0x0  }
0x1c1: {  	s25 =	simm.s32 $0x4100;
	v2 =	vbroadcast v3, $0x0;
	[sflag:s23] =	ssyncadd.s32 $0xFFFFC800  }
0x1c2: {  	v4 =	vld [tilespmem:s25+$0x70]  }
0x1c3: {  	v5 =	vld [tilespmem:s25+$0xFFFFFF00]  }
0x1c4: {  	s22 =	simm.s32 $0x1;
	v6 =	vld [tilespmem:s25+$0xFFFFFF10]  }
0x1c5: {  	v3 =	vmov s22;
	v7 =	vld [tilespmem:s25+$0xFFFFFF20]  }
0x1c6: {  	v3 =	vand.u32 $0xFFFFFFFD, v3;
	v1 =	vld.idx.msk [tilespmem:v1+s19+$0x0], $0xffff  }
0x1c7: {  	v3 =	vbroadcast v3, $0x0;
	v2 =	vld.idx.msk [tilespmem:v2+s19+$0x0], $0xffff  }
0x1c8: {  	v8 =	vld [tilespmem:s25+$0xFFFFFF30]  }
0x1c9: {  	v9 =	vld [tilespmem:s25+$0xFFFFFF40]  }
0x1ca: {  	v10 =	vld [tilespmem:s25+$0xFFFFFF50]  }
0x1cb: {  	v11 =	vld [tilespmem:s25+$0xFFFFFF60];
	v5 =	vmul.f32 v5, v1  }
0x1cc: {  	v13 =	vld [tilespmem:s25+$0x40];
	v4 =	vmul.f32 v4, v2  }
0x1cd: {  	v3 =	vld.idx.msk [tilespmem:v3+s19+$0x0], $0xffff;
	[tilespmem:s25+$0xFFFFFF00] =	vst v5;
	v5 =	vmul.f32 v6, v1  }
0x1ce: {  	v6 =	vld [tilespmem:s25+$0xFFFFFF70];
	[tilespmem:s25+$0x70] =	vst v4;
	v4 =	vmul.f32 v7, v1  }
0x1cf: {  	v7 =	vld [tilespmem:s25+$0xFFFFFF80];
	[tilespmem:s25+$0xFFFFFF10] =	vst v5;
	v5 =	vmul.f32 v8, v1  }
0x1d0: {  	v8 =	vld [tilespmem:s25+$0xFFFFFF90];
	[tilespmem:s25+$0xFFFFFF20] =	vst v4;
	v4 =	vmul.f32 v9, v1  }
0x1d1: {  	v9 =	vld [tilespmem:s25+$0xFFFFFFA0];
	[tilespmem:s25+$0xFFFFFF30] =	vst v5;
	v5 =	vmul.f32 v10, v1  }
0x1d2: {  	v10 =	vld [tilespmem:s25+$0xFFFFFFB0];
	[tilespmem:s25+$0xFFFFFF40] =	vst v4;
	v4 =	vmul.f32 v11, v1  }
0x1d3: {  	v11 =	vld [tilespmem:s25+$0xFFFFFFC0];
	v6 =	vmul.f32 v6, v1;
	[tilespmem:s25+$0xFFFFFF50] =	vst v5  }
0x1d4: {  	v5 =	vmul.f32 v7, v3;
	v7 =	vld [tilespmem:s25+$0xFFFFFFD0];
	[tilespmem:s25+$0xFFFFFF60] =	vst v4  }
0x1d5: {  	s16 =	simm.s32 $0x3;
	v4 =	vld [tilespmem:s25+$0xFFFFFFE0];
	v8 =	vmul.f32 v8, v3;
	[tilespmem:s25+$0xFFFFFF70] =	vst v6  }
0x1d6: {  	v12 =	vmov s16;
	v6 =	vld [tilespmem:s25+$0xFFFFFFF0];
	[tilespmem:s25+$0xFFFFFF80] =	vst v5;
	v5 =	vmul.f32 v9, v3  }
0x1d7: {  	v9 =	vld [tilespmem:s25+$0x0];
	[tilespmem:s25+$0xFFFFFF90] =	vst v8;
	v8 =	vmul.f32 v10, v3  }
0x1d8: {  	v10 =	vld [tilespmem:s25+$0x10];
	[tilespmem:s25+$0xFFFFFFA0] =	vst v5;
	v5 =	vmul.f32 v11, v3  }
0x1d9: {  	[tilespmem:s25+$0xFFFFFFB0] =	vst v8;
	v7 =	vmul.f32 v7, v3;
	v8 =	vld [tilespmem:s25+$0x20]  }
0x1da: {  	v11 =	vld [tilespmem:s25+$0x30];
	[tilespmem:s25+$0xFFFFFFC0] =	vst v5;
	v4 =	vmul.f32 v4, v3  }
0x1db: {  	v1 =	vld.idx.msk [tilespmem:v12+s19+$0x0], $0xffff;
	v3 =	vmul.f32 v6, v3;
	[tilespmem:s25+$0xFFFFFFD0] =	vst v7  }
0x1dc: {  	v5 =	vmul.f32 v9, v2;
	[tilespmem:s25+$0xFFFFFFE0] =	vst v4;
	v4 =	vld [tilespmem:s25+$0x50]  }
0x1dd: {  	s22 =	simm.s32 $0x4;
	[tilespmem:s25+$0xFFFFFFF0] =	vst v3;
	v6 =	vmul.f32 v10, v2;
	v3 =	vld [tilespmem:s25+$0x60]  }
0x1de: {  	s16 =	simm.s32 $0x7;
	v7 =	vmov s22;
	[tilespmem:s25+$0x0] =	vst v5;
	v9 =	vmul.f32 v8, v2;
	v8 =	vld [tilespmem:s25+$0x80]  }
0x1df: {  	s22 =	simm.s32 $0x5;
	v12 =	vand.u32 $0xFFFFFFFC, v7;
	v7 =	vld [tilespmem:s25+$0x90];
	v5 =	vmov s16;
	v10 =	vmul.f32 v11, v2;
	[tilespmem:s25+$0x10] =	vst v6  }
0x1e0: {  	s29 =	simm.s32 $0x6;
	s10 =	simm.s32 $0x4100;
	v11 =	vmul.f32 v13, v2;
	v6 =	vbroadcast v12, $0x0;
	v12 =	vmov s22;
	s22 =	simm.s32 $0x8;
	[tilespmem:s25+$0x20] =	vst v9;
	v9 =	vld [tilespmem:s25+$0xA0]  }
.LBB2_20:
0x1e1: {  	p4 =	slt.u32 s22, $0x6C;
	v12 =	vand.u32 $0xFFFFFFFD, v12;
	v13 =	vmov s29;
	[tilespmem:s25+$0x30] =	vst v10;
	v4 =	vmul.f32 v4, v2;
	v10 =	vld [tilespmem:s25+$0xB0]  }
0x1e2: {  	v12 =	vbroadcast v12, $0x0;
	v13 =	vand.u32 $0xFFFFFFFE, v13;
	[tilespmem:s25+$0x40] =	vst v11;
	v2 =	vmul.f32 v3, v2;
	v3 =	vld [tilespmem:s25+$0xC0]  }
0x1e3: {  	v11 =	vbroadcast v13, $0x0;
	[tilespmem:s25+$0x50] =	vst v4;
	v4 =	vmul.f32 v8, v1;
	v8 =	vld [tilespmem:s25+$0xD0]  }
0x1e4: {  	[tilespmem:s25+$0x60] =	vst v2;
	v2 =	vmul.f32 v7, v1;
	v7 =	vld [tilespmem:s25+$0xE0]  }
0x1e5: {  	[tilespmem:s25+$0x80] =	vst v4;
	v4 =	vmul.f32 v9, v1;
	v9 =	vld [tilespmem:s25+$0xF0]  }
0x1e6: {  	v5 =	vld.idx.msk [tilespmem:v5+s19+$0x0], $0xffff;
	[tilespmem:s25+$0x90] =	vst v2;
	v2 =	vmul.f32 v10, v1  }
0x1e7: {  	v6 =	vld.idx.msk [tilespmem:v6+s19+$0x0], $0xffff;
	[tilespmem:s25+$0xA0] =	vst v4;
	v3 =	vmul.f32 v3, v1  }
0x1e8: {  	v4 =	vld.idx.msk [tilespmem:v12+s19+$0x0], $0xffff;
	[tilespmem:s25+$0xB0] =	vst v2;
	v8 =	vmul.f32 v8, v1  }
0x1e9: {  	s25 =	sadd.s32 $0x200, s25;
	v2 =	vld.idx.msk [tilespmem:v11+s19+$0x0], $0xffff;
	[tilespmem:s10+$0xC0] =	vst v3;
	v3 =	vmul.f32 v7, v1  }
0x1ea: {  	v7 =	vld [tilespmem:s25+$0x70];
	[tilespmem:s10+$0xD0] =	vst v8;
	v9 =	vmul.f32 v9, v1  }
0x1eb: {  	v8 =	vld [tilespmem:s25+$0xFFFFFF00];
	[tilespmem:s10+$0xE0] =	vst v3  }
0x1ec: {  	v1 =	vmov v5;
	v3 =	vld [tilespmem:s25+$0xFFFFFF10];
	[tilespmem:s10+$0xF0] =	vst v9;
	s10 =	smov.u32 s25  }
0x1ed: {  	v5 =	vld [tilespmem:s25+$0xFFFFFF20]  }
0x1ee: {  	v9 =	vld [tilespmem:s25+$0xFFFFFF30]  }
0x1ef: {  	v10 =	vld [tilespmem:s25+$0xFFFFFF40];
	v7 =	vmul.f32 v7, v2  }
0x1f0: {  	v8 =	vmul.f32 v8, v6;
	v11 =	vld [tilespmem:s25+$0xFFFFFF50]  }
0x1f1: {  	v3 =	vmul.f32 v3, v6;
	v12 =	vld [tilespmem:s25+$0xFFFFFF60];
	[tilespmem:s25+$0x70] =	vst v7  }
0x1f2: {  	[tilespmem:s25+$0xFFFFFF00] =	vst v8;
	v5 =	vmul.f32 v5, v6;
	v7 =	vld [tilespmem:s25+$0xFFFFFF70]  }
0x1f3: {  	[tilespmem:s25+$0xFFFFFF10] =	vst v3;
	v3 =	vmul.f32 v9, v6;
	v8 =	vld [tilespmem:s25+$0xFFFFFF80]  }
0x1f4: {  	[tilespmem:s25+$0xFFFFFF20] =	vst v5;
	v5 =	vmul.f32 v10, v6;
	v9 =	vld [tilespmem:s25+$0xFFFFFF90]  }
0x1f5: {  	[tilespmem:s25+$0xFFFFFF30] =	vst v3;
	v3 =	vmul.f32 v11, v6;
	v10 =	vld [tilespmem:s25+$0xFFFFFFA0]  }
0x1f6: {  	[tilespmem:s25+$0xFFFFFF40] =	vst v5;
	v5 =	vmul.f32 v12, v6;
	v11 =	vld [tilespmem:s25+$0xFFFFFFB0]  }
0x1f7: {  	[tilespmem:s25+$0xFFFFFF50] =	vst v3;
	v3 =	vmul.f32 v7, v6;
	v6 =	vld [tilespmem:s25+$0xFFFFFFC0]  }
0x1f8: {  	[tilespmem:s25+$0xFFFFFF60] =	vst v5;
	v5 =	vmul.f32 v8, v4;
	v7 =	vld [tilespmem:s25+$0xFFFFFFD0]  }
0x1f9: {  	[tilespmem:s25+$0xFFFFFF70] =	vst v3;
	v3 =	vmul.f32 v9, v4;
	v8 =	vld [tilespmem:s25+$0xFFFFFFE0]  }
0x1fa: {  	[tilespmem:s25+$0xFFFFFF80] =	vst v5;
	v5 =	vmul.f32 v10, v4;
	v9 =	vld [tilespmem:s25+$0xFFFFFFF0]  }
0x1fb: {  	[tilespmem:s25+$0xFFFFFF90] =	vst v3;
	v3 =	vmul.f32 v11, v4;
	v10 =	vld [tilespmem:s25+$0x0]  }
0x1fc: {  	[tilespmem:s25+$0xFFFFFFA0] =	vst v5;
	v5 =	vmul.f32 v6, v4;
	v6 =	vld [tilespmem:s25+$0x10]  }
0x1fd: {  	[tilespmem:s25+$0xFFFFFFB0] =	vst v3;
	v3 =	vmul.f32 v7, v4;
	v7 =	vld [tilespmem:s25+$0x20]  }
0x1fe: {  	[tilespmem:s25+$0xFFFFFFC0] =	vst v5;
	v5 =	vmul.f32 v8, v4;
	v11 =	vld [tilespmem:s25+$0x30]  }
0x1ff: {  	[tilespmem:s25+$0xFFFFFFD0] =	vst v3;
	v3 =	vmul.f32 v9, v4;
	v9 =	vld [tilespmem:s25+$0x40]  }
.Ltmp5:
0x200: {  	[tilespmem:s25+$0xFFFFFFE0] =	vst v5;
	v5 =	vmul.f32 v10, v2;
	v4 =	vld [tilespmem:s25+$0x50];
	(pc) =	sbr.rel @p4 .LBB2_20-.Ltmp5, $4  }
0x201: {  	[tilespmem:s25+$0xFFFFFFF0] =	vst v3;
	v6 =	vmul.f32 v6, v2;
	v3 =	vld [tilespmem:s25+$0x60]  }
0x202: {  	s16 =	sadd.s32 $0x3, s22;
	v10 =	vmov s22;
	[tilespmem:s25+$0x0] =	vst v5;
	v13 =	vmul.f32 v7, v2;
	v8 =	vld [tilespmem:s25+$0x80]  }
0x203: {  	s29 =	sadd.s32 $0x1, s22;
	v12 =	vand.u32 $0xFFFFFFFC, v10;
	v5 =	vmov s16;
	[tilespmem:s25+$0x10] =	vst v6;
	v10 =	vmul.f32 v11, v2;
	v7 =	vld [tilespmem:s25+$0x90]  }
0x204: {  	v6 =	vbroadcast v12, $0x0;
	v12 =	vmov s29;
	s29 =	sadd.s32 $0x2, s22;
	s22 =	sadd.s32 $0x4, s22;
	[tilespmem:s25+$0x20] =	vst v13;
	v11 =	vmul.f32 v9, v2;
	v9 =	vld [tilespmem:s25+$0xA0]  }
0x205: {  	v13 =	vld [tilespmem:s25+$0xB0]  }
0x206: {  	v15 =	vld [tilespmem:s25+$0xC0]  }
0x207: {  	v14 =	vmov s29;
	v16 =	vld [tilespmem:s25+$0xD0]  }
0x208: {  	v17 =	vld [tilespmem:s25+$0xE0];
	[tilespmem:s25+$0x30] =	vst v10;
	v4 =	vmul.f32 v4, v2;
	v14 =	vand.u32 $0xFFFFFFFE, v14  }
0x209: {  	v12 =	vand.u32 $0xFFFFFFFD, v12;
	v5 =	vld.idx.msk [tilespmem:v5+s19+$0x0], $0xffff;
	[tilespmem:s25+$0x40] =	vst v11;
	v2 =	vmul.f32 v3, v2;
	v14 =	vbroadcast v14, $0x0  }
0x20a: {  	s22 =	sadd.s32 $0x200, s25;
	v12 =	vbroadcast v12, $0x0;
	v3 =	vld.idx.msk [tilespmem:v6+s19+$0x0], $0xffff;
	v8 =	vmul.f32 v8, v1;
	[tilespmem:s25+$0x50] =	vst v4  }
0x20b: {  	v10 =	vld [tilespmem:s22+$0xFFFFFF00];
	v4 =	vmul.f32 v7, v1;
	[tilespmem:s25+$0x60] =	vst v2  }
0x20c: {  	[tilespmem:s25+$0x80] =	vst v8;
	v8 =	vld [tilespmem:s25+$0xF0];
	v2 =	vmul.f32 v9, v1  }
0x20d: {  	v11 =	vld [tilespmem:s22+$0xFFFFFF10];
	[tilespmem:s25+$0x90] =	vst v4;
	v4 =	vmul.f32 v13, v1  }
0x20e: {  	v9 =	vld [tilespmem:s22+$0x70];
	[tilespmem:s25+$0xA0] =	vst v2;
	v2 =	vmul.f32 v15, v1  }
0x20f: {  	[tilespmem:s25+$0xB0] =	vst v4;
	v4 =	vmul.f32 v16, v1;
	v7 =	vld.idx.msk [tilespmem:v14+s19+$0x0], $0xffff  }
0x210: {  	v6 =	vld.idx.msk [tilespmem:v12+s19+$0x0], $0xffff;
	[tilespmem:s10+$0xC0] =	vst v2;
	v2 =	vmul.f32 v17, v1  }
0x211: {  	v12 =	vld [tilespmem:s22+$0xFFFFFF20];
	[tilespmem:s10+$0xD0] =	vst v4;
	v1 =	vmul.f32 v8, v1  }
0x212: {  	v4 =	vld [tilespmem:s22+$0xFFFFFF30];
	[tilespmem:s10+$0xE0] =	vst v2  }
0x213: {  	v2 =	vld [tilespmem:s22+$0xFFFFFF40];
	[tilespmem:s10+$0xF0] =	vst v1;
	v1 =	vmul.f32 v10, v3  }
0x214: {  	v8 =	vmul.f32 v9, v7;
	v9 =	vld [tilespmem:s22+$0xFFFFFF50]  }
0x215: {  	v10 =	vmul.f32 v11, v3;
	v11 =	vld [tilespmem:s22+$0xFFFFFF60];
	[tilespmem:s22+$0xFFFFFF00] =	vst v1  }
0x216: {  	v1 =	vmul.f32 v12, v3;
	[tilespmem:s22+$0x70] =	vst v8;
	v8 =	vld [tilespmem:s22+$0xFFFFFF70]  }
0x217: {  	[tilespmem:s22+$0xFFFFFF10] =	vst v10;
	v10 =	vld [tilespmem:s22+$0xFFFFFF80];
	v4 =	vmul.f32 v4, v3  }
0x218: {  	[tilespmem:s22+$0xFFFFFF20] =	vst v1;
	v1 =	vmul.f32 v2, v3;
	v2 =	vld [tilespmem:s22+$0xFFFFFF90]  }
0x219: {  	[tilespmem:s22+$0xFFFFFF30] =	vst v4;
	v4 =	vmul.f32 v9, v3;
	v9 =	vld [tilespmem:s22+$0xFFFFFFA0]  }
0x21a: {  	[tilespmem:s22+$0xFFFFFF40] =	vst v1;
	v1 =	vmul.f32 v11, v3;
	v11 =	vld [tilespmem:s22+$0xFFFFFFB0]  }
0x21b: {  	[tilespmem:s22+$0xFFFFFF50] =	vst v4;
	v3 =	vmul.f32 v8, v3;
	v4 =	vld [tilespmem:s22+$0xFFFFFFC0]  }
0x21c: {  	[tilespmem:s22+$0xFFFFFF60] =	vst v1;
	v1 =	vmul.f32 v10, v6;
	v8 =	vld [tilespmem:s22+$0xFFFFFFD0]  }
0x21d: {  	v2 =	vmul.f32 v2, v6;
	[tilespmem:s22+$0xFFFFFF70] =	vst v3;
	v3 =	vld [tilespmem:s22+$0xFFFFFFE0]  }
0x21e: {  	[tilespmem:s22+$0xFFFFFF80] =	vst v1;
	v1 =	vmul.f32 v9, v6;
	v9 =	vld [tilespmem:s22+$0xFFFFFFF0]  }
0x21f: {  	v10 =	vld [tilespmem:s22+$0x0];
	[tilespmem:s22+$0xFFFFFF90] =	vst v2;
	v2 =	vmul.f32 v11, v6  }
0x220: {  	[tilespmem:s22+$0xFFFFFFA0] =	vst v1;
	v1 =	vmul.f32 v4, v6;
	v4 =	vld [tilespmem:s22+$0x10]  }
0x221: {  	[tilespmem:s22+$0xFFFFFFB0] =	vst v2;
	v2 =	vmul.f32 v8, v6;
	v8 =	vld [tilespmem:s22+$0x20]  }
0x222: {  	[tilespmem:s22+$0xFFFFFFC0] =	vst v1;
	v1 =	vmul.f32 v3, v6;
	v3 =	vld [tilespmem:s22+$0x30]  }
0x223: {  	[tilespmem:s22+$0xFFFFFFD0] =	vst v2;
	v2 =	vmul.f32 v9, v6;
	v6 =	vld [tilespmem:s22+$0x40]  }
0x224: {  	v9 =	vld [tilespmem:s22+$0x50];
	[tilespmem:s22+$0xFFFFFFE0] =	vst v1;
	v1 =	vmul.f32 v10, v7  }
0x225: {  	[tilespmem:s22+$0xFFFFFFF0] =	vst v2;
	v2 =	vmul.f32 v4, v7;
	v4 =	vld [tilespmem:s22+$0x60]  }
0x226: {  	[tilespmem:s22+$0x0] =	vst v1;
	v1 =	vmul.f32 v8, v7;
	v8 =	vld [tilespmem:s22+$0x80]  }
0x227: {  	[tilespmem:s22+$0x10] =	vst v2;
	v2 =	vmul.f32 v3, v7;
	v3 =	vld [tilespmem:s22+$0x90]  }
0x228: {  	[tilespmem:s22+$0x20] =	vst v1;
	v1 =	vmul.f32 v6, v7;
	v6 =	vld [tilespmem:s22+$0xA0]  }
0x229: {  	[tilespmem:s22+$0x30] =	vst v2;
	v2 =	vmul.f32 v9, v7;
	v9 =	vld [tilespmem:s22+$0xB0]  }
0x22a: {  	[tilespmem:s22+$0x40] =	vst v1;
	v1 =	vmul.f32 v4, v7;
	v4 =	vld [tilespmem:s22+$0xC0]  }
0x22b: {  	v7 =	vld [tilespmem:s22+$0xD0];
	[tilespmem:s22+$0x50] =	vst v2;
	v2 =	vmul.f32 v8, v5  }
0x22c: {  	[tilespmem:s22+$0x60] =	vst v1;
	v1 =	vmul.f32 v3, v5;
	v3 =	vld [tilespmem:s22+$0xE0]  }
0x22d: {  	[tilespmem:s22+$0x80] =	vst v2;
	v2 =	vmul.f32 v6, v5;
	v6 =	vld [tilespmem:s22+$0xF0]  }
0x22e: {  	[tilespmem:s22+$0x90] =	vst v1;
	v1 =	vmul.f32 v9, v5  }
0x22f: {  	[tilespmem:s22+$0xA0] =	vst v2;
	v2 =	vmul.f32 v4, v5  }
0x230: {  	[tilespmem:s22+$0xB0] =	vst v1;
	v1 =	vmul.f32 v7, v5  }
0x231: {  	[tilespmem:s22+$0xC0] =	vst v2;
	v2 =	vmul.f32 v3, v5  }
0x232: {  	[tilespmem:s22+$0xD0] =	vst v1;
	v1 =	vmul.f32 v6, v5  }
0x233: {  	[tilespmem:s22+$0xE0] =	vst v2  }
0x234: {  	s29 =	simm.s32 $0x4000;
	s10 =	simm.s32 @p3 $0x6;
	[tilespmem:s22+$0xF0] =	vst v1  }
0x235: {  	[spmem:s2] =	stream.indirect.scatter.add.f32 [tilespmem:s29], [sflag:$0xA], $0x80, s18, s8, $0xb8;
	[tilespmem:$0x1EFF8] =	vst v63  }
0x236: {  	_ =	swait.ge @p3 [sflag:s10], $0x3800  }
0x237: {  	[sflag:s10] =	ssyncset.done @p3 $0x0  }
0x238: {  	[sflag:s10] =	ssyncadd.s32 @p3 $0xFFFFC800;
	s10 =	simm.s32 @p3 $0x7  }
0x239: {  	_ =	swait.ge @p3 [sflag:s10], $0x70  }
0x23a: {  	s1 =	sadd.s32 @!p3 $0x70, s1;
	[sflag:s10] =	ssyncset.done @p3 $0x0  }
0x23b: {  	s16 =	simm.s32 @!p3 $0x180;
	[sflag:s10] =	ssyncadd.s32 @p3 $0xFFFFFF90;
	s10 =	simm.s32 @!p3 $0x0  }
0x23c: {  	[tilespmem:s16], [sflag:$0x2] =	stream.linear.gather @!p3 [hbm4b:s1+s10], $0xE0, $0x38;
	[tilespmem:$0x1EFF8] =	vst v63  }
0x23d: {  	s1 =	simm.s32 @!p3 $0x6  }
0x23e: {  	_ =	swait.ge @!p3 [sflag:s1], $0x3800  }
0x23f: {  	[sflag:s1] =	ssyncset.done @!p3 $0x0  }
0x240: {  	[sflag:s1] =	ssyncadd.s32 @!p3 $0xFFFFC800;
	s1 =	simm.s32 @!p3 $0x7  }
0x241: {  	_ =	swait.ge @!p3 [sflag:s1], $0x70  }
0x242: {  	[sflag:s1] =	ssyncset.done @!p3 $0x0  }
0x243: {  	[sflag:s1] =	ssyncadd.s32 @!p3 $0xFFFFFF90;
	s1 =	simm.s32 @!p3 $0x1  }
0x244: {  	_ =	swait.ge @!p3 [sflag:s1], $0xE0  }
0x245: {  	[sflag:s1] =	ssyncset.done @!p3 $0x0  }
0x246: {  	[sflag:s1] =	ssyncadd.s32 @!p3 $0xFFFFFF20  }
0x247: {  	v1 =	vld @!p3 [tilespmem:$0x70]  }
0x248: {  	v2 =	vld @!p3 [tilespmem:$0x80]  }
0x249: {  	v3 =	vld @!p3 [tilespmem:$0x90]  }
0x24a: {  	v4 =	vld @!p3 [tilespmem:$0xA0]  }
0x24b: {  	v5 =	vld @!p3 [tilespmem:$0xB0]  }
0x24c: {  	v6 =	vld @!p3 [tilespmem:$0xC0];
	v1 =	vadd.s32 @!p3 $0xFFFFD8F0, v1  }
0x24d: {  	[tilespmem:$0x100] =	vst @!p3 v1;
	v1 =	vadd.s32 @!p3 $0xFFFFD8F0, v2;
	v2 =	vld @!p3 [tilespmem:$0xD0]  }
0x24e: {  	[tilespmem:$0x110] =	vst @!p3 v1;
	v1 =	vadd.s32 @!p3 $0xFFFFD8F0, v3  }
0x24f: {  	[tilespmem:$0x120] =	vst @!p3 v1;
	v1 =	vadd.s32 @!p3 $0xFFFFD8F0, v4  }
0x250: {  	[tilespmem:$0x130] =	vst @!p3 v1;
	v1 =	vadd.s32 @!p3 $0xFFFFD8F0, v5  }
0x251: {  	[tilespmem:$0x140] =	vst @!p3 v1;
	v1 =	vadd.s32 @!p3 $0xFFFFD8F0, v6  }
0x252: {  	[tilespmem:$0x150] =	vst @!p3 v1;
	v1 =	vadd.s32 @!p3 $0xFFFFD8F0, v2  }
0x253: {  	s16 =	simm.s32 @!p3 $0x480;
	s1 =	simm.s32 @!p3 $0xE0;
	[tilespmem:$0x160] =	vst @!p3 v1  }
0x254: {  	[tilespmem:s16], [sflag:$0x4] =	stream.indirect.gather @!p3 [hbm4b:s7+s1], $0x1, s10, s1, $0xb8;
	[tilespmem:$0x1EFF8] =	vst v63  }
0x255: {  	s1 =	simm.s32 @!p3 $0x70;
	s10 =	simm.s32 @!p3 $0x100;
	s16 =	simm.s32 @!p3 $0x600  }
0x256: {  	[tilespmem:s16], [sflag:$0x5] =	stream.indirect.gather @!p3 [hbm4b:s5+s1], $0x80, s10, s1, $0xb8;
	[tilespmem:$0x1EFF8] =	vst v63  }
0x257: {  	_ =	swait.ge [sflag:s4], $0xE0  }
0x258: {  	[sflag:s4] =	ssyncset.done $0x0  }
0x259: {  	[sflag:s4] =	ssyncadd.s32 $0xFFFFFF20  }
0x25a: {  	v1 =	vld [tilespmem:$0x7880]  }
0x25b: {  	v2 =	vld [tilespmem:$0x78F0]  }
0x25c: {  	v3 =	vld [tilespmem:$0x7890]  }
0x25d: {  	v4 =	vld [tilespmem:$0x7900]  }
0x25e: {  	v5 =	vld [tilespmem:$0x78A0]  }
0x25f: {  	v6 =	vld [tilespmem:$0x7910]  }
0x260: {  	v7 =	vld [tilespmem:$0x7920];
	v1 =	vadd.f32 v2, v1  }
0x261: {  	v2 =	vld [tilespmem:$0x78B0]  }
0x262: {  	v9 =	vld [tilespmem:$0x7930];
	v3 =	vadd.f32 v4, v3;
	v8 =	vmul.f32 $2.000000030e-01, v1  }
0x263: {  	v4 =	vld [tilespmem:$0x78C0]  }
0x264: {  	v10 =	vld [tilespmem:$0x7940];
	v5 =	vadd.f32 v6, v5;
	v1 =	vmax.f32 v1, v8;
	v8 =	vmul.f32 $2.000000030e-01, v3  }
0x265: {  	v6 =	vld [tilespmem:$0x78D0];
	v1 =	vsub.f32 $0.0e+00, v1  }
0x266: {  	v11 =	vld [tilespmem:$0x7950];
	v2 =	vadd.f32 v7, v2;
	v3 =	vmax.f32 v3, v8;
	v8 =	vmul.f32 $2.000000030e-01, v5  }
0x267: {  	v7 =	vld [tilespmem:$0x78E0];
	v1 =	vmul.f32 $1.442695020e+00, v1;
	v3 =	vsub.f32 $0.0e+00, v3  }
0x268: {  	v4 =	vadd.f32 v9, v4;
	v5 =	vmax.f32 v5, v8;
	v8 =	vmul.f32 $2.000000030e-01, v2  }
0x269: {  	(erf) = vpow2.f32 v1;
	v1 =	vmul.f32 $1.442695020e+00, v3;
	v3 =	vsub.f32 $0.0e+00, v5  }
0x26a: {  	v6 =	vadd.f32 v10, v6;
	v5 =	vmul.f32 $2.000000030e-01, v4;
	v2 =	vmax.f32 v2, v8  }
0x26b: {  	(erf) = vpow2.f32 v1;
	v1 =	vmul.f32 $1.442695020e+00, v3;
	v2 =	vsub.f32 $0.0e+00, v2  }
0x26c: {  	v3 =	vmax.f32 v4, v5;
	v4 =	vmul.f32 $2.000000030e-01, v6;
	v5 =	vadd.f32 v11, v7  }
0x26d: {  	(erf) = vpow2.f32 v1;
	v1 =	vmul.f32 $1.442695020e+00, v2;
	v2 =	vsub.f32 $0.0e+00, v3  }
0x26e: {  	v3 =	vmax.f32 v6, v4;
	v4 =	vmul.f32 $2.000000030e-01, v5  }
0x26f: {  	(erf) = vpow2.f32 v1;
	v1 =	vmul.f32 $1.442695020e+00, v2;
	v2 =	vsub.f32 $0.0e+00, v3  }
0x270: {  	v4 =	vmax.f32 v5, v4  }
0x271: {  	(erf) = vpow2.f32 v1;
	v1 =	vmul.f32 $1.442695020e+00, v2;
	v2 =	vsub.f32 $0.0e+00, v4  }
0x272: {  	s10 =	sadd.s32 $0xE0, s26  }
0x273: {  	p4 =	slt.u32 s10, $0x27100;
	v3 =	vld [tilespmem:$0x300];
	v4 =	vpop (erf);
	(erf) = vpow2.f32 v1;
	v1 =	vmul.f32 $1.442695020e+00, v2  }
0x274: {  	s16 =	sadd.s32 $0xF0, s26;
	v4 =	vpsel !p4, $0x0, v4  }
0x275: {  	p5 =	slt.u32 s16, $0x27100;
	[tilespmem:$0x7980] =	vst v4;
	v4 =	vld [tilespmem:$0x320];
	v2 =	vpop (erf)  }
0x276: {  	s22 =	sadd.s32 $0x100, s26;
	v2 =	vpsel !p5, $0x0, v2  }
0x277: {  	p6 =	slt.u32 s22, $0x27100;
	(erf) = vpow2.f32 v1;
	v1 =	vpop (erf);
	[tilespmem:$0x7990] =	vst v2;
	v2 =	vld [tilespmem:$0x330]  }
0x278: {  	s25 =	sadd.s32 $0x110, s26;
	[tilespmem:$0xB200] =	vst v3;
	v1 =	vpsel !p6, $0x0, v1  }
0x279: {  	p5 =	slt.u32 s25, $0x27100;
	v3 =	vpop (erf);
	[tilespmem:$0x79A0] =	vst v1;
	v1 =	vld [tilespmem:$0x340]  }
0x27a: {  	s29 =	sadd.s32 $0x120, s26;
	v5 =	vld [tilespmem:$0x310];
	[tilespmem:$0xB220] =	vst v4;
	v3 =	vpsel !p5, $0x0, v3  }
0x27b: {  	p6 =	slt.u32 s29, $0x27100;
	v4 =	vpop (erf);
	[tilespmem:$0x79B0] =	vst v3  }
0x27c: {  	s10 =	sadd.s32 $0x130, s26;
	v3 =	vld [tilespmem:$0x350];
	[tilespmem:$0xB230] =	vst v2;
	v2 =	vpsel !p6, $0x0, v4  }
0x27d: {  	p5 =	slt.u32 s10, $0x27100;
	v4 =	vpop (erf);
	[tilespmem:$0x79C0] =	vst v2;
	v2 =	vld [tilespmem:$0x360]  }
0x27e: {  	[tilespmem:$0xB240] =	vst v1;
	v1 =	vpsel !p5, $0x0, v4  }
0x27f: {  	[tilespmem:$0xB210] =	vst v5  }
0x280: {  	s16 =	sadd.s32 $0x140, s26;
	[tilespmem:$0x79D0] =	vst v1  }
0x281: {  	p6 =	slt.u32 s16, $0x27100;
	[tilespmem:$0xB250] =	vst v3;
	v1 =	vpop (erf)  }
0x282: {  	v1 =	vpsel !p6, $0x0, v1;
	[tilespmem:$0xB260] =	vst v2  }
0x283: {  	s22 =	simm.s32 $0x0;
	s25 =	simm.s32 $0x2;
	[tilespmem:$0x79E0] =	vst v1  }
0x284: {  	v4 =	vmov s22;
	[spmem:s3] =	stream.indirect.scatter.add.f32 [tilespmem:s21], [sflag:$0xF], $0x1, s20, s8, $0xb8;
	[tilespmem:$0x1EFF8] =	vst v63  }
0x285: {  	v3 =	vand.u32 $0xFFFFFFFC, v4;
	v4 =	vmov s25;
	_ =	swait.ge [sflag:s14], $0x3800  }
0x286: {  	v1 =	vbroadcast v3, $0x0;
	v3 =	vand.u32 $0xFFFFFFFE, v4;
	[sflag:s14] =	ssyncset.done $0x0  }
0x287: {  	s1 =	simm.s32 $0x7B00;
	v2 =	vbroadcast v3, $0x0;
	[sflag:s14] =	ssyncadd.s32 $0xFFFFC800  }
0x288: {  	v4 =	vld [tilespmem:s1+$0x70]  }
0x289: {  	v5 =	vld [tilespmem:s1+$0xFFFFFF00]  }
0x28a: {  	s29 =	simm.s32 $0x1;
	v6 =	vld [tilespmem:s1+$0xFFFFFF10]  }
0x28b: {  	v3 =	vmov s29;
	v7 =	vld [tilespmem:s1+$0xFFFFFF20]  }
0x28c: {  	v3 =	vand.u32 $0xFFFFFFFD, v3;
	v1 =	vld.idx.msk [tilespmem:v1+s21+$0x0], $0xffff  }
0x28d: {  	v3 =	vbroadcast v3, $0x0;
	v2 =	vld.idx.msk [tilespmem:v2+s21+$0x0], $0xffff  }
0x28e: {  	v8 =	vld [tilespmem:s1+$0xFFFFFF30]  }
0x28f: {  	v9 =	vld [tilespmem:s1+$0xFFFFFF40]  }
0x290: {  	v10 =	vld [tilespmem:s1+$0xFFFFFF50]  }
0x291: {  	v11 =	vld [tilespmem:s1+$0xFFFFFF60];
	v5 =	vmul.f32 v5, v1  }
0x292: {  	v13 =	vld [tilespmem:s1+$0x40];
	v4 =	vmul.f32 v4, v2  }
0x293: {  	v3 =	vld.idx.msk [tilespmem:v3+s21+$0x0], $0xffff;
	[tilespmem:s1+$0xFFFFFF00] =	vst v5;
	v5 =	vmul.f32 v6, v1  }
0x294: {  	v6 =	vld [tilespmem:s1+$0xFFFFFF70];
	[tilespmem:s1+$0x70] =	vst v4;
	v4 =	vmul.f32 v7, v1  }
0x295: {  	v7 =	vld [tilespmem:s1+$0xFFFFFF80];
	[tilespmem:s1+$0xFFFFFF10] =	vst v5;
	v5 =	vmul.f32 v8, v1  }
0x296: {  	v8 =	vld [tilespmem:s1+$0xFFFFFF90];
	[tilespmem:s1+$0xFFFFFF20] =	vst v4;
	v4 =	vmul.f32 v9, v1  }
0x297: {  	v9 =	vld [tilespmem:s1+$0xFFFFFFA0];
	[tilespmem:s1+$0xFFFFFF30] =	vst v5;
	v5 =	vmul.f32 v10, v1  }
0x298: {  	v10 =	vld [tilespmem:s1+$0xFFFFFFB0];
	[tilespmem:s1+$0xFFFFFF40] =	vst v4;
	v4 =	vmul.f32 v11, v1  }
0x299: {  	v11 =	vld [tilespmem:s1+$0xFFFFFFC0];
	v6 =	vmul.f32 v6, v1;
	[tilespmem:s1+$0xFFFFFF50] =	vst v5  }
0x29a: {  	v5 =	vmul.f32 v7, v3;
	v7 =	vld [tilespmem:s1+$0xFFFFFFD0];
	[tilespmem:s1+$0xFFFFFF60] =	vst v4  }
0x29b: {  	s16 =	simm.s32 $0x3;
	v4 =	vld [tilespmem:s1+$0xFFFFFFE0];
	v8 =	vmul.f32 v8, v3;
	[tilespmem:s1+$0xFFFFFF70] =	vst v6  }
0x29c: {  	v12 =	vmov s16;
	v6 =	vld [tilespmem:s1+$0xFFFFFFF0];
	[tilespmem:s1+$0xFFFFFF80] =	vst v5;
	v5 =	vmul.f32 v9, v3  }
0x29d: {  	v9 =	vld [tilespmem:s1+$0x0];
	[tilespmem:s1+$0xFFFFFF90] =	vst v8;
	v8 =	vmul.f32 v10, v3  }
0x29e: {  	v10 =	vld [tilespmem:s1+$0x10];
	[tilespmem:s1+$0xFFFFFFA0] =	vst v5;
	v5 =	vmul.f32 v11, v3  }
0x29f: {  	[tilespmem:s1+$0xFFFFFFB0] =	vst v8;
	v7 =	vmul.f32 v7, v3;
	v8 =	vld [tilespmem:s1+$0x20]  }
0x2a0: {  	v11 =	vld [tilespmem:s1+$0x30];
	[tilespmem:s1+$0xFFFFFFC0] =	vst v5;
	v4 =	vmul.f32 v4, v3  }
0x2a1: {  	v1 =	vld.idx.msk [tilespmem:v12+s21+$0x0], $0xffff;
	v3 =	vmul.f32 v6, v3;
	[tilespmem:s1+$0xFFFFFFD0] =	vst v7  }
0x2a2: {  	v5 =	vmul.f32 v9, v2;
	[tilespmem:s1+$0xFFFFFFE0] =	vst v4;
	v4 =	vld [tilespmem:s1+$0x50]  }
0x2a3: {  	s22 =	simm.s32 $0x4;
	[tilespmem:s1+$0xFFFFFFF0] =	vst v3;
	v6 =	vmul.f32 v10, v2;
	v3 =	vld [tilespmem:s1+$0x60]  }
0x2a4: {  	s25 =	simm.s32 $0x7;
	v7 =	vmov s22;
	[tilespmem:s1+$0x0] =	vst v5;
	v9 =	vmul.f32 v8, v2;
	v8 =	vld [tilespmem:s1+$0x80]  }
0x2a5: {  	s29 =	simm.s32 $0x5;
	v12 =	vand.u32 $0xFFFFFFFC, v7;
	v7 =	vld [tilespmem:s1+$0x90];
	v5 =	vmov s25;
	v10 =	vmul.f32 v11, v2;
	[tilespmem:s1+$0x10] =	vst v6  }
0x2a6: {  	s10 =	simm.s32 $0x7B00;
	s22 =	simm.s32 $0x8;
	s25 =	simm.s32 $0x6;
	v11 =	vmul.f32 v13, v2;
	v6 =	vbroadcast v12, $0x0;
	v12 =	vmov s29;
	[tilespmem:s1+$0x20] =	vst v9;
	v9 =	vld [tilespmem:s1+$0xA0]  }
.LBB2_22:
0x2a7: {  	p4 =	slt.u32 s22, $0x6C;
	v12 =	vand.u32 $0xFFFFFFFD, v12;
	v13 =	vmov s25;
	[tilespmem:s1+$0x30] =	vst v10;
	v4 =	vmul.f32 v4, v2;
	v10 =	vld [tilespmem:s1+$0xB0]  }
0x2a8: {  	v12 =	vbroadcast v12, $0x0;
	v13 =	vand.u32 $0xFFFFFFFE, v13;
	[tilespmem:s1+$0x40] =	vst v11;
	v2 =	vmul.f32 v3, v2;
	v3 =	vld [tilespmem:s1+$0xC0]  }
0x2a9: {  	v11 =	vbroadcast v13, $0x0;
	[tilespmem:s1+$0x50] =	vst v4;
	v4 =	vmul.f32 v8, v1;
	v8 =	vld [tilespmem:s1+$0xD0]  }
0x2aa: {  	[tilespmem:s1+$0x60] =	vst v2;
	v2 =	vmul.f32 v7, v1;
	v7 =	vld [tilespmem:s1+$0xE0]  }
0x2ab: {  	[tilespmem:s1+$0x80] =	vst v4;
	v4 =	vmul.f32 v9, v1;
	v9 =	vld [tilespmem:s1+$0xF0]  }
0x2ac: {  	v5 =	vld.idx.msk [tilespmem:v5+s21+$0x0], $0xffff;
	[tilespmem:s1+$0x90] =	vst v2;
	v2 =	vmul.f32 v10, v1  }
0x2ad: {  	v6 =	vld.idx.msk [tilespmem:v6+s21+$0x0], $0xffff;
	[tilespmem:s1+$0xA0] =	vst v4;
	v3 =	vmul.f32 v3, v1  }
0x2ae: {  	v4 =	vld.idx.msk [tilespmem:v12+s21+$0x0], $0xffff;
	[tilespmem:s1+$0xB0] =	vst v2;
	v8 =	vmul.f32 v8, v1  }
0x2af: {  	s1 =	sadd.s32 $0x200, s1;
	v2 =	vld.idx.msk [tilespmem:v11+s21+$0x0], $0xffff;
	[tilespmem:s10+$0xC0] =	vst v3;
	v3 =	vmul.f32 v7, v1  }
0x2b0: {  	v7 =	vld [tilespmem:s1+$0x70];
	[tilespmem:s10+$0xD0] =	vst v8;
	v9 =	vmul.f32 v9, v1  }
0x2b1: {  	v8 =	vld [tilespmem:s1+$0xFFFFFF00];
	[tilespmem:s10+$0xE0] =	vst v3  }
0x2b2: {  	v1 =	vmov v5;
	v3 =	vld [tilespmem:s1+$0xFFFFFF10];
	[tilespmem:s10+$0xF0] =	vst v9;
	s10 =	smov.u32 s1  }
0x2b3: {  	v5 =	vld [tilespmem:s1+$0xFFFFFF20]  }
0x2b4: {  	v9 =	vld [tilespmem:s1+$0xFFFFFF30]  }
0x2b5: {  	v10 =	vld [tilespmem:s1+$0xFFFFFF40];
	v7 =	vmul.f32 v7, v2  }
0x2b6: {  	v8 =	vmul.f32 v8, v6;
	v11 =	vld [tilespmem:s1+$0xFFFFFF50]  }
0x2b7: {  	v3 =	vmul.f32 v3, v6;
	v12 =	vld [tilespmem:s1+$0xFFFFFF60];
	[tilespmem:s1+$0x70] =	vst v7  }
0x2b8: {  	[tilespmem:s1+$0xFFFFFF00] =	vst v8;
	v5 =	vmul.f32 v5, v6;
	v7 =	vld [tilespmem:s1+$0xFFFFFF70]  }
0x2b9: {  	[tilespmem:s1+$0xFFFFFF10] =	vst v3;
	v3 =	vmul.f32 v9, v6;
	v8 =	vld [tilespmem:s1+$0xFFFFFF80]  }
0x2ba: {  	[tilespmem:s1+$0xFFFFFF20] =	vst v5;
	v5 =	vmul.f32 v10, v6;
	v9 =	vld [tilespmem:s1+$0xFFFFFF90]  }
0x2bb: {  	[tilespmem:s1+$0xFFFFFF30] =	vst v3;
	v3 =	vmul.f32 v11, v6;
	v10 =	vld [tilespmem:s1+$0xFFFFFFA0]  }
0x2bc: {  	[tilespmem:s1+$0xFFFFFF40] =	vst v5;
	v5 =	vmul.f32 v12, v6;
	v11 =	vld [tilespmem:s1+$0xFFFFFFB0]  }
0x2bd: {  	[tilespmem:s1+$0xFFFFFF50] =	vst v3;
	v3 =	vmul.f32 v7, v6;
	v6 =	vld [tilespmem:s1+$0xFFFFFFC0]  }
0x2be: {  	[tilespmem:s1+$0xFFFFFF60] =	vst v5;
	v5 =	vmul.f32 v8, v4;
	v7 =	vld [tilespmem:s1+$0xFFFFFFD0]  }
0x2bf: {  	[tilespmem:s1+$0xFFFFFF70] =	vst v3;
	v3 =	vmul.f32 v9, v4;
	v8 =	vld [tilespmem:s1+$0xFFFFFFE0]  }
0x2c0: {  	[tilespmem:s1+$0xFFFFFF80] =	vst v5;
	v5 =	vmul.f32 v10, v4;
	v9 =	vld [tilespmem:s1+$0xFFFFFFF0]  }
0x2c1: {  	[tilespmem:s1+$0xFFFFFF90] =	vst v3;
	v3 =	vmul.f32 v11, v4;
	v10 =	vld [tilespmem:s1+$0x0]  }
0x2c2: {  	[tilespmem:s1+$0xFFFFFFA0] =	vst v5;
	v5 =	vmul.f32 v6, v4;
	v6 =	vld [tilespmem:s1+$0x10]  }
0x2c3: {  	[tilespmem:s1+$0xFFFFFFB0] =	vst v3;
	v3 =	vmul.f32 v7, v4;
	v7 =	vld [tilespmem:s1+$0x20]  }
0x2c4: {  	[tilespmem:s1+$0xFFFFFFC0] =	vst v5;
	v5 =	vmul.f32 v8, v4;
	v11 =	vld [tilespmem:s1+$0x30]  }
0x2c5: {  	[tilespmem:s1+$0xFFFFFFD0] =	vst v3;
	v3 =	vmul.f32 v9, v4;
	v9 =	vld [tilespmem:s1+$0x40]  }
.Ltmp6:
0x2c6: {  	[tilespmem:s1+$0xFFFFFFE0] =	vst v5;
	v5 =	vmul.f32 v10, v2;
	v4 =	vld [tilespmem:s1+$0x50];
	(pc) =	sbr.rel @p4 .LBB2_22-.Ltmp6, $4  }
0x2c7: {  	[tilespmem:s1+$0xFFFFFFF0] =	vst v3;
	v6 =	vmul.f32 v6, v2;
	v3 =	vld [tilespmem:s1+$0x60]  }
0x2c8: {  	s16 =	sadd.s32 $0x3, s22;
	v10 =	vmov s22;
	[tilespmem:s1+$0x0] =	vst v5;
	v13 =	vmul.f32 v7, v2;
	v8 =	vld [tilespmem:s1+$0x80]  }
0x2c9: {  	s25 =	sadd.s32 $0x1, s22;
	v12 =	vand.u32 $0xFFFFFFFC, v10;
	v5 =	vmov s16;
	[tilespmem:s1+$0x10] =	vst v6;
	v10 =	vmul.f32 v11, v2;
	v7 =	vld [tilespmem:s1+$0x90]  }
0x2ca: {  	v6 =	vbroadcast v12, $0x0;
	v12 =	vmov s25;
	s25 =	sadd.s32 $0x2, s22;
	s22 =	sadd.s32 $0x4, s22;
	[tilespmem:s1+$0x20] =	vst v13;
	v11 =	vmul.f32 v9, v2;
	v9 =	vld [tilespmem:s1+$0xA0]  }
0x2cb: {  	v13 =	vld [tilespmem:s1+$0xB0]  }
0x2cc: {  	v15 =	vld [tilespmem:s1+$0xC0]  }
0x2cd: {  	v16 =	vld [tilespmem:s1+$0xD0]  }
0x2ce: {  	v17 =	vld [tilespmem:s1+$0xE0]  }
0x2cf: {  	v29 =	vld [tilespmem:s1+$0xF0];
	[tilespmem:s1+$0x30] =	vst v10;
	v4 =	vmul.f32 v4, v2  }
0x2d0: {  	v5 =	vld.idx.msk [tilespmem:v5+s21+$0x0], $0xffff;
	[tilespmem:s1+$0x40] =	vst v11;
	v2 =	vmul.f32 v3, v2  }
0x2d1: {  	s22 =	sadd.s32 $0x200, s1;
	v3 =	vld.idx.msk [tilespmem:v6+s21+$0x0], $0xffff;
	v8 =	vmul.f32 v8, v1;
	[tilespmem:s1+$0x50] =	vst v4  }
0x2d2: {  	v14 =	vmov s25;
	v34 =	vld [tilespmem:s22+$0x70];
	v30 =	vmul.f32 v7, v1;
	[tilespmem:s1+$0x60] =	vst v2  }
0x2d3: {  	v14 =	vand.u32 $0xFFFFFFFE, v14;
	v35 =	vld [tilespmem:s22+$0xFFFFFF00];
	[tilespmem:s1+$0x80] =	vst v8;
	v2 =	vmul.f32 v9, v1  }
0x2d4: {  	v37 =	vld [tilespmem:s22+$0xFFFFFF10];
	v14 =	vbroadcast v14, $0x0;
	[tilespmem:s1+$0x90] =	vst v30;
	v33 =	vmul.f32 v13, v1  }
0x2d5: {  	v38 =	vld [tilespmem:s22+$0xFFFFFF20];
	[tilespmem:s1+$0xA0] =	vst v2;
	v2 =	vmul.f32 v15, v1  }
0x2d6: {  	v12 =	vand.u32 $0xFFFFFFFD, v12;
	v39 =	vld [tilespmem:s22+$0xFFFFFF30];
	v36 =	vmul.f32 v16, v1;
	[tilespmem:s1+$0xB0] =	vst v33  }
0x2d7: {  	v12 =	vbroadcast v12, $0x0;
	v41 =	vld [tilespmem:s22+$0xFFFFFF50];
	[tilespmem:s10+$0xC0] =	vst v2;
	v2 =	vmul.f32 v17, v1  }
0x2d8: {  	v43 =	vld [tilespmem:s22+$0xFFFFFF60];
	[tilespmem:s10+$0xD0] =	vst v36;
	v1 =	vmul.f32 v29, v1  }
0x2d9: {  	v42 =	vmul.f32 v37, v3;
	[tilespmem:s10+$0xE0] =	vst v2;
	v2 =	vld [tilespmem:s22+$0xFFFFFF40]  }
0x2da: {  	v32 =	vld.idx.msk [tilespmem:v14+s21+$0x0], $0xffff;
	[tilespmem:s10+$0xF0] =	vst v1;
	v1 =	vmul.f32 v35, v3  }
0x2db: {  	v44 =	vld [tilespmem:s22+$0xFFFFFF70];
	v4 =	vmul.f32 v39, v3;
	[tilespmem:s22+$0xFFFFFF10] =	vst v42  }
0x2dc: {  	v45 =	vld [tilespmem:s22+$0xFFFFFF80];
	[tilespmem:s22+$0xFFFFFF00] =	vst v1;
	v1 =	vmul.f32 v38, v3  }
0x2dd: {  	v46 =	vmul.f32 v41, v3;
	v31 =	vld.idx.msk [tilespmem:v12+s21+$0x0], $0xffff;
	[tilespmem:s22+$0xFFFFFF30] =	vst v4  }
0x2de: {  	[tilespmem:s22+$0xFFFFFF20] =	vst v1;
	v1 =	vmul.f32 v2, v3;
	v2 =	vld [tilespmem:s22+$0xFFFFFF90]  }
0x2df: {  	v47 =	vld [tilespmem:s22+$0xFFFFFFA0];
	[tilespmem:s22+$0xFFFFFF50] =	vst v46;
	v40 =	vmul.f32 v34, v32  }
0x2e0: {  	v48 =	vld [tilespmem:s22+$0xFFFFFFB0];
	[tilespmem:s22+$0xFFFFFF40] =	vst v1;
	v1 =	vmul.f32 v43, v3  }
0x2e1: {  	v49 =	vld [tilespmem:s22+$0xFFFFFFC0];
	[tilespmem:s22+$0x70] =	vst v40;
	v3 =	vmul.f32 v44, v3  }
0x2e2: {  	v50 =	vld [tilespmem:s22+$0xFFFFFFD0];
	[tilespmem:s22+$0xFFFFFF60] =	vst v1;
	v1 =	vmul.f32 v45, v31  }
0x2e3: {  	[tilespmem:s22+$0xFFFFFF70] =	vst v3;
	v3 =	vld [tilespmem:s22+$0xFFFFFFE0];
	v2 =	vmul.f32 v2, v31  }
0x2e4: {  	v51 =	vld [tilespmem:s22+$0xFFFFFFF0];
	[tilespmem:s22+$0xFFFFFF80] =	vst v1;
	v1 =	vmul.f32 v47, v31  }
0x2e5: {  	v52 =	vld [tilespmem:s22+$0x0];
	[tilespmem:s22+$0xFFFFFF90] =	vst v2;
	v2 =	vmul.f32 v48, v31  }
0x2e6: {  	v53 =	vld [tilespmem:s22+$0x10];
	[tilespmem:s22+$0xFFFFFFA0] =	vst v1;
	v1 =	vmul.f32 v49, v31  }
0x2e7: {  	v54 =	vld [tilespmem:s22+$0x20];
	[tilespmem:s22+$0xFFFFFFB0] =	vst v2;
	v2 =	vmul.f32 v50, v31  }
0x2e8: {  	[tilespmem:s22+$0xFFFFFFC0] =	vst v1;
	v1 =	vmul.f32 v3, v31;
	v3 =	vld [tilespmem:s22+$0x30]  }
0x2e9: {  	v55 =	vld [tilespmem:s22+$0x40];
	[tilespmem:s22+$0xFFFFFFD0] =	vst v2;
	v2 =	vmul.f32 v51, v31  }
0x2ea: {  	v56 =	vld [tilespmem:s22+$0x50];
	[tilespmem:s22+$0xFFFFFFE0] =	vst v1;
	v1 =	vmul.f32 v52, v32  }
0x2eb: {  	v57 =	vld [tilespmem:s22+$0x60];
	[tilespmem:s22+$0xFFFFFFF0] =	vst v2;
	v2 =	vmul.f32 v53, v32  }
0x2ec: {  	v58 =	vld [tilespmem:s22+$0x80];
	[tilespmem:s22+$0x0] =	vst v1;
	v1 =	vmul.f32 v54, v32  }
0x2ed: {  	[tilespmem:s22+$0x10] =	vst v2;
	v2 =	vmul.f32 v3, v32;
	v3 =	vld [tilespmem:s22+$0x90]  }
0x2ee: {  	v59 =	vld [tilespmem:s22+$0xA0];
	[tilespmem:s22+$0x20] =	vst v1;
	v1 =	vmul.f32 v55, v32  }
0x2ef: {  	v60 =	vld [tilespmem:s22+$0xB0];
	[tilespmem:s22+$0x30] =	vst v2;
	v2 =	vmul.f32 v56, v32  }
0x2f0: {  	v61 =	vld [tilespmem:s22+$0xC0];
	[tilespmem:s22+$0x40] =	vst v1;
	v1 =	vmul.f32 v57, v32  }
0x2f1: {  	v62 =	vld [tilespmem:s22+$0xD0];
	[tilespmem:s22+$0x50] =	vst v2;
	v2 =	vmul.f32 v58, v5  }
0x2f2: {  	[tilespmem:s22+$0x60] =	vst v1;
	v1 =	vmul.f32 v3, v5;
	v3 =	vld [tilespmem:s22+$0xE0]  }
0x2f3: {  	v63 =	vld [tilespmem:s22+$0xF0];
	[tilespmem:s22+$0x80] =	vst v2;
	v2 =	vmul.f32 v59, v5  }
0x2f4: {  	[tilespmem:s22+$0x90] =	vst v1;
	v1 =	vmul.f32 v60, v5  }
0x2f5: {  	[tilespmem:s22+$0xA0] =	vst v2;
	v2 =	vmul.f32 v61, v5  }
0x2f6: {  	[tilespmem:s22+$0xB0] =	vst v1;
	v1 =	vmul.f32 v62, v5  }
.Ltmp7:
0x2f7: {  	[tilespmem:s22+$0xC0] =	vst v2;
	v2 =	vmul.f32 v3, v5;
	(pc) =	sbr.rel @p3 .LBB2_25-.Ltmp7, $4  }
0x2f8: {  	[tilespmem:s22+$0xD0] =	vst v1;
	v1 =	vmul.f32 v63, v5  }
0x2f9: {  	[tilespmem:s22+$0xE0] =	vst v2  }
0x2fa: {  	s29 =	simm.s32 $0x7A00;
	[tilespmem:s22+$0xF0] =	vst v1  }
0x2fb: {  	[spmem:s2] =	stream.indirect.scatter.add.f32 [tilespmem:s29], [sflag:$0xE], $0x80, s20, s8, $0xb8;
	[tilespmem:$0x1EFF8] =	vst v63  }
0x2fc: {  	s1 =	sshrl.u32 s26, $0x2  }
0x2fd: {  	s1 =	sand.u32 $0x1FFFFFFF, s1  }
0x2fe: {  	s1 =	sadd.s32 s9, s1  }
0x2ff: {  	s10 =	simm.s32 $0x0;
	s16 =	simm.s32 $0x300;
	s1 =	sadd.s32 $0x8C, s1  }
0x300: {  	[tilespmem:s16], [sflag:$0x3] =	stream.linear.gather [hbm4b:s1+s10], $0xE0, $0x38;
	[tilespmem:$0x1EFF8] =	vst v63  }
0x301: {  	_ =	swait.ge [sflag:s15], $0x3800  }
0x302: {  	[sflag:s15] =	ssyncset.done $0x0  }
0x303: {  	[sflag:s15] =	ssyncadd.s32 $0xFFFFC800  }
0x304: {  	_ =	swait.ge [sflag:s30], $0x70  }
0x305: {  	[sflag:s30] =	ssyncset.done $0x0  }
0x306: {  	[sflag:s30] =	ssyncadd.s32 $0xFFFFFF90  }
0x307: {  	_ =	swait.ge [sflag:s11], $0xE0  }
0x308: {  	[sflag:s11] =	ssyncset.done $0x0  }
0x309: {  	[sflag:s11] =	ssyncadd.s32 $0xFFFFFF20  }
0x30a: {  	v1 =	vld [tilespmem:$0x1F0]  }
0x30b: {  	v2 =	vld [tilespmem:$0x200]  }
0x30c: {  	v3 =	vld [tilespmem:$0x210]  }
0x30d: {  	v4 =	vld [tilespmem:$0x220]  }
0x30e: {  	v5 =	vld [tilespmem:$0x230]  }
0x30f: {  	v6 =	vld [tilespmem:$0x240];
	v1 =	vadd.s32 $0xFFFFD8F0, v1  }
0x310: {  	[tilespmem:$0x280] =	vst v1;
	v1 =	vadd.s32 $0xFFFFD8F0, v2;
	v2 =	vld [tilespmem:$0x250]  }
0x311: {  	[tilespmem:$0x290] =	vst v1;
	v1 =	vadd.s32 $0xFFFFD8F0, v3  }
0x312: {  	[tilespmem:$0x2A0] =	vst v1;
	v1 =	vadd.s32 $0xFFFFD8F0, v4  }
0x313: {  	[tilespmem:$0x2B0] =	vst v1;
	v1 =	vadd.s32 $0xFFFFD8F0, v5  }
0x314: {  	[tilespmem:$0x2C0] =	vst v1;
	v1 =	vadd.s32 $0xFFFFD8F0, v6  }
.Ltmp8:
0x315: {  	[tilespmem:$0x2D0] =	vst v1;
	v1 =	vadd.s32 $0xFFFFD8F0, v2;
	(pc) =	sbr.rel .LBB2_17-.Ltmp8, $4  }
0x316: {  	s22 =	simm.s32 $0x180;
	s25 =	simm.s32 $0x3E80;
	[tilespmem:$0x2E0] =	vst v1  }
0x317: {  	[tilespmem:s25], [sflag:$0x8] =	stream.indirect.gather [hbm4b:s7+s13], $0x1, s22, s13, $0xb8;
	[tilespmem:$0x1EFF8] =	vst v63  }
0x318: {  	s26 =	simm.s32 $0x280;
	s29 =	simm.s32 $0x4000;
	s28 =	sadd.s32 $0x1, s28  }
0x319: {  	[tilespmem:s29], [sflag:$0x9] =	stream.indirect.gather [hbm4b:s5+s8], $0x80, s26, s8, $0xb8;
	[tilespmem:$0x1EFF8] =	vst v63  }
.LBB2_2:
0x31a: {  	[tilespmem:$0xB290] =	vst v0  }
0x31b: {  	[tilespmem:$0xB2A0] =	vst v0  }
0x31c: {  	[tilespmem:$0xB2B0] =	vst v0  }
0x31d: {  	[tilespmem:$0xB2C0] =	vst v0  }
0x31e: {  	[tilespmem:$0xB2D0] =	vst v0  }
0x31f: {  	[tilespmem:$0xB2E0] =	vst v0  }
0x320: {  	[tilespmem:$0xB2F0] =	vst v0  }
0x321: {  	[tilespmem:$0xB300] =	vst v0  }
0x322: {  	[tilespmem:$0xB310] =	vst v0  }
0x323: {  	[tilespmem:$0xB320] =	vst v0  }
0x324: {  	[tilespmem:$0xB330] =	vst v0  }
0x325: {  	[tilespmem:$0xB340] =	vst v0  }
0x326: {  	[tilespmem:$0xB350] =	vst v0  }
0x327: {  	[tilespmem:$0xB360] =	vst v0  }
0x328: {  	[tilespmem:$0xB370] =	vst v0  }
0x329: {  	[tilespmem:$0xB380] =	vst v0  }
0x32a: {  	[tilespmem:$0xB390] =	vst v0  }
0x32b: {  	[tilespmem:$0xB3A0] =	vst v0  }
0x32c: {  	[tilespmem:$0xB3B0] =	vst v0  }
0x32d: {  	[tilespmem:$0xB3C0] =	vst v0  }
0x32e: {  	[tilespmem:$0xB3D0] =	vst v0  }
0x32f: {  	[tilespmem:$0xB3E0] =	vst v0  }
0x330: {  	[tilespmem:$0xB3F0] =	vst v0  }
0x331: {  	[tilespmem:$0xB400] =	vst v0  }
0x332: {  	[tilespmem:$0xB410] =	vst v0  }
0x333: {  	[tilespmem:$0xB420] =	vst v0  }
0x334: {  	[tilespmem:$0xB430] =	vst v0  }
0x335: {  	[tilespmem:$0xB440] =	vst v0  }
0x336: {  	[tilespmem:$0xB450] =	vst v0  }
0x337: {  	[tilespmem:$0xB460] =	vst v0  }
0x338: {  	[tilespmem:$0xB470] =	vst v0  }
0x339: {  	[tilespmem:$0xB480] =	vst v0  }
0x33a: {  	[tilespmem:$0xB490] =	vst v0  }
0x33b: {  	[tilespmem:$0xB4A0] =	vst v0  }
0x33c: {  	[tilespmem:$0xB4B0] =	vst v0  }
0x33d: {  	[tilespmem:$0xB4C0] =	vst v0  }
0x33e: {  	[tilespmem:$0xB4D0] =	vst v0  }
0x33f: {  	[tilespmem:$0xB4E0] =	vst v0  }
0x340: {  	[tilespmem:$0xB4F0] =	vst v0;
	s1 =	simm.s32 $0x0;
	s10 =	simm.s32 $0x200  }
.LBB2_3:
0x341: {  	p3 =	sne.s32 s10, $0xDE00;
	[tilespmem:s1+$0x670] =	vst v0  }
0x342: {  	[tilespmem:s1+$0x600] =	vst v0  }
0x343: {  	[tilespmem:s1+$0x610] =	vst v0  }
.Ltmp9:
0x344: {  	[tilespmem:s1+$0x620] =	vst v0;
	(pc) =	sbr.rel @p3 .LBB2_3-.Ltmp9, $4  }
0x345: {  	[tilespmem:s1+$0x630] =	vst v0  }
0x346: {  	[tilespmem:s1+$0x640] =	vst v0  }
0x347: {  	[tilespmem:s1+$0x650] =	vst v0  }
0x348: {  	[tilespmem:s1+$0x660] =	vst v0;
	s1 =	sshra.s32 s10, $0x2;
	s10 =	sadd.s32 $0x200, s10  }
0x349: {  	[tilespmem:s1+$0x670] =	vst v0  }
0x34a: {  	[tilespmem:s1+$0x600] =	vst v0  }
0x34b: {  	[tilespmem:s1+$0x610] =	vst v0  }
0x34c: {  	[tilespmem:s1+$0x620] =	vst v0  }
0x34d: {  	[tilespmem:s1+$0x630] =	vst v0  }
0x34e: {  	[tilespmem:s1+$0x640] =	vst v0  }
0x34f: {  	[tilespmem:s1+$0x650] =	vst v0  }
0x350: {  	[tilespmem:s1+$0x660] =	vst v0;
	s22 =	simm.s32 $0x600;
	s10 =	simm.s32 $0x10  }
0x351: {  	[spmem:s25] =	stream.linear.scatter [tilespmem:s22], [sflag:$0x10], $0x3800, $0x38;
	[tilespmem:$0x1EFF8] =	vst v63  }
0x352: {  	_ =	swait.ge [sflag:s10], $0x3800  }
0x353: {  	[sflag:s10] =	ssyncset.done $0x0  }
0x354: {  	[sflag:s10] =	ssyncadd.s32 $0xFFFFC800  }
0x355: {  	[spmem:s26] =	stream.linear.scatter [tilespmem:s22], [sflag:$0x10], $0x3800, $0x38;
	[tilespmem:$0x1EFF8] =	vst v63  }
0x356: {  	_ =	swait.ge [sflag:s10], $0x3800  }
0x357: {  	[sflag:s10] =	ssyncset.done $0x0  }
0x358: {  	[sflag:s10] =	ssyncadd.s32 $0xFFFFC800  }
0x359: {  	[spmem:s28] =	stream.linear.scatter [tilespmem:s22], [sflag:$0x10], $0x3800, $0x38;
	[tilespmem:$0x1EFF8] =	vst v63  }
0x35a: {  	_ =	swait.ge [sflag:s10], $0x3800  }
0x35b: {  	[sflag:s10] =	ssyncset.done $0x0  }
0x35c: {  	s26 =	rddreg [dreg:$0xc];
	[sflag:s10] =	ssyncadd.s32 $0xFFFFC800  }
0x35d: {  	[spmem:s26] =	stream.linear.scatter [tilespmem:s22], [sflag:$0x10], $0x3800, $0x38;
	[tilespmem:$0x1EFF8] =	vst v63  }
0x35e: {  	_ =	swait.ge [sflag:s10], $0x3800  }
0x35f: {  	[sflag:s10] =	ssyncset.done $0x0  }
0x360: {  	s29 =	rddreg [dreg:$0xd];
	[sflag:s10] =	ssyncadd.s32 $0xFFFFC800  }
0x361: {  	[spmem:s29] =	stream.linear.scatter [tilespmem:s22], [sflag:$0x10], $0x3800, $0x38;
	[tilespmem:$0x1EFF8] =	vst v63  }
0x362: {  	_ =	swait.ge [sflag:s10], $0x3800  }
0x363: {  	[sflag:s10] =	ssyncset.done $0x0  }
0x364: {  	s16 =	rddreg [dreg:$0xe];
	[sflag:s10] =	ssyncadd.s32 $0xFFFFC800  }
0x365: {  	[spmem:s16] =	stream.linear.scatter [tilespmem:s22], [sflag:$0x10], $0x2000, $0x38;
	[tilespmem:$0x1EFF8] =	vst v63  }
0x366: {  	_ =	swait.ge [sflag:s10], $0x2000  }
0x367: {  	[sflag:s10] =	ssyncset.done $0x0  }
0x368: {  	s16 =	simm.s32 $0xB280;
	s25 =	rddreg [dreg:$0x12];
	[sflag:s10] =	ssyncadd.s32 $0xFFFFE000  }
0x369: {  	[spmem:s25] =	stream.linear.scatter [tilespmem:s16], [sflag:$0x10], $0x270, $0x38;
	[tilespmem:$0x1EFF8] =	vst v63  }
0x36a: {  	_ =	swait.ge [sflag:s10], $0x270  }
0x36b: {  	[sflag:s10] =	ssyncset.done $0x0  }
0x36c: {  	[sflag:s10] =	ssyncadd.s32 $0xFFFFFD90;
	s10 =	sld [smem:$0x7FB];
	_ =	sdelay $0x1  }
0x36d: {  	s1 =	simm.s32 @!p1 $0x600  }
0x36e: {  	[spmem:s10] =	stream.linear.scatter @!p1 [tilespmem:s1], [sflag:$0x10], $0x800, $0x38;
	[tilespmem:$0x1EFF8] =	vst v63  }
0x36f: {  	s1 =	simm.s32 @!p1 $0x10  }
0x370: {  	_ =	swait.ge @!p1 [sflag:s1], $0x800  }
0x371: {  	s16 =	sld [smem:$0x7FC]  }
0x372: {  	[sflag:s1] =	ssyncset.done @!p1 $0x0  }
0x373: {  	s10 =	simm.s32 @!p1 $0xB280;
	[sflag:s1] =	ssyncadd.s32 @!p1 $0xFFFFF800  }
0x374: {  	[spmem:s16] =	stream.linear.scatter @!p1 [tilespmem:s10], [sflag:$0x10], $0x10, $0x38;
	[tilespmem:$0x1EFF8] =	vst v63  }
0x375: {  	_ =	swait.ge @!p1 [sflag:s1], $0x10  }
0x376: {  	[sflag:s1] =	ssyncset.done @!p1 $0x0  }
0x377: {  	[sflag:s1] =	ssyncadd.s32 @!p1 $0xFFFFFFF0  }
0x378: {  	[bflag:$0x0] =	sbarrier.arrive $0xFFFF  }
0x379: {  	s25 =	simm.s32 $0x0;
	s26 =	rddreg [dreg:$0xf]  }
0x37a: {  	[tilespmem:s25], [sflag:$0x1] =	stream.linear.gather [hbm4b:s26+s25], $0xE0, $0x38;
	[tilespmem:$0x1EFF8] =	vst v63  }
0x37b: {  	s16 =	simm.s32 $0x180;
	s10 =	simm.s32 $0x1;
	s29 =	rddreg [dreg:$0x10]  }
0x37c: {  	[tilespmem:s16], [sflag:$0x2] =	stream.linear.gather [hbm4b:s29+s25], $0xE0, $0x38;
	[tilespmem:$0x1EFF8] =	vst v63  }
0x37d: {  	_ =	swait.ge [sflag:s10], $0xE0  }
0x37e: {  	[sflag:s10] =	ssyncset.done $0x0  }
0x37f: {  	[sflag:s10] =	ssyncadd.s32 $0xFFFFFF20  }
0x380: {  	v1 =	vld [tilespmem:$0x70]  }
0x381: {  	v2 =	vld [tilespmem:$0x80]  }
0x382: {  	v3 =	vld [tilespmem:$0x90]  }
0x383: {  	v4 =	vld [tilespmem:$0xA0]  }
0x384: {  	v5 =	vld [tilespmem:$0xB0]  }
0x385: {  	v6 =	vld [tilespmem:$0xC0];
	v1 =	vadd.s32 $0xFFFFD8F0, v1  }
0x386: {  	[tilespmem:$0x100] =	vst v1;
	v1 =	vadd.s32 $0xFFFFD8F0, v2;
	v2 =	vld [tilespmem:$0xD0]  }
0x387: {  	[tilespmem:$0x110] =	vst v1;
	v1 =	vadd.s32 $0xFFFFD8F0, v3  }
0x388: {  	[tilespmem:$0x120] =	vst v1;
	v1 =	vadd.s32 $0xFFFFD8F0, v4  }
0x389: {  	[tilespmem:$0x130] =	vst v1;
	v1 =	vadd.s32 $0xFFFFD8F0, v5  }
0x38a: {  	[tilespmem:$0x140] =	vst v1;
	v1 =	vadd.s32 $0xFFFFD8F0, v6  }
0x38b: {  	[tilespmem:$0x150] =	vst v1;
	v1 =	vadd.s32 $0xFFFFD8F0, v2  }
0x38c: {  	s26 =	simm.s32 $0x480;
	[tilespmem:$0x160] =	vst v1  }
0x38d: {  	[tilespmem:s26], [sflag:$0x4] =	stream.indirect.gather [hbm4b:s6+s13], $0x1, s25, s13, $0xb8;
	[tilespmem:$0x1EFF8] =	vst v63  }
0x38e: {  	s29 =	simm.s32 $0x100;
	s1 =	rddreg [dreg:$0x0]  }
0x38f: {  	[tilespmem:s22], [sflag:$0x5] =	stream.indirect.gather [hbm4b:s1+s8], $0x80, s29, s8, $0xb8;
	[tilespmem:$0x1EFF8] =	vst v63  }
0x390: {  	s26 =	rddreg [dreg:$0x11];
	s29 =	simm.s32 $0x300  }
0x391: {  	[tilespmem:s29], [sflag:$0x3] =	stream.linear.gather [hbm4b:s26+s25], $0xE0, $0x38;
	[tilespmem:$0x1EFF8] =	vst v63  }
0x392: {  	_ =	swait.ge [sflag:s11], $0xE0  }
0x393: {  	[sflag:s11] =	ssyncset.done $0x0  }
0x394: {  	[sflag:s11] =	ssyncadd.s32 $0xFFFFFF20  }
0x395: {  	v1 =	vld [tilespmem:$0x1F0]  }
0x396: {  	v2 =	vld [tilespmem:$0x200]  }
0x397: {  	v3 =	vld [tilespmem:$0x210]  }
0x398: {  	v61 =	vld [tilespmem:$0x220]  }
0x399: {  	v62 =	vld [tilespmem:$0x230]  }
0x39a: {  	v63 =	vld [tilespmem:$0x240];
	v1 =	vadd.s32 $0xFFFFD8F0, v1  }
0x39b: {  	[tilespmem:$0x280] =	vst v1;
	v1 =	vadd.s32 $0xFFFFD8F0, v2;
	v2 =	vld [tilespmem:$0x250]  }
0x39c: {  	[tilespmem:$0x290] =	vst v1;
	v1 =	vadd.s32 $0xFFFFD8F0, v3  }
0x39d: {  	[tilespmem:$0x2A0] =	vst v1;
	v1 =	vadd.s32 $0xFFFFD8F0, v61  }
0x39e: {  	[tilespmem:$0x2B0] =	vst v1;
	v1 =	vadd.s32 $0xFFFFD8F0, v62  }
0x39f: {  	[tilespmem:$0x2C0] =	vst v1;
	v1 =	vadd.s32 $0xFFFFD8F0, v63  }
0x3a0: {  	[tilespmem:$0x2D0] =	vst v1;
	v1 =	vadd.s32 $0xFFFFD8F0, v2  }
0x3a1: {  	s25 =	simm.s32 $0x3E80;
	[tilespmem:$0x2E0] =	vst v1  }
0x3a2: {  	[tilespmem:s25], [sflag:$0x8] =	stream.indirect.gather [hbm4b:s6+s13], $0x1, s16, s13, $0xb8;
	[tilespmem:$0x1EFF8] =	vst v63  }
0x3a3: {  	s28 =	simm.s32 $0x0;
	s26 =	simm.s32 $0x280;
	s29 =	simm.s32 $0x4000  }
0x3a4: {  	[tilespmem:s29], [sflag:$0x9] =	stream.indirect.gather [hbm4b:s1+s8], $0x80, s26, s8, $0xb8;
	[tilespmem:$0x1EFF8] =	vst v63  }
.LBB2_5:
0x3a5: {  	_ =	swait.ge [sflag:s31], $0xE0  }
0x3a6: {  	[sflag:s31] =	ssyncset.done $0x0  }
0x3a7: {  	[sflag:s31] =	ssyncadd.s32 $0xFFFFFF20  }
0x3a8: {  	v1 =	vld [tilespmem:$0x480]  }
0x3a9: {  	v2 =	vld [tilespmem:$0x4F0]  }
0x3aa: {  	v3 =	vld [tilespmem:$0x490]  }
0x3ab: {  	v4 =	vld [tilespmem:$0x500]  }
0x3ac: {  	v5 =	vld [tilespmem:$0x4A0]  }
0x3ad: {  	v6 =	vld [tilespmem:$0x510]  }
0x3ae: {  	v7 =	vld [tilespmem:$0x520];
	v1 =	vadd.f32 v2, v1  }
0x3af: {  	v2 =	vld [tilespmem:$0x4B0]  }
0x3b0: {  	v9 =	vld [tilespmem:$0x530];
	v3 =	vadd.f32 v4, v3;
	v8 =	vmul.f32 $2.000000030e-01, v1  }
0x3b1: {  	v4 =	vld [tilespmem:$0x4C0]  }
0x3b2: {  	v10 =	vld [tilespmem:$0x540];
	v5 =	vadd.f32 v6, v5;
	v1 =	vmax.f32 v1, v8;
	v8 =	vmul.f32 $2.000000030e-01, v3  }
0x3b3: {  	v6 =	vld [tilespmem:$0x4D0];
	v1 =	vsub.f32 $0.0e+00, v1  }
0x3b4: {  	v11 =	vld [tilespmem:$0x550];
	v2 =	vadd.f32 v7, v2;
	v3 =	vmax.f32 v3, v8;
	v8 =	vmul.f32 $2.000000030e-01, v5  }
0x3b5: {  	v7 =	vld [tilespmem:$0x4E0];
	v1 =	vmul.f32 $1.442695020e+00, v1;
	v3 =	vsub.f32 $0.0e+00, v3  }
0x3b6: {  	v4 =	vadd.f32 v9, v4;
	v5 =	vmax.f32 v5, v8;
	v8 =	vmul.f32 $2.000000030e-01, v2  }
0x3b7: {  	(erf) = vpow2.f32 v1;
	v1 =	vmul.f32 $1.442695020e+00, v3;
	v3 =	vsub.f32 $0.0e+00, v5  }
0x3b8: {  	v6 =	vadd.f32 v10, v6;
	v5 =	vmul.f32 $2.000000030e-01, v4;
	v2 =	vmax.f32 v2, v8  }
0x3b9: {  	(erf) = vpow2.f32 v1;
	v1 =	vmul.f32 $1.442695020e+00, v3;
	v2 =	vsub.f32 $0.0e+00, v2  }
0x3ba: {  	v3 =	vmax.f32 v4, v5;
	v4 =	vmul.f32 $2.000000030e-01, v6;
	v5 =	vadd.f32 v11, v7  }
0x3bb: {  	(erf) = vpow2.f32 v1;
	v1 =	vmul.f32 $1.442695020e+00, v2;
	v2 =	vsub.f32 $0.0e+00, v3  }
0x3bc: {  	v3 =	vmax.f32 v6, v4;
	v4 =	vmul.f32 $2.000000030e-01, v5  }
0x3bd: {  	s10 =	sld [smem:$0x7FD];
	(erf) = vpow2.f32 v1;
	v1 =	vmul.f32 $1.442695020e+00, v2;
	v2 =	vsub.f32 $0.0e+00, v3  }
0x3be: {  	s1 =	smul.u32 $0x150, s28;
	v4 =	vmax.f32 v5, v4  }
0x3bf: {  	(erf) = vpow2.f32 v1;
	v1 =	vmul.f32 $1.442695020e+00, v2;
	v2 =	vsub.f32 $0.0e+00, v4  }
0x3c0: {  	s26 =	sadd.s32 s10, s1  }
0x3c1: {  	p3 =	slt.u32 s26, $0x27100;
	v3 =	vld [tilespmem:$0x0];
	v4 =	vpop (erf);
	(erf) = vpow2.f32 v1;
	v1 =	vmul.f32 $1.442695020e+00, v2  }
0x3c2: {  	s1 =	sadd.s32 $0x10, s26;
	v4 =	vpsel !p3, $0x0, v4  }
0x3c3: {  	p4 =	slt.u32 s1, $0x27100;
	[tilespmem:$0x580] =	vst v4;
	v4 =	vld [tilespmem:$0x20];
	v2 =	vpop (erf)  }
0x3c4: {  	s25 =	sadd.s32 $0x20, s26;
	v2 =	vpsel !p4, $0x0, v2  }
0x3c5: {  	p5 =	slt.u32 s25, $0x27100;
	(erf) = vpow2.f32 v1;
	v1 =	vpop (erf);
	[tilespmem:$0x590] =	vst v2;
	v2 =	vld [tilespmem:$0x30]  }
0x3c6: {  	s29 =	sadd.s32 $0x30, s26;
	[tilespmem:$0x3E00] =	vst v3;
	v1 =	vpsel !p5, $0x0, v1  }
0x3c7: {  	p6 =	slt.u32 s29, $0x27100;
	v3 =	vpop (erf);
	[tilespmem:$0x5A0] =	vst v1;
	v1 =	vld [tilespmem:$0x40]  }
0x3c8: {  	s10 =	sadd.s32 $0x40, s26;
	v5 =	vld [tilespmem:$0x10];
	[tilespmem:$0x3E20] =	vst v4;
	v3 =	vpsel !p6, $0x0, v3  }
0x3c9: {  	p4 =	slt.u32 s10, $0x27100;
	v4 =	vpop (erf);
	[tilespmem:$0x5B0] =	vst v3  }
0x3ca: {  	s16 =	sadd.s32 $0x50, s26;
	v3 =	vld [tilespmem:$0x50];
	[tilespmem:$0x3E30] =	vst v2;
	v2 =	vpsel !p4, $0x0, v4  }
0x3cb: {  	p5 =	slt.u32 s16, $0x27100;
	v4 =	vpop (erf);
	[tilespmem:$0x5C0] =	vst v2;
	v2 =	vld [tilespmem:$0x60]  }
0x3cc: {  	[tilespmem:$0x3E40] =	vst v1;
	v1 =	vpsel !p5, $0x0, v4  }
0x3cd: {  	[tilespmem:$0x3E10] =	vst v5  }
0x3ce: {  	s22 =	sadd.s32 $0x60, s26;
	[tilespmem:$0x5D0] =	vst v1  }
0x3cf: {  	p6 =	slt.u32 s22, $0x27100;
	[tilespmem:$0x3E50] =	vst v3;
	v1 =	vpop (erf)  }
0x3d0: {  	v1 =	vpsel !p6, $0x0, v1;
	[tilespmem:$0x3E60] =	vst v2  }
0x3d1: {  	s25 =	simm.s32 $0x0;
	s29 =	simm.s32 $0x2;
	s10 =	simm.s32 $0x3E00;
	[tilespmem:$0x5E0] =	vst v1  }
0x3d2: {  	v4 =	vmov s25;
	[spmem:s3] =	stream.indirect.scatter.add.f32 [tilespmem:s12], [sflag:$0x7], $0x1, s10, s8, $0xb8;
	[tilespmem:$0x1EFF8] =	vst v63  }
0x3d3: {  	v3 =	vand.u32 $0xFFFFFFFC, v4;
	v4 =	vmov s29;
	_ =	swait.ge [sflag:s0], $0x3800  }
0x3d4: {  	v1 =	vbroadcast v3, $0x0;
	v3 =	vand.u32 $0xFFFFFFFE, v4;
	[sflag:s0] =	ssyncset.done $0x0  }
0x3d5: {  	s1 =	simm.s32 $0x700;
	v2 =	vbroadcast v3, $0x0;
	[sflag:s0] =	ssyncadd.s32 $0xFFFFC800  }
0x3d6: {  	v4 =	vld [tilespmem:s1+$0x70]  }
0x3d7: {  	v5 =	vld [tilespmem:s1+$0xFFFFFF00]  }
0x3d8: {  	s16 =	simm.s32 $0x1;
	v6 =	vld [tilespmem:s1+$0xFFFFFF10]  }
0x3d9: {  	v3 =	vmov s16;
	v7 =	vld [tilespmem:s1+$0xFFFFFF20]  }
0x3da: {  	v3 =	vand.u32 $0xFFFFFFFD, v3;
	v1 =	vld.idx.msk [tilespmem:v1+s12+$0x0], $0xffff  }
0x3db: {  	v3 =	vbroadcast v3, $0x0;
	v2 =	vld.idx.msk [tilespmem:v2+s12+$0x0], $0xffff  }
0x3dc: {  	v8 =	vld [tilespmem:s1+$0xFFFFFF30]  }
0x3dd: {  	v9 =	vld [tilespmem:s1+$0xFFFFFF40]  }
0x3de: {  	v10 =	vld [tilespmem:s1+$0xFFFFFF50]  }
0x3df: {  	v11 =	vld [tilespmem:s1+$0xFFFFFF60];
	v5 =	vmul.f32 v5, v1  }
0x3e0: {  	v13 =	vld [tilespmem:s1+$0x40];
	v4 =	vmul.f32 v4, v2  }
0x3e1: {  	v3 =	vld.idx.msk [tilespmem:v3+s12+$0x0], $0xffff;
	[tilespmem:s1+$0xFFFFFF00] =	vst v5;
	v5 =	vmul.f32 v6, v1  }
0x3e2: {  	v6 =	vld [tilespmem:s1+$0xFFFFFF70];
	[tilespmem:s1+$0x70] =	vst v4;
	v4 =	vmul.f32 v7, v1  }
0x3e3: {  	v7 =	vld [tilespmem:s1+$0xFFFFFF80];
	[tilespmem:s1+$0xFFFFFF10] =	vst v5;
	v5 =	vmul.f32 v8, v1  }
0x3e4: {  	v8 =	vld [tilespmem:s1+$0xFFFFFF90];
	[tilespmem:s1+$0xFFFFFF20] =	vst v4;
	v4 =	vmul.f32 v9, v1  }
0x3e5: {  	v9 =	vld [tilespmem:s1+$0xFFFFFFA0];
	[tilespmem:s1+$0xFFFFFF30] =	vst v5;
	v5 =	vmul.f32 v10, v1  }
0x3e6: {  	v10 =	vld [tilespmem:s1+$0xFFFFFFB0];
	[tilespmem:s1+$0xFFFFFF40] =	vst v4;
	v4 =	vmul.f32 v11, v1  }
0x3e7: {  	v11 =	vld [tilespmem:s1+$0xFFFFFFC0];
	v6 =	vmul.f32 v6, v1;
	[tilespmem:s1+$0xFFFFFF50] =	vst v5  }
0x3e8: {  	v5 =	vmul.f32 v7, v3;
	v7 =	vld [tilespmem:s1+$0xFFFFFFD0];
	[tilespmem:s1+$0xFFFFFF60] =	vst v4  }
0x3e9: {  	s22 =	simm.s32 $0x3;
	v4 =	vld [tilespmem:s1+$0xFFFFFFE0];
	v8 =	vmul.f32 v8, v3;
	[tilespmem:s1+$0xFFFFFF70] =	vst v6  }
0x3ea: {  	v12 =	vmov s22;
	v6 =	vld [tilespmem:s1+$0xFFFFFFF0];
	[tilespmem:s1+$0xFFFFFF80] =	vst v5;
	v5 =	vmul.f32 v9, v3  }
0x3eb: {  	v9 =	vld [tilespmem:s1+$0x0];
	[tilespmem:s1+$0xFFFFFF90] =	vst v8;
	v8 =	vmul.f32 v10, v3  }
0x3ec: {  	v10 =	vld [tilespmem:s1+$0x10];
	[tilespmem:s1+$0xFFFFFFA0] =	vst v5;
	v5 =	vmul.f32 v11, v3  }
0x3ed: {  	[tilespmem:s1+$0xFFFFFFB0] =	vst v8;
	v7 =	vmul.f32 v7, v3;
	v8 =	vld [tilespmem:s1+$0x20]  }
0x3ee: {  	v11 =	vld [tilespmem:s1+$0x30];
	[tilespmem:s1+$0xFFFFFFC0] =	vst v5;
	v4 =	vmul.f32 v4, v3  }
0x3ef: {  	v1 =	vld.idx.msk [tilespmem:v12+s12+$0x0], $0xffff;
	v3 =	vmul.f32 v6, v3;
	[tilespmem:s1+$0xFFFFFFD0] =	vst v7  }
0x3f0: {  	v5 =	vmul.f32 v9, v2;
	[tilespmem:s1+$0xFFFFFFE0] =	vst v4;
	v4 =	vld [tilespmem:s1+$0x50]  }
0x3f1: {  	s25 =	simm.s32 $0x4;
	[tilespmem:s1+$0xFFFFFFF0] =	vst v3;
	v6 =	vmul.f32 v10, v2;
	v3 =	vld [tilespmem:s1+$0x60]  }
0x3f2: {  	s29 =	simm.s32 $0x7;
	v7 =	vmov s25;
	[tilespmem:s1+$0x0] =	vst v5;
	v9 =	vmul.f32 v8, v2;
	v8 =	vld [tilespmem:s1+$0x80]  }
0x3f3: {  	s22 =	simm.s32 $0x5;
	v12 =	vand.u32 $0xFFFFFFFC, v7;
	v7 =	vld [tilespmem:s1+$0x90];
	v5 =	vmov s29;
	v10 =	vmul.f32 v11, v2;
	[tilespmem:s1+$0x10] =	vst v6  }
0x3f4: {  	s10 =	simm.s32 $0x8;
	s25 =	simm.s32 $0x700;
	v11 =	vmul.f32 v13, v2;
	v6 =	vbroadcast v12, $0x0;
	v12 =	vmov s22;
	s22 =	simm.s32 $0x6;
	[tilespmem:s1+$0x20] =	vst v9;
	v9 =	vld [tilespmem:s1+$0xA0]  }
.LBB2_6:
0x3f5: {  	p3 =	slt.u32 s10, $0x6C;
	v12 =	vand.u32 $0xFFFFFFFD, v12;
	v13 =	vmov s22;
	[tilespmem:s1+$0x30] =	vst v10;
	v4 =	vmul.f32 v4, v2;
	v10 =	vld [tilespmem:s1+$0xB0]  }
0x3f6: {  	v12 =	vbroadcast v12, $0x0;
	v13 =	vand.u32 $0xFFFFFFFE, v13;
	[tilespmem:s1+$0x40] =	vst v11;
	v2 =	vmul.f32 v3, v2;
	v3 =	vld [tilespmem:s1+$0xC0]  }
0x3f7: {  	v11 =	vbroadcast v13, $0x0;
	[tilespmem:s1+$0x50] =	vst v4;
	v4 =	vmul.f32 v8, v1;
	v8 =	vld [tilespmem:s1+$0xD0]  }
0x3f8: {  	[tilespmem:s1+$0x60] =	vst v2;
	v2 =	vmul.f32 v7, v1;
	v7 =	vld [tilespmem:s1+$0xE0]  }
0x3f9: {  	[tilespmem:s1+$0x80] =	vst v4;
	v4 =	vmul.f32 v9, v1;
	v9 =	vld [tilespmem:s1+$0xF0]  }
0x3fa: {  	v5 =	vld.idx.msk [tilespmem:v5+s12+$0x0], $0xffff;
	[tilespmem:s1+$0x90] =	vst v2;
	v2 =	vmul.f32 v10, v1  }
0x3fb: {  	v6 =	vld.idx.msk [tilespmem:v6+s12+$0x0], $0xffff;
	[tilespmem:s1+$0xA0] =	vst v4;
	v3 =	vmul.f32 v3, v1  }
0x3fc: {  	v4 =	vld.idx.msk [tilespmem:v12+s12+$0x0], $0xffff;
	[tilespmem:s1+$0xB0] =	vst v2;
	v8 =	vmul.f32 v8, v1  }
0x3fd: {  	s1 =	sadd.s32 $0x200, s1;
	v2 =	vld.idx.msk [tilespmem:v11+s12+$0x0], $0xffff;
	[tilespmem:s25+$0xC0] =	vst v3;
	v3 =	vmul.f32 v7, v1  }
0x3fe: {  	v7 =	vld [tilespmem:s1+$0x70];
	[tilespmem:s25+$0xD0] =	vst v8;
	v9 =	vmul.f32 v9, v1  }
0x3ff: {  	v8 =	vld [tilespmem:s1+$0xFFFFFF00];
	[tilespmem:s25+$0xE0] =	vst v3  }
0x400: {  	v1 =	vmov v5;
	v3 =	vld [tilespmem:s1+$0xFFFFFF10];
	[tilespmem:s25+$0xF0] =	vst v9;
	s25 =	smov.u32 s1  }
0x401: {  	v5 =	vld [tilespmem:s1+$0xFFFFFF20]  }
0x402: {  	v9 =	vld [tilespmem:s1+$0xFFFFFF30]  }
0x403: {  	v10 =	vld [tilespmem:s1+$0xFFFFFF40];
	v7 =	vmul.f32 v7, v2  }
0x404: {  	v8 =	vmul.f32 v8, v6;
	v11 =	vld [tilespmem:s1+$0xFFFFFF50]  }
0x405: {  	v3 =	vmul.f32 v3, v6;
	v12 =	vld [tilespmem:s1+$0xFFFFFF60];
	[tilespmem:s1+$0x70] =	vst v7  }
0x406: {  	[tilespmem:s1+$0xFFFFFF00] =	vst v8;
	v5 =	vmul.f32 v5, v6;
	v7 =	vld [tilespmem:s1+$0xFFFFFF70]  }
0x407: {  	[tilespmem:s1+$0xFFFFFF10] =	vst v3;
	v3 =	vmul.f32 v9, v6;
	v8 =	vld [tilespmem:s1+$0xFFFFFF80]  }
0x408: {  	[tilespmem:s1+$0xFFFFFF20] =	vst v5;
	v5 =	vmul.f32 v10, v6;
	v9 =	vld [tilespmem:s1+$0xFFFFFF90]  }
0x409: {  	[tilespmem:s1+$0xFFFFFF30] =	vst v3;
	v3 =	vmul.f32 v11, v6;
	v10 =	vld [tilespmem:s1+$0xFFFFFFA0]  }
0x40a: {  	[tilespmem:s1+$0xFFFFFF40] =	vst v5;
	v5 =	vmul.f32 v12, v6;
	v11 =	vld [tilespmem:s1+$0xFFFFFFB0]  }
0x40b: {  	[tilespmem:s1+$0xFFFFFF50] =	vst v3;
	v3 =	vmul.f32 v7, v6;
	v6 =	vld [tilespmem:s1+$0xFFFFFFC0]  }
0x40c: {  	[tilespmem:s1+$0xFFFFFF60] =	vst v5;
	v5 =	vmul.f32 v8, v4;
	v7 =	vld [tilespmem:s1+$0xFFFFFFD0]  }
0x40d: {  	[tilespmem:s1+$0xFFFFFF70] =	vst v3;
	v3 =	vmul.f32 v9, v4;
	v8 =	vld [tilespmem:s1+$0xFFFFFFE0]  }
0x40e: {  	[tilespmem:s1+$0xFFFFFF80] =	vst v5;
	v5 =	vmul.f32 v10, v4;
	v9 =	vld [tilespmem:s1+$0xFFFFFFF0]  }
0x40f: {  	[tilespmem:s1+$0xFFFFFF90] =	vst v3;
	v3 =	vmul.f32 v11, v4;
	v10 =	vld [tilespmem:s1+$0x0]  }
0x410: {  	[tilespmem:s1+$0xFFFFFFA0] =	vst v5;
	v5 =	vmul.f32 v6, v4;
	v6 =	vld [tilespmem:s1+$0x10]  }
0x411: {  	[tilespmem:s1+$0xFFFFFFB0] =	vst v3;
	v3 =	vmul.f32 v7, v4;
	v7 =	vld [tilespmem:s1+$0x20]  }
0x412: {  	[tilespmem:s1+$0xFFFFFFC0] =	vst v5;
	v5 =	vmul.f32 v8, v4;
	v11 =	vld [tilespmem:s1+$0x30]  }
0x413: {  	[tilespmem:s1+$0xFFFFFFD0] =	vst v3;
	v3 =	vmul.f32 v9, v4;
	v9 =	vld [tilespmem:s1+$0x40]  }
.Ltmp10:
0x414: {  	[tilespmem:s1+$0xFFFFFFE0] =	vst v5;
	v5 =	vmul.f32 v10, v2;
	v4 =	vld [tilespmem:s1+$0x50];
	(pc) =	sbr.rel @p3 .LBB2_6-.Ltmp10, $4  }
0x415: {  	[tilespmem:s1+$0xFFFFFFF0] =	vst v3;
	v6 =	vmul.f32 v6, v2;
	v3 =	vld [tilespmem:s1+$0x60]  }
0x416: {  	s22 =	sadd.s32 $0x3, s10;
	v10 =	vmov s10;
	[tilespmem:s1+$0x0] =	vst v5;
	v13 =	vmul.f32 v7, v2;
	v8 =	vld [tilespmem:s1+$0x80]  }
0x417: {  	s29 =	sadd.s32 $0x1, s10;
	v12 =	vand.u32 $0xFFFFFFFC, v10;
	v5 =	vmov s22;
	[tilespmem:s1+$0x10] =	vst v6;
	v10 =	vmul.f32 v11, v2;
	v7 =	vld [tilespmem:s1+$0x90]  }
0x418: {  	s22 =	sadd.s32 $0x2, s10;
	s10 =	sadd.s32 $0x4, s10;
	v6 =	vbroadcast v12, $0x0;
	v12 =	vmov s29;
	[tilespmem:s1+$0x20] =	vst v13;
	v11 =	vmul.f32 v9, v2;
	v9 =	vld [tilespmem:s1+$0xA0]  }
0x419: {  	v13 =	vld [tilespmem:s1+$0xB0]  }
0x41a: {  	v15 =	vld [tilespmem:s1+$0xC0]  }
0x41b: {  	v14 =	vmov s22;
	v16 =	vld [tilespmem:s1+$0xD0]  }
0x41c: {  	v17 =	vld [tilespmem:s1+$0xE0];
	[tilespmem:s1+$0x30] =	vst v10;
	v4 =	vmul.f32 v4, v2;
	v14 =	vand.u32 $0xFFFFFFFE, v14  }
0x41d: {  	v12 =	vand.u32 $0xFFFFFFFD, v12;
	v5 =	vld.idx.msk [tilespmem:v5+s12+$0x0], $0xffff;
	[tilespmem:s1+$0x40] =	vst v11;
	v2 =	vmul.f32 v3, v2;
	v14 =	vbroadcast v14, $0x0  }
0x41e: {  	s10 =	sadd.s32 $0x200, s1;
	v12 =	vbroadcast v12, $0x0;
	v3 =	vld.idx.msk [tilespmem:v6+s12+$0x0], $0xffff;
	v8 =	vmul.f32 v8, v1;
	[tilespmem:s1+$0x50] =	vst v4  }
0x41f: {  	v10 =	vld [tilespmem:s10+$0xFFFFFF00];
	v4 =	vmul.f32 v7, v1;
	[tilespmem:s1+$0x60] =	vst v2  }
0x420: {  	[tilespmem:s1+$0x80] =	vst v8;
	v8 =	vld [tilespmem:s1+$0xF0];
	v2 =	vmul.f32 v9, v1  }
0x421: {  	v11 =	vld [tilespmem:s10+$0xFFFFFF10];
	[tilespmem:s1+$0x90] =	vst v4;
	v4 =	vmul.f32 v13, v1  }
0x422: {  	v9 =	vld [tilespmem:s10+$0x70];
	[tilespmem:s1+$0xA0] =	vst v2;
	v2 =	vmul.f32 v15, v1  }
0x423: {  	[tilespmem:s1+$0xB0] =	vst v4;
	v4 =	vmul.f32 v16, v1;
	v7 =	vld.idx.msk [tilespmem:v14+s12+$0x0], $0xffff  }
0x424: {  	v6 =	vld.idx.msk [tilespmem:v12+s12+$0x0], $0xffff;
	[tilespmem:s25+$0xC0] =	vst v2;
	v2 =	vmul.f32 v17, v1  }
0x425: {  	v12 =	vld [tilespmem:s10+$0xFFFFFF20];
	[tilespmem:s25+$0xD0] =	vst v4;
	v1 =	vmul.f32 v8, v1  }
0x426: {  	v4 =	vld [tilespmem:s10+$0xFFFFFF30];
	[tilespmem:s25+$0xE0] =	vst v2  }
0x427: {  	v2 =	vld [tilespmem:s10+$0xFFFFFF40];
	[tilespmem:s25+$0xF0] =	vst v1;
	v1 =	vmul.f32 v10, v3  }
0x428: {  	v8 =	vmul.f32 v9, v7;
	v9 =	vld [tilespmem:s10+$0xFFFFFF50]  }
0x429: {  	v10 =	vmul.f32 v11, v3;
	v11 =	vld [tilespmem:s10+$0xFFFFFF60];
	[tilespmem:s10+$0xFFFFFF00] =	vst v1  }
0x42a: {  	v1 =	vmul.f32 v12, v3;
	[tilespmem:s10+$0x70] =	vst v8;
	v8 =	vld [tilespmem:s10+$0xFFFFFF70]  }
0x42b: {  	[tilespmem:s10+$0xFFFFFF10] =	vst v10;
	v10 =	vld [tilespmem:s10+$0xFFFFFF80];
	v4 =	vmul.f32 v4, v3  }
0x42c: {  	[tilespmem:s10+$0xFFFFFF20] =	vst v1;
	v1 =	vmul.f32 v2, v3;
	v2 =	vld [tilespmem:s10+$0xFFFFFF90]  }
0x42d: {  	[tilespmem:s10+$0xFFFFFF30] =	vst v4;
	v4 =	vmul.f32 v9, v3;
	v9 =	vld [tilespmem:s10+$0xFFFFFFA0]  }
0x42e: {  	[tilespmem:s10+$0xFFFFFF40] =	vst v1;
	v1 =	vmul.f32 v11, v3;
	v11 =	vld [tilespmem:s10+$0xFFFFFFB0]  }
0x42f: {  	[tilespmem:s10+$0xFFFFFF50] =	vst v4;
	v3 =	vmul.f32 v8, v3;
	v4 =	vld [tilespmem:s10+$0xFFFFFFC0]  }
0x430: {  	[tilespmem:s10+$0xFFFFFF60] =	vst v1;
	v1 =	vmul.f32 v10, v6;
	v8 =	vld [tilespmem:s10+$0xFFFFFFD0]  }
0x431: {  	v2 =	vmul.f32 v2, v6;
	[tilespmem:s10+$0xFFFFFF70] =	vst v3;
	v3 =	vld [tilespmem:s10+$0xFFFFFFE0]  }
0x432: {  	[tilespmem:s10+$0xFFFFFF80] =	vst v1;
	v1 =	vmul.f32 v9, v6;
	v9 =	vld [tilespmem:s10+$0xFFFFFFF0]  }
0x433: {  	v10 =	vld [tilespmem:s10+$0x0];
	[tilespmem:s10+$0xFFFFFF90] =	vst v2;
	v2 =	vmul.f32 v11, v6  }
0x434: {  	[tilespmem:s10+$0xFFFFFFA0] =	vst v1;
	v1 =	vmul.f32 v4, v6;
	v4 =	vld [tilespmem:s10+$0x10]  }
0x435: {  	[tilespmem:s10+$0xFFFFFFB0] =	vst v2;
	v2 =	vmul.f32 v8, v6;
	v8 =	vld [tilespmem:s10+$0x20]  }
0x436: {  	[tilespmem:s10+$0xFFFFFFC0] =	vst v1;
	v1 =	vmul.f32 v3, v6;
	v3 =	vld [tilespmem:s10+$0x30]  }
0x437: {  	[tilespmem:s10+$0xFFFFFFD0] =	vst v2;
	v2 =	vmul.f32 v9, v6;
	v6 =	vld [tilespmem:s10+$0x40]  }
0x438: {  	v9 =	vld [tilespmem:s10+$0x50];
	[tilespmem:s10+$0xFFFFFFE0] =	vst v1;
	v1 =	vmul.f32 v10, v7  }
0x439: {  	[tilespmem:s10+$0xFFFFFFF0] =	vst v2;
	v2 =	vmul.f32 v4, v7;
	v4 =	vld [tilespmem:s10+$0x60]  }
0x43a: {  	[tilespmem:s10+$0x0] =	vst v1;
	v1 =	vmul.f32 v8, v7;
	v8 =	vld [tilespmem:s10+$0x80]  }
0x43b: {  	[tilespmem:s10+$0x10] =	vst v2;
	v2 =	vmul.f32 v3, v7;
	v3 =	vld [tilespmem:s10+$0x90]  }
0x43c: {  	[tilespmem:s10+$0x20] =	vst v1;
	v1 =	vmul.f32 v6, v7;
	v6 =	vld [tilespmem:s10+$0xA0]  }
0x43d: {  	[tilespmem:s10+$0x30] =	vst v2;
	v2 =	vmul.f32 v9, v7;
	v9 =	vld [tilespmem:s10+$0xB0]  }
0x43e: {  	[tilespmem:s10+$0x40] =	vst v1;
	v1 =	vmul.f32 v4, v7;
	v4 =	vld [tilespmem:s10+$0xC0]  }
0x43f: {  	v7 =	vld [tilespmem:s10+$0xD0];
	[tilespmem:s10+$0x50] =	vst v2;
	v2 =	vmul.f32 v8, v5  }
0x440: {  	[tilespmem:s10+$0x60] =	vst v1;
	v1 =	vmul.f32 v3, v5;
	v3 =	vld [tilespmem:s10+$0xE0]  }
0x441: {  	[tilespmem:s10+$0x80] =	vst v2;
	v2 =	vmul.f32 v6, v5;
	v6 =	vld [tilespmem:s10+$0xF0]  }
0x442: {  	[tilespmem:s10+$0x90] =	vst v1;
	v1 =	vmul.f32 v9, v5  }
0x443: {  	[tilespmem:s10+$0xA0] =	vst v2;
	v2 =	vmul.f32 v4, v5  }
0x444: {  	[tilespmem:s10+$0xB0] =	vst v1;
	v1 =	vmul.f32 v7, v5  }
0x445: {  	p3 =	seq.s32 s28, $0x1D;
	[tilespmem:s10+$0xC0] =	vst v2;
	v2 =	vmul.f32 v3, v5  }
0x446: {  	s1 =	sshrl.u32 @!p3 s26, $0x2;
	[tilespmem:s10+$0xD0] =	vst v1;
	v1 =	vmul.f32 v6, v5  }
0x447: {  	s16 =	simm.s32 $0x600;
	s1 =	sand.u32 @!p3 $0x1FFFFFFF, s1;
	[tilespmem:s10+$0xE0] =	vst v2  }
0x448: {  	s22 =	simm.s32 $0x3E00;
	p4 =	seq.s32 @!p3 s28, $0x0;
	s1 =	sadd.s32 @!p3 s9, s1;
	[tilespmem:s10+$0xF0] =	vst v1  }
0x449: {  	[spmem:s2] =	stream.indirect.scatter.add.f32 [tilespmem:s16], [sflag:$0x6], $0x80, s22, s8, $0xb8;
	[tilespmem:$0x1EFF8] =	vst v63  }
0x44a: {  	p4 =	por p3, !p4;
	s10 =	sadd.s32 @!p3 $0x54, s1;
	s22 =	simm.s32 @!p3 $0x0  }
0x44b: {  	[tilespmem:s22], [sflag:$0x1] =	stream.linear.gather @!p3 [hbm4b:s10+s22], $0xE0, $0x38;
	[tilespmem:$0x1EFF8] =	vst v63  }
0x44c: {  	s10 =	simm.s32 @p4 $0xE  }
0x44d: {  	_ =	swait.ge @p4 [sflag:s10], $0x3800  }
0x44e: {  	[sflag:s10] =	ssyncset.done @p4 $0x0  }
0x44f: {  	[sflag:s10] =	ssyncadd.s32 @p4 $0xFFFFC800;
	s10 =	simm.s32 @p4 $0xF  }
0x450: {  	_ =	swait.ge @p4 [sflag:s10], $0x70  }
0x451: {  	[sflag:s10] =	ssyncset.done @p4 $0x0  }
0x452: {  	[sflag:s10] =	ssyncadd.s32 @p4 $0xFFFFFF90  }
0x453: {  	_ =	swait.ge [sflag:s24], $0xE0  }
0x454: {  	[sflag:s24] =	ssyncset.done $0x0  }
0x455: {  	[sflag:s24] =	ssyncadd.s32 $0xFFFFFF20  }
0x456: {  	v1 =	vld [tilespmem:$0x370]  }
0x457: {  	v2 =	vld [tilespmem:$0x380]  }
0x458: {  	v3 =	vld [tilespmem:$0x390]  }
0x459: {  	v4 =	vld [tilespmem:$0x3A0]  }
0x45a: {  	v5 =	vld [tilespmem:$0x3B0]  }
0x45b: {  	v6 =	vld [tilespmem:$0x3C0];
	v1 =	vadd.s32 $0xFFFFD8F0, v1  }
0x45c: {  	[tilespmem:$0x400] =	vst v1;
	v1 =	vadd.s32 $0xFFFFD8F0, v2;
	v2 =	vld [tilespmem:$0x3D0]  }
0x45d: {  	[tilespmem:$0x410] =	vst v1;
	v1 =	vadd.s32 $0xFFFFD8F0, v3  }
0x45e: {  	[tilespmem:$0x420] =	vst v1;
	v1 =	vadd.s32 $0xFFFFD8F0, v4  }
0x45f: {  	[tilespmem:$0x430] =	vst v1;
	v1 =	vadd.s32 $0xFFFFD8F0, v5  }
0x460: {  	[tilespmem:$0x440] =	vst v1;
	v1 =	vadd.s32 $0xFFFFD8F0, v6  }
0x461: {  	[tilespmem:$0x450] =	vst v1;
	v1 =	vadd.s32 $0xFFFFD8F0, v2  }
0x462: {  	s25 =	simm.s32 $0x300;
	s16 =	simm.s32 $0x7880;
	[tilespmem:$0x460] =	vst v1  }
0x463: {  	[tilespmem:s16], [sflag:$0xC] =	stream.indirect.gather [hbm4b:s6+s13], $0x1, s25, s13, $0xb8;
	[tilespmem:$0x1EFF8] =	vst v63  }
0x464: {  	s22 =	simm.s32 $0x400;
	s16 =	rddreg [dreg:$0x0];
	s25 =	simm.s32 $0x7A00  }
0x465: {  	[tilespmem:s25], [sflag:$0xD] =	stream.indirect.gather [hbm4b:s16+s8], $0x80, s22, s8, $0xb8;
	[tilespmem:$0x1EFF8] =	vst v63  }
0x466: {  	_ =	swait.ge [sflag:s17], $0xE0  }
0x467: {  	[sflag:s17] =	ssyncset.done $0x0  }
0x468: {  	[sflag:s17] =	ssyncadd.s32 $0xFFFFFF20  }
0x469: {  	v1 =	vld [tilespmem:$0x3E80]  }
0x46a: {  	v2 =	vld [tilespmem:$0x3EF0]  }
0x46b: {  	v3 =	vld [tilespmem:$0x3E90]  }
0x46c: {  	v4 =	vld [tilespmem:$0x3F00]  }
0x46d: {  	v5 =	vld [tilespmem:$0x3EA0]  }
0x46e: {  	v6 =	vld [tilespmem:$0x3F10]  }
0x46f: {  	v7 =	vld [tilespmem:$0x3F20];
	v1 =	vadd.f32 v2, v1  }
0x470: {  	v2 =	vld [tilespmem:$0x3EB0]  }
0x471: {  	v9 =	vld [tilespmem:$0x3F30];
	v3 =	vadd.f32 v4, v3;
	v8 =	vmul.f32 $2.000000030e-01, v1  }
0x472: {  	v4 =	vld [tilespmem:$0x3EC0]  }
0x473: {  	v10 =	vld [tilespmem:$0x3F40];
	v5 =	vadd.f32 v6, v5;
	v1 =	vmax.f32 v1, v8;
	v8 =	vmul.f32 $2.000000030e-01, v3  }
0x474: {  	v6 =	vld [tilespmem:$0x3ED0];
	v1 =	vsub.f32 $0.0e+00, v1  }
0x475: {  	v11 =	vld [tilespmem:$0x3F50];
	v2 =	vadd.f32 v7, v2;
	v3 =	vmax.f32 v3, v8;
	v8 =	vmul.f32 $2.000000030e-01, v5  }
0x476: {  	v7 =	vld [tilespmem:$0x3EE0];
	v1 =	vmul.f32 $1.442695020e+00, v1;
	v3 =	vsub.f32 $0.0e+00, v3  }
0x477: {  	v4 =	vadd.f32 v9, v4;
	v5 =	vmax.f32 v5, v8;
	v8 =	vmul.f32 $2.000000030e-01, v2  }
0x478: {  	(erf) = vpow2.f32 v1;
	v1 =	vmul.f32 $1.442695020e+00, v3;
	v3 =	vsub.f32 $0.0e+00, v5  }
0x479: {  	v6 =	vadd.f32 v10, v6;
	v5 =	vmul.f32 $2.000000030e-01, v4;
	v2 =	vmax.f32 v2, v8  }
0x47a: {  	(erf) = vpow2.f32 v1;
	v1 =	vmul.f32 $1.442695020e+00, v3;
	v2 =	vsub.f32 $0.0e+00, v2  }
0x47b: {  	v3 =	vmax.f32 v4, v5;
	v4 =	vmul.f32 $2.000000030e-01, v6;
	v5 =	vadd.f32 v11, v7  }
0x47c: {  	(erf) = vpow2.f32 v1;
	v1 =	vmul.f32 $1.442695020e+00, v2;
	v2 =	vsub.f32 $0.0e+00, v3  }
0x47d: {  	v3 =	vmax.f32 v6, v4;
	v4 =	vmul.f32 $2.000000030e-01, v5  }
0x47e: {  	(erf) = vpow2.f32 v1;
	v1 =	vmul.f32 $1.442695020e+00, v2;
	v2 =	vsub.f32 $0.0e+00, v3  }
0x47f: {  	v4 =	vmax.f32 v5, v4  }
0x480: {  	(erf) = vpow2.f32 v1;
	v1 =	vmul.f32 $1.442695020e+00, v2;
	v2 =	vsub.f32 $0.0e+00, v4  }
0x481: {  	s25 =	sadd.s32 $0x70, s26  }
0x482: {  	p6 =	slt.u32 s25, $0x27100;
	v3 =	vld [tilespmem:$0x180];
	v4 =	vpop (erf);
	(erf) = vpow2.f32 v1;
	v1 =	vmul.f32 $1.442695020e+00, v2  }
0x483: {  	s16 =	sadd.s32 $0x80, s26;
	v4 =	vpsel !p6, $0x0, v4  }
0x484: {  	p5 =	slt.u32 s16, $0x27100;
	[tilespmem:$0x3F80] =	vst v4;
	v4 =	vld [tilespmem:$0x1A0];
	v2 =	vpop (erf)  }
0x485: {  	s22 =	sadd.s32 $0x90, s26;
	v2 =	vpsel !p5, $0x0, v2  }
0x486: {  	p6 =	slt.u32 s22, $0x27100;
	(erf) = vpow2.f32 v1;
	v1 =	vpop (erf);
	[tilespmem:$0x3F90] =	vst v2;
	v2 =	vld [tilespmem:$0x1B0]  }
0x487: {  	s25 =	sadd.s32 $0xA0, s26;
	[tilespmem:$0x7800] =	vst v3;
	v1 =	vpsel !p6, $0x0, v1  }
0x488: {  	p5 =	slt.u32 s25, $0x27100;
	v3 =	vpop (erf);
	[tilespmem:$0x3FA0] =	vst v1;
	v1 =	vld [tilespmem:$0x1C0]  }
0x489: {  	s16 =	sadd.s32 $0xB0, s26;
	v5 =	vld [tilespmem:$0x190];
	[tilespmem:$0x7820] =	vst v4;
	v3 =	vpsel !p5, $0x0, v3  }
0x48a: {  	p6 =	slt.u32 s16, $0x27100;
	v4 =	vpop (erf);
	[tilespmem:$0x3FB0] =	vst v3  }
0x48b: {  	s22 =	sadd.s32 $0xC0, s26;
	v3 =	vld [tilespmem:$0x1D0];
	[tilespmem:$0x7830] =	vst v2;
	v2 =	vpsel !p6, $0x0, v4  }
0x48c: {  	p5 =	slt.u32 s22, $0x27100;
	v4 =	vpop (erf);
	[tilespmem:$0x3FC0] =	vst v2;
	v2 =	vld [tilespmem:$0x1E0]  }
0x48d: {  	[tilespmem:$0x7840] =	vst v1;
	v1 =	vpsel !p5, $0x0, v4  }
0x48e: {  	[tilespmem:$0x7810] =	vst v5  }
0x48f: {  	s25 =	sadd.s32 $0xD0, s26;
	[tilespmem:$0x3FD0] =	vst v1  }
0x490: {  	p6 =	slt.u32 s25, $0x27100;
	[tilespmem:$0x7850] =	vst v3;
	v1 =	vpop (erf)  }
0x491: {  	v1 =	vpsel !p6, $0x0, v1;
	[tilespmem:$0x7860] =	vst v2  }
0x492: {  	s16 =	simm.s32 $0x0;
	s25 =	simm.s32 $0x2;
	[tilespmem:$0x3FE0] =	vst v1  }
0x493: {  	v4 =	vmov s16;
	[spmem:s3] =	stream.indirect.scatter.add.f32 [tilespmem:s19], [sflag:$0xB], $0x1, s18, s8, $0xb8;
	[tilespmem:$0x1EFF8] =	vst v63  }
0x494: {  	v3 =	vand.u32 $0xFFFFFFFC, v4;
	v4 =	vmov s25;
	_ =	swait.ge [sflag:s23], $0x3800  }
0x495: {  	v1 =	vbroadcast v3, $0x0;
	v3 =	vand.u32 $0xFFFFFFFE, v4;
	[sflag:s23] =	ssyncset.done $0x0  }
0x496: {  	s25 =	simm.s32 $0x4100;
	v2 =	vbroadcast v3, $0x0;
	[sflag:s23] =	ssyncadd.s32 $0xFFFFC800  }
0x497: {  	v4 =	vld [tilespmem:s25+$0x70]  }
0x498: {  	v5 =	vld [tilespmem:s25+$0xFFFFFF00]  }
0x499: {  	s16 =	simm.s32 $0x1;
	v6 =	vld [tilespmem:s25+$0xFFFFFF10]  }
0x49a: {  	v3 =	vmov s16;
	v7 =	vld [tilespmem:s25+$0xFFFFFF20]  }
0x49b: {  	v3 =	vand.u32 $0xFFFFFFFD, v3;
	v1 =	vld.idx.msk [tilespmem:v1+s19+$0x0], $0xffff  }
0x49c: {  	v3 =	vbroadcast v3, $0x0;
	v2 =	vld.idx.msk [tilespmem:v2+s19+$0x0], $0xffff  }
0x49d: {  	v8 =	vld [tilespmem:s25+$0xFFFFFF30]  }
0x49e: {  	v9 =	vld [tilespmem:s25+$0xFFFFFF40]  }
0x49f: {  	v10 =	vld [tilespmem:s25+$0xFFFFFF50]  }
0x4a0: {  	v11 =	vld [tilespmem:s25+$0xFFFFFF60];
	v5 =	vmul.f32 v5, v1  }
0x4a1: {  	v13 =	vld [tilespmem:s25+$0x40];
	v4 =	vmul.f32 v4, v2  }
0x4a2: {  	v3 =	vld.idx.msk [tilespmem:v3+s19+$0x0], $0xffff;
	[tilespmem:s25+$0xFFFFFF00] =	vst v5;
	v5 =	vmul.f32 v6, v1  }
0x4a3: {  	v6 =	vld [tilespmem:s25+$0xFFFFFF70];
	[tilespmem:s25+$0x70] =	vst v4;
	v4 =	vmul.f32 v7, v1  }
0x4a4: {  	v7 =	vld [tilespmem:s25+$0xFFFFFF80];
	[tilespmem:s25+$0xFFFFFF10] =	vst v5;
	v5 =	vmul.f32 v8, v1  }
0x4a5: {  	v8 =	vld [tilespmem:s25+$0xFFFFFF90];
	[tilespmem:s25+$0xFFFFFF20] =	vst v4;
	v4 =	vmul.f32 v9, v1  }
0x4a6: {  	v9 =	vld [tilespmem:s25+$0xFFFFFFA0];
	[tilespmem:s25+$0xFFFFFF30] =	vst v5;
	v5 =	vmul.f32 v10, v1  }
0x4a7: {  	v10 =	vld [tilespmem:s25+$0xFFFFFFB0];
	[tilespmem:s25+$0xFFFFFF40] =	vst v4;
	v4 =	vmul.f32 v11, v1  }
0x4a8: {  	v11 =	vld [tilespmem:s25+$0xFFFFFFC0];
	v6 =	vmul.f32 v6, v1;
	[tilespmem:s25+$0xFFFFFF50] =	vst v5  }
0x4a9: {  	v5 =	vmul.f32 v7, v3;
	v7 =	vld [tilespmem:s25+$0xFFFFFFD0];
	[tilespmem:s25+$0xFFFFFF60] =	vst v4  }
0x4aa: {  	s22 =	simm.s32 $0x3;
	v4 =	vld [tilespmem:s25+$0xFFFFFFE0];
	v8 =	vmul.f32 v8, v3;
	[tilespmem:s25+$0xFFFFFF70] =	vst v6  }
0x4ab: {  	v12 =	vmov s22;
	v6 =	vld [tilespmem:s25+$0xFFFFFFF0];
	[tilespmem:s25+$0xFFFFFF80] =	vst v5;
	v5 =	vmul.f32 v9, v3  }
0x4ac: {  	v9 =	vld [tilespmem:s25+$0x0];
	[tilespmem:s25+$0xFFFFFF90] =	vst v8;
	v8 =	vmul.f32 v10, v3  }
0x4ad: {  	v10 =	vld [tilespmem:s25+$0x10];
	[tilespmem:s25+$0xFFFFFFA0] =	vst v5;
	v5 =	vmul.f32 v11, v3  }
0x4ae: {  	[tilespmem:s25+$0xFFFFFFB0] =	vst v8;
	v7 =	vmul.f32 v7, v3;
	v8 =	vld [tilespmem:s25+$0x20]  }
0x4af: {  	v11 =	vld [tilespmem:s25+$0x30];
	[tilespmem:s25+$0xFFFFFFC0] =	vst v5;
	v4 =	vmul.f32 v4, v3  }
0x4b0: {  	v1 =	vld.idx.msk [tilespmem:v12+s19+$0x0], $0xffff;
	v3 =	vmul.f32 v6, v3;
	[tilespmem:s25+$0xFFFFFFD0] =	vst v7  }
0x4b1: {  	v5 =	vmul.f32 v9, v2;
	[tilespmem:s25+$0xFFFFFFE0] =	vst v4;
	v4 =	vld [tilespmem:s25+$0x50]  }
0x4b2: {  	s16 =	simm.s32 $0x4;
	[tilespmem:s25+$0xFFFFFFF0] =	vst v3;
	v6 =	vmul.f32 v10, v2;
	v3 =	vld [tilespmem:s25+$0x60]  }
0x4b3: {  	s22 =	simm.s32 $0x7;
	v7 =	vmov s16;
	[tilespmem:s25+$0x0] =	vst v5;
	v9 =	vmul.f32 v8, v2;
	v8 =	vld [tilespmem:s25+$0x80]  }
0x4b4: {  	s16 =	simm.s32 $0x5;
	v12 =	vand.u32 $0xFFFFFFFC, v7;
	v7 =	vld [tilespmem:s25+$0x90];
	v5 =	vmov s22;
	v10 =	vmul.f32 v11, v2;
	[tilespmem:s25+$0x10] =	vst v6  }
0x4b5: {  	s29 =	simm.s32 $0x6;
	s10 =	simm.s32 $0x4100;
	s22 =	simm.s32 $0x8;
	v11 =	vmul.f32 v13, v2;
	v6 =	vbroadcast v12, $0x0;
	v12 =	vmov s16;
	[tilespmem:s25+$0x20] =	vst v9;
	v9 =	vld [tilespmem:s25+$0xA0]  }
.LBB2_8:
0x4b6: {  	p4 =	slt.u32 s22, $0x6C;
	v12 =	vand.u32 $0xFFFFFFFD, v12;
	v13 =	vmov s29;
	[tilespmem:s25+$0x30] =	vst v10;
	v4 =	vmul.f32 v4, v2;
	v10 =	vld [tilespmem:s25+$0xB0]  }
0x4b7: {  	v12 =	vbroadcast v12, $0x0;
	v13 =	vand.u32 $0xFFFFFFFE, v13;
	[tilespmem:s25+$0x40] =	vst v11;
	v2 =	vmul.f32 v3, v2;
	v3 =	vld [tilespmem:s25+$0xC0]  }
0x4b8: {  	v11 =	vbroadcast v13, $0x0;
	[tilespmem:s25+$0x50] =	vst v4;
	v4 =	vmul.f32 v8, v1;
	v8 =	vld [tilespmem:s25+$0xD0]  }
0x4b9: {  	[tilespmem:s25+$0x60] =	vst v2;
	v2 =	vmul.f32 v7, v1;
	v7 =	vld [tilespmem:s25+$0xE0]  }
0x4ba: {  	[tilespmem:s25+$0x80] =	vst v4;
	v4 =	vmul.f32 v9, v1;
	v9 =	vld [tilespmem:s25+$0xF0]  }
0x4bb: {  	v5 =	vld.idx.msk [tilespmem:v5+s19+$0x0], $0xffff;
	[tilespmem:s25+$0x90] =	vst v2;
	v2 =	vmul.f32 v10, v1  }
0x4bc: {  	v6 =	vld.idx.msk [tilespmem:v6+s19+$0x0], $0xffff;
	[tilespmem:s25+$0xA0] =	vst v4;
	v3 =	vmul.f32 v3, v1  }
0x4bd: {  	v4 =	vld.idx.msk [tilespmem:v12+s19+$0x0], $0xffff;
	[tilespmem:s25+$0xB0] =	vst v2;
	v8 =	vmul.f32 v8, v1  }
0x4be: {  	s25 =	sadd.s32 $0x200, s25;
	v2 =	vld.idx.msk [tilespmem:v11+s19+$0x0], $0xffff;
	[tilespmem:s10+$0xC0] =	vst v3;
	v3 =	vmul.f32 v7, v1  }
0x4bf: {  	v7 =	vld [tilespmem:s25+$0x70];
	[tilespmem:s10+$0xD0] =	vst v8;
	v9 =	vmul.f32 v9, v1  }
0x4c0: {  	v8 =	vld [tilespmem:s25+$0xFFFFFF00];
	[tilespmem:s10+$0xE0] =	vst v3  }
0x4c1: {  	v1 =	vmov v5;
	v3 =	vld [tilespmem:s25+$0xFFFFFF10];
	[tilespmem:s10+$0xF0] =	vst v9;
	s10 =	smov.u32 s25  }
0x4c2: {  	v5 =	vld [tilespmem:s25+$0xFFFFFF20]  }
0x4c3: {  	v9 =	vld [tilespmem:s25+$0xFFFFFF30]  }
0x4c4: {  	v10 =	vld [tilespmem:s25+$0xFFFFFF40];
	v7 =	vmul.f32 v7, v2  }
0x4c5: {  	v8 =	vmul.f32 v8, v6;
	v11 =	vld [tilespmem:s25+$0xFFFFFF50]  }
0x4c6: {  	v3 =	vmul.f32 v3, v6;
	v12 =	vld [tilespmem:s25+$0xFFFFFF60];
	[tilespmem:s25+$0x70] =	vst v7  }
0x4c7: {  	[tilespmem:s25+$0xFFFFFF00] =	vst v8;
	v5 =	vmul.f32 v5, v6;
	v7 =	vld [tilespmem:s25+$0xFFFFFF70]  }
0x4c8: {  	[tilespmem:s25+$0xFFFFFF10] =	vst v3;
	v3 =	vmul.f32 v9, v6;
	v8 =	vld [tilespmem:s25+$0xFFFFFF80]  }
0x4c9: {  	[tilespmem:s25+$0xFFFFFF20] =	vst v5;
	v5 =	vmul.f32 v10, v6;
	v9 =	vld [tilespmem:s25+$0xFFFFFF90]  }
0x4ca: {  	[tilespmem:s25+$0xFFFFFF30] =	vst v3;
	v3 =	vmul.f32 v11, v6;
	v10 =	vld [tilespmem:s25+$0xFFFFFFA0]  }
0x4cb: {  	[tilespmem:s25+$0xFFFFFF40] =	vst v5;
	v5 =	vmul.f32 v12, v6;
	v11 =	vld [tilespmem:s25+$0xFFFFFFB0]  }
0x4cc: {  	[tilespmem:s25+$0xFFFFFF50] =	vst v3;
	v3 =	vmul.f32 v7, v6;
	v6 =	vld [tilespmem:s25+$0xFFFFFFC0]  }
0x4cd: {  	[tilespmem:s25+$0xFFFFFF60] =	vst v5;
	v5 =	vmul.f32 v8, v4;
	v7 =	vld [tilespmem:s25+$0xFFFFFFD0]  }
0x4ce: {  	[tilespmem:s25+$0xFFFFFF70] =	vst v3;
	v3 =	vmul.f32 v9, v4;
	v8 =	vld [tilespmem:s25+$0xFFFFFFE0]  }
0x4cf: {  	[tilespmem:s25+$0xFFFFFF80] =	vst v5;
	v5 =	vmul.f32 v10, v4;
	v9 =	vld [tilespmem:s25+$0xFFFFFFF0]  }
0x4d0: {  	[tilespmem:s25+$0xFFFFFF90] =	vst v3;
	v3 =	vmul.f32 v11, v4;
	v10 =	vld [tilespmem:s25+$0x0]  }
0x4d1: {  	[tilespmem:s25+$0xFFFFFFA0] =	vst v5;
	v5 =	vmul.f32 v6, v4;
	v6 =	vld [tilespmem:s25+$0x10]  }
0x4d2: {  	[tilespmem:s25+$0xFFFFFFB0] =	vst v3;
	v3 =	vmul.f32 v7, v4;
	v7 =	vld [tilespmem:s25+$0x20]  }
0x4d3: {  	[tilespmem:s25+$0xFFFFFFC0] =	vst v5;
	v5 =	vmul.f32 v8, v4;
	v11 =	vld [tilespmem:s25+$0x30]  }
0x4d4: {  	[tilespmem:s25+$0xFFFFFFD0] =	vst v3;
	v3 =	vmul.f32 v9, v4;
	v9 =	vld [tilespmem:s25+$0x40]  }
.Ltmp11:
0x4d5: {  	[tilespmem:s25+$0xFFFFFFE0] =	vst v5;
	v5 =	vmul.f32 v10, v2;
	v4 =	vld [tilespmem:s25+$0x50];
	(pc) =	sbr.rel @p4 .LBB2_8-.Ltmp11, $4  }
0x4d6: {  	[tilespmem:s25+$0xFFFFFFF0] =	vst v3;
	v6 =	vmul.f32 v6, v2;
	v3 =	vld [tilespmem:s25+$0x60]  }
0x4d7: {  	s29 =	sadd.s32 $0x3, s22;
	v10 =	vmov s22;
	[tilespmem:s25+$0x0] =	vst v5;
	v13 =	vmul.f32 v7, v2;
	v8 =	vld [tilespmem:s25+$0x80]  }
0x4d8: {  	s16 =	sadd.s32 $0x1, s22;
	v12 =	vand.u32 $0xFFFFFFFC, v10;
	v5 =	vmov s29;
	[tilespmem:s25+$0x10] =	vst v6;
	v10 =	vmul.f32 v11, v2;
	v7 =	vld [tilespmem:s25+$0x90]  }
0x4d9: {  	s29 =	sadd.s32 $0x2, s22;
	s22 =	sadd.s32 $0x4, s22;
	v6 =	vbroadcast v12, $0x0;
	v12 =	vmov s16;
	[tilespmem:s25+$0x20] =	vst v13;
	v11 =	vmul.f32 v9, v2;
	v9 =	vld [tilespmem:s25+$0xA0]  }
0x4da: {  	v13 =	vld [tilespmem:s25+$0xB0]  }
0x4db: {  	v15 =	vld [tilespmem:s25+$0xC0]  }
0x4dc: {  	v14 =	vmov s29;
	v16 =	vld [tilespmem:s25+$0xD0]  }
0x4dd: {  	v17 =	vld [tilespmem:s25+$0xE0];
	[tilespmem:s25+$0x30] =	vst v10;
	v4 =	vmul.f32 v4, v2;
	v14 =	vand.u32 $0xFFFFFFFE, v14  }
0x4de: {  	v12 =	vand.u32 $0xFFFFFFFD, v12;
	v5 =	vld.idx.msk [tilespmem:v5+s19+$0x0], $0xffff;
	[tilespmem:s25+$0x40] =	vst v11;
	v2 =	vmul.f32 v3, v2;
	v14 =	vbroadcast v14, $0x0  }
0x4df: {  	s22 =	sadd.s32 $0x200, s25;
	v12 =	vbroadcast v12, $0x0;
	v3 =	vld.idx.msk [tilespmem:v6+s19+$0x0], $0xffff;
	v8 =	vmul.f32 v8, v1;
	[tilespmem:s25+$0x50] =	vst v4  }
0x4e0: {  	v10 =	vld [tilespmem:s22+$0xFFFFFF00];
	v4 =	vmul.f32 v7, v1;
	[tilespmem:s25+$0x60] =	vst v2  }
0x4e1: {  	[tilespmem:s25+$0x80] =	vst v8;
	v8 =	vld [tilespmem:s25+$0xF0];
	v2 =	vmul.f32 v9, v1  }
0x4e2: {  	v11 =	vld [tilespmem:s22+$0xFFFFFF10];
	[tilespmem:s25+$0x90] =	vst v4;
	v4 =	vmul.f32 v13, v1  }
0x4e3: {  	v9 =	vld [tilespmem:s22+$0x70];
	[tilespmem:s25+$0xA0] =	vst v2;
	v2 =	vmul.f32 v15, v1  }
0x4e4: {  	[tilespmem:s25+$0xB0] =	vst v4;
	v4 =	vmul.f32 v16, v1;
	v7 =	vld.idx.msk [tilespmem:v14+s19+$0x0], $0xffff  }
0x4e5: {  	v6 =	vld.idx.msk [tilespmem:v12+s19+$0x0], $0xffff;
	[tilespmem:s10+$0xC0] =	vst v2;
	v2 =	vmul.f32 v17, v1  }
0x4e6: {  	v12 =	vld [tilespmem:s22+$0xFFFFFF20];
	[tilespmem:s10+$0xD0] =	vst v4;
	v1 =	vmul.f32 v8, v1  }
0x4e7: {  	v4 =	vld [tilespmem:s22+$0xFFFFFF30];
	[tilespmem:s10+$0xE0] =	vst v2  }
0x4e8: {  	v2 =	vld [tilespmem:s22+$0xFFFFFF40];
	[tilespmem:s10+$0xF0] =	vst v1;
	v1 =	vmul.f32 v10, v3  }
0x4e9: {  	v8 =	vmul.f32 v9, v7;
	v9 =	vld [tilespmem:s22+$0xFFFFFF50]  }
0x4ea: {  	v10 =	vmul.f32 v11, v3;
	v11 =	vld [tilespmem:s22+$0xFFFFFF60];
	[tilespmem:s22+$0xFFFFFF00] =	vst v1  }
0x4eb: {  	v1 =	vmul.f32 v12, v3;
	[tilespmem:s22+$0x70] =	vst v8;
	v8 =	vld [tilespmem:s22+$0xFFFFFF70]  }
0x4ec: {  	[tilespmem:s22+$0xFFFFFF10] =	vst v10;
	v10 =	vld [tilespmem:s22+$0xFFFFFF80];
	v4 =	vmul.f32 v4, v3  }
0x4ed: {  	[tilespmem:s22+$0xFFFFFF20] =	vst v1;
	v1 =	vmul.f32 v2, v3;
	v2 =	vld [tilespmem:s22+$0xFFFFFF90]  }
0x4ee: {  	[tilespmem:s22+$0xFFFFFF30] =	vst v4;
	v4 =	vmul.f32 v9, v3;
	v9 =	vld [tilespmem:s22+$0xFFFFFFA0]  }
0x4ef: {  	[tilespmem:s22+$0xFFFFFF40] =	vst v1;
	v1 =	vmul.f32 v11, v3;
	v11 =	vld [tilespmem:s22+$0xFFFFFFB0]  }
0x4f0: {  	[tilespmem:s22+$0xFFFFFF50] =	vst v4;
	v3 =	vmul.f32 v8, v3;
	v4 =	vld [tilespmem:s22+$0xFFFFFFC0]  }
0x4f1: {  	[tilespmem:s22+$0xFFFFFF60] =	vst v1;
	v1 =	vmul.f32 v10, v6;
	v8 =	vld [tilespmem:s22+$0xFFFFFFD0]  }
0x4f2: {  	v2 =	vmul.f32 v2, v6;
	[tilespmem:s22+$0xFFFFFF70] =	vst v3;
	v3 =	vld [tilespmem:s22+$0xFFFFFFE0]  }
0x4f3: {  	[tilespmem:s22+$0xFFFFFF80] =	vst v1;
	v1 =	vmul.f32 v9, v6;
	v9 =	vld [tilespmem:s22+$0xFFFFFFF0]  }
0x4f4: {  	v10 =	vld [tilespmem:s22+$0x0];
	[tilespmem:s22+$0xFFFFFF90] =	vst v2;
	v2 =	vmul.f32 v11, v6  }
0x4f5: {  	[tilespmem:s22+$0xFFFFFFA0] =	vst v1;
	v1 =	vmul.f32 v4, v6;
	v4 =	vld [tilespmem:s22+$0x10]  }
0x4f6: {  	[tilespmem:s22+$0xFFFFFFB0] =	vst v2;
	v2 =	vmul.f32 v8, v6;
	v8 =	vld [tilespmem:s22+$0x20]  }
0x4f7: {  	[tilespmem:s22+$0xFFFFFFC0] =	vst v1;
	v1 =	vmul.f32 v3, v6;
	v3 =	vld [tilespmem:s22+$0x30]  }
0x4f8: {  	[tilespmem:s22+$0xFFFFFFD0] =	vst v2;
	v2 =	vmul.f32 v9, v6;
	v6 =	vld [tilespmem:s22+$0x40]  }
0x4f9: {  	v9 =	vld [tilespmem:s22+$0x50];
	[tilespmem:s22+$0xFFFFFFE0] =	vst v1;
	v1 =	vmul.f32 v10, v7  }
0x4fa: {  	[tilespmem:s22+$0xFFFFFFF0] =	vst v2;
	v2 =	vmul.f32 v4, v7;
	v4 =	vld [tilespmem:s22+$0x60]  }
0x4fb: {  	[tilespmem:s22+$0x0] =	vst v1;
	v1 =	vmul.f32 v8, v7;
	v8 =	vld [tilespmem:s22+$0x80]  }
0x4fc: {  	[tilespmem:s22+$0x10] =	vst v2;
	v2 =	vmul.f32 v3, v7;
	v3 =	vld [tilespmem:s22+$0x90]  }
0x4fd: {  	[tilespmem:s22+$0x20] =	vst v1;
	v1 =	vmul.f32 v6, v7;
	v6 =	vld [tilespmem:s22+$0xA0]  }
0x4fe: {  	[tilespmem:s22+$0x30] =	vst v2;
	v2 =	vmul.f32 v9, v7;
	v9 =	vld [tilespmem:s22+$0xB0]  }
0x4ff: {  	[tilespmem:s22+$0x40] =	vst v1;
	v1 =	vmul.f32 v4, v7;
	v4 =	vld [tilespmem:s22+$0xC0]  }
0x500: {  	v7 =	vld [tilespmem:s22+$0xD0];
	[tilespmem:s22+$0x50] =	vst v2;
	v2 =	vmul.f32 v8, v5  }
0x501: {  	[tilespmem:s22+$0x60] =	vst v1;
	v1 =	vmul.f32 v3, v5;
	v3 =	vld [tilespmem:s22+$0xE0]  }
0x502: {  	[tilespmem:s22+$0x80] =	vst v2;
	v2 =	vmul.f32 v6, v5;
	v6 =	vld [tilespmem:s22+$0xF0]  }
0x503: {  	[tilespmem:s22+$0x90] =	vst v1;
	v1 =	vmul.f32 v9, v5  }
0x504: {  	[tilespmem:s22+$0xA0] =	vst v2;
	v2 =	vmul.f32 v4, v5  }
0x505: {  	[tilespmem:s22+$0xB0] =	vst v1;
	v1 =	vmul.f32 v7, v5  }
0x506: {  	[tilespmem:s22+$0xC0] =	vst v2;
	v2 =	vmul.f32 v3, v5  }
0x507: {  	[tilespmem:s22+$0xD0] =	vst v1;
	v1 =	vmul.f32 v6, v5  }
0x508: {  	[tilespmem:s22+$0xE0] =	vst v2  }
0x509: {  	s29 =	simm.s32 $0x4000;
	s10 =	simm.s32 @p3 $0x6;
	[tilespmem:s22+$0xF0] =	vst v1  }
0x50a: {  	[spmem:s2] =	stream.indirect.scatter.add.f32 [tilespmem:s29], [sflag:$0xA], $0x80, s18, s8, $0xb8;
	[tilespmem:$0x1EFF8] =	vst v63  }
0x50b: {  	_ =	swait.ge @p3 [sflag:s10], $0x3800  }
0x50c: {  	[sflag:s10] =	ssyncset.done @p3 $0x0  }
0x50d: {  	[sflag:s10] =	ssyncadd.s32 @p3 $0xFFFFC800;
	s10 =	simm.s32 @p3 $0x7  }
0x50e: {  	_ =	swait.ge @p3 [sflag:s10], $0x70  }
0x50f: {  	s1 =	sadd.s32 @!p3 $0x70, s1;
	[sflag:s10] =	ssyncset.done @p3 $0x0  }
0x510: {  	s16 =	simm.s32 @!p3 $0x180;
	[sflag:s10] =	ssyncadd.s32 @p3 $0xFFFFFF90;
	s10 =	simm.s32 @!p3 $0x0  }
0x511: {  	[tilespmem:s16], [sflag:$0x2] =	stream.linear.gather @!p3 [hbm4b:s1+s10], $0xE0, $0x38;
	[tilespmem:$0x1EFF8] =	vst v63  }
0x512: {  	s1 =	simm.s32 @!p3 $0x6  }
0x513: {  	_ =	swait.ge @!p3 [sflag:s1], $0x3800  }
0x514: {  	[sflag:s1] =	ssyncset.done @!p3 $0x0  }
0x515: {  	[sflag:s1] =	ssyncadd.s32 @!p3 $0xFFFFC800;
	s1 =	simm.s32 @!p3 $0x7  }
0x516: {  	_ =	swait.ge @!p3 [sflag:s1], $0x70  }
0x517: {  	[sflag:s1] =	ssyncset.done @!p3 $0x0  }
0x518: {  	[sflag:s1] =	ssyncadd.s32 @!p3 $0xFFFFFF90;
	s1 =	simm.s32 @!p3 $0x1  }
0x519: {  	_ =	swait.ge @!p3 [sflag:s1], $0xE0  }
0x51a: {  	[sflag:s1] =	ssyncset.done @!p3 $0x0  }
0x51b: {  	[sflag:s1] =	ssyncadd.s32 @!p3 $0xFFFFFF20  }
0x51c: {  	v1 =	vld @!p3 [tilespmem:$0x70]  }
0x51d: {  	v2 =	vld @!p3 [tilespmem:$0x80]  }
0x51e: {  	v3 =	vld @!p3 [tilespmem:$0x90]  }
0x51f: {  	v4 =	vld @!p3 [tilespmem:$0xA0]  }
0x520: {  	v5 =	vld @!p3 [tilespmem:$0xB0]  }
0x521: {  	v6 =	vld @!p3 [tilespmem:$0xC0];
	v1 =	vadd.s32 @!p3 $0xFFFFD8F0, v1  }
0x522: {  	[tilespmem:$0x100] =	vst @!p3 v1;
	v1 =	vadd.s32 @!p3 $0xFFFFD8F0, v2;
	v2 =	vld @!p3 [tilespmem:$0xD0]  }
0x523: {  	[tilespmem:$0x110] =	vst @!p3 v1;
	v1 =	vadd.s32 @!p3 $0xFFFFD8F0, v3  }
0x524: {  	[tilespmem:$0x120] =	vst @!p3 v1;
	v1 =	vadd.s32 @!p3 $0xFFFFD8F0, v4  }
0x525: {  	[tilespmem:$0x130] =	vst @!p3 v1;
	v1 =	vadd.s32 @!p3 $0xFFFFD8F0, v5  }
0x526: {  	[tilespmem:$0x140] =	vst @!p3 v1;
	v1 =	vadd.s32 @!p3 $0xFFFFD8F0, v6  }
0x527: {  	[tilespmem:$0x150] =	vst @!p3 v1;
	v1 =	vadd.s32 @!p3 $0xFFFFD8F0, v2  }
0x528: {  	s16 =	simm.s32 @!p3 $0x480;
	s1 =	simm.s32 @!p3 $0xE0;
	s22 =	rddreg [dreg:$0x0];
	[tilespmem:$0x160] =	vst @!p3 v1  }
0x529: {  	[tilespmem:s16], [sflag:$0x4] =	stream.indirect.gather @!p3 [hbm4b:s6+s1], $0x1, s10, s1, $0xb8;
	[tilespmem:$0x1EFF8] =	vst v63  }
0x52a: {  	s1 =	simm.s32 @!p3 $0x70;
	s10 =	simm.s32 @!p3 $0x100;
	s16 =	simm.s32 @!p3 $0x600  }
0x52b: {  	[tilespmem:s16], [sflag:$0x5] =	stream.indirect.gather @!p3 [hbm4b:s22+s1], $0x80, s10, s1, $0xb8;
	[tilespmem:$0x1EFF8] =	vst v63  }
0x52c: {  	_ =	swait.ge [sflag:s4], $0xE0  }
0x52d: {  	[sflag:s4] =	ssyncset.done $0x0  }
0x52e: {  	[sflag:s4] =	ssyncadd.s32 $0xFFFFFF20  }
0x52f: {  	v1 =	vld [tilespmem:$0x7880]  }
0x530: {  	v2 =	vld [tilespmem:$0x78F0]  }
0x531: {  	v3 =	vld [tilespmem:$0x7890]  }
0x532: {  	v4 =	vld [tilespmem:$0x7900]  }
0x533: {  	v5 =	vld [tilespmem:$0x78A0]  }
0x534: {  	v6 =	vld [tilespmem:$0x7910]  }
0x535: {  	v7 =	vld [tilespmem:$0x7920];
	v1 =	vadd.f32 v2, v1  }
0x536: {  	v2 =	vld [tilespmem:$0x78B0]  }
0x537: {  	v9 =	vld [tilespmem:$0x7930];
	v3 =	vadd.f32 v4, v3;
	v8 =	vmul.f32 $2.000000030e-01, v1  }
0x538: {  	v4 =	vld [tilespmem:$0x78C0]  }
0x539: {  	v10 =	vld [tilespmem:$0x7940];
	v5 =	vadd.f32 v6, v5;
	v1 =	vmax.f32 v1, v8;
	v8 =	vmul.f32 $2.000000030e-01, v3  }
0x53a: {  	v6 =	vld [tilespmem:$0x78D0];
	v1 =	vsub.f32 $0.0e+00, v1  }
0x53b: {  	v11 =	vld [tilespmem:$0x7950];
	v2 =	vadd.f32 v7, v2;
	v3 =	vmax.f32 v3, v8;
	v8 =	vmul.f32 $2.000000030e-01, v5  }
0x53c: {  	v7 =	vld [tilespmem:$0x78E0];
	v1 =	vmul.f32 $1.442695020e+00, v1;
	v3 =	vsub.f32 $0.0e+00, v3  }
0x53d: {  	v4 =	vadd.f32 v9, v4;
	v5 =	vmax.f32 v5, v8;
	v8 =	vmul.f32 $2.000000030e-01, v2  }
0x53e: {  	(erf) = vpow2.f32 v1;
	v1 =	vmul.f32 $1.442695020e+00, v3;
	v3 =	vsub.f32 $0.0e+00, v5  }
0x53f: {  	v6 =	vadd.f32 v10, v6;
	v5 =	vmul.f32 $2.000000030e-01, v4;
	v2 =	vmax.f32 v2, v8  }
0x540: {  	(erf) = vpow2.f32 v1;
	v1 =	vmul.f32 $1.442695020e+00, v3;
	v2 =	vsub.f32 $0.0e+00, v2  }
0x541: {  	v3 =	vmax.f32 v4, v5;
	v4 =	vmul.f32 $2.000000030e-01, v6;
	v5 =	vadd.f32 v11, v7  }
0x542: {  	(erf) = vpow2.f32 v1;
	v1 =	vmul.f32 $1.442695020e+00, v2;
	v2 =	vsub.f32 $0.0e+00, v3  }
0x543: {  	v3 =	vmax.f32 v6, v4;
	v4 =	vmul.f32 $2.000000030e-01, v5  }
0x544: {  	(erf) = vpow2.f32 v1;
	v1 =	vmul.f32 $1.442695020e+00, v2;
	v2 =	vsub.f32 $0.0e+00, v3  }
0x545: {  	v4 =	vmax.f32 v5, v4  }
0x546: {  	(erf) = vpow2.f32 v1;
	v1 =	vmul.f32 $1.442695020e+00, v2;
	v2 =	vsub.f32 $0.0e+00, v4  }
0x547: {  	s10 =	sadd.s32 $0xE0, s26  }
0x548: {  	p4 =	slt.u32 s10, $0x27100;
	v3 =	vld [tilespmem:$0x300];
	v4 =	vpop (erf);
	(erf) = vpow2.f32 v1;
	v1 =	vmul.f32 $1.442695020e+00, v2  }
0x549: {  	s16 =	sadd.s32 $0xF0, s26;
	v4 =	vpsel !p4, $0x0, v4  }
0x54a: {  	p5 =	slt.u32 s16, $0x27100;
	[tilespmem:$0x7980] =	vst v4;
	v4 =	vld [tilespmem:$0x320];
	v2 =	vpop (erf)  }
0x54b: {  	s22 =	sadd.s32 $0x100, s26;
	v2 =	vpsel !p5, $0x0, v2  }
0x54c: {  	p6 =	slt.u32 s22, $0x27100;
	(erf) = vpow2.f32 v1;
	v1 =	vpop (erf);
	[tilespmem:$0x7990] =	vst v2;
	v2 =	vld [tilespmem:$0x330]  }
0x54d: {  	s25 =	sadd.s32 $0x110, s26;
	[tilespmem:$0xB200] =	vst v3;
	v1 =	vpsel !p6, $0x0, v1  }
0x54e: {  	p5 =	slt.u32 s25, $0x27100;
	v3 =	vpop (erf);
	[tilespmem:$0x79A0] =	vst v1;
	v1 =	vld [tilespmem:$0x340]  }
0x54f: {  	s29 =	sadd.s32 $0x120, s26;
	v5 =	vld [tilespmem:$0x310];
	[tilespmem:$0xB220] =	vst v4;
	v3 =	vpsel !p5, $0x0, v3  }
0x550: {  	p6 =	slt.u32 s29, $0x27100;
	v4 =	vpop (erf);
	[tilespmem:$0x79B0] =	vst v3  }
0x551: {  	s10 =	sadd.s32 $0x130, s26;
	v3 =	vld [tilespmem:$0x350];
	[tilespmem:$0xB230] =	vst v2;
	v2 =	vpsel !p6, $0x0, v4  }
0x552: {  	p5 =	slt.u32 s10, $0x27100;
	v4 =	vpop (erf);
	[tilespmem:$0x79C0] =	vst v2;
	v2 =	vld [tilespmem:$0x360]  }
0x553: {  	[tilespmem:$0xB240] =	vst v1;
	v1 =	vpsel !p5, $0x0, v4  }
0x554: {  	[tilespmem:$0xB210] =	vst v5  }
0x555: {  	s16 =	sadd.s32 $0x140, s26;
	[tilespmem:$0x79D0] =	vst v1  }
0x556: {  	p6 =	slt.u32 s16, $0x27100;
	[tilespmem:$0xB250] =	vst v3;
	v1 =	vpop (erf)  }
0x557: {  	v1 =	vpsel !p6, $0x0, v1;
	[tilespmem:$0xB260] =	vst v2  }
0x558: {  	s22 =	simm.s32 $0x0;
	s25 =	simm.s32 $0x2;
	[tilespmem:$0x79E0] =	vst v1  }
0x559: {  	v4 =	vmov s22;
	[spmem:s3] =	stream.indirect.scatter.add.f32 [tilespmem:s21], [sflag:$0xF], $0x1, s20, s8, $0xb8;
	[tilespmem:$0x1EFF8] =	vst v63  }
0x55a: {  	v3 =	vand.u32 $0xFFFFFFFC, v4;
	v4 =	vmov s25;
	_ =	swait.ge [sflag:s14], $0x3800  }
0x55b: {  	v1 =	vbroadcast v3, $0x0;
	v3 =	vand.u32 $0xFFFFFFFE, v4;
	[sflag:s14] =	ssyncset.done $0x0  }
0x55c: {  	s1 =	simm.s32 $0x7B00;
	v2 =	vbroadcast v3, $0x0;
	[sflag:s14] =	ssyncadd.s32 $0xFFFFC800  }
0x55d: {  	v4 =	vld [tilespmem:s1+$0x70]  }
0x55e: {  	v5 =	vld [tilespmem:s1+$0xFFFFFF00]  }
0x55f: {  	s29 =	simm.s32 $0x1;
	v6 =	vld [tilespmem:s1+$0xFFFFFF10]  }
0x560: {  	v3 =	vmov s29;
	v7 =	vld [tilespmem:s1+$0xFFFFFF20]  }
0x561: {  	v3 =	vand.u32 $0xFFFFFFFD, v3;
	v1 =	vld.idx.msk [tilespmem:v1+s21+$0x0], $0xffff  }
0x562: {  	v3 =	vbroadcast v3, $0x0;
	v2 =	vld.idx.msk [tilespmem:v2+s21+$0x0], $0xffff  }
0x563: {  	v8 =	vld [tilespmem:s1+$0xFFFFFF30]  }
0x564: {  	v9 =	vld [tilespmem:s1+$0xFFFFFF40]  }
0x565: {  	v10 =	vld [tilespmem:s1+$0xFFFFFF50]  }
0x566: {  	v11 =	vld [tilespmem:s1+$0xFFFFFF60];
	v5 =	vmul.f32 v5, v1  }
0x567: {  	v13 =	vld [tilespmem:s1+$0x40];
	v4 =	vmul.f32 v4, v2  }
0x568: {  	v3 =	vld.idx.msk [tilespmem:v3+s21+$0x0], $0xffff;
	[tilespmem:s1+$0xFFFFFF00] =	vst v5;
	v5 =	vmul.f32 v6, v1  }
0x569: {  	v6 =	vld [tilespmem:s1+$0xFFFFFF70];
	[tilespmem:s1+$0x70] =	vst v4;
	v4 =	vmul.f32 v7, v1  }
0x56a: {  	v7 =	vld [tilespmem:s1+$0xFFFFFF80];
	[tilespmem:s1+$0xFFFFFF10] =	vst v5;
	v5 =	vmul.f32 v8, v1  }
0x56b: {  	v8 =	vld [tilespmem:s1+$0xFFFFFF90];
	[tilespmem:s1+$0xFFFFFF20] =	vst v4;
	v4 =	vmul.f32 v9, v1  }
0x56c: {  	v9 =	vld [tilespmem:s1+$0xFFFFFFA0];
	[tilespmem:s1+$0xFFFFFF30] =	vst v5;
	v5 =	vmul.f32 v10, v1  }
0x56d: {  	v10 =	vld [tilespmem:s1+$0xFFFFFFB0];
	[tilespmem:s1+$0xFFFFFF40] =	vst v4;
	v4 =	vmul.f32 v11, v1  }
0x56e: {  	v11 =	vld [tilespmem:s1+$0xFFFFFFC0];
	v6 =	vmul.f32 v6, v1;
	[tilespmem:s1+$0xFFFFFF50] =	vst v5  }
0x56f: {  	v5 =	vmul.f32 v7, v3;
	v7 =	vld [tilespmem:s1+$0xFFFFFFD0];
	[tilespmem:s1+$0xFFFFFF60] =	vst v4  }
0x570: {  	s16 =	simm.s32 $0x3;
	v4 =	vld [tilespmem:s1+$0xFFFFFFE0];
	v8 =	vmul.f32 v8, v3;
	[tilespmem:s1+$0xFFFFFF70] =	vst v6  }
0x571: {  	v12 =	vmov s16;
	v6 =	vld [tilespmem:s1+$0xFFFFFFF0];
	[tilespmem:s1+$0xFFFFFF80] =	vst v5;
	v5 =	vmul.f32 v9, v3  }
0x572: {  	v9 =	vld [tilespmem:s1+$0x0];
	[tilespmem:s1+$0xFFFFFF90] =	vst v8;
	v8 =	vmul.f32 v10, v3  }
0x573: {  	v10 =	vld [tilespmem:s1+$0x10];
	[tilespmem:s1+$0xFFFFFFA0] =	vst v5;
	v5 =	vmul.f32 v11, v3  }
0x574: {  	[tilespmem:s1+$0xFFFFFFB0] =	vst v8;
	v7 =	vmul.f32 v7, v3;
	v8 =	vld [tilespmem:s1+$0x20]  }
0x575: {  	v11 =	vld [tilespmem:s1+$0x30];
	[tilespmem:s1+$0xFFFFFFC0] =	vst v5;
	v4 =	vmul.f32 v4, v3  }
0x576: {  	v1 =	vld.idx.msk [tilespmem:v12+s21+$0x0], $0xffff;
	v3 =	vmul.f32 v6, v3;
	[tilespmem:s1+$0xFFFFFFD0] =	vst v7  }
0x577: {  	v5 =	vmul.f32 v9, v2;
	[tilespmem:s1+$0xFFFFFFE0] =	vst v4;
	v4 =	vld [tilespmem:s1+$0x50]  }
0x578: {  	s22 =	simm.s32 $0x4;
	[tilespmem:s1+$0xFFFFFFF0] =	vst v3;
	v6 =	vmul.f32 v10, v2;
	v3 =	vld [tilespmem:s1+$0x60]  }
0x579: {  	s25 =	simm.s32 $0x7;
	v7 =	vmov s22;
	[tilespmem:s1+$0x0] =	vst v5;
	v9 =	vmul.f32 v8, v2;
	v8 =	vld [tilespmem:s1+$0x80]  }
0x57a: {  	s29 =	simm.s32 $0x5;
	v12 =	vand.u32 $0xFFFFFFFC, v7;
	v7 =	vld [tilespmem:s1+$0x90];
	v5 =	vmov s25;
	v10 =	vmul.f32 v11, v2;
	[tilespmem:s1+$0x10] =	vst v6  }
0x57b: {  	s10 =	simm.s32 $0x7B00;
	s22 =	simm.s32 $0x8;
	s25 =	simm.s32 $0x6;
	v11 =	vmul.f32 v13, v2;
	v6 =	vbroadcast v12, $0x0;
	v12 =	vmov s29;
	[tilespmem:s1+$0x20] =	vst v9;
	v9 =	vld [tilespmem:s1+$0xA0]  }
.LBB2_10:
0x57c: {  	p4 =	slt.u32 s22, $0x6C;
	v12 =	vand.u32 $0xFFFFFFFD, v12;
	v13 =	vmov s25;
	[tilespmem:s1+$0x30] =	vst v10;
	v4 =	vmul.f32 v4, v2;
	v10 =	vld [tilespmem:s1+$0xB0]  }
0x57d: {  	v12 =	vbroadcast v12, $0x0;
	v13 =	vand.u32 $0xFFFFFFFE, v13;
	[tilespmem:s1+$0x40] =	vst v11;
	v2 =	vmul.f32 v3, v2;
	v3 =	vld [tilespmem:s1+$0xC0]  }
0x57e: {  	v11 =	vbroadcast v13, $0x0;
	[tilespmem:s1+$0x50] =	vst v4;
	v4 =	vmul.f32 v8, v1;
	v8 =	vld [tilespmem:s1+$0xD0]  }
0x57f: {  	[tilespmem:s1+$0x60] =	vst v2;
	v2 =	vmul.f32 v7, v1;
	v7 =	vld [tilespmem:s1+$0xE0]  }
0x580: {  	[tilespmem:s1+$0x80] =	vst v4;
	v4 =	vmul.f32 v9, v1;
	v9 =	vld [tilespmem:s1+$0xF0]  }
0x581: {  	v5 =	vld.idx.msk [tilespmem:v5+s21+$0x0], $0xffff;
	[tilespmem:s1+$0x90] =	vst v2;
	v2 =	vmul.f32 v10, v1  }
0x582: {  	v6 =	vld.idx.msk [tilespmem:v6+s21+$0x0], $0xffff;
	[tilespmem:s1+$0xA0] =	vst v4;
	v3 =	vmul.f32 v3, v1  }
0x583: {  	v4 =	vld.idx.msk [tilespmem:v12+s21+$0x0], $0xffff;
	[tilespmem:s1+$0xB0] =	vst v2;
	v8 =	vmul.f32 v8, v1  }
0x584: {  	s1 =	sadd.s32 $0x200, s1;
	v2 =	vld.idx.msk [tilespmem:v11+s21+$0x0], $0xffff;
	[tilespmem:s10+$0xC0] =	vst v3;
	v3 =	vmul.f32 v7, v1  }
0x585: {  	v7 =	vld [tilespmem:s1+$0x70];
	[tilespmem:s10+$0xD0] =	vst v8;
	v9 =	vmul.f32 v9, v1  }
0x586: {  	v8 =	vld [tilespmem:s1+$0xFFFFFF00];
	[tilespmem:s10+$0xE0] =	vst v3  }
0x587: {  	v1 =	vmov v5;
	v3 =	vld [tilespmem:s1+$0xFFFFFF10];
	[tilespmem:s10+$0xF0] =	vst v9;
	s10 =	smov.u32 s1  }
0x588: {  	v5 =	vld [tilespmem:s1+$0xFFFFFF20]  }
0x589: {  	v9 =	vld [tilespmem:s1+$0xFFFFFF30]  }
0x58a: {  	v10 =	vld [tilespmem:s1+$0xFFFFFF40];
	v7 =	vmul.f32 v7, v2  }
0x58b: {  	v8 =	vmul.f32 v8, v6;
	v11 =	vld [tilespmem:s1+$0xFFFFFF50]  }
0x58c: {  	v3 =	vmul.f32 v3, v6;
	v12 =	vld [tilespmem:s1+$0xFFFFFF60];
	[tilespmem:s1+$0x70] =	vst v7  }
0x58d: {  	[tilespmem:s1+$0xFFFFFF00] =	vst v8;
	v5 =	vmul.f32 v5, v6;
	v7 =	vld [tilespmem:s1+$0xFFFFFF70]  }
0x58e: {  	[tilespmem:s1+$0xFFFFFF10] =	vst v3;
	v3 =	vmul.f32 v9, v6;
	v8 =	vld [tilespmem:s1+$0xFFFFFF80]  }
0x58f: {  	[tilespmem:s1+$0xFFFFFF20] =	vst v5;
	v5 =	vmul.f32 v10, v6;
	v9 =	vld [tilespmem:s1+$0xFFFFFF90]  }
0x590: {  	[tilespmem:s1+$0xFFFFFF30] =	vst v3;
	v3 =	vmul.f32 v11, v6;
	v10 =	vld [tilespmem:s1+$0xFFFFFFA0]  }
0x591: {  	[tilespmem:s1+$0xFFFFFF40] =	vst v5;
	v5 =	vmul.f32 v12, v6;
	v11 =	vld [tilespmem:s1+$0xFFFFFFB0]  }
0x592: {  	[tilespmem:s1+$0xFFFFFF50] =	vst v3;
	v3 =	vmul.f32 v7, v6;
	v6 =	vld [tilespmem:s1+$0xFFFFFFC0]  }
0x593: {  	[tilespmem:s1+$0xFFFFFF60] =	vst v5;
	v5 =	vmul.f32 v8, v4;
	v7 =	vld [tilespmem:s1+$0xFFFFFFD0]  }
0x594: {  	[tilespmem:s1+$0xFFFFFF70] =	vst v3;
	v3 =	vmul.f32 v9, v4;
	v8 =	vld [tilespmem:s1+$0xFFFFFFE0]  }
0x595: {  	[tilespmem:s1+$0xFFFFFF80] =	vst v5;
	v5 =	vmul.f32 v10, v4;
	v9 =	vld [tilespmem:s1+$0xFFFFFFF0]  }
0x596: {  	[tilespmem:s1+$0xFFFFFF90] =	vst v3;
	v3 =	vmul.f32 v11, v4;
	v10 =	vld [tilespmem:s1+$0x0]  }
0x597: {  	[tilespmem:s1+$0xFFFFFFA0] =	vst v5;
	v5 =	vmul.f32 v6, v4;
	v6 =	vld [tilespmem:s1+$0x10]  }
0x598: {  	[tilespmem:s1+$0xFFFFFFB0] =	vst v3;
	v3 =	vmul.f32 v7, v4;
	v7 =	vld [tilespmem:s1+$0x20]  }
0x599: {  	[tilespmem:s1+$0xFFFFFFC0] =	vst v5;
	v5 =	vmul.f32 v8, v4;
	v11 =	vld [tilespmem:s1+$0x30]  }
0x59a: {  	[tilespmem:s1+$0xFFFFFFD0] =	vst v3;
	v3 =	vmul.f32 v9, v4;
	v9 =	vld [tilespmem:s1+$0x40]  }
.Ltmp12:
0x59b: {  	[tilespmem:s1+$0xFFFFFFE0] =	vst v5;
	v5 =	vmul.f32 v10, v2;
	v4 =	vld [tilespmem:s1+$0x50];
	(pc) =	sbr.rel @p4 .LBB2_10-.Ltmp12, $4  }
0x59c: {  	[tilespmem:s1+$0xFFFFFFF0] =	vst v3;
	v6 =	vmul.f32 v6, v2;
	v3 =	vld [tilespmem:s1+$0x60]  }
0x59d: {  	s16 =	sadd.s32 $0x3, s22;
	v10 =	vmov s22;
	[tilespmem:s1+$0x0] =	vst v5;
	v13 =	vmul.f32 v7, v2;
	v8 =	vld [tilespmem:s1+$0x80]  }
0x59e: {  	s25 =	sadd.s32 $0x1, s22;
	v12 =	vand.u32 $0xFFFFFFFC, v10;
	v5 =	vmov s16;
	[tilespmem:s1+$0x10] =	vst v6;
	v10 =	vmul.f32 v11, v2;
	v7 =	vld [tilespmem:s1+$0x90]  }
0x59f: {  	v6 =	vbroadcast v12, $0x0;
	v12 =	vmov s25;
	s25 =	sadd.s32 $0x2, s22;
	s22 =	sadd.s32 $0x4, s22;
	[tilespmem:s1+$0x20] =	vst v13;
	v11 =	vmul.f32 v9, v2;
	v9 =	vld [tilespmem:s1+$0xA0]  }
0x5a0: {  	v13 =	vld [tilespmem:s1+$0xB0]  }
0x5a1: {  	v15 =	vld [tilespmem:s1+$0xC0]  }
0x5a2: {  	v16 =	vld [tilespmem:s1+$0xD0]  }
0x5a3: {  	v17 =	vld [tilespmem:s1+$0xE0]  }
0x5a4: {  	v29 =	vld [tilespmem:s1+$0xF0];
	[tilespmem:s1+$0x30] =	vst v10;
	v4 =	vmul.f32 v4, v2  }
0x5a5: {  	v5 =	vld.idx.msk [tilespmem:v5+s21+$0x0], $0xffff;
	[tilespmem:s1+$0x40] =	vst v11;
	v2 =	vmul.f32 v3, v2  }
0x5a6: {  	s22 =	sadd.s32 $0x200, s1;
	v3 =	vld.idx.msk [tilespmem:v6+s21+$0x0], $0xffff;
	v8 =	vmul.f32 v8, v1;
	[tilespmem:s1+$0x50] =	vst v4  }
0x5a7: {  	v14 =	vmov s25;
	v34 =	vld [tilespmem:s22+$0x70];
	v30 =	vmul.f32 v7, v1;
	[tilespmem:s1+$0x60] =	vst v2  }
0x5a8: {  	v14 =	vand.u32 $0xFFFFFFFE, v14;
	v35 =	vld [tilespmem:s22+$0xFFFFFF00];
	[tilespmem:s1+$0x80] =	vst v8;
	v2 =	vmul.f32 v9, v1  }
0x5a9: {  	v37 =	vld [tilespmem:s22+$0xFFFFFF10];
	v14 =	vbroadcast v14, $0x0;
	[tilespmem:s1+$0x90] =	vst v30;
	v33 =	vmul.f32 v13, v1  }
0x5aa: {  	v38 =	vld [tilespmem:s22+$0xFFFFFF20];
	[tilespmem:s1+$0xA0] =	vst v2;
	v2 =	vmul.f32 v15, v1  }
0x5ab: {  	v12 =	vand.u32 $0xFFFFFFFD, v12;
	v39 =	vld [tilespmem:s22+$0xFFFFFF30];
	v36 =	vmul.f32 v16, v1;
	[tilespmem:s1+$0xB0] =	vst v33  }
0x5ac: {  	v12 =	vbroadcast v12, $0x0;
	v41 =	vld [tilespmem:s22+$0xFFFFFF50];
	[tilespmem:s10+$0xC0] =	vst v2;
	v2 =	vmul.f32 v17, v1  }
0x5ad: {  	v43 =	vld [tilespmem:s22+$0xFFFFFF60];
	[tilespmem:s10+$0xD0] =	vst v36;
	v1 =	vmul.f32 v29, v1  }
0x5ae: {  	v42 =	vmul.f32 v37, v3;
	[tilespmem:s10+$0xE0] =	vst v2;
	v2 =	vld [tilespmem:s22+$0xFFFFFF40]  }
0x5af: {  	v32 =	vld.idx.msk [tilespmem:v14+s21+$0x0], $0xffff;
	[tilespmem:s10+$0xF0] =	vst v1;
	v1 =	vmul.f32 v35, v3  }
0x5b0: {  	v44 =	vld [tilespmem:s22+$0xFFFFFF70];
	v4 =	vmul.f32 v39, v3;
	[tilespmem:s22+$0xFFFFFF10] =	vst v42  }
0x5b1: {  	v45 =	vld [tilespmem:s22+$0xFFFFFF80];
	[tilespmem:s22+$0xFFFFFF00] =	vst v1;
	v1 =	vmul.f32 v38, v3  }
0x5b2: {  	v46 =	vmul.f32 v41, v3;
	v31 =	vld.idx.msk [tilespmem:v12+s21+$0x0], $0xffff;
	[tilespmem:s22+$0xFFFFFF30] =	vst v4  }
0x5b3: {  	[tilespmem:s22+$0xFFFFFF20] =	vst v1;
	v1 =	vmul.f32 v2, v3;
	v2 =	vld [tilespmem:s22+$0xFFFFFF90]  }
0x5b4: {  	v47 =	vld [tilespmem:s22+$0xFFFFFFA0];
	[tilespmem:s22+$0xFFFFFF50] =	vst v46;
	v40 =	vmul.f32 v34, v32  }
0x5b5: {  	v48 =	vld [tilespmem:s22+$0xFFFFFFB0];
	[tilespmem:s22+$0xFFFFFF40] =	vst v1;
	v1 =	vmul.f32 v43, v3  }
0x5b6: {  	v49 =	vld [tilespmem:s22+$0xFFFFFFC0];
	[tilespmem:s22+$0x70] =	vst v40;
	v3 =	vmul.f32 v44, v3  }
0x5b7: {  	v50 =	vld [tilespmem:s22+$0xFFFFFFD0];
	[tilespmem:s22+$0xFFFFFF60] =	vst v1;
	v1 =	vmul.f32 v45, v31  }
0x5b8: {  	[tilespmem:s22+$0xFFFFFF70] =	vst v3;
	v3 =	vld [tilespmem:s22+$0xFFFFFFE0];
	v2 =	vmul.f32 v2, v31  }
0x5b9: {  	v51 =	vld [tilespmem:s22+$0xFFFFFFF0];
	[tilespmem:s22+$0xFFFFFF80] =	vst v1;
	v1 =	vmul.f32 v47, v31  }
0x5ba: {  	v52 =	vld [tilespmem:s22+$0x0];
	[tilespmem:s22+$0xFFFFFF90] =	vst v2;
	v2 =	vmul.f32 v48, v31  }
0x5bb: {  	v53 =	vld [tilespmem:s22+$0x10];
	[tilespmem:s22+$0xFFFFFFA0] =	vst v1;
	v1 =	vmul.f32 v49, v31  }
0x5bc: {  	v54 =	vld [tilespmem:s22+$0x20];
	[tilespmem:s22+$0xFFFFFFB0] =	vst v2;
	v2 =	vmul.f32 v50, v31  }
0x5bd: {  	[tilespmem:s22+$0xFFFFFFC0] =	vst v1;
	v1 =	vmul.f32 v3, v31;
	v3 =	vld [tilespmem:s22+$0x30]  }
0x5be: {  	v55 =	vld [tilespmem:s22+$0x40];
	[tilespmem:s22+$0xFFFFFFD0] =	vst v2;
	v2 =	vmul.f32 v51, v31  }
0x5bf: {  	v56 =	vld [tilespmem:s22+$0x50];
	[tilespmem:s22+$0xFFFFFFE0] =	vst v1;
	v1 =	vmul.f32 v52, v32  }
0x5c0: {  	v57 =	vld [tilespmem:s22+$0x60];
	[tilespmem:s22+$0xFFFFFFF0] =	vst v2;
	v2 =	vmul.f32 v53, v32  }
0x5c1: {  	v58 =	vld [tilespmem:s22+$0x80];
	[tilespmem:s22+$0x0] =	vst v1;
	v1 =	vmul.f32 v54, v32  }
0x5c2: {  	[tilespmem:s22+$0x10] =	vst v2;
	v2 =	vmul.f32 v3, v32;
	v3 =	vld [tilespmem:s22+$0x90]  }
0x5c3: {  	v59 =	vld [tilespmem:s22+$0xA0];
	[tilespmem:s22+$0x20] =	vst v1;
	v1 =	vmul.f32 v55, v32  }
0x5c4: {  	v60 =	vld [tilespmem:s22+$0xB0];
	[tilespmem:s22+$0x30] =	vst v2;
	v2 =	vmul.f32 v56, v32  }
0x5c5: {  	v61 =	vld [tilespmem:s22+$0xC0];
	[tilespmem:s22+$0x40] =	vst v1;
	v1 =	vmul.f32 v57, v32  }
0x5c6: {  	v62 =	vld [tilespmem:s22+$0xD0];
	[tilespmem:s22+$0x50] =	vst v2;
	v2 =	vmul.f32 v58, v5  }
0x5c7: {  	[tilespmem:s22+$0x60] =	vst v1;
	v1 =	vmul.f32 v3, v5;
	v3 =	vld [tilespmem:s22+$0xE0]  }
0x5c8: {  	v63 =	vld [tilespmem:s22+$0xF0];
	[tilespmem:s22+$0x80] =	vst v2;
	v2 =	vmul.f32 v59, v5  }
0x5c9: {  	[tilespmem:s22+$0x90] =	vst v1;
	v1 =	vmul.f32 v60, v5  }
0x5ca: {  	[tilespmem:s22+$0xA0] =	vst v2;
	v2 =	vmul.f32 v61, v5  }
0x5cb: {  	[tilespmem:s22+$0xB0] =	vst v1;
	v1 =	vmul.f32 v62, v5  }
.Ltmp13:
0x5cc: {  	[tilespmem:s22+$0xC0] =	vst v2;
	v2 =	vmul.f32 v3, v5;
	(pc) =	sbr.rel @p3 .LBB2_13-.Ltmp13, $4  }
0x5cd: {  	[tilespmem:s22+$0xD0] =	vst v1;
	v1 =	vmul.f32 v63, v5  }
0x5ce: {  	[tilespmem:s22+$0xE0] =	vst v2  }
0x5cf: {  	s29 =	simm.s32 $0x7A00;
	[tilespmem:s22+$0xF0] =	vst v1  }
0x5d0: {  	[spmem:s2] =	stream.indirect.scatter.add.f32 [tilespmem:s29], [sflag:$0xE], $0x80, s20, s8, $0xb8;
	[tilespmem:$0x1EFF8] =	vst v63  }
0x5d1: {  	s1 =	sshrl.u32 s26, $0x2  }
0x5d2: {  	s1 =	sand.u32 $0x1FFFFFFF, s1  }
0x5d3: {  	s1 =	sadd.s32 s9, s1  }
0x5d4: {  	s10 =	simm.s32 $0x0;
	s16 =	simm.s32 $0x300;
	s1 =	sadd.s32 $0x8C, s1  }
0x5d5: {  	[tilespmem:s16], [sflag:$0x3] =	stream.linear.gather [hbm4b:s1+s10], $0xE0, $0x38;
	[tilespmem:$0x1EFF8] =	vst v63  }
0x5d6: {  	_ =	swait.ge [sflag:s15], $0x3800  }
0x5d7: {  	[sflag:s15] =	ssyncset.done $0x0  }
0x5d8: {  	[sflag:s15] =	ssyncadd.s32 $0xFFFFC800  }
0x5d9: {  	_ =	swait.ge [sflag:s30], $0x70  }
0x5da: {  	[sflag:s30] =	ssyncset.done $0x0  }
0x5db: {  	[sflag:s30] =	ssyncadd.s32 $0xFFFFFF90  }
0x5dc: {  	_ =	swait.ge [sflag:s11], $0xE0  }
0x5dd: {  	[sflag:s11] =	ssyncset.done $0x0  }
0x5de: {  	[sflag:s11] =	ssyncadd.s32 $0xFFFFFF20  }
0x5df: {  	v1 =	vld [tilespmem:$0x1F0]  }
0x5e0: {  	v2 =	vld [tilespmem:$0x200]  }
0x5e1: {  	v3 =	vld [tilespmem:$0x210]  }
0x5e2: {  	v4 =	vld [tilespmem:$0x220]  }
0x5e3: {  	v5 =	vld [tilespmem:$0x230]  }
0x5e4: {  	v6 =	vld [tilespmem:$0x240];
	v1 =	vadd.s32 $0xFFFFD8F0, v1  }
0x5e5: {  	[tilespmem:$0x280] =	vst v1;
	v1 =	vadd.s32 $0xFFFFD8F0, v2;
	v2 =	vld [tilespmem:$0x250]  }
0x5e6: {  	[tilespmem:$0x290] =	vst v1;
	v1 =	vadd.s32 $0xFFFFD8F0, v3  }
0x5e7: {  	[tilespmem:$0x2A0] =	vst v1;
	v1 =	vadd.s32 $0xFFFFD8F0, v4  }
0x5e8: {  	[tilespmem:$0x2B0] =	vst v1;
	v1 =	vadd.s32 $0xFFFFD8F0, v5  }
0x5e9: {  	[tilespmem:$0x2C0] =	vst v1;
	v1 =	vadd.s32 $0xFFFFD8F0, v6  }
.Ltmp14:
0x5ea: {  	[tilespmem:$0x2D0] =	vst v1;
	v1 =	vadd.s32 $0xFFFFD8F0, v2;
	(pc) =	sbr.rel .LBB2_5-.Ltmp14, $4  }
0x5eb: {  	s22 =	simm.s32 $0x3E80;
	s26 =	simm.s32 $0x280;
	s16 =	simm.s32 $0x180;
	[tilespmem:$0x2E0] =	vst v1  }
0x5ec: {  	[tilespmem:s22], [sflag:$0x8] =	stream.indirect.gather [hbm4b:s6+s13], $0x1, s16, s13, $0xb8;
	[tilespmem:$0x1EFF8] =	vst v63  }
0x5ed: {  	s29 =	simm.s32 $0x4000;
	s28 =	sadd.s32 $0x1, s28;
	s25 =	rddreg [dreg:$0x0]  }
0x5ee: {  	[tilespmem:s29], [sflag:$0x9] =	stream.indirect.gather [hbm4b:s25+s8], $0x80, s26, s8, $0xb8;
	[tilespmem:$0x1EFF8] =	vst v63  }
.LBB2_25:
0x5ef: {  	_ =	swait.ge [sflag:s15], $0x3800  }
0x5f0: {  	[sflag:s15] =	ssyncset.done $0x0  }
0x5f1: {  	[sflag:s15] =	ssyncadd.s32 $0xFFFFC800  }
0x5f2: {  	_ =	swait.ge [sflag:s30], $0x70  }
0x5f3: {  	[sflag:s30] =	ssyncset.done $0x0  }
0x5f4: {  	s1 =	simm.s32 $0xE;
	[sflag:s30] =	ssyncadd.s32 $0xFFFFFF90  }
0x5f5: {  	_ =	swait.ge [sflag:s1], $0x3800  }
0x5f6: {  	[sflag:s1] =	ssyncset.done $0x0  }
0x5f7: {  	s22 =	simm.s32 $0xF;
	[sflag:s1] =	ssyncadd.s32 $0xFFFFC800  }
0x5f8: {  	_ =	swait.ge [sflag:s22], $0x70  }
0x5f9: {  	[sflag:s22] =	ssyncset.done $0x0  }
0x5fa: {  	[sflag:s22] =	ssyncadd.s32 $0xFFFFFF90  }
0x5fb: {  	[bflag:$0x0] =	sbarrier.arrive $0xFFFF  }
0x5fc: {  	s16 =	simm.s32 $0xB280;
	s22 =	simm.s32 $0x10;
	s25 =	rddreg [dreg:$0x12]  }
0x5fd: {  	[tilespmem:s16], [sflag:$0x10] =	stream.linear.gather [spmem:s25], $0x270, $0x38;
	[tilespmem:$0x1EFF8] =	vst v63  }
0x5fe: {  	_ =	swait.ge [sflag:s22], $0x270  }
0x5ff: {  	[sflag:s22] =	ssyncset.done $0x0  }
0x600: {  	s26 =	simm.s32 $0x0;
	s10 =	rddreg [dreg:$0x14];
	[sflag:s22] =	ssyncadd.s32 $0xFFFFFD90  }
0x601: {  	[hbm4b:s10+s26] =	stream.linear.scatter [tilespmem:s16], [sflag:$0x10], $0x270, $0x38;
	[tilespmem:$0x1EFF8] =	vst v63  }
0x602: {  	s10 =	stileid.u32  }
0x603: {  	_ =	swait.ge [sflag:s22], $0x270;
	s1 =	sshll.u32 s10, $0x6  }
0x604: {  	[sflag:s22] =	ssyncset.done $0x0;
	s1 =	sor.u32 $0x1C10, s1;
	s25 =	rddreg [dreg:$0x9]  }
0x605: {  	s26 =	rddreg [dreg:$0x16];
	[sflag:s22] =	ssyncadd.s32 $0xFFFFFD90;
	s16 =	sshrl.u32 s25, $0x3  }
0x606: {  	[hbm:s26], [sflag:s1] =	dma.local [spmem:s16], $0x700  }
0x607: {  	_ =	swait.ge [sflag:s22], $0x700  }
0x608: {  	[sflag:s22] =	ssyncset.done $0x0;
	s26 =	rddreg [dreg:$0xa]  }
0x609: {  	s16 =	rddreg [dreg:$0x18];
	[sflag:s22] =	ssyncadd.s32 $0xFFFFF900;
	s10 =	sshrl.u32 s26, $0x3  }
0x60a: {  	[hbm:s16], [sflag:s1] =	dma.local [spmem:s10], $0x700  }
0x60b: {  	_ =	swait.ge [sflag:s22], $0x700  }
0x60c: {  	[sflag:s22] =	ssyncset.done $0x0;
	s28 =	rddreg [dreg:$0xb]  }
0x60d: {  	s16 =	rddreg [dreg:$0x1a];
	[sflag:s22] =	ssyncadd.s32 $0xFFFFF900;
	s10 =	sshrl.u32 s28, $0x3  }
0x60e: {  	[hbm:s16], [sflag:s1] =	dma.local [spmem:s10], $0x700  }
0x60f: {  	_ =	swait.ge [sflag:s22], $0x700  }
0x610: {  	[sflag:s22] =	ssyncset.done $0x0;
	s16 =	rddreg [dreg:$0xc]  }
0x611: {  	[sflag:s22] =	ssyncadd.s32 $0xFFFFF900;
	s10 =	sshrl.u32 s16, $0x3;
	s16 =	rddreg [dreg:$0x1c]  }
0x612: {  	[hbm:s16], [sflag:s1] =	dma.local [spmem:s10], $0x700  }
0x613: {  	_ =	swait.ge [sflag:s22], $0x700  }
0x614: {  	[sflag:s22] =	ssyncset.done $0x0;
	s16 =	rddreg [dreg:$0xd]  }
0x615: {  	[sflag:s22] =	ssyncadd.s32 $0xFFFFF900;
	s10 =	sshrl.u32 s16, $0x3;
	s16 =	rddreg [dreg:$0x1e]  }
0x616: {  	[hbm:s16], [sflag:s1] =	dma.local [spmem:s10], $0x700  }
0x617: {  	_ =	swait.ge [sflag:s22], $0x700  }
0x618: {  	s16 =	rddreg [dreg:$0xe]  }
0x619: {  	s10 =	sshrl.u32 s16, $0x3;
	s16 =	sld [smem:$0x7F9]  }
0x61a: {  	[sflag:s22] =	ssyncset.done $0x0  }
0x61b: {  	[sflag:s22] =	ssyncadd.s32 $0xFFFFF900  }
0x61c: {  	[hbm:s16], [sflag:s1] =	dma.local [spmem:s10], $0x400  }
.Ltmp15:
0x61d: {  	_ = 	snop;
	(pc) =	sbr.rel @p1 .LBB2_27-.Ltmp15, $4  }
.Ltmp16:
0x61e: {  	_ =	swait.ge [sflag:s22], $0x400;
	(pc) =	sbr.rel @!p1 .LBB2_26-.Ltmp16, $4  }
0x61f: {  	s10 =	rddreg [dreg:$0x8]  }
0x620: {  	[sflag:s22] =	ssyncset.done $0x0;
	s29 =	sld [smem:$0x7F8]  }
0x621: {  	[sflag:s22] =	ssyncadd.s32 $0xFFFFFC00;
	s22 =	rddreg [dreg:$0x6]  }
0x622: {  	_ = 	snop  }
.LBB2_13:
0x623: {  	_ =	swait.ge [sflag:s15], $0x3800  }
0x624: {  	[sflag:s15] =	ssyncset.done $0x0  }
0x625: {  	[sflag:s15] =	ssyncadd.s32 $0xFFFFC800  }
0x626: {  	_ =	swait.ge [sflag:s30], $0x70  }
0x627: {  	[sflag:s30] =	ssyncset.done $0x0  }
0x628: {  	s1 =	simm.s32 $0xE;
	[sflag:s30] =	ssyncadd.s32 $0xFFFFFF90  }
0x629: {  	_ =	swait.ge [sflag:s1], $0x3800  }
0x62a: {  	[sflag:s1] =	ssyncset.done $0x0  }
0x62b: {  	s22 =	simm.s32 $0xF;
	[sflag:s1] =	ssyncadd.s32 $0xFFFFC800  }
0x62c: {  	_ =	swait.ge [sflag:s22], $0x70  }
0x62d: {  	[sflag:s22] =	ssyncset.done $0x0  }
0x62e: {  	[sflag:s22] =	ssyncadd.s32 $0xFFFFFF90  }
0x62f: {  	[bflag:$0x0] =	sbarrier.arrive $0xFFFF  }
0x630: {  	s16 =	simm.s32 $0xB280;
	s22 =	simm.s32 $0x10;
	s25 =	rddreg [dreg:$0x12]  }
0x631: {  	[tilespmem:s16], [sflag:$0x10] =	stream.linear.gather [spmem:s25], $0x270, $0x38;
	[tilespmem:$0x1EFF8] =	vst v63  }
0x632: {  	_ =	swait.ge [sflag:s22], $0x270  }
0x633: {  	[sflag:s22] =	ssyncset.done $0x0  }
0x634: {  	s26 =	simm.s32 $0x0;
	s10 =	rddreg [dreg:$0x13];
	[sflag:s22] =	ssyncadd.s32 $0xFFFFFD90  }
0x635: {  	[hbm4b:s10+s26] =	stream.linear.scatter [tilespmem:s16], [sflag:$0x10], $0x270, $0x38;
	[tilespmem:$0x1EFF8] =	vst v63  }
0x636: {  	s10 =	stileid.u32  }
0x637: {  	_ =	swait.ge [sflag:s22], $0x270;
	s1 =	sshll.u32 s10, $0x6  }
0x638: {  	[sflag:s22] =	ssyncset.done $0x0;
	s1 =	sor.u32 $0x1C10, s1;
	s25 =	rddreg [dreg:$0x9]  }
0x639: {  	s26 =	rddreg [dreg:$0x15];
	[sflag:s22] =	ssyncadd.s32 $0xFFFFFD90;
	s16 =	sshrl.u32 s25, $0x3  }
0x63a: {  	[hbm:s26], [sflag:s1] =	dma.local [spmem:s16], $0x700  }
0x63b: {  	_ =	swait.ge [sflag:s22], $0x700  }
0x63c: {  	[sflag:s22] =	ssyncset.done $0x0;
	s26 =	rddreg [dreg:$0xa]  }
0x63d: {  	s16 =	rddreg [dreg:$0x17];
	[sflag:s22] =	ssyncadd.s32 $0xFFFFF900;
	s10 =	sshrl.u32 s26, $0x3  }
0x63e: {  	[hbm:s16], [sflag:s1] =	dma.local [spmem:s10], $0x700  }
0x63f: {  	_ =	swait.ge [sflag:s22], $0x700  }
0x640: {  	[sflag:s22] =	ssyncset.done $0x0;
	s28 =	rddreg [dreg:$0xb]  }
0x641: {  	s16 =	rddreg [dreg:$0x19];
	[sflag:s22] =	ssyncadd.s32 $0xFFFFF900;
	s10 =	sshrl.u32 s28, $0x3  }
0x642: {  	[hbm:s16], [sflag:s1] =	dma.local [spmem:s10], $0x700  }
0x643: {  	_ =	swait.ge [sflag:s22], $0x700  }
0x644: {  	[sflag:s22] =	ssyncset.done $0x0;
	s16 =	rddreg [dreg:$0xc]  }
0x645: {  	[sflag:s22] =	ssyncadd.s32 $0xFFFFF900;
	s10 =	sshrl.u32 s16, $0x3;
	s16 =	rddreg [dreg:$0x1b]  }
0x646: {  	[hbm:s16], [sflag:s1] =	dma.local [spmem:s10], $0x700  }
0x647: {  	_ =	swait.ge [sflag:s22], $0x700  }
0x648: {  	[sflag:s22] =	ssyncset.done $0x0;
	s16 =	rddreg [dreg:$0xd]  }
0x649: {  	[sflag:s22] =	ssyncadd.s32 $0xFFFFF900;
	s10 =	sshrl.u32 s16, $0x3;
	s16 =	rddreg [dreg:$0x1d]  }
0x64a: {  	[hbm:s16], [sflag:s1] =	dma.local [spmem:s10], $0x700  }
0x64b: {  	_ =	swait.ge [sflag:s22], $0x700  }
0x64c: {  	[sflag:s22] =	ssyncset.done $0x0;
	s16 =	rddreg [dreg:$0xe]  }
0x64d: {  	[sflag:s22] =	ssyncadd.s32 $0xFFFFF900;
	s10 =	sshrl.u32 s16, $0x3;
	s16 =	rddreg [dreg:$0x1f]  }
0x64e: {  	[hbm:s16], [sflag:s1] =	dma.local [spmem:s10], $0x400  }
.Ltmp17:
0x64f: {  	_ = 	snop;
	(pc) =	sbr.rel @p2 .LBB2_26-.Ltmp17, $4  }
.Ltmp18:
0x650: {  	_ =	swait.ge [sflag:s22], $0x400;
	(pc) =	sbr.rel @!p2 .LBB2_27-.Ltmp18, $4  }
0x651: {  	s10 =	rddreg [dreg:$0x7]  }
0x652: {  	[sflag:s22] =	ssyncset.done $0x0;
	s29 =	sld [smem:$0x7F8]  }
0x653: {  	[sflag:s22] =	ssyncadd.s32 $0xFFFFFC00;
	s22 =	rddreg [dreg:$0x5]  }
0x654: {  	_ = 	snop  }
.LBB2_28:
0x655: {  	_ =	sfence.sel $0x180000  }
0x656: {  	[bflag:$0x0] =	sbarrier.arrive $0xFFFF  }
0x657: {  	_ =	strace $0x90000047  }
0x658: {  	s0 =	stileid.u32;
	[bflag:$0x2] =	sbarrier.arrive $0xFFFF  }
0x659: {  	p0 =	sne.s32 s0, $0x0;
	s0 =	rddreg [dreg:$0x4]  }
0x65a: {  	s0 =	sadd.s32 @!p0 $0x100000, s0  }
0x65b: {  	[sflag:s0] =	ssyncadd.tile.s32 @!p0 $0x1;
	_ =	shalt  }
.Lfunc_end2:
_tile_overlayer_lowered:
.L_overlay_start_2:
0x65c: {  	(tag) =	ssettag $0x2  }
0x65d: {  	s0 =	rddreg [dreg:$0x0];
	s2 =	stileid.u32  }
0x65e: {  	s1 =	rddreg [dreg:$0x1];
	p0 =	sne.s32 s2, $0x0  }
0x65f: {  	s3 =	rddreg [dreg:$0x2];
	[bflag:$0x3] =	sbarrier.arrive $0xFFFF;
	s2 =	simm.s32 @!p0 $0x1C10  }
0x660: {  	[timem:s3], [sflag:s2] =	dma.local @!p0 [hbm:s0], s1  }
0x661: {  	s0 =	simm.s32 @!p0 $0x10  }
0x662: {  	_ =	swait.ge @!p0 [sflag:s0], s1  }
0x663: {  	s1 =	ssub.s32 @!p0 $0x0, s1;
	[sflag:s0] =	ssyncset.done @!p0 $0x0  }
0x664: {  	[sflag:s0] =	ssyncadd.s32 @!p0 s1  }
0x665: {  	[bflag:$0x3] =	sbarrier.arrive $0xFFFF  }
0x666: {  	_ =	shalt  }

</sc_bundles>
